<compile_context>
chip_gen: v7x
topology: tpu7x:2x2x1
jax: 0.10.2.dev20260603
libtpu: 0.0.44.dev20260713+nightly
codegen_flags: <defaults>
</compile_context>

<pallas_src>
import jax
import jax.numpy as jnp
import numpy as np
from jax import lax
from jax.experimental import pallas as pl
from jax.experimental.pallas import tpu as pltpu
from jax.experimental.pallas import tpu_sc as plsc

L = 16
T = 1 << 19
D = 3
N_PTS = 1048576
OUT_D = 44
MASK = T - 1
P1 = np.int32(np.uint32(2654435761).astype(np.int32))
P2 = np.int32(805459861)

NW = 32
PTS_W = N_PTS // NW
CH = 512
NCH = PTS_W // CH
ILEN = 128
NROW = 8 * CH // ILEN
NG = CH // 16
RPC = CH // ILEN

SINC = (6.28316827, -41.33792977, 81.47313282, -75.09327405, 33.95650071)
COSC = (0.99997108, -19.73279612, 64.7143697, -82.70120228, 46.31009229)
UNR = 2


def _sc_body(x_hbm, xnT_hbm, tf0_hbm, tf1_hbm, out_hbm, xtmp, xnT, fracb,
             g0pad, idxb, g1pad, gatb0, gatb1, g2pad, outb, gsem):
    del g0pad, g1pad, g2pad
    wid = lax.axis_index("s") * 2 + lax.axis_index("c")
    iota16 = lax.iota(jnp.int32, 16)

    def full16(v):
        return jnp.full((16,), v, jnp.int32)

    def pass_a_grp(g, resf, lT, dense, Rr):
        off = g * 16
        xs = [xnT[d, pl.ds(off, 16)] for d in range(3)]
        pos = [xv * resf for xv in xs]
        pi = [p.astype(jnp.int32) for p in pos]
        for d in range(3):
            fracb[d, pl.ds(off, 16)] = pos[d] - pi[d].astype(jnp.float32)
        row = g >> 3
        col = (g & 7) * 16
        if dense:
            t0 = pi[0] * (Rr * Rr)
            t1 = t0 + (Rr * Rr)
            u0 = pi[1] * Rr
            u1 = u0 + Rr
            z0 = pi[2] + lT
            z1 = z0 + 1
            for c in range(8):
                idx = ((t1 if c & 1 else t0) + (u1 if c & 2 else u0)
                       + (z1 if c & 4 else z0))
                idxb[row + c * RPC, pl.ds(col, 16)] = idx
        else:
            a0 = pi[0]
            a1 = a0 + 1
            m0 = pi[1] * P1
            m1 = m0 + P1
            n0 = pi[2] * P2
            n1 = n0 + P2
            xy = [a0 ^ m0, a1 ^ m0, a0 ^ m1, a1 ^ m1]
            for c in range(8):
                h = xy[c & 3] ^ (n1 if c & 4 else n0)
                idxb[row + c * RPC, pl.ds(col, 16)] = (h & MASK) + lT

    def pass_b_grp(g, col0):
        off = g * 16
        rows16 = off + iota16
        j0 = g >> 3
        col = (g & 7) * 16
        fr = [fracb[d, pl.ds(off, 16)] for d in range(3)]
        om = [1.0 - f for f in fr]
        wxy = [om[0] * om[1], fr[0] * om[1], om[0] * fr[1], fr[0] * fr[1]]
        acc0 = None
        acc1 = None
        for c in range(8):
            w = wxy[c & 3] * (fr[2] if c & 4 else om[2])
            j = j0 + c * RPC
            gg0 = gatb0[j, pl.ds(col, 16)]
            gg1 = gatb1[j, pl.ds(col, 16)]
            acc0 = w * gg0 if acc0 is None else acc0 + w * gg0
            acc1 = w * gg1 if acc1 is None else acc1 + w * gg1
        plsc.store_scatter(outb, [rows16, full16(col0)], acc0)
        plsc.store_scatter(outb, [rows16, full16(col0 + 1)], acc1)

    def run_level(resf, lT, dense, Rr, col0):
        def abody(g2, _):
            for u in range(UNR):
                pass_a_grp(g2 * UNR + u, resf, lT, dense, Rr)
            return 0

        lax.fori_loop(0, NG // UNR, abody, 0)

        def fire(j, _):
            pltpu.make_async_copy(
                tf0_hbm.at[idxb.at[j]], gatb0.at[j], gsem).start()
            pltpu.make_async_copy(
                tf1_hbm.at[idxb.at[j]], gatb1.at[j], gsem).start()
            return 0

        lax.fori_loop(0, NROW, fire, 0)

        def drainb(j, _):
            pltpu.make_async_copy(
                tf0_hbm.at[idxb.at[j]], gatb0.at[j], gsem).wait()
            pltpu.make_async_copy(
                tf1_hbm.at[idxb.at[j]], gatb1.at[j], gsem).wait()
            return 0

        lax.fori_loop(0, NROW, drainb, 0)

        def bbody(g2, _):
            for u in range(UNR):
                pass_b_grp(g2 * UNR + u, col0)
            return 0

        lax.fori_loop(0, NG // UNR, bbody, 0)

    def freq_pass():
        def body(g2, _):
            for u in range(UNR):
                g = g2 * UNR + u
                off = g * 16
                rows16 = off + iota16
                for d in range(3):
                    xd = plsc.load_gather(xtmp, [rows16, full16(d)])
                    vh = xd * 0.5
                    w = vh + 0.5
                    wf = w.astype(jnp.int32).astype(jnp.float32)
                    fl = wf - jnp.where(w < wf, 1.0, 0.0).astype(jnp.float32)
                    z = vh - fl
                    q = z * z
                    s1 = z * (SINC[0] + q * (SINC[1] + q * (SINC[2] + q * (
                        SINC[3] + q * SINC[4]))))
                    c1 = COSC[0] + q * (COSC[1] + q * (COSC[2] + q * (
                        COSC[3] + q * COSC[4])))
                    s2 = 2.0 * s1 * c1
                    c2 = 1.0 - 2.0 * s1 * s1
                    plsc.store_scatter(outb, [rows16, full16(d)], s1)
                    plsc.store_scatter(outb, [rows16, full16(3 + d)], c1)
                    plsc.store_scatter(outb, [rows16, full16(6 + d)], s2)
                    plsc.store_scatter(outb, [rows16, full16(9 + d)], c2)
            return 0

        lax.fori_loop(0, NG // UNR, body, 0)

    def chunk(k, _):
        base = wid * PTS_W + k * CH

        pltpu.sync_copy(xnT_hbm.at[:, pl.ds(base, CH)], xnT)
        pltpu.sync_copy(x_hbm.at[pl.ds(base, CH), :], xtmp)
        freq_pass()

        for l in range(3):
            res = 16 << l
            run_level(float(res), l * T, True, res + 1, 12 + 2 * l)

        def hash_level(l, _):
            res = jnp.int32(16) << l
            resf = res.astype(jnp.float32)
            lT = l << jnp.int32(19)
            run_level(resf, lT, False, 0, 12 + 2 * l)
            return 0

        lax.fori_loop(3, L, hash_level, 0)

        pltpu.sync_copy(outb, out_hbm.at[pl.ds(base, CH), :])
        return 0

    lax.fori_loop(0, NCH, chunk, 0)


def kernel(x, table, bound):
    b = jnp.asarray(bound, jnp.float32)
    xnT = jnp.clip((x + b) / (2.0 * b), 0.0, 1.0).T
    tf0 = table[:, 0]
    tf1 = table[:, 1]
    mesh = plsc.VectorSubcoreMesh(
        core_axis_name="c", subcore_axis_name="s", num_cores=2,
        num_subcores=16)
    fn = pl.kernel(
        _sc_body,
        out_type=jax.ShapeDtypeStruct((N_PTS, OUT_D), jnp.float32),
        mesh=mesh,
        compiler_params=pltpu.CompilerParams(
            needs_layout_passes=False, use_tc_tiling_on_sc=False),
        scratch_types=[
            pltpu.VMEM((CH, D), jnp.float32),
            pltpu.VMEM((D, CH), jnp.float32),
            pltpu.VMEM((D, CH), jnp.float32),
            pltpu.VMEM((512,), jnp.int32),
            pltpu.VMEM((NROW, ILEN), jnp.int32),
            pltpu.VMEM((512,), jnp.int32),
            pltpu.VMEM((NROW, ILEN), jnp.float32),
            pltpu.VMEM((NROW, ILEN), jnp.float32),
            pltpu.VMEM((512,), jnp.int32),
            pltpu.VMEM((CH, OUT_D), jnp.float32),
            pltpu.SemaphoreType.DMA,
        ],
    )
    return fn(x, xnT, tf0, tf1)

# --- scband reference (transcript-rebuilt; emitter-appended) ---
"""Pipeline reference for scband-hgfreq-encoder-19104014532613 (READ-ONLY COPY).

The authoritative reference and input builder live on the scoring server;
editing this copy changes nothing except your own understanding.
"""

import jax, jax.numpy as jnp
import numpy as np

L = 16
F = 2
T = 2 ** 19
BASE = 16
SCALE = 2.0
D = 3
NFREQ = 2
N_PTS = 1048576
PRIMES = (1, 2654435761, 805459861)


def setup_inputs(seed: int = 0):
    key = jax.random.key(seed)
    k1, k2 = jax.random.split(key)
    x = jax.random.normal(k1, (N_PTS, D), dtype=jnp.float32)
    table = jax.random.uniform(k2, (L * T, F), dtype=jnp.float32, minval=-1e-4, maxval=1e-4)
    return {"x": x, "table": table, "bound": 1}


def _freq_encode(x):
    # tcnn Frequency encoding, n_frequencies=2: sin/cos of x * 2^f * pi per dim
    outs = []
    for f in range(NFREQ):
        s = x * (2.0 ** f) * jnp.pi
        outs.append(jnp.sin(s))
        outs.append(jnp.cos(s))
    return jnp.concatenate(outs, axis=-1)


def _grid_encode(xn, table):
    # instant-ngp multiresolution hash grid, linear interpolation
    feats = []
    for l in range(L):
        res = int(np.floor(BASE * (SCALE ** l)))
        pos = xn * res
        pos0f = jnp.floor(pos)
        frac = pos - pos0f
        pos0 = pos0f.astype(jnp.uint32)
        dense = (res + 1) ** 3 <= T
        acc = jnp.zeros((xn.shape[0], F), dtype=jnp.float32)
        for corner in range(8):
            offs = np.array([(corner >> 0) & 1, (corner >> 1) & 1, (corner >> 2) & 1], dtype=np.uint32)
            c = pos0 + jnp.asarray(offs, dtype=jnp.uint32)
            if dense:
                idx = (c[:, 0] * np.uint32(res + 1) + c[:, 1]) * np.uint32(res + 1) + c[:, 2]
                idx = idx % jnp.uint32(T)
            else:
                idx = (c[:, 0] * jnp.uint32(PRIMES[0])) ^ (c[:, 1] * jnp.uint32(PRIMES[1])) ^ (c[:, 2] * jnp.uint32(PRIMES[2]))
                idx = idx % jnp.uint32(T)
            w = jnp.prod(jnp.where(jnp.asarray(offs) == 1, frac, 1.0 - frac), axis=-1)
            gathered = jnp.take(table, (idx + jnp.uint32(l * T)).astype(jnp.int32), axis=0)
            acc = acc + w[:, None] * gathered
        feats.append(acc)
    return jnp.concatenate(feats, axis=-1)


def reference(x, table, bound):
    freq = _freq_encode(x)
    normalized = (x + bound) / (2.0 * bound)
    normalized = jnp.clip(normalized, 0.0, 1.0)
    grid = _grid_encode(normalized, table)
    return jnp.concatenate([freq, grid], axis=-1)

if __name__ == "__main__":
    import jax
    _d = setup_inputs()
    print(jax.jit(kernel)(*tuple(_d.values())))

</pallas_src>

<mosaic_0001>
#map = affine_map<(d0, d1) -> (0, 0)>
#map1 = affine_map<(d0, d1) -> (0)>
module attributes {stable_mosaic.version = 14 : i64} {
  func.func @_sc_body(%arg0: i32, %arg1: i32, %arg2: memref<1048576x3xf32, #tpu.memory_space<hbm>>, %arg3: memref<3x1048576xf32, #tpu.memory_space<hbm>>, %arg4: memref<8388608xf32, #tpu.memory_space<hbm>>, %arg5: memref<8388608xf32, #tpu.memory_space<hbm>>, %arg6: memref<1048576x44xf32, #tpu.memory_space<hbm>>, %arg7: memref<512x3xf32, #tpu.memory_space<vmem>>, %arg8: memref<3x512xf32, #tpu.memory_space<vmem>>, %arg9: memref<3x512xf32, #tpu.memory_space<vmem>>, %arg10: memref<512xi32, #tpu.memory_space<vmem>>, %arg11: memref<32x128xi32, #tpu.memory_space<vmem>>, %arg12: memref<512xi32, #tpu.memory_space<vmem>>, %arg13: memref<32x128xf32, #tpu.memory_space<vmem>>, %arg14: memref<32x128xf32, #tpu.memory_space<vmem>>, %arg15: memref<512xi32, #tpu.memory_space<vmem>>, %arg16: memref<512x44xf32, #tpu.memory_space<vmem>>, %arg17: memref<!tpu.dma_semaphore, #tpu.memory_space<semaphore_mem>>) attributes {dimension_semantics = [#tpu.dimension_semantics<core_parallel>, #tpu.dimension_semantics<subcore_parallel>], iteration_bounds = array<i64: 2, 16>, scalar_prefetch = 0 : i64, scratch_operands = 11 : i64, tpu.core_type = #tpu.core_type<sc_vector_subcore>, window_params = [{transform_indices = #map}, {transform_indices = #map}, {transform_indices = #map1}, {transform_indices = #map1}, {transform_indices = #map}]} {
    %mul3A = arith.constant 2 : i32
    %mul3A_0 = arith.muli %arg1, %mul3A : i32
    %add3A = arith.addi %mul3A_0, %arg0 : i32
    %iota3A = tpu.iota {dimensions = array<i32: 0>} : vector<16xi32>
    %scan3A = arith.constant 0 : i32
    %scan3A_1 = arith.constant 0 : i32
    %scan3A_2 = arith.constant 64 : i32
    %scan3A_3 = arith.addi %scan3A_1, %scan3A_2 : i32
    %scan3A_4 = arith.constant 1 : i32
    %scan3A_5 = scf.for %scan3A_7 = %scan3A_1 to %scan3A_3 step %scan3A_4 iter_args(%scan3A_8 = %scan3A) -> (i32)  : i32 {
      %mul3A_9 = arith.constant 32768 : i32
      %mul3A_10 = arith.muli %add3A, %mul3A_9 : i32
      %mul3A_11 = arith.constant 512 : i32
      %mul3A_12 = arith.muli %scan3A_7, %mul3A_11 : i32
      %add3A_13 = arith.addi %mul3A_10, %mul3A_12 : i32
      "tpu.region"() ({
        %run_scoped3A = tpu.sem_alloc : memref<!tpu.dma_semaphore, #tpu.memory_space<semaphore_mem>>
        %dma_start3A = arith.constant 0 : i32
        %dma_start3A_113 = tpu.memref_slice %arg3[%dma_start3A, %add3A_13] : memref<3x1048576xf32, #tpu.memory_space<hbm>> -> memref<3x512xf32, #tpu.memory_space<hbm>>
        %dma_start3A_114 = arith.constant 0 : i32
        %dma_start3A_115 = tpu.memref_slice %arg3[%dma_start3A_114, %add3A_13] : memref<3x1048576xf32, #tpu.memory_space<hbm>> -> memref<3x512xf32, #tpu.memory_space<hbm>>
        tpu.enqueue_dma source(%dma_start3A_115 : memref<3x512xf32, #tpu.memory_space<hbm>>) target(%arg8 : memref<3x512xf32, #tpu.memory_space<vmem>>) target_semaphore(%run_scoped3A : memref<!tpu.dma_semaphore, #tpu.memory_space<semaphore_mem>>)
        %dma_wait3A = arith.constant 0 : i32
        %dma_wait3A_116 = tpu.memref_slice %arg3[%dma_wait3A, %add3A_13] : memref<3x1048576xf32, #tpu.memory_space<hbm>> -> memref<3x512xf32, #tpu.memory_space<hbm>>
        %dma_wait3A_117 = arith.constant 0 : i32
        %dma_wait3A_118 = tpu.memref_slice %arg3[%dma_wait3A_117, %add3A_13] : memref<3x1048576xf32, #tpu.memory_space<hbm>> -> memref<3x512xf32, #tpu.memory_space<hbm>>
        tpu.wait_dma2 semaphore(%run_scoped3A : memref<!tpu.dma_semaphore, #tpu.memory_space<semaphore_mem>>) src(%dma_wait3A_118 : memref<3x512xf32, #tpu.memory_space<hbm>>) dst(%arg8 : memref<3x512xf32, #tpu.memory_space<vmem>>)
        tpu.yield
      }) : () -> ()
      "tpu.region"() ({
        %run_scoped3A = tpu.sem_alloc : memref<!tpu.dma_semaphore, #tpu.memory_space<semaphore_mem>>
        %dma_start3A = arith.constant 0 : i32
        %dma_start3A_113 = tpu.memref_slice %arg2[%add3A_13, %dma_start3A] : memref<1048576x3xf32, #tpu.memory_space<hbm>> -> memref<512x3xf32, #tpu.memory_space<hbm>>
        %dma_start3A_114 = arith.constant 0 : i32
        %dma_start3A_115 = tpu.memref_slice %arg2[%add3A_13, %dma_start3A_114] : memref<1048576x3xf32, #tpu.memory_space<hbm>> -> memref<512x3xf32, #tpu.memory_space<hbm>>
        tpu.enqueue_dma source(%dma_start3A_115 : memref<512x3xf32, #tpu.memory_space<hbm>>) target(%arg7 : memref<512x3xf32, #tpu.memory_space<vmem>>) target_semaphore(%run_scoped3A : memref<!tpu.dma_semaphore, #tpu.memory_space<semaphore_mem>>)
        %dma_wait3A = arith.constant 0 : i32
        %dma_wait3A_116 = tpu.memref_slice %arg2[%add3A_13, %dma_wait3A] : memref<1048576x3xf32, #tpu.memory_space<hbm>> -> memref<512x3xf32, #tpu.memory_space<hbm>>
        %dma_wait3A_117 = arith.constant 0 : i32
        %dma_wait3A_118 = tpu.memref_slice %arg2[%add3A_13, %dma_wait3A_117] : memref<1048576x3xf32, #tpu.memory_space<hbm>> -> memref<512x3xf32, #tpu.memory_space<hbm>>
        tpu.wait_dma2 semaphore(%run_scoped3A : memref<!tpu.dma_semaphore, #tpu.memory_space<semaphore_mem>>) src(%dma_wait3A_118 : memref<512x3xf32, #tpu.memory_space<hbm>>) dst(%arg7 : memref<512x3xf32, #tpu.memory_space<vmem>>)
        tpu.yield
      }) : () -> ()
      %scan3A_14 = arith.constant 0 : i32
      %scan3A_15 = arith.constant 0 : i32
      %scan3A_16 = arith.constant 16 : i32
      %scan3A_17 = arith.addi %scan3A_15, %scan3A_16 : i32
      %scan3A_18 = arith.constant 1 : i32
      %scan3A_19 = scf.for %scan3A_113 = %scan3A_15 to %scan3A_17 step %scan3A_18 iter_args(%scan3A_114 = %scan3A_14) -> (i32)  : i32 {
        %mul3A_115 = arith.constant 2 : i32
        %mul3A_116 = arith.muli %scan3A_113, %mul3A_115 : i32
        %add3A_117 = arith.constant 0 : i32
        %add3A_118 = arith.addi %mul3A_116, %add3A_117 : i32
        %mul3A_119 = arith.constant 16 : i32
        %mul3A_120 = arith.muli %add3A_118, %mul3A_119 : i32
        %add3A_121 = vector.broadcast %mul3A_120 : i32 to vector<16xi32>
        %add3A_122 = arith.addi %add3A_121, %iota3A : vector<16xi32>
        %broadcast_in_dim3A = arith.constant 0 : i32
        %broadcast_in_dim3A_123 = vector.broadcast %broadcast_in_dim3A : i32 to vector<16xi32>
        %gather3A = tpu.vector_load_idx %arg7[%add3A_122, %broadcast_in_dim3A_123] : memref<512x3xf32, #tpu.memory_space<vmem>>[vector<16xi32>, vector<16xi32>], vector<16xf32>,
        %mul3A_124 = arith.constant 5.000000e-01 : f32
        %mul3A_125 = vector.broadcast %mul3A_124 : f32 to vector<16xf32>
        %mul3A_126 = arith.mulf %gather3A, %mul3A_125 : vector<16xf32>
        %add3A_127 = arith.constant 5.000000e-01 : f32
        %add3A_128 = vector.broadcast %add3A_127 : f32 to vector<16xf32>
        %add3A_129 = arith.addf %mul3A_126, %add3A_128 : vector<16xf32>
        %convert_element_type3A = arith.fptosi %add3A_129 : vector<16xf32> to vector<16xi32>
        %convert_element_type3A_130 = arith.sitofp %convert_element_type3A : vector<16xi32> to vector<16xf32>
        %lt3A = arith.cmpf olt, %add3A_129, %convert_element_type3A_130 : vector<16xf32>
        %jit3A = arith.constant 1.000000e+00 : f32
        %jit3A_131 = arith.constant 0.000000e+00 : f32
        %broadcast_in_dim3A_132 = vector.broadcast %jit3A : f32 to vector<16xf32>
        %broadcast_in_dim3A_133 = vector.broadcast %jit3A_131 : f32 to vector<16xf32>
        %select_n3A = arith.select %lt3A, %broadcast_in_dim3A_132, %broadcast_in_dim3A_133 : vector<16xi1>, vector<16xf32>
        %sub3A = arith.subf %convert_element_type3A_130, %select_n3A : vector<16xf32>
        %sub3A_134 = arith.subf %mul3A_126, %sub3A : vector<16xf32>
        %mul3A_135 = arith.mulf %sub3A_134, %sub3A_134 : vector<16xf32>
        %mul3A_136 = arith.constant 3.395650e+01 : f32
        %mul3A_137 = vector.broadcast %mul3A_136 : f32 to vector<16xf32>
        %mul3A_138 = arith.mulf %mul3A_135, %mul3A_137 : vector<16xf32>
        %add3A_139 = arith.constant -75.0932769 : f32
        %add3A_140 = vector.broadcast %add3A_139 : f32 to vector<16xf32>
        %add3A_141 = arith.addf %add3A_140, %mul3A_138 : vector<16xf32>
        %mul3A_142 = arith.mulf %mul3A_135, %add3A_141 : vector<16xf32>
        %add3A_143 = arith.constant 81.4731292 : f32
        %add3A_144 = vector.broadcast %add3A_143 : f32 to vector<16xf32>
        %add3A_145 = arith.addf %add3A_144, %mul3A_142 : vector<16xf32>
        %mul3A_146 = arith.mulf %mul3A_135, %add3A_145 : vector<16xf32>
        %add3A_147 = arith.constant -41.3379288 : f32
        %add3A_148 = vector.broadcast %add3A_147 : f32 to vector<16xf32>
        %add3A_149 = arith.addf %add3A_148, %mul3A_146 : vector<16xf32>
        %mul3A_150 = arith.mulf %mul3A_135, %add3A_149 : vector<16xf32>
        %add3A_151 = arith.constant 6.28316832 : f32
        %add3A_152 = vector.broadcast %add3A_151 : f32 to vector<16xf32>
        %add3A_153 = arith.addf %add3A_152, %mul3A_150 : vector<16xf32>
        %mul3A_154 = arith.mulf %sub3A_134, %add3A_153 : vector<16xf32>
        %mul3A_155 = arith.constant 46.3100929 : f32
        %mul3A_156 = vector.broadcast %mul3A_155 : f32 to vector<16xf32>
        %mul3A_157 = arith.mulf %mul3A_135, %mul3A_156 : vector<16xf32>
        %add3A_158 = arith.constant -8.270120e+01 : f32
        %add3A_159 = vector.broadcast %add3A_158 : f32 to vector<16xf32>
        %add3A_160 = arith.addf %add3A_159, %mul3A_157 : vector<16xf32>
        %mul3A_161 = arith.mulf %mul3A_135, %add3A_160 : vector<16xf32>
        %add3A_162 = arith.constant 64.7143707 : f32
        %add3A_163 = vector.broadcast %add3A_162 : f32 to vector<16xf32>
        %add3A_164 = arith.addf %add3A_163, %mul3A_161 : vector<16xf32>
        %mul3A_165 = arith.mulf %mul3A_135, %add3A_164 : vector<16xf32>
        %add3A_166 = arith.constant -19.7327957 : f32
        %add3A_167 = vector.broadcast %add3A_166 : f32 to vector<16xf32>
        %add3A_168 = arith.addf %add3A_167, %mul3A_165 : vector<16xf32>
        %mul3A_169 = arith.mulf %mul3A_135, %add3A_168 : vector<16xf32>
        %add3A_170 = arith.constant 0.999971091 : f32
        %add3A_171 = vector.broadcast %add3A_170 : f32 to vector<16xf32>
        %add3A_172 = arith.addf %add3A_171, %mul3A_169 : vector<16xf32>
        %mul3A_173 = arith.constant 2.000000e+00 : f32
        %mul3A_174 = vector.broadcast %mul3A_173 : f32 to vector<16xf32>
        %mul3A_175 = arith.mulf %mul3A_174, %mul3A_154 : vector<16xf32>
        %mul3A_176 = arith.mulf %mul3A_175, %add3A_172 : vector<16xf32>
        %mul3A_177 = arith.constant 2.000000e+00 : f32
        %mul3A_178 = vector.broadcast %mul3A_177 : f32 to vector<16xf32>
        %mul3A_179 = arith.mulf %mul3A_178, %mul3A_154 : vector<16xf32>
        %mul3A_180 = arith.mulf %mul3A_179, %mul3A_154 : vector<16xf32>
        %sub3A_181 = arith.constant 1.000000e+00 : f32
        %sub3A_182 = vector.broadcast %sub3A_181 : f32 to vector<16xf32>
        %sub3A_183 = arith.subf %sub3A_182, %mul3A_180 : vector<16xf32>
        %broadcast_in_dim3A_184 = arith.constant 0 : i32
        %broadcast_in_dim3A_185 = vector.broadcast %broadcast_in_dim3A_184 : i32 to vector<16xi32>
        tpu.vector_store_idx %arg16[%add3A_122, %broadcast_in_dim3A_185], %mul3A_154 : memref<512x44xf32, #tpu.memory_space<vmem>>[vector<16xi32>, vector<16xi32>], vector<16xf32>,
        %broadcast_in_dim3A_186 = arith.constant 3 : i32
        %broadcast_in_dim3A_187 = vector.broadcast %broadcast_in_dim3A_186 : i32 to vector<16xi32>
        tpu.vector_store_idx %arg16[%add3A_122, %broadcast_in_dim3A_187], %add3A_172 : memref<512x44xf32, #tpu.memory_space<vmem>>[vector<16xi32>, vector<16xi32>], vector<16xf32>,
        %broadcast_in_dim3A_188 = arith.constant 6 : i32
        %broadcast_in_dim3A_189 = vector.broadcast %broadcast_in_dim3A_188 : i32 to vector<16xi32>
        tpu.vector_store_idx %arg16[%add3A_122, %broadcast_in_dim3A_189], %mul3A_176 : memref<512x44xf32, #tpu.memory_space<vmem>>[vector<16xi32>, vector<16xi32>], vector<16xf32>,
        %broadcast_in_dim3A_190 = arith.constant 9 : i32
        %broadcast_in_dim3A_191 = vector.broadcast %broadcast_in_dim3A_190 : i32 to vector<16xi32>
        tpu.vector_store_idx %arg16[%add3A_122, %broadcast_in_dim3A_191], %sub3A_183 : memref<512x44xf32, #tpu.memory_space<vmem>>[vector<16xi32>, vector<16xi32>], vector<16xf32>,
        %broadcast_in_dim3A_192 = arith.constant 1 : i32
        %broadcast_in_dim3A_193 = vector.broadcast %broadcast_in_dim3A_192 : i32 to vector<16xi32>
        %gather3A_194 = tpu.vector_load_idx %arg7[%add3A_122, %broadcast_in_dim3A_193] : memref<512x3xf32, #tpu.memory_space<vmem>>[vector<16xi32>, vector<16xi32>], vector<16xf32>,
        %mul3A_195 = arith.constant 5.000000e-01 : f32
        %mul3A_196 = vector.broadcast %mul3A_195 : f32 to vector<16xf32>
        %mul3A_197 = arith.mulf %gather3A_194, %mul3A_196 : vector<16xf32>
        %add3A_198 = arith.constant 5.000000e-01 : f32
        %add3A_199 = vector.broadcast %add3A_198 : f32 to vector<16xf32>
        %add3A_200 = arith.addf %mul3A_197, %add3A_199 : vector<16xf32>
        %convert_element_type3A_201 = arith.fptosi %add3A_200 : vector<16xf32> to vector<16xi32>
        %convert_element_type3A_202 = arith.sitofp %convert_element_type3A_201 : vector<16xi32> to vector<16xf32>
        %lt3A_203 = arith.cmpf olt, %add3A_200, %convert_element_type3A_202 : vector<16xf32>
        %jit3A_204 = arith.constant 1.000000e+00 : f32
        %jit3A_205 = arith.constant 0.000000e+00 : f32
        %broadcast_in_dim3A_206 = vector.broadcast %jit3A_204 : f32 to vector<16xf32>
        %broadcast_in_dim3A_207 = vector.broadcast %jit3A_205 : f32 to vector<16xf32>
        %select_n3A_208 = arith.select %lt3A_203, %broadcast_in_dim3A_206, %broadcast_in_dim3A_207 : vector<16xi1>, vector<16xf32>
        %sub3A_209 = arith.subf %convert_element_type3A_202, %select_n3A_208 : vector<16xf32>
        %sub3A_210 = arith.subf %mul3A_197, %sub3A_209 : vector<16xf32>
        %mul3A_211 = arith.mulf %sub3A_210, %sub3A_210 : vector<16xf32>
        %mul3A_212 = arith.constant 3.395650e+01 : f32
        %mul3A_213 = vector.broadcast %mul3A_212 : f32 to vector<16xf32>
        %mul3A_214 = arith.mulf %mul3A_211, %mul3A_213 : vector<16xf32>
        %add3A_215 = arith.constant -75.0932769 : f32
        %add3A_216 = vector.broadcast %add3A_215 : f32 to vector<16xf32>
        %add3A_217 = arith.addf %add3A_216, %mul3A_214 : vector<16xf32>
        %mul3A_218 = arith.mulf %mul3A_211, %add3A_217 : vector<16xf32>
        %add3A_219 = arith.constant 81.4731292 : f32
        %add3A_220 = vector.broadcast %add3A_219 : f32 to vector<16xf32>
        %add3A_221 = arith.addf %add3A_220, %mul3A_218 : vector<16xf32>
        %mul3A_222 = arith.mulf %mul3A_211, %add3A_221 : vector<16xf32>
        %add3A_223 = arith.constant -41.3379288 : f32
        %add3A_224 = vector.broadcast %add3A_223 : f32 to vector<16xf32>
        %add3A_225 = arith.addf %add3A_224, %mul3A_222 : vector<16xf32>
        %mul3A_226 = arith.mulf %mul3A_211, %add3A_225 : vector<16xf32>
        %add3A_227 = arith.constant 6.28316832 : f32
        %add3A_228 = vector.broadcast %add3A_227 : f32 to vector<16xf32>
        %add3A_229 = arith.addf %add3A_228, %mul3A_226 : vector<16xf32>
        %mul3A_230 = arith.mulf %sub3A_210, %add3A_229 : vector<16xf32>
        %mul3A_231 = arith.constant 46.3100929 : f32
        %mul3A_232 = vector.broadcast %mul3A_231 : f32 to vector<16xf32>
        %mul3A_233 = arith.mulf %mul3A_211, %mul3A_232 : vector<16xf32>
        %add3A_234 = arith.constant -8.270120e+01 : f32
        %add3A_235 = vector.broadcast %add3A_234 : f32 to vector<16xf32>
        %add3A_236 = arith.addf %add3A_235, %mul3A_233 : vector<16xf32>
        %mul3A_237 = arith.mulf %mul3A_211, %add3A_236 : vector<16xf32>
        %add3A_238 = arith.constant 64.7143707 : f32
        %add3A_239 = vector.broadcast %add3A_238 : f32 to vector<16xf32>
        %add3A_240 = arith.addf %add3A_239, %mul3A_237 : vector<16xf32>
        %mul3A_241 = arith.mulf %mul3A_211, %add3A_240 : vector<16xf32>
        %add3A_242 = arith.constant -19.7327957 : f32
        %add3A_243 = vector.broadcast %add3A_242 : f32 to vector<16xf32>
        %add3A_244 = arith.addf %add3A_243, %mul3A_241 : vector<16xf32>
        %mul3A_245 = arith.mulf %mul3A_211, %add3A_244 : vector<16xf32>
        %add3A_246 = arith.constant 0.999971091 : f32
        %add3A_247 = vector.broadcast %add3A_246 : f32 to vector<16xf32>
        %add3A_248 = arith.addf %add3A_247, %mul3A_245 : vector<16xf32>
        %mul3A_249 = arith.constant 2.000000e+00 : f32
        %mul3A_250 = vector.broadcast %mul3A_249 : f32 to vector<16xf32>
        %mul3A_251 = arith.mulf %mul3A_250, %mul3A_230 : vector<16xf32>
        %mul3A_252 = arith.mulf %mul3A_251, %add3A_248 : vector<16xf32>
        %mul3A_253 = arith.constant 2.000000e+00 : f32
        %mul3A_254 = vector.broadcast %mul3A_253 : f32 to vector<16xf32>
        %mul3A_255 = arith.mulf %mul3A_254, %mul3A_230 : vector<16xf32>
        %mul3A_256 = arith.mulf %mul3A_255, %mul3A_230 : vector<16xf32>
        %sub3A_257 = arith.constant 1.000000e+00 : f32
        %sub3A_258 = vector.broadcast %sub3A_257 : f32 to vector<16xf32>
        %sub3A_259 = arith.subf %sub3A_258, %mul3A_256 : vector<16xf32>
        %broadcast_in_dim3A_260 = arith.constant 1 : i32
        %broadcast_in_dim3A_261 = vector.broadcast %broadcast_in_dim3A_260 : i32 to vector<16xi32>
        tpu.vector_store_idx %arg16[%add3A_122, %broadcast_in_dim3A_261], %mul3A_230 : memref<512x44xf32, #tpu.memory_space<vmem>>[vector<16xi32>, vector<16xi32>], vector<16xf32>,
        %broadcast_in_dim3A_262 = arith.constant 4 : i32
        %broadcast_in_dim3A_263 = vector.broadcast %broadcast_in_dim3A_262 : i32 to vector<16xi32>
        tpu.vector_store_idx %arg16[%add3A_122, %broadcast_in_dim3A_263], %add3A_248 : memref<512x44xf32, #tpu.memory_space<vmem>>[vector<16xi32>, vector<16xi32>], vector<16xf32>,
        %broadcast_in_dim3A_264 = arith.constant 7 : i32
        %broadcast_in_dim3A_265 = vector.broadcast %broadcast_in_dim3A_264 : i32 to vector<16xi32>
        tpu.vector_store_idx %arg16[%add3A_122, %broadcast_in_dim3A_265], %mul3A_252 : memref<512x44xf32, #tpu.memory_space<vmem>>[vector<16xi32>, vector<16xi32>], vector<16xf32>,
        %broadcast_in_dim3A_266 = arith.constant 10 : i32
        %broadcast_in_dim3A_267 = vector.broadcast %broadcast_in_dim3A_266 : i32 to vector<16xi32>
        tpu.vector_store_idx %arg16[%add3A_122, %broadcast_in_dim3A_267], %sub3A_259 : memref<512x44xf32, #tpu.memory_space<vmem>>[vector<16xi32>, vector<16xi32>], vector<16xf32>,
        %broadcast_in_dim3A_268 = arith.constant 2 : i32
        %broadcast_in_dim3A_269 = vector.broadcast %broadcast_in_dim3A_268 : i32 to vector<16xi32>
        %gather3A_270 = tpu.vector_load_idx %arg7[%add3A_122, %broadcast_in_dim3A_269] : memref<512x3xf32, #tpu.memory_space<vmem>>[vector<16xi32>, vector<16xi32>], vector<16xf32>,
        %mul3A_271 = arith.constant 5.000000e-01 : f32
        %mul3A_272 = vector.broadcast %mul3A_271 : f32 to vector<16xf32>
        %mul3A_273 = arith.mulf %gather3A_270, %mul3A_272 : vector<16xf32>
        %add3A_274 = arith.constant 5.000000e-01 : f32
        %add3A_275 = vector.broadcast %add3A_274 : f32 to vector<16xf32>
        %add3A_276 = arith.addf %mul3A_273, %add3A_275 : vector<16xf32>
        %convert_element_type3A_277 = arith.fptosi %add3A_276 : vector<16xf32> to vector<16xi32>
        %convert_element_type3A_278 = arith.sitofp %convert_element_type3A_277 : vector<16xi32> to vector<16xf32>
        %lt3A_279 = arith.cmpf olt, %add3A_276, %convert_element_type3A_278 : vector<16xf32>
        %jit3A_280 = arith.constant 1.000000e+00 : f32
        %jit3A_281 = arith.constant 0.000000e+00 : f32
        %broadcast_in_dim3A_282 = vector.broadcast %jit3A_280 : f32 to vector<16xf32>
        %broadcast_in_dim3A_283 = vector.broadcast %jit3A_281 : f32 to vector<16xf32>
        %select_n3A_284 = arith.select %lt3A_279, %broadcast_in_dim3A_282, %broadcast_in_dim3A_283 : vector<16xi1>, vector<16xf32>
        %sub3A_285 = arith.subf %convert_element_type3A_278, %select_n3A_284 : vector<16xf32>
        %sub3A_286 = arith.subf %mul3A_273, %sub3A_285 : vector<16xf32>
        %mul3A_287 = arith.mulf %sub3A_286, %sub3A_286 : vector<16xf32>
        %mul3A_288 = arith.constant 3.395650e+01 : f32
        %mul3A_289 = vector.broadcast %mul3A_288 : f32 to vector<16xf32>
        %mul3A_290 = arith.mulf %mul3A_287, %mul3A_289 : vector<16xf32>
        %add3A_291 = arith.constant -75.0932769 : f32
        %add3A_292 = vector.broadcast %add3A_291 : f32 to vector<16xf32>
        %add3A_293 = arith.addf %add3A_292, %mul3A_290 : vector<16xf32>
        %mul3A_294 = arith.mulf %mul3A_287, %add3A_293 : vector<16xf32>
        %add3A_295 = arith.constant 81.4731292 : f32
        %add3A_296 = vector.broadcast %add3A_295 : f32 to vector<16xf32>
        %add3A_297 = arith.addf %add3A_296, %mul3A_294 : vector<16xf32>
        %mul3A_298 = arith.mulf %mul3A_287, %add3A_297 : vector<16xf32>
        %add3A_299 = arith.constant -41.3379288 : f32
        %add3A_300 = vector.broadcast %add3A_299 : f32 to vector<16xf32>
        %add3A_301 = arith.addf %add3A_300, %mul3A_298 : vector<16xf32>
        %mul3A_302 = arith.mulf %mul3A_287, %add3A_301 : vector<16xf32>
        %add3A_303 = arith.constant 6.28316832 : f32
        %add3A_304 = vector.broadcast %add3A_303 : f32 to vector<16xf32>
        %add3A_305 = arith.addf %add3A_304, %mul3A_302 : vector<16xf32>
        %mul3A_306 = arith.mulf %sub3A_286, %add3A_305 : vector<16xf32>
        %mul3A_307 = arith.constant 46.3100929 : f32
        %mul3A_308 = vector.broadcast %mul3A_307 : f32 to vector<16xf32>
        %mul3A_309 = arith.mulf %mul3A_287, %mul3A_308 : vector<16xf32>
        %add3A_310 = arith.constant -8.270120e+01 : f32
        %add3A_311 = vector.broadcast %add3A_310 : f32 to vector<16xf32>
        %add3A_312 = arith.addf %add3A_311, %mul3A_309 : vector<16xf32>
        %mul3A_313 = arith.mulf %mul3A_287, %add3A_312 : vector<16xf32>
        %add3A_314 = arith.constant 64.7143707 : f32
        %add3A_315 = vector.broadcast %add3A_314 : f32 to vector<16xf32>
        %add3A_316 = arith.addf %add3A_315, %mul3A_313 : vector<16xf32>
        %mul3A_317 = arith.mulf %mul3A_287, %add3A_316 : vector<16xf32>
        %add3A_318 = arith.constant -19.7327957 : f32
        %add3A_319 = vector.broadcast %add3A_318 : f32 to vector<16xf32>
        %add3A_320 = arith.addf %add3A_319, %mul3A_317 : vector<16xf32>
        %mul3A_321 = arith.mulf %mul3A_287, %add3A_320 : vector<16xf32>
        %add3A_322 = arith.constant 0.999971091 : f32
        %add3A_323 = vector.broadcast %add3A_322 : f32 to vector<16xf32>
        %add3A_324 = arith.addf %add3A_323, %mul3A_321 : vector<16xf32>
        %mul3A_325 = arith.constant 2.000000e+00 : f32
        %mul3A_326 = vector.broadcast %mul3A_325 : f32 to vector<16xf32>
        %mul3A_327 = arith.mulf %mul3A_326, %mul3A_306 : vector<16xf32>
        %mul3A_328 = arith.mulf %mul3A_327, %add3A_324 : vector<16xf32>
        %mul3A_329 = arith.constant 2.000000e+00 : f32
        %mul3A_330 = vector.broadcast %mul3A_329 : f32 to vector<16xf32>
        %mul3A_331 = arith.mulf %mul3A_330, %mul3A_306 : vector<16xf32>
        %mul3A_332 = arith.mulf %mul3A_331, %mul3A_306 : vector<16xf32>
        %sub3A_333 = arith.constant 1.000000e+00 : f32
        %sub3A_334 = vector.broadcast %sub3A_333 : f32 to vector<16xf32>
        %sub3A_335 = arith.subf %sub3A_334, %mul3A_332 : vector<16xf32>
        %broadcast_in_dim3A_336 = arith.constant 2 : i32
        %broadcast_in_dim3A_337 = vector.broadcast %broadcast_in_dim3A_336 : i32 to vector<16xi32>
        tpu.vector_store_idx %arg16[%add3A_122, %broadcast_in_dim3A_337], %mul3A_306 : memref<512x44xf32, #tpu.memory_space<vmem>>[vector<16xi32>, vector<16xi32>], vector<16xf32>,
        %broadcast_in_dim3A_338 = arith.constant 5 : i32
        %broadcast_in_dim3A_339 = vector.broadcast %broadcast_in_dim3A_338 : i32 to vector<16xi32>
        tpu.vector_store_idx %arg16[%add3A_122, %broadcast_in_dim3A_339], %add3A_324 : memref<512x44xf32, #tpu.memory_space<vmem>>[vector<16xi32>, vector<16xi32>], vector<16xf32>,
        %broadcast_in_dim3A_340 = arith.constant 8 : i32
        %broadcast_in_dim3A_341 = vector.broadcast %broadcast_in_dim3A_340 : i32 to vector<16xi32>
        tpu.vector_store_idx %arg16[%add3A_122, %broadcast_in_dim3A_341], %mul3A_328 : memref<512x44xf32, #tpu.memory_space<vmem>>[vector<16xi32>, vector<16xi32>], vector<16xf32>,
        %broadcast_in_dim3A_342 = arith.constant 11 : i32
        %broadcast_in_dim3A_343 = vector.broadcast %broadcast_in_dim3A_342 : i32 to vector<16xi32>
        tpu.vector_store_idx %arg16[%add3A_122, %broadcast_in_dim3A_343], %sub3A_335 : memref<512x44xf32, #tpu.memory_space<vmem>>[vector<16xi32>, vector<16xi32>], vector<16xf32>,
        %mul3A_344 = arith.constant 2 : i32
        %mul3A_345 = arith.muli %scan3A_113, %mul3A_344 : i32
        %add3A_346 = arith.constant 1 : i32
        %add3A_347 = arith.addi %mul3A_345, %add3A_346 : i32
        %mul3A_348 = arith.constant 16 : i32
        %mul3A_349 = arith.muli %add3A_347, %mul3A_348 : i32
        %add3A_350 = vector.broadcast %mul3A_349 : i32 to vector<16xi32>
        %add3A_351 = arith.addi %add3A_350, %iota3A : vector<16xi32>
        %broadcast_in_dim3A_352 = arith.constant 0 : i32
        %broadcast_in_dim3A_353 = vector.broadcast %broadcast_in_dim3A_352 : i32 to vector<16xi32>
        %gather3A_354 = tpu.vector_load_idx %arg7[%add3A_351, %broadcast_in_dim3A_353] : memref<512x3xf32, #tpu.memory_space<vmem>>[vector<16xi32>, vector<16xi32>], vector<16xf32>,
        %mul3A_355 = arith.constant 5.000000e-01 : f32
        %mul3A_356 = vector.broadcast %mul3A_355 : f32 to vector<16xf32>
        %mul3A_357 = arith.mulf %gather3A_354, %mul3A_356 : vector<16xf32>
        %add3A_358 = arith.constant 5.000000e-01 : f32
        %add3A_359 = vector.broadcast %add3A_358 : f32 to vector<16xf32>
        %add3A_360 = arith.addf %mul3A_357, %add3A_359 : vector<16xf32>
        %convert_element_type3A_361 = arith.fptosi %add3A_360 : vector<16xf32> to vector<16xi32>
        %convert_element_type3A_362 = arith.sitofp %convert_element_type3A_361 : vector<16xi32> to vector<16xf32>
        %lt3A_363 = arith.cmpf olt, %add3A_360, %convert_element_type3A_362 : vector<16xf32>
        %jit3A_364 = arith.constant 1.000000e+00 : f32
        %jit3A_365 = arith.constant 0.000000e+00 : f32
        %broadcast_in_dim3A_366 = vector.broadcast %jit3A_364 : f32 to vector<16xf32>
        %broadcast_in_dim3A_367 = vector.broadcast %jit3A_365 : f32 to vector<16xf32>
        %select_n3A_368 = arith.select %lt3A_363, %broadcast_in_dim3A_366, %broadcast_in_dim3A_367 : vector<16xi1>, vector<16xf32>
        %sub3A_369 = arith.subf %convert_element_type3A_362, %select_n3A_368 : vector<16xf32>
        %sub3A_370 = arith.subf %mul3A_357, %sub3A_369 : vector<16xf32>
        %mul3A_371 = arith.mulf %sub3A_370, %sub3A_370 : vector<16xf32>
        %mul3A_372 = arith.constant 3.395650e+01 : f32
        %mul3A_373 = vector.broadcast %mul3A_372 : f32 to vector<16xf32>
        %mul3A_374 = arith.mulf %mul3A_371, %mul3A_373 : vector<16xf32>
        %add3A_375 = arith.constant -75.0932769 : f32
        %add3A_376 = vector.broadcast %add3A_375 : f32 to vector<16xf32>
        %add3A_377 = arith.addf %add3A_376, %mul3A_374 : vector<16xf32>
        %mul3A_378 = arith.mulf %mul3A_371, %add3A_377 : vector<16xf32>
        %add3A_379 = arith.constant 81.4731292 : f32
        %add3A_380 = vector.broadcast %add3A_379 : f32 to vector<16xf32>
        %add3A_381 = arith.addf %add3A_380, %mul3A_378 : vector<16xf32>
        %mul3A_382 = arith.mulf %mul3A_371, %add3A_381 : vector<16xf32>
        %add3A_383 = arith.constant -41.3379288 : f32
        %add3A_384 = vector.broadcast %add3A_383 : f32 to vector<16xf32>
        %add3A_385 = arith.addf %add3A_384, %mul3A_382 : vector<16xf32>
        %mul3A_386 = arith.mulf %mul3A_371, %add3A_385 : vector<16xf32>
        %add3A_387 = arith.constant 6.28316832 : f32
        %add3A_388 = vector.broadcast %add3A_387 : f32 to vector<16xf32>
        %add3A_389 = arith.addf %add3A_388, %mul3A_386 : vector<16xf32>
        %mul3A_390 = arith.mulf %sub3A_370, %add3A_389 : vector<16xf32>
        %mul3A_391 = arith.constant 46.3100929 : f32
        %mul3A_392 = vector.broadcast %mul3A_391 : f32 to vector<16xf32>
        %mul3A_393 = arith.mulf %mul3A_371, %mul3A_392 : vector<16xf32>
        %add3A_394 = arith.constant -8.270120e+01 : f32
        %add3A_395 = vector.broadcast %add3A_394 : f32 to vector<16xf32>
        %add3A_396 = arith.addf %add3A_395, %mul3A_393 : vector<16xf32>
        %mul3A_397 = arith.mulf %mul3A_371, %add3A_396 : vector<16xf32>
        %add3A_398 = arith.constant 64.7143707 : f32
        %add3A_399 = vector.broadcast %add3A_398 : f32 to vector<16xf32>
        %add3A_400 = arith.addf %add3A_399, %mul3A_397 : vector<16xf32>
        %mul3A_401 = arith.mulf %mul3A_371, %add3A_400 : vector<16xf32>
        %add3A_402 = arith.constant -19.7327957 : f32
        %add3A_403 = vector.broadcast %add3A_402 : f32 to vector<16xf32>
        %add3A_404 = arith.addf %add3A_403, %mul3A_401 : vector<16xf32>
        %mul3A_405 = arith.mulf %mul3A_371, %add3A_404 : vector<16xf32>
        %add3A_406 = arith.constant 0.999971091 : f32
        %add3A_407 = vector.broadcast %add3A_406 : f32 to vector<16xf32>
        %add3A_408 = arith.addf %add3A_407, %mul3A_405 : vector<16xf32>
        %mul3A_409 = arith.constant 2.000000e+00 : f32
        %mul3A_410 = vector.broadcast %mul3A_409 : f32 to vector<16xf32>
        %mul3A_411 = arith.mulf %mul3A_410, %mul3A_390 : vector<16xf32>
        %mul3A_412 = arith.mulf %mul3A_411, %add3A_408 : vector<16xf32>
        %mul3A_413 = arith.constant 2.000000e+00 : f32
        %mul3A_414 = vector.broadcast %mul3A_413 : f32 to vector<16xf32>
        %mul3A_415 = arith.mulf %mul3A_414, %mul3A_390 : vector<16xf32>
        %mul3A_416 = arith.mulf %mul3A_415, %mul3A_390 : vector<16xf32>
        %sub3A_417 = arith.constant 1.000000e+00 : f32
        %sub3A_418 = vector.broadcast %sub3A_417 : f32 to vector<16xf32>
        %sub3A_419 = arith.subf %sub3A_418, %mul3A_416 : vector<16xf32>
        %broadcast_in_dim3A_420 = arith.constant 0 : i32
        %broadcast_in_dim3A_421 = vector.broadcast %broadcast_in_dim3A_420 : i32 to vector<16xi32>
        tpu.vector_store_idx %arg16[%add3A_351, %broadcast_in_dim3A_421], %mul3A_390 : memref<512x44xf32, #tpu.memory_space<vmem>>[vector<16xi32>, vector<16xi32>], vector<16xf32>,
        %broadcast_in_dim3A_422 = arith.constant 3 : i32
        %broadcast_in_dim3A_423 = vector.broadcast %broadcast_in_dim3A_422 : i32 to vector<16xi32>
        tpu.vector_store_idx %arg16[%add3A_351, %broadcast_in_dim3A_423], %add3A_408 : memref<512x44xf32, #tpu.memory_space<vmem>>[vector<16xi32>, vector<16xi32>], vector<16xf32>,
        %broadcast_in_dim3A_424 = arith.constant 6 : i32
        %broadcast_in_dim3A_425 = vector.broadcast %broadcast_in_dim3A_424 : i32 to vector<16xi32>
        tpu.vector_store_idx %arg16[%add3A_351, %broadcast_in_dim3A_425], %mul3A_412 : memref<512x44xf32, #tpu.memory_space<vmem>>[vector<16xi32>, vector<16xi32>], vector<16xf32>,
        %broadcast_in_dim3A_426 = arith.constant 9 : i32
        %broadcast_in_dim3A_427 = vector.broadcast %broadcast_in_dim3A_426 : i32 to vector<16xi32>
        tpu.vector_store_idx %arg16[%add3A_351, %broadcast_in_dim3A_427], %sub3A_419 : memref<512x44xf32, #tpu.memory_space<vmem>>[vector<16xi32>, vector<16xi32>], vector<16xf32>,
        %broadcast_in_dim3A_428 = arith.constant 1 : i32
        %broadcast_in_dim3A_429 = vector.broadcast %broadcast_in_dim3A_428 : i32 to vector<16xi32>
        %gather3A_430 = tpu.vector_load_idx %arg7[%add3A_351, %broadcast_in_dim3A_429] : memref<512x3xf32, #tpu.memory_space<vmem>>[vector<16xi32>, vector<16xi32>], vector<16xf32>,
        %mul3A_431 = arith.constant 5.000000e-01 : f32
        %mul3A_432 = vector.broadcast %mul3A_431 : f32 to vector<16xf32>
        %mul3A_433 = arith.mulf %gather3A_430, %mul3A_432 : vector<16xf32>
        %add3A_434 = arith.constant 5.000000e-01 : f32
        %add3A_435 = vector.broadcast %add3A_434 : f32 to vector<16xf32>
        %add3A_436 = arith.addf %mul3A_433, %add3A_435 : vector<16xf32>
        %convert_element_type3A_437 = arith.fptosi %add3A_436 : vector<16xf32> to vector<16xi32>
        %convert_element_type3A_438 = arith.sitofp %convert_element_type3A_437 : vector<16xi32> to vector<16xf32>
        %lt3A_439 = arith.cmpf olt, %add3A_436, %convert_element_type3A_438 : vector<16xf32>
        %jit3A_440 = arith.constant 1.000000e+00 : f32
        %jit3A_441 = arith.constant 0.000000e+00 : f32
        %broadcast_in_dim3A_442 = vector.broadcast %jit3A_440 : f32 to vector<16xf32>
        %broadcast_in_dim3A_443 = vector.broadcast %jit3A_441 : f32 to vector<16xf32>
        %select_n3A_444 = arith.select %lt3A_439, %broadcast_in_dim3A_442, %broadcast_in_dim3A_443 : vector<16xi1>, vector<16xf32>
        %sub3A_445 = arith.subf %convert_element_type3A_438, %select_n3A_444 : vector<16xf32>
        %sub3A_446 = arith.subf %mul3A_433, %sub3A_445 : vector<16xf32>
        %mul3A_447 = arith.mulf %sub3A_446, %sub3A_446 : vector<16xf32>
        %mul3A_448 = arith.constant 3.395650e+01 : f32
        %mul3A_449 = vector.broadcast %mul3A_448 : f32 to vector<16xf32>
        %mul3A_450 = arith.mulf %mul3A_447, %mul3A_449 : vector<16xf32>
        %add3A_451 = arith.constant -75.0932769 : f32
        %add3A_452 = vector.broadcast %add3A_451 : f32 to vector<16xf32>
        %add3A_453 = arith.addf %add3A_452, %mul3A_450 : vector<16xf32>
        %mul3A_454 = arith.mulf %mul3A_447, %add3A_453 : vector<16xf32>
        %add3A_455 = arith.constant 81.4731292 : f32
        %add3A_456 = vector.broadcast %add3A_455 : f32 to vector<16xf32>
        %add3A_457 = arith.addf %add3A_456, %mul3A_454 : vector<16xf32>
        %mul3A_458 = arith.mulf %mul3A_447, %add3A_457 : vector<16xf32>
        %add3A_459 = arith.constant -41.3379288 : f32
        %add3A_460 = vector.broadcast %add3A_459 : f32 to vector<16xf32>
        %add3A_461 = arith.addf %add3A_460, %mul3A_458 : vector<16xf32>
        %mul3A_462 = arith.mulf %mul3A_447, %add3A_461 : vector<16xf32>
        %add3A_463 = arith.constant 6.28316832 : f32
        %add3A_464 = vector.broadcast %add3A_463 : f32 to vector<16xf32>
        %add3A_465 = arith.addf %add3A_464, %mul3A_462 : vector<16xf32>
        %mul3A_466 = arith.mulf %sub3A_446, %add3A_465 : vector<16xf32>
        %mul3A_467 = arith.constant 46.3100929 : f32
        %mul3A_468 = vector.broadcast %mul3A_467 : f32 to vector<16xf32>
        %mul3A_469 = arith.mulf %mul3A_447, %mul3A_468 : vector<16xf32>
        %add3A_470 = arith.constant -8.270120e+01 : f32
        %add3A_471 = vector.broadcast %add3A_470 : f32 to vector<16xf32>
        %add3A_472 = arith.addf %add3A_471, %mul3A_469 : vector<16xf32>
        %mul3A_473 = arith.mulf %mul3A_447, %add3A_472 : vector<16xf32>
        %add3A_474 = arith.constant 64.7143707 : f32
        %add3A_475 = vector.broadcast %add3A_474 : f32 to vector<16xf32>
        %add3A_476 = arith.addf %add3A_475, %mul3A_473 : vector<16xf32>
        %mul3A_477 = arith.mulf %mul3A_447, %add3A_476 : vector<16xf32>
        %add3A_478 = arith.constant -19.7327957 : f32
        %add3A_479 = vector.broadcast %add3A_478 : f32 to vector<16xf32>
        %add3A_480 = arith.addf %add3A_479, %mul3A_477 : vector<16xf32>
        %mul3A_481 = arith.mulf %mul3A_447, %add3A_480 : vector<16xf32>
        %add3A_482 = arith.constant 0.999971091 : f32
        %add3A_483 = vector.broadcast %add3A_482 : f32 to vector<16xf32>
        %add3A_484 = arith.addf %add3A_483, %mul3A_481 : vector<16xf32>
        %mul3A_485 = arith.constant 2.000000e+00 : f32
        %mul3A_486 = vector.broadcast %mul3A_485 : f32 to vector<16xf32>
        %mul3A_487 = arith.mulf %mul3A_486, %mul3A_466 : vector<16xf32>
        %mul3A_488 = arith.mulf %mul3A_487, %add3A_484 : vector<16xf32>
        %mul3A_489 = arith.constant 2.000000e+00 : f32
        %mul3A_490 = vector.broadcast %mul3A_489 : f32 to vector<16xf32>
        %mul3A_491 = arith.mulf %mul3A_490, %mul3A_466 : vector<16xf32>
        %mul3A_492 = arith.mulf %mul3A_491, %mul3A_466 : vector<16xf32>
        %sub3A_493 = arith.constant 1.000000e+00 : f32
        %sub3A_494 = vector.broadcast %sub3A_493 : f32 to vector<16xf32>
        %sub3A_495 = arith.subf %sub3A_494, %mul3A_492 : vector<16xf32>
        %broadcast_in_dim3A_496 = arith.constant 1 : i32
        %broadcast_in_dim3A_497 = vector.broadcast %broadcast_in_dim3A_496 : i32 to vector<16xi32>
        tpu.vector_store_idx %arg16[%add3A_351, %broadcast_in_dim3A_497], %mul3A_466 : memref<512x44xf32, #tpu.memory_space<vmem>>[vector<16xi32>, vector<16xi32>], vector<16xf32>,
        %broadcast_in_dim3A_498 = arith.constant 4 : i32
        %broadcast_in_dim3A_499 = vector.broadcast %broadcast_in_dim3A_498 : i32 to vector<16xi32>
        tpu.vector_store_idx %arg16[%add3A_351, %broadcast_in_dim3A_499], %add3A_484 : memref<512x44xf32, #tpu.memory_space<vmem>>[vector<16xi32>, vector<16xi32>], vector<16xf32>,
        %broadcast_in_dim3A_500 = arith.constant 7 : i32
        %broadcast_in_dim3A_501 = vector.broadcast %broadcast_in_dim3A_500 : i32 to vector<16xi32>
        tpu.vector_store_idx %arg16[%add3A_351, %broadcast_in_dim3A_501], %mul3A_488 : memref<512x44xf32, #tpu.memory_space<vmem>>[vector<16xi32>, vector<16xi32>], vector<16xf32>,
        %broadcast_in_dim3A_502 = arith.constant 10 : i32
        %broadcast_in_dim3A_503 = vector.broadcast %broadcast_in_dim3A_502 : i32 to vector<16xi32>
        tpu.vector_store_idx %arg16[%add3A_351, %broadcast_in_dim3A_503], %sub3A_495 : memref<512x44xf32, #tpu.memory_space<vmem>>[vector<16xi32>, vector<16xi32>], vector<16xf32>,
        %broadcast_in_dim3A_504 = arith.constant 2 : i32
        %broadcast_in_dim3A_505 = vector.broadcast %broadcast_in_dim3A_504 : i32 to vector<16xi32>
        %gather3A_506 = tpu.vector_load_idx %arg7[%add3A_351, %broadcast_in_dim3A_505] : memref<512x3xf32, #tpu.memory_space<vmem>>[vector<16xi32>, vector<16xi32>], vector<16xf32>,
        %mul3A_507 = arith.constant 5.000000e-01 : f32
        %mul3A_508 = vector.broadcast %mul3A_507 : f32 to vector<16xf32>
        %mul3A_509 = arith.mulf %gather3A_506, %mul3A_508 : vector<16xf32>
        %add3A_510 = arith.constant 5.000000e-01 : f32
        %add3A_511 = vector.broadcast %add3A_510 : f32 to vector<16xf32>
        %add3A_512 = arith.addf %mul3A_509, %add3A_511 : vector<16xf32>
        %convert_element_type3A_513 = arith.fptosi %add3A_512 : vector<16xf32> to vector<16xi32>
        %convert_element_type3A_514 = arith.sitofp %convert_element_type3A_513 : vector<16xi32> to vector<16xf32>
        %lt3A_515 = arith.cmpf olt, %add3A_512, %convert_element_type3A_514 : vector<16xf32>
        %jit3A_516 = arith.constant 1.000000e+00 : f32
        %jit3A_517 = arith.constant 0.000000e+00 : f32
        %broadcast_in_dim3A_518 = vector.broadcast %jit3A_516 : f32 to vector<16xf32>
        %broadcast_in_dim3A_519 = vector.broadcast %jit3A_517 : f32 to vector<16xf32>
        %select_n3A_520 = arith.select %lt3A_515, %broadcast_in_dim3A_518, %broadcast_in_dim3A_519 : vector<16xi1>, vector<16xf32>
        %sub3A_521 = arith.subf %convert_element_type3A_514, %select_n3A_520 : vector<16xf32>
        %sub3A_522 = arith.subf %mul3A_509, %sub3A_521 : vector<16xf32>
        %mul3A_523 = arith.mulf %sub3A_522, %sub3A_522 : vector<16xf32>
        %mul3A_524 = arith.constant 3.395650e+01 : f32
        %mul3A_525 = vector.broadcast %mul3A_524 : f32 to vector<16xf32>
        %mul3A_526 = arith.mulf %mul3A_523, %mul3A_525 : vector<16xf32>
        %add3A_527 = arith.constant -75.0932769 : f32
        %add3A_528 = vector.broadcast %add3A_527 : f32 to vector<16xf32>
        %add3A_529 = arith.addf %add3A_528, %mul3A_526 : vector<16xf32>
        %mul3A_530 = arith.mulf %mul3A_523, %add3A_529 : vector<16xf32>
        %add3A_531 = arith.constant 81.4731292 : f32
        %add3A_532 = vector.broadcast %add3A_531 : f32 to vector<16xf32>
        %add3A_533 = arith.addf %add3A_532, %mul3A_530 : vector<16xf32>
        %mul3A_534 = arith.mulf %mul3A_523, %add3A_533 : vector<16xf32>
        %add3A_535 = arith.constant -41.3379288 : f32
        %add3A_536 = vector.broadcast %add3A_535 : f32 to vector<16xf32>
        %add3A_537 = arith.addf %add3A_536, %mul3A_534 : vector<16xf32>
        %mul3A_538 = arith.mulf %mul3A_523, %add3A_537 : vector<16xf32>
        %add3A_539 = arith.constant 6.28316832 : f32
        %add3A_540 = vector.broadcast %add3A_539 : f32 to vector<16xf32>
        %add3A_541 = arith.addf %add3A_540, %mul3A_538 : vector<16xf32>
        %mul3A_542 = arith.mulf %sub3A_522, %add3A_541 : vector<16xf32>
        %mul3A_543 = arith.constant 46.3100929 : f32
        %mul3A_544 = vector.broadcast %mul3A_543 : f32 to vector<16xf32>
        %mul3A_545 = arith.mulf %mul3A_523, %mul3A_544 : vector<16xf32>
        %add3A_546 = arith.constant -8.270120e+01 : f32
        %add3A_547 = vector.broadcast %add3A_546 : f32 to vector<16xf32>
        %add3A_548 = arith.addf %add3A_547, %mul3A_545 : vector<16xf32>
        %mul3A_549 = arith.mulf %mul3A_523, %add3A_548 : vector<16xf32>
        %add3A_550 = arith.constant 64.7143707 : f32
        %add3A_551 = vector.broadcast %add3A_550 : f32 to vector<16xf32>
        %add3A_552 = arith.addf %add3A_551, %mul3A_549 : vector<16xf32>
        %mul3A_553 = arith.mulf %mul3A_523, %add3A_552 : vector<16xf32>
        %add3A_554 = arith.constant -19.7327957 : f32
        %add3A_555 = vector.broadcast %add3A_554 : f32 to vector<16xf32>
        %add3A_556 = arith.addf %add3A_555, %mul3A_553 : vector<16xf32>
        %mul3A_557 = arith.mulf %mul3A_523, %add3A_556 : vector<16xf32>
        %add3A_558 = arith.constant 0.999971091 : f32
        %add3A_559 = vector.broadcast %add3A_558 : f32 to vector<16xf32>
        %add3A_560 = arith.addf %add3A_559, %mul3A_557 : vector<16xf32>
        %mul3A_561 = arith.constant 2.000000e+00 : f32
        %mul3A_562 = vector.broadcast %mul3A_561 : f32 to vector<16xf32>
        %mul3A_563 = arith.mulf %mul3A_562, %mul3A_542 : vector<16xf32>
        %mul3A_564 = arith.mulf %mul3A_563, %add3A_560 : vector<16xf32>
        %mul3A_565 = arith.constant 2.000000e+00 : f32
        %mul3A_566 = vector.broadcast %mul3A_565 : f32 to vector<16xf32>
        %mul3A_567 = arith.mulf %mul3A_566, %mul3A_542 : vector<16xf32>
        %mul3A_568 = arith.mulf %mul3A_567, %mul3A_542 : vector<16xf32>
        %sub3A_569 = arith.constant 1.000000e+00 : f32
        %sub3A_570 = vector.broadcast %sub3A_569 : f32 to vector<16xf32>
        %sub3A_571 = arith.subf %sub3A_570, %mul3A_568 : vector<16xf32>
        %broadcast_in_dim3A_572 = arith.constant 2 : i32
        %broadcast_in_dim3A_573 = vector.broadcast %broadcast_in_dim3A_572 : i32 to vector<16xi32>
        tpu.vector_store_idx %arg16[%add3A_351, %broadcast_in_dim3A_573], %mul3A_542 : memref<512x44xf32, #tpu.memory_space<vmem>>[vector<16xi32>, vector<16xi32>], vector<16xf32>,
        %broadcast_in_dim3A_574 = arith.constant 5 : i32
        %broadcast_in_dim3A_575 = vector.broadcast %broadcast_in_dim3A_574 : i32 to vector<16xi32>
        tpu.vector_store_idx %arg16[%add3A_351, %broadcast_in_dim3A_575], %add3A_560 : memref<512x44xf32, #tpu.memory_space<vmem>>[vector<16xi32>, vector<16xi32>], vector<16xf32>,
        %broadcast_in_dim3A_576 = arith.constant 8 : i32
        %broadcast_in_dim3A_577 = vector.broadcast %broadcast_in_dim3A_576 : i32 to vector<16xi32>
        tpu.vector_store_idx %arg16[%add3A_351, %broadcast_in_dim3A_577], %mul3A_564 : memref<512x44xf32, #tpu.memory_space<vmem>>[vector<16xi32>, vector<16xi32>], vector<16xf32>,
        %broadcast_in_dim3A_578 = arith.constant 11 : i32
        %broadcast_in_dim3A_579 = vector.broadcast %broadcast_in_dim3A_578 : i32 to vector<16xi32>
        tpu.vector_store_idx %arg16[%add3A_351, %broadcast_in_dim3A_579], %sub3A_571 : memref<512x44xf32, #tpu.memory_space<vmem>>[vector<16xi32>, vector<16xi32>], vector<16xf32>,
        %scan3A_580 = arith.constant 0 : i32
        scf.yield %scan3A_580 : i32
      }
      %scan3A_20 = arith.constant 16 : i32
      %scan3A_21 = arith.constant 0 : i32
      %scan3A_22 = arith.constant 0 : i32
      %scan3A_23 = arith.constant 16 : i32
      %scan3A_24 = arith.addi %scan3A_22, %scan3A_23 : i32
      %scan3A_25 = arith.constant 1 : i32
      %scan3A_26 = scf.for %scan3A_113 = %scan3A_22 to %scan3A_24 step %scan3A_25 iter_args(%scan3A_114 = %scan3A_21) -> (i32)  : i32 {
        %mul3A_115 = arith.constant 2 : i32
        %mul3A_116 = arith.muli %scan3A_113, %mul3A_115 : i32
        %add3A_117 = arith.constant 0 : i32
        %add3A_118 = arith.addi %mul3A_116, %add3A_117 : i32
        %mul3A_119 = arith.constant 16 : i32
        %mul3A_120 = arith.muli %add3A_118, %mul3A_119 : i32
        %get3A = arith.constant 0 : i32
        %get3A_121 = arith.index_cast %get3A : i32 to index
        %get3A_122 = arith.index_cast %mul3A_120 : i32 to index
        %get3A_123 = tpu.vector_load %arg8[%get3A_121, %get3A_122] {strides = array<i32>} : memref<3x512xf32, #tpu.memory_space<vmem>>, vector<16xf32>,
        %get3A_124 = arith.constant 1 : i32
        %get3A_125 = arith.index_cast %get3A_124 : i32 to index
        %get3A_126 = arith.index_cast %mul3A_120 : i32 to index
        %get3A_127 = tpu.vector_load %arg8[%get3A_125, %get3A_126] {strides = array<i32>} : memref<3x512xf32, #tpu.memory_space<vmem>>, vector<16xf32>,
        %get3A_128 = arith.constant 2 : i32
        %get3A_129 = arith.index_cast %get3A_128 : i32 to index
        %get3A_130 = arith.index_cast %mul3A_120 : i32 to index
        %get3A_131 = tpu.vector_load %arg8[%get3A_129, %get3A_130] {strides = array<i32>} : memref<3x512xf32, #tpu.memory_space<vmem>>, vector<16xf32>,
        %mul3A_132 = arith.constant 1.600000e+01 : f32
        %mul3A_133 = vector.broadcast %mul3A_132 : f32 to vector<16xf32>
        %mul3A_134 = arith.mulf %get3A_123, %mul3A_133 : vector<16xf32>
        %mul3A_135 = arith.constant 1.600000e+01 : f32
        %mul3A_136 = vector.broadcast %mul3A_135 : f32 to vector<16xf32>
        %mul3A_137 = arith.mulf %get3A_127, %mul3A_136 : vector<16xf32>
        %mul3A_138 = arith.constant 1.600000e+01 : f32
        %mul3A_139 = vector.broadcast %mul3A_138 : f32 to vector<16xf32>
        %mul3A_140 = arith.mulf %get3A_131, %mul3A_139 : vector<16xf32>
        %convert_element_type3A = arith.fptosi %mul3A_134 : vector<16xf32> to vector<16xi32>
        %convert_element_type3A_141 = arith.fptosi %mul3A_137 : vector<16xf32> to vector<16xi32>
        %convert_element_type3A_142 = arith.fptosi %mul3A_140 : vector<16xf32> to vector<16xi32>
        %convert_element_type3A_143 = arith.sitofp %convert_element_type3A : vector<16xi32> to vector<16xf32>
        %sub3A = arith.subf %mul3A_134, %convert_element_type3A_143 : vector<16xf32>
        %swap3A = arith.constant 0 : i32
        %swap3A_144 = arith.index_cast %swap3A : i32 to index
        %swap3A_145 = arith.index_cast %mul3A_120 : i32 to index
        %swap3A_146 = tpu.vector_load %arg9[%swap3A_144, %swap3A_145] {strides = array<i32>} : memref<3x512xf32, #tpu.memory_space<vmem>>, vector<16xf32>,
        tpu.vector_store %arg9[%swap3A_144, %swap3A_145], %sub3A {strides = array<i32>} : memref<3x512xf32, #tpu.memory_space<vmem>>, vector<16xf32>,
        %convert_element_type3A_147 = arith.sitofp %convert_element_type3A_141 : vector<16xi32> to vector<16xf32>
        %sub3A_148 = arith.subf %mul3A_137, %convert_element_type3A_147 : vector<16xf32>
        %swap3A_149 = arith.constant 1 : i32
        %swap3A_150 = arith.index_cast %swap3A_149 : i32 to index
        %swap3A_151 = arith.index_cast %mul3A_120 : i32 to index
        %swap3A_152 = tpu.vector_load %arg9[%swap3A_150, %swap3A_151] {strides = array<i32>} : memref<3x512xf32, #tpu.memory_space<vmem>>, vector<16xf32>,
        tpu.vector_store %arg9[%swap3A_150, %swap3A_151], %sub3A_148 {strides = array<i32>} : memref<3x512xf32, #tpu.memory_space<vmem>>, vector<16xf32>,
        %convert_element_type3A_153 = arith.sitofp %convert_element_type3A_142 : vector<16xi32> to vector<16xf32>
        %sub3A_154 = arith.subf %mul3A_140, %convert_element_type3A_153 : vector<16xf32>
        %swap3A_155 = arith.constant 2 : i32
        %swap3A_156 = arith.index_cast %swap3A_155 : i32 to index
        %swap3A_157 = arith.index_cast %mul3A_120 : i32 to index
        %swap3A_158 = tpu.vector_load %arg9[%swap3A_156, %swap3A_157] {strides = array<i32>} : memref<3x512xf32, #tpu.memory_space<vmem>>, vector<16xf32>,
        tpu.vector_store %arg9[%swap3A_156, %swap3A_157], %sub3A_154 {strides = array<i32>} : memref<3x512xf32, #tpu.memory_space<vmem>>, vector<16xf32>,
        %shift_right_arithmetic3A = arith.constant 3 : i32
        %shift_right_arithmetic3A_159 = arith.shrsi %add3A_118, %shift_right_arithmetic3A : i32
        %and3A = arith.constant 7 : i32
        %and3A_160 = arith.andi %add3A_118, %and3A : i32
        %mul3A_161 = arith.constant 16 : i32
        %mul3A_162 = arith.muli %and3A_160, %mul3A_161 : i32
        %mul3A_163 = arith.constant 289 : i32
        %mul3A_164 = vector.broadcast %mul3A_163 : i32 to vector<16xi32>
        %mul3A_165 = arith.muli %convert_element_type3A, %mul3A_164 : vector<16xi32>
        %add3A_166 = arith.constant 289 : i32
        %add3A_167 = vector.broadcast %add3A_166 : i32 to vector<16xi32>
        %add3A_168 = arith.addi %mul3A_165, %add3A_167 : vector<16xi32>
        %mul3A_169 = arith.constant 17 : i32
        %mul3A_170 = vector.broadcast %mul3A_169 : i32 to vector<16xi32>
        %mul3A_171 = arith.muli %convert_element_type3A_141, %mul3A_170 : vector<16xi32>
        %add3A_172 = arith.constant 17 : i32
        %add3A_173 = vector.broadcast %add3A_172 : i32 to vector<16xi32>
        %add3A_174 = arith.addi %mul3A_171, %add3A_173 : vector<16xi32>
        %add3A_175 = arith.constant 0 : i32
        %add3A_176 = vector.broadcast %add3A_175 : i32 to vector<16xi32>
        %add3A_177 = arith.addi %convert_element_type3A_142, %add3A_176 : vector<16xi32>
        %add3A_178 = arith.constant 1 : i32
        %add3A_179 = vector.broadcast %add3A_178 : i32 to vector<16xi32>
        %add3A_180 = arith.addi %add3A_177, %add3A_179 : vector<16xi32>
        %add3A_181 = arith.addi %mul3A_165, %mul3A_171 : vector<16xi32>
        %add3A_182 = arith.addi %add3A_181, %add3A_177 : vector<16xi32>
        %add3A_183 = arith.constant 0 : i32
        %add3A_184 = arith.addi %shift_right_arithmetic3A_159, %add3A_183 : i32
        %swap3A_185 = arith.index_cast %add3A_184 : i32 to index
        %swap3A_186 = arith.index_cast %mul3A_162 : i32 to index
        %swap3A_187 = tpu.vector_load %arg11[%swap3A_185, %swap3A_186] {strides = array<i32>} : memref<32x128xi32, #tpu.memory_space<vmem>>, vector<16xi32>,
        tpu.vector_store %arg11[%swap3A_185, %swap3A_186], %add3A_182 {strides = array<i32>} : memref<32x128xi32, #tpu.memory_space<vmem>>, vector<16xi32>,
        %add3A_188 = arith.addi %add3A_168, %mul3A_171 : vector<16xi32>
        %add3A_189 = arith.addi %add3A_188, %add3A_177 : vector<16xi32>
        %add3A_190 = arith.constant 4 : i32
        %add3A_191 = arith.addi %shift_right_arithmetic3A_159, %add3A_190 : i32
        %swap3A_192 = arith.index_cast %add3A_191 : i32 to index
        %swap3A_193 = arith.index_cast %mul3A_162 : i32 to index
        %swap3A_194 = tpu.vector_load %arg11[%swap3A_192, %swap3A_193] {strides = array<i32>} : memref<32x128xi32, #tpu.memory_space<vmem>>, vector<16xi32>,
        tpu.vector_store %arg11[%swap3A_192, %swap3A_193], %add3A_189 {strides = array<i32>} : memref<32x128xi32, #tpu.memory_space<vmem>>, vector<16xi32>,
        %add3A_195 = arith.addi %mul3A_165, %add3A_174 : vector<16xi32>
        %add3A_196 = arith.addi %add3A_195, %add3A_177 : vector<16xi32>
        %add3A_197 = arith.constant 8 : i32
        %add3A_198 = arith.addi %shift_right_arithmetic3A_159, %add3A_197 : i32
        %swap3A_199 = arith.index_cast %add3A_198 : i32 to index
        %swap3A_200 = arith.index_cast %mul3A_162 : i32 to index
        %swap3A_201 = tpu.vector_load %arg11[%swap3A_199, %swap3A_200] {strides = array<i32>} : memref<32x128xi32, #tpu.memory_space<vmem>>, vector<16xi32>,
        tpu.vector_store %arg11[%swap3A_199, %swap3A_200], %add3A_196 {strides = array<i32>} : memref<32x128xi32, #tpu.memory_space<vmem>>, vector<16xi32>,
        %add3A_202 = arith.addi %add3A_168, %add3A_174 : vector<16xi32>
        %add3A_203 = arith.addi %add3A_202, %add3A_177 : vector<16xi32>
        %add3A_204 = arith.constant 12 : i32
        %add3A_205 = arith.addi %shift_right_arithmetic3A_159, %add3A_204 : i32
        %swap3A_206 = arith.index_cast %add3A_205 : i32 to index
        %swap3A_207 = arith.index_cast %mul3A_162 : i32 to index
        %swap3A_208 = tpu.vector_load %arg11[%swap3A_206, %swap3A_207] {strides = array<i32>} : memref<32x128xi32, #tpu.memory_space<vmem>>, vector<16xi32>,
        tpu.vector_store %arg11[%swap3A_206, %swap3A_207], %add3A_203 {strides = array<i32>} : memref<32x128xi32, #tpu.memory_space<vmem>>, vector<16xi32>,
        %add3A_209 = arith.addi %mul3A_165, %mul3A_171 : vector<16xi32>
        %add3A_210 = arith.addi %add3A_209, %add3A_180 : vector<16xi32>
        %add3A_211 = arith.constant 16 : i32
        %add3A_212 = arith.addi %shift_right_arithmetic3A_159, %add3A_211 : i32
        %swap3A_213 = arith.index_cast %add3A_212 : i32 to index
        %swap3A_214 = arith.index_cast %mul3A_162 : i32 to index
        %swap3A_215 = tpu.vector_load %arg11[%swap3A_213, %swap3A_214] {strides = array<i32>} : memref<32x128xi32, #tpu.memory_space<vmem>>, vector<16xi32>,
        tpu.vector_store %arg11[%swap3A_213, %swap3A_214], %add3A_210 {strides = array<i32>} : memref<32x128xi32, #tpu.memory_space<vmem>>, vector<16xi32>,
        %add3A_216 = arith.addi %add3A_168, %mul3A_171 : vector<16xi32>
        %add3A_217 = arith.addi %add3A_216, %add3A_180 : vector<16xi32>
        %add3A_218 = arith.constant 20 : i32
        %add3A_219 = arith.addi %shift_right_arithmetic3A_159, %add3A_218 : i32
        %swap3A_220 = arith.index_cast %add3A_219 : i32 to index
        %swap3A_221 = arith.index_cast %mul3A_162 : i32 to index
        %swap3A_222 = tpu.vector_load %arg11[%swap3A_220, %swap3A_221] {strides = array<i32>} : memref<32x128xi32, #tpu.memory_space<vmem>>, vector<16xi32>,
        tpu.vector_store %arg11[%swap3A_220, %swap3A_221], %add3A_217 {strides = array<i32>} : memref<32x128xi32, #tpu.memory_space<vmem>>, vector<16xi32>,
        %add3A_223 = arith.addi %mul3A_165, %add3A_174 : vector<16xi32>
        %add3A_224 = arith.addi %add3A_223, %add3A_180 : vector<16xi32>
        %add3A_225 = arith.constant 24 : i32
        %add3A_226 = arith.addi %shift_right_arithmetic3A_159, %add3A_225 : i32
        %swap3A_227 = arith.index_cast %add3A_226 : i32 to index
        %swap3A_228 = arith.index_cast %mul3A_162 : i32 to index
        %swap3A_229 = tpu.vector_load %arg11[%swap3A_227, %swap3A_228] {strides = array<i32>} : memref<32x128xi32, #tpu.memory_space<vmem>>, vector<16xi32>,
        tpu.vector_store %arg11[%swap3A_227, %swap3A_228], %add3A_224 {strides = array<i32>} : memref<32x128xi32, #tpu.memory_space<vmem>>, vector<16xi32>,
        %add3A_230 = arith.addi %add3A_168, %add3A_174 : vector<16xi32>
        %add3A_231 = arith.addi %add3A_230, %add3A_180 : vector<16xi32>
        %add3A_232 = arith.constant 28 : i32
        %add3A_233 = arith.addi %shift_right_arithmetic3A_159, %add3A_232 : i32
        %swap3A_234 = arith.index_cast %add3A_233 : i32 to index
        %swap3A_235 = arith.index_cast %mul3A_162 : i32 to index
        %swap3A_236 = tpu.vector_load %arg11[%swap3A_234, %swap3A_235] {strides = array<i32>} : memref<32x128xi32, #tpu.memory_space<vmem>>, vector<16xi32>,
        tpu.vector_store %arg11[%swap3A_234, %swap3A_235], %add3A_231 {strides = array<i32>} : memref<32x128xi32, #tpu.memory_space<vmem>>, vector<16xi32>,
        %mul3A_237 = arith.constant 2 : i32
        %mul3A_238 = arith.muli %scan3A_113, %mul3A_237 : i32
        %add3A_239 = arith.constant 1 : i32
        %add3A_240 = arith.addi %mul3A_238, %add3A_239 : i32
        %mul3A_241 = arith.constant 16 : i32
        %mul3A_242 = arith.muli %add3A_240, %mul3A_241 : i32
        %get3A_243 = arith.constant 0 : i32
        %get3A_244 = arith.index_cast %get3A_243 : i32 to index
        %get3A_245 = arith.index_cast %mul3A_242 : i32 to index
        %get3A_246 = tpu.vector_load %arg8[%get3A_244, %get3A_245] {strides = array<i32>} : memref<3x512xf32, #tpu.memory_space<vmem>>, vector<16xf32>,
        %get3A_247 = arith.constant 1 : i32
        %get3A_248 = arith.index_cast %get3A_247 : i32 to index
        %get3A_249 = arith.index_cast %mul3A_242 : i32 to index
        %get3A_250 = tpu.vector_load %arg8[%get3A_248, %get3A_249] {strides = array<i32>} : memref<3x512xf32, #tpu.memory_space<vmem>>, vector<16xf32>,
        %get3A_251 = arith.constant 2 : i32
        %get3A_252 = arith.index_cast %get3A_251 : i32 to index
        %get3A_253 = arith.index_cast %mul3A_242 : i32 to index
        %get3A_254 = tpu.vector_load %arg8[%get3A_252, %get3A_253] {strides = array<i32>} : memref<3x512xf32, #tpu.memory_space<vmem>>, vector<16xf32>,
        %mul3A_255 = arith.constant 1.600000e+01 : f32
        %mul3A_256 = vector.broadcast %mul3A_255 : f32 to vector<16xf32>
        %mul3A_257 = arith.mulf %get3A_246, %mul3A_256 : vector<16xf32>
        %mul3A_258 = arith.constant 1.600000e+01 : f32
        %mul3A_259 = vector.broadcast %mul3A_258 : f32 to vector<16xf32>
        %mul3A_260 = arith.mulf %get3A_250, %mul3A_259 : vector<16xf32>
        %mul3A_261 = arith.constant 1.600000e+01 : f32
        %mul3A_262 = vector.broadcast %mul3A_261 : f32 to vector<16xf32>
        %mul3A_263 = arith.mulf %get3A_254, %mul3A_262 : vector<16xf32>
        %convert_element_type3A_264 = arith.fptosi %mul3A_257 : vector<16xf32> to vector<16xi32>
        %convert_element_type3A_265 = arith.fptosi %mul3A_260 : vector<16xf32> to vector<16xi32>
        %convert_element_type3A_266 = arith.fptosi %mul3A_263 : vector<16xf32> to vector<16xi32>
        %convert_element_type3A_267 = arith.sitofp %convert_element_type3A_264 : vector<16xi32> to vector<16xf32>
        %sub3A_268 = arith.subf %mul3A_257, %convert_element_type3A_267 : vector<16xf32>
        %swap3A_269 = arith.constant 0 : i32
        %swap3A_270 = arith.index_cast %swap3A_269 : i32 to index
        %swap3A_271 = arith.index_cast %mul3A_242 : i32 to index
        %swap3A_272 = tpu.vector_load %arg9[%swap3A_270, %swap3A_271] {strides = array<i32>} : memref<3x512xf32, #tpu.memory_space<vmem>>, vector<16xf32>,
        tpu.vector_store %arg9[%swap3A_270, %swap3A_271], %sub3A_268 {strides = array<i32>} : memref<3x512xf32, #tpu.memory_space<vmem>>, vector<16xf32>,
        %convert_element_type3A_273 = arith.sitofp %convert_element_type3A_265 : vector<16xi32> to vector<16xf32>
        %sub3A_274 = arith.subf %mul3A_260, %convert_element_type3A_273 : vector<16xf32>
        %swap3A_275 = arith.constant 1 : i32
        %swap3A_276 = arith.index_cast %swap3A_275 : i32 to index
        %swap3A_277 = arith.index_cast %mul3A_242 : i32 to index
        %swap3A_278 = tpu.vector_load %arg9[%swap3A_276, %swap3A_277] {strides = array<i32>} : memref<3x512xf32, #tpu.memory_space<vmem>>, vector<16xf32>,
        tpu.vector_store %arg9[%swap3A_276, %swap3A_277], %sub3A_274 {strides = array<i32>} : memref<3x512xf32, #tpu.memory_space<vmem>>, vector<16xf32>,
        %convert_element_type3A_279 = arith.sitofp %convert_element_type3A_266 : vector<16xi32> to vector<16xf32>
        %sub3A_280 = arith.subf %mul3A_263, %convert_element_type3A_279 : vector<16xf32>
        %swap3A_281 = arith.constant 2 : i32
        %swap3A_282 = arith.index_cast %swap3A_281 : i32 to index
        %swap3A_283 = arith.index_cast %mul3A_242 : i32 to index
        %swap3A_284 = tpu.vector_load %arg9[%swap3A_282, %swap3A_283] {strides = array<i32>} : memref<3x512xf32, #tpu.memory_space<vmem>>, vector<16xf32>,
        tpu.vector_store %arg9[%swap3A_282, %swap3A_283], %sub3A_280 {strides = array<i32>} : memref<3x512xf32, #tpu.memory_space<vmem>>, vector<16xf32>,
        %shift_right_arithmetic3A_285 = arith.constant 3 : i32
        %shift_right_arithmetic3A_286 = arith.shrsi %add3A_240, %shift_right_arithmetic3A_285 : i32
        %and3A_287 = arith.constant 7 : i32
        %and3A_288 = arith.andi %add3A_240, %and3A_287 : i32
        %mul3A_289 = arith.constant 16 : i32
        %mul3A_290 = arith.muli %and3A_288, %mul3A_289 : i32
        %mul3A_291 = arith.constant 289 : i32
        %mul3A_292 = vector.broadcast %mul3A_291 : i32 to vector<16xi32>
        %mul3A_293 = arith.muli %convert_element_type3A_264, %mul3A_292 : vector<16xi32>
        %add3A_294 = arith.constant 289 : i32
        %add3A_295 = vector.broadcast %add3A_294 : i32 to vector<16xi32>
        %add3A_296 = arith.addi %mul3A_293, %add3A_295 : vector<16xi32>
        %mul3A_297 = arith.constant 17 : i32
        %mul3A_298 = vector.broadcast %mul3A_297 : i32 to vector<16xi32>
        %mul3A_299 = arith.muli %convert_element_type3A_265, %mul3A_298 : vector<16xi32>
        %add3A_300 = arith.constant 17 : i32
        %add3A_301 = vector.broadcast %add3A_300 : i32 to vector<16xi32>
        %add3A_302 = arith.addi %mul3A_299, %add3A_301 : vector<16xi32>
        %add3A_303 = arith.constant 0 : i32
        %add3A_304 = vector.broadcast %add3A_303 : i32 to vector<16xi32>
        %add3A_305 = arith.addi %convert_element_type3A_266, %add3A_304 : vector<16xi32>
        %add3A_306 = arith.constant 1 : i32
        %add3A_307 = vector.broadcast %add3A_306 : i32 to vector<16xi32>
        %add3A_308 = arith.addi %add3A_305, %add3A_307 : vector<16xi32>
        %add3A_309 = arith.addi %mul3A_293, %mul3A_299 : vector<16xi32>
        %add3A_310 = arith.addi %add3A_309, %add3A_305 : vector<16xi32>
        %add3A_311 = arith.constant 0 : i32
        %add3A_312 = arith.addi %shift_right_arithmetic3A_286, %add3A_311 : i32
        %swap3A_313 = arith.index_cast %add3A_312 : i32 to index
        %swap3A_314 = arith.index_cast %mul3A_290 : i32 to index
        %swap3A_315 = tpu.vector_load %arg11[%swap3A_313, %swap3A_314] {strides = array<i32>} : memref<32x128xi32, #tpu.memory_space<vmem>>, vector<16xi32>,
        tpu.vector_store %arg11[%swap3A_313, %swap3A_314], %add3A_310 {strides = array<i32>} : memref<32x128xi32, #tpu.memory_space<vmem>>, vector<16xi32>,
        %add3A_316 = arith.addi %add3A_296, %mul3A_299 : vector<16xi32>
        %add3A_317 = arith.addi %add3A_316, %add3A_305 : vector<16xi32>
        %add3A_318 = arith.constant 4 : i32
        %add3A_319 = arith.addi %shift_right_arithmetic3A_286, %add3A_318 : i32
        %swap3A_320 = arith.index_cast %add3A_319 : i32 to index
        %swap3A_321 = arith.index_cast %mul3A_290 : i32 to index
        %swap3A_322 = tpu.vector_load %arg11[%swap3A_320, %swap3A_321] {strides = array<i32>} : memref<32x128xi32, #tpu.memory_space<vmem>>, vector<16xi32>,
        tpu.vector_store %arg11[%swap3A_320, %swap3A_321], %add3A_317 {strides = array<i32>} : memref<32x128xi32, #tpu.memory_space<vmem>>, vector<16xi32>,
        %add3A_323 = arith.addi %mul3A_293, %add3A_302 : vector<16xi32>
        %add3A_324 = arith.addi %add3A_323, %add3A_305 : vector<16xi32>
        %add3A_325 = arith.constant 8 : i32
        %add3A_326 = arith.addi %shift_right_arithmetic3A_286, %add3A_325 : i32
        %swap3A_327 = arith.index_cast %add3A_326 : i32 to index
        %swap3A_328 = arith.index_cast %mul3A_290 : i32 to index
        %swap3A_329 = tpu.vector_load %arg11[%swap3A_327, %swap3A_328] {strides = array<i32>} : memref<32x128xi32, #tpu.memory_space<vmem>>, vector<16xi32>,
        tpu.vector_store %arg11[%swap3A_327, %swap3A_328], %add3A_324 {strides = array<i32>} : memref<32x128xi32, #tpu.memory_space<vmem>>, vector<16xi32>,
        %add3A_330 = arith.addi %add3A_296, %add3A_302 : vector<16xi32>
        %add3A_331 = arith.addi %add3A_330, %add3A_305 : vector<16xi32>
        %add3A_332 = arith.constant 12 : i32
        %add3A_333 = arith.addi %shift_right_arithmetic3A_286, %add3A_332 : i32
        %swap3A_334 = arith.index_cast %add3A_333 : i32 to index
        %swap3A_335 = arith.index_cast %mul3A_290 : i32 to index
        %swap3A_336 = tpu.vector_load %arg11[%swap3A_334, %swap3A_335] {strides = array<i32>} : memref<32x128xi32, #tpu.memory_space<vmem>>, vector<16xi32>,
        tpu.vector_store %arg11[%swap3A_334, %swap3A_335], %add3A_331 {strides = array<i32>} : memref<32x128xi32, #tpu.memory_space<vmem>>, vector<16xi32>,
        %add3A_337 = arith.addi %mul3A_293, %mul3A_299 : vector<16xi32>
        %add3A_338 = arith.addi %add3A_337, %add3A_308 : vector<16xi32>
        %add3A_339 = arith.constant 16 : i32
        %add3A_340 = arith.addi %shift_right_arithmetic3A_286, %add3A_339 : i32
        %swap3A_341 = arith.index_cast %add3A_340 : i32 to index
        %swap3A_342 = arith.index_cast %mul3A_290 : i32 to index
        %swap3A_343 = tpu.vector_load %arg11[%swap3A_341, %swap3A_342] {strides = array<i32>} : memref<32x128xi32, #tpu.memory_space<vmem>>, vector<16xi32>,
        tpu.vector_store %arg11[%swap3A_341, %swap3A_342], %add3A_338 {strides = array<i32>} : memref<32x128xi32, #tpu.memory_space<vmem>>, vector<16xi32>,
        %add3A_344 = arith.addi %add3A_296, %mul3A_299 : vector<16xi32>
        %add3A_345 = arith.addi %add3A_344, %add3A_308 : vector<16xi32>
        %add3A_346 = arith.constant 20 : i32
        %add3A_347 = arith.addi %shift_right_arithmetic3A_286, %add3A_346 : i32
        %swap3A_348 = arith.index_cast %add3A_347 : i32 to index
        %swap3A_349 = arith.index_cast %mul3A_290 : i32 to index
        %swap3A_350 = tpu.vector_load %arg11[%swap3A_348, %swap3A_349] {strides = array<i32>} : memref<32x128xi32, #tpu.memory_space<vmem>>, vector<16xi32>,
        tpu.vector_store %arg11[%swap3A_348, %swap3A_349], %add3A_345 {strides = array<i32>} : memref<32x128xi32, #tpu.memory_space<vmem>>, vector<16xi32>,
        %add3A_351 = arith.addi %mul3A_293, %add3A_302 : vector<16xi32>
        %add3A_352 = arith.addi %add3A_351, %add3A_308 : vector<16xi32>
        %add3A_353 = arith.constant 24 : i32
        %add3A_354 = arith.addi %shift_right_arithmetic3A_286, %add3A_353 : i32
        %swap3A_355 = arith.index_cast %add3A_354 : i32 to index
        %swap3A_356 = arith.index_cast %mul3A_290 : i32 to index
        %swap3A_357 = tpu.vector_load %arg11[%swap3A_355, %swap3A_356] {strides = array<i32>} : memref<32x128xi32, #tpu.memory_space<vmem>>, vector<16xi32>,
        tpu.vector_store %arg11[%swap3A_355, %swap3A_356], %add3A_352 {strides = array<i32>} : memref<32x128xi32, #tpu.memory_space<vmem>>, vector<16xi32>,
        %add3A_358 = arith.addi %add3A_296, %add3A_302 : vector<16xi32>
        %add3A_359 = arith.addi %add3A_358, %add3A_308 : vector<16xi32>
        %add3A_360 = arith.constant 28 : i32
        %add3A_361 = arith.addi %shift_right_arithmetic3A_286, %add3A_360 : i32
        %swap3A_362 = arith.index_cast %add3A_361 : i32 to index
        %swap3A_363 = arith.index_cast %mul3A_290 : i32 to index
        %swap3A_364 = tpu.vector_load %arg11[%swap3A_362, %swap3A_363] {strides = array<i32>} : memref<32x128xi32, #tpu.memory_space<vmem>>, vector<16xi32>,
        tpu.vector_store %arg11[%swap3A_362, %swap3A_363], %add3A_359 {strides = array<i32>} : memref<32x128xi32, #tpu.memory_space<vmem>>, vector<16xi32>,
        %scan3A_365 = arith.constant 0 : i32
        scf.yield %scan3A_365 : i32
      }
      %scan3A_27 = arith.constant 16 : i32
      %scan3A_28 = arith.constant 0 : i32
      %scan3A_29 = arith.constant 0 : i32
      %scan3A_30 = arith.constant 32 : i32
      %scan3A_31 = arith.addi %scan3A_29, %scan3A_30 : i32
      %scan3A_32 = arith.constant 1 : i32
      %scan3A_33 = scf.for %scan3A_113 = %scan3A_29 to %scan3A_31 step %scan3A_32 iter_args(%scan3A_114 = %scan3A_28) -> (i32)  : i32 {
        %dma_start3A = arith.constant 0 : i32
        %dma_start3A_115 = tpu.memref_slice %arg13[%scan3A_113, %dma_start3A] : memref<32x128xf32, #tpu.memory_space<vmem>> -> memref<1x128xf32, #tpu.memory_space<vmem>>
        %dma_start3A_116 = tpu.memref_squeeze %dma_start3A_115 : memref<1x128xf32, #tpu.memory_space<vmem>> -> memref<128xf32, #tpu.memory_space<vmem>>
        %dma_start3A_117 = arith.constant 0 : i32
        %dma_start3A_118 = tpu.memref_slice %arg11[%scan3A_113, %dma_start3A_117] : memref<32x128xi32, #tpu.memory_space<vmem>> -> memref<1x128xi32, #tpu.memory_space<vmem>>
        %dma_start3A_119 = tpu.memref_squeeze %dma_start3A_118 : memref<1x128xi32, #tpu.memory_space<vmem>> -> memref<128xi32, #tpu.memory_space<vmem>>
        %dma_start3A_120 = arith.constant 0 : i32
        %dma_start3A_121 = tpu.memref_slice %arg4[%dma_start3A_120] : memref<8388608xf32, #tpu.memory_space<hbm>> -> memref<8388608xf32, #tpu.memory_space<hbm>>
        tpu.enqueue_indirect_dma source(%dma_start3A_121 : memref<8388608xf32, #tpu.memory_space<hbm>>) target(%dma_start3A_116 : memref<128xf32, #tpu.memory_space<vmem>>) offsets(%dma_start3A_119 : memref<128xi32, #tpu.memory_space<vmem>>) semaphore(%arg17 : memref<!tpu.dma_semaphore, #tpu.memory_space<semaphore_mem>>)
        %dma_start3A_122 = arith.constant 0 : i32
        %dma_start3A_123 = tpu.memref_slice %arg14[%scan3A_113, %dma_start3A_122] : memref<32x128xf32, #tpu.memory_space<vmem>> -> memref<1x128xf32, #tpu.memory_space<vmem>>
        %dma_start3A_124 = tpu.memref_squeeze %dma_start3A_123 : memref<1x128xf32, #tpu.memory_space<vmem>> -> memref<128xf32, #tpu.memory_space<vmem>>
        %dma_start3A_125 = arith.constant 0 : i32
        %dma_start3A_126 = tpu.memref_slice %arg11[%scan3A_113, %dma_start3A_125] : memref<32x128xi32, #tpu.memory_space<vmem>> -> memref<1x128xi32, #tpu.memory_space<vmem>>
        %dma_start3A_127 = tpu.memref_squeeze %dma_start3A_126 : memref<1x128xi32, #tpu.memory_space<vmem>> -> memref<128xi32, #tpu.memory_space<vmem>>
        %dma_start3A_128 = arith.constant 0 : i32
        %dma_start3A_129 = tpu.memref_slice %arg5[%dma_start3A_128] : memref<8388608xf32, #tpu.memory_space<hbm>> -> memref<8388608xf32, #tpu.memory_space<hbm>>
        tpu.enqueue_indirect_dma source(%dma_start3A_129 : memref<8388608xf32, #tpu.memory_space<hbm>>) target(%dma_start3A_124 : memref<128xf32, #tpu.memory_space<vmem>>) offsets(%dma_start3A_127 : memref<128xi32, #tpu.memory_space<vmem>>) semaphore(%arg17 : memref<!tpu.dma_semaphore, #tpu.memory_space<semaphore_mem>>)
        %scan3A_130 = arith.constant 0 : i32
        scf.yield %scan3A_130 : i32
      }
      %scan3A_34 = arith.constant 32 : i32
      %scan3A_35 = arith.constant 0 : i32
      %scan3A_36 = arith.constant 0 : i32
      %scan3A_37 = arith.constant 32 : i32
      %scan3A_38 = arith.addi %scan3A_36, %scan3A_37 : i32
      %scan3A_39 = arith.constant 1 : i32
      %scan3A_40 = scf.for %scan3A_113 = %scan3A_36 to %scan3A_38 step %scan3A_39 iter_args(%scan3A_114 = %scan3A_35) -> (i32)  : i32 {
        %dma_wait3A = arith.constant 0 : i32
        %dma_wait3A_115 = tpu.memref_slice %arg13[%scan3A_113, %dma_wait3A] : memref<32x128xf32, #tpu.memory_space<vmem>> -> memref<1x128xf32, #tpu.memory_space<vmem>>
        %dma_wait3A_116 = tpu.memref_squeeze %dma_wait3A_115 : memref<1x128xf32, #tpu.memory_space<vmem>> -> memref<128xf32, #tpu.memory_space<vmem>>
        %dma_wait3A_117 = arith.constant 0 : i32
        %dma_wait3A_118 = tpu.memref_slice %arg11[%scan3A_113, %dma_wait3A_117] : memref<32x128xi32, #tpu.memory_space<vmem>> -> memref<1x128xi32, #tpu.memory_space<vmem>>
        %dma_wait3A_119 = tpu.memref_squeeze %dma_wait3A_118 : memref<1x128xi32, #tpu.memory_space<vmem>> -> memref<128xi32, #tpu.memory_space<vmem>>
        %dma_wait3A_120 = arith.constant 0 : i32
        %dma_wait3A_121 = tpu.memref_slice %arg4[%dma_wait3A_120] : memref<8388608xf32, #tpu.memory_space<hbm>> -> memref<8388608xf32, #tpu.memory_space<hbm>>
        tpu.wait_indirect_dma semaphore(%arg17 : memref<!tpu.dma_semaphore, #tpu.memory_space<semaphore_mem>>) src(%dma_wait3A_121 : memref<8388608xf32, #tpu.memory_space<hbm>>) dst(%dma_wait3A_116 : memref<128xf32, #tpu.memory_space<vmem>>)
        %dma_wait3A_122 = arith.constant 0 : i32
        %dma_wait3A_123 = tpu.memref_slice %arg14[%scan3A_113, %dma_wait3A_122] : memref<32x128xf32, #tpu.memory_space<vmem>> -> memref<1x128xf32, #tpu.memory_space<vmem>>
        %dma_wait3A_124 = tpu.memref_squeeze %dma_wait3A_123 : memref<1x128xf32, #tpu.memory_space<vmem>> -> memref<128xf32, #tpu.memory_space<vmem>>
        %dma_wait3A_125 = arith.constant 0 : i32
        %dma_wait3A_126 = tpu.memref_slice %arg11[%scan3A_113, %dma_wait3A_125] : memref<32x128xi32, #tpu.memory_space<vmem>> -> memref<1x128xi32, #tpu.memory_space<vmem>>
        %dma_wait3A_127 = tpu.memref_squeeze %dma_wait3A_126 : memref<1x128xi32, #tpu.memory_space<vmem>> -> memref<128xi32, #tpu.memory_space<vmem>>
        %dma_wait3A_128 = arith.constant 0 : i32
        %dma_wait3A_129 = tpu.memref_slice %arg5[%dma_wait3A_128] : memref<8388608xf32, #tpu.memory_space<hbm>> -> memref<8388608xf32, #tpu.memory_space<hbm>>
        tpu.wait_indirect_dma semaphore(%arg17 : memref<!tpu.dma_semaphore, #tpu.memory_space<semaphore_mem>>) src(%dma_wait3A_129 : memref<8388608xf32, #tpu.memory_space<hbm>>) dst(%dma_wait3A_124 : memref<128xf32, #tpu.memory_space<vmem>>)
        %scan3A_130 = arith.constant 0 : i32
        scf.yield %scan3A_130 : i32
      }
      %scan3A_41 = arith.constant 32 : i32
      %scan3A_42 = arith.constant 0 : i32
      %scan3A_43 = arith.constant 0 : i32
      %scan3A_44 = arith.constant 16 : i32
      %scan3A_45 = arith.addi %scan3A_43, %scan3A_44 : i32
      %scan3A_46 = arith.constant 1 : i32
      %scan3A_47 = scf.for %scan3A_113 = %scan3A_43 to %scan3A_45 step %scan3A_46 iter_args(%scan3A_114 = %scan3A_42) -> (i32)  : i32 {
        %mul3A_115 = arith.constant 2 : i32
        %mul3A_116 = arith.muli %scan3A_113, %mul3A_115 : i32
        %add3A_117 = arith.constant 0 : i32
        %add3A_118 = arith.addi %mul3A_116, %add3A_117 : i32
        %mul3A_119 = arith.constant 16 : i32
        %mul3A_120 = arith.muli %add3A_118, %mul3A_119 : i32
        %add3A_121 = vector.broadcast %mul3A_120 : i32 to vector<16xi32>
        %add3A_122 = arith.addi %add3A_121, %iota3A : vector<16xi32>
        %shift_right_arithmetic3A = arith.constant 3 : i32
        %shift_right_arithmetic3A_123 = arith.shrsi %add3A_118, %shift_right_arithmetic3A : i32
        %and3A = arith.constant 7 : i32
        %and3A_124 = arith.andi %add3A_118, %and3A : i32
        %mul3A_125 = arith.constant 16 : i32
        %mul3A_126 = arith.muli %and3A_124, %mul3A_125 : i32
        %get3A = arith.constant 0 : i32
        %get3A_127 = arith.index_cast %get3A : i32 to index
        %get3A_128 = arith.index_cast %mul3A_120 : i32 to index
        %get3A_129 = tpu.vector_load %arg9[%get3A_127, %get3A_128] {strides = array<i32>} : memref<3x512xf32, #tpu.memory_space<vmem>>, vector<16xf32>,
        %get3A_130 = arith.constant 1 : i32
        %get3A_131 = arith.index_cast %get3A_130 : i32 to index
        %get3A_132 = arith.index_cast %mul3A_120 : i32 to index
        %get3A_133 = tpu.vector_load %arg9[%get3A_131, %get3A_132] {strides = array<i32>} : memref<3x512xf32, #tpu.memory_space<vmem>>, vector<16xf32>,
        %get3A_134 = arith.constant 2 : i32
        %get3A_135 = arith.index_cast %get3A_134 : i32 to index
        %get3A_136 = arith.index_cast %mul3A_120 : i32 to index
        %get3A_137 = tpu.vector_load %arg9[%get3A_135, %get3A_136] {strides = array<i32>} : memref<3x512xf32, #tpu.memory_space<vmem>>, vector<16xf32>,
        %sub3A = arith.constant 1.000000e+00 : f32
        %sub3A_138 = vector.broadcast %sub3A : f32 to vector<16xf32>
        %sub3A_139 = arith.subf %sub3A_138, %get3A_129 : vector<16xf32>
        %sub3A_140 = arith.constant 1.000000e+00 : f32
        %sub3A_141 = vector.broadcast %sub3A_140 : f32 to vector<16xf32>
        %sub3A_142 = arith.subf %sub3A_141, %get3A_133 : vector<16xf32>
        %sub3A_143 = arith.constant 1.000000e+00 : f32
        %sub3A_144 = vector.broadcast %sub3A_143 : f32 to vector<16xf32>
        %sub3A_145 = arith.subf %sub3A_144, %get3A_137 : vector<16xf32>
        %mul3A_146 = arith.mulf %sub3A_139, %sub3A_142 : vector<16xf32>
        %mul3A_147 = arith.mulf %get3A_129, %sub3A_142 : vector<16xf32>
        %mul3A_148 = arith.mulf %sub3A_139, %get3A_133 : vector<16xf32>
        %mul3A_149 = arith.mulf %get3A_129, %get3A_133 : vector<16xf32>
        %mul3A_150 = arith.mulf %mul3A_146, %sub3A_145 : vector<16xf32>
        %add3A_151 = arith.constant 0 : i32
        %add3A_152 = arith.addi %shift_right_arithmetic3A_123, %add3A_151 : i32
        %get3A_153 = arith.index_cast %add3A_152 : i32 to index
        %get3A_154 = arith.index_cast %mul3A_126 : i32 to index
        %get3A_155 = tpu.vector_load %arg13[%get3A_153, %get3A_154] {strides = array<i32>} : memref<32x128xf32, #tpu.memory_space<vmem>>, vector<16xf32>,
        %get3A_156 = arith.index_cast %add3A_152 : i32 to index
        %get3A_157 = arith.index_cast %mul3A_126 : i32 to index
        %get3A_158 = tpu.vector_load %arg14[%get3A_156, %get3A_157] {strides = array<i32>} : memref<32x128xf32, #tpu.memory_space<vmem>>, vector<16xf32>,
        %mul3A_159 = arith.mulf %mul3A_150, %get3A_155 : vector<16xf32>
        %mul3A_160 = arith.mulf %mul3A_150, %get3A_158 : vector<16xf32>
        %mul3A_161 = arith.mulf %mul3A_147, %sub3A_145 : vector<16xf32>
        %add3A_162 = arith.constant 4 : i32
        %add3A_163 = arith.addi %shift_right_arithmetic3A_123, %add3A_162 : i32
        %get3A_164 = arith.index_cast %add3A_163 : i32 to index
        %get3A_165 = arith.index_cast %mul3A_126 : i32 to index
        %get3A_166 = tpu.vector_load %arg13[%get3A_164, %get3A_165] {strides = array<i32>} : memref<32x128xf32, #tpu.memory_space<vmem>>, vector<16xf32>,
        %get3A_167 = arith.index_cast %add3A_163 : i32 to index
        %get3A_168 = arith.index_cast %mul3A_126 : i32 to index
        %get3A_169 = tpu.vector_load %arg14[%get3A_167, %get3A_168] {strides = array<i32>} : memref<32x128xf32, #tpu.memory_space<vmem>>, vector<16xf32>,
        %mul3A_170 = arith.mulf %mul3A_161, %get3A_166 : vector<16xf32>
        %add3A_171 = arith.addf %mul3A_159, %mul3A_170 : vector<16xf32>
        %mul3A_172 = arith.mulf %mul3A_161, %get3A_169 : vector<16xf32>
        %add3A_173 = arith.addf %mul3A_160, %mul3A_172 : vector<16xf32>
        %mul3A_174 = arith.mulf %mul3A_148, %sub3A_145 : vector<16xf32>
        %add3A_175 = arith.constant 8 : i32
        %add3A_176 = arith.addi %shift_right_arithmetic3A_123, %add3A_175 : i32
        %get3A_177 = arith.index_cast %add3A_176 : i32 to index
        %get3A_178 = arith.index_cast %mul3A_126 : i32 to index
        %get3A_179 = tpu.vector_load %arg13[%get3A_177, %get3A_178] {strides = array<i32>} : memref<32x128xf32, #tpu.memory_space<vmem>>, vector<16xf32>,
        %get3A_180 = arith.index_cast %add3A_176 : i32 to index
        %get3A_181 = arith.index_cast %mul3A_126 : i32 to index
        %get3A_182 = tpu.vector_load %arg14[%get3A_180, %get3A_181] {strides = array<i32>} : memref<32x128xf32, #tpu.memory_space<vmem>>, vector<16xf32>,
        %mul3A_183 = arith.mulf %mul3A_174, %get3A_179 : vector<16xf32>
        %add3A_184 = arith.addf %add3A_171, %mul3A_183 : vector<16xf32>
        %mul3A_185 = arith.mulf %mul3A_174, %get3A_182 : vector<16xf32>
        %add3A_186 = arith.addf %add3A_173, %mul3A_185 : vector<16xf32>
        %mul3A_187 = arith.mulf %mul3A_149, %sub3A_145 : vector<16xf32>
        %add3A_188 = arith.constant 12 : i32
        %add3A_189 = arith.addi %shift_right_arithmetic3A_123, %add3A_188 : i32
        %get3A_190 = arith.index_cast %add3A_189 : i32 to index
        %get3A_191 = arith.index_cast %mul3A_126 : i32 to index
        %get3A_192 = tpu.vector_load %arg13[%get3A_190, %get3A_191] {strides = array<i32>} : memref<32x128xf32, #tpu.memory_space<vmem>>, vector<16xf32>,
        %get3A_193 = arith.index_cast %add3A_189 : i32 to index
        %get3A_194 = arith.index_cast %mul3A_126 : i32 to index
        %get3A_195 = tpu.vector_load %arg14[%get3A_193, %get3A_194] {strides = array<i32>} : memref<32x128xf32, #tpu.memory_space<vmem>>, vector<16xf32>,
        %mul3A_196 = arith.mulf %mul3A_187, %get3A_192 : vector<16xf32>
        %add3A_197 = arith.addf %add3A_184, %mul3A_196 : vector<16xf32>
        %mul3A_198 = arith.mulf %mul3A_187, %get3A_195 : vector<16xf32>
        %add3A_199 = arith.addf %add3A_186, %mul3A_198 : vector<16xf32>
        %mul3A_200 = arith.mulf %mul3A_146, %get3A_137 : vector<16xf32>
        %add3A_201 = arith.constant 16 : i32
        %add3A_202 = arith.addi %shift_right_arithmetic3A_123, %add3A_201 : i32
        %get3A_203 = arith.index_cast %add3A_202 : i32 to index
        %get3A_204 = arith.index_cast %mul3A_126 : i32 to index
        %get3A_205 = tpu.vector_load %arg13[%get3A_203, %get3A_204] {strides = array<i32>} : memref<32x128xf32, #tpu.memory_space<vmem>>, vector<16xf32>,
        %get3A_206 = arith.index_cast %add3A_202 : i32 to index
        %get3A_207 = arith.index_cast %mul3A_126 : i32 to index
        %get3A_208 = tpu.vector_load %arg14[%get3A_206, %get3A_207] {strides = array<i32>} : memref<32x128xf32, #tpu.memory_space<vmem>>, vector<16xf32>,
        %mul3A_209 = arith.mulf %mul3A_200, %get3A_205 : vector<16xf32>
        %add3A_210 = arith.addf %add3A_197, %mul3A_209 : vector<16xf32>
        %mul3A_211 = arith.mulf %mul3A_200, %get3A_208 : vector<16xf32>
        %add3A_212 = arith.addf %add3A_199, %mul3A_211 : vector<16xf32>
        %mul3A_213 = arith.mulf %mul3A_147, %get3A_137 : vector<16xf32>
        %add3A_214 = arith.constant 20 : i32
        %add3A_215 = arith.addi %shift_right_arithmetic3A_123, %add3A_214 : i32
        %get3A_216 = arith.index_cast %add3A_215 : i32 to index
        %get3A_217 = arith.index_cast %mul3A_126 : i32 to index
        %get3A_218 = tpu.vector_load %arg13[%get3A_216, %get3A_217] {strides = array<i32>} : memref<32x128xf32, #tpu.memory_space<vmem>>, vector<16xf32>,
        %get3A_219 = arith.index_cast %add3A_215 : i32 to index
        %get3A_220 = arith.index_cast %mul3A_126 : i32 to index
        %get3A_221 = tpu.vector_load %arg14[%get3A_219, %get3A_220] {strides = array<i32>} : memref<32x128xf32, #tpu.memory_space<vmem>>, vector<16xf32>,
        %mul3A_222 = arith.mulf %mul3A_213, %get3A_218 : vector<16xf32>
        %add3A_223 = arith.addf %add3A_210, %mul3A_222 : vector<16xf32>
        %mul3A_224 = arith.mulf %mul3A_213, %get3A_221 : vector<16xf32>
        %add3A_225 = arith.addf %add3A_212, %mul3A_224 : vector<16xf32>
        %mul3A_226 = arith.mulf %mul3A_148, %get3A_137 : vector<16xf32>
        %add3A_227 = arith.constant 24 : i32
        %add3A_228 = arith.addi %shift_right_arithmetic3A_123, %add3A_227 : i32
        %get3A_229 = arith.index_cast %add3A_228 : i32 to index
        %get3A_230 = arith.index_cast %mul3A_126 : i32 to index
        %get3A_231 = tpu.vector_load %arg13[%get3A_229, %get3A_230] {strides = array<i32>} : memref<32x128xf32, #tpu.memory_space<vmem>>, vector<16xf32>,
        %get3A_232 = arith.index_cast %add3A_228 : i32 to index
        %get3A_233 = arith.index_cast %mul3A_126 : i32 to index
        %get3A_234 = tpu.vector_load %arg14[%get3A_232, %get3A_233] {strides = array<i32>} : memref<32x128xf32, #tpu.memory_space<vmem>>, vector<16xf32>,
        %mul3A_235 = arith.mulf %mul3A_226, %get3A_231 : vector<16xf32>
        %add3A_236 = arith.addf %add3A_223, %mul3A_235 : vector<16xf32>
        %mul3A_237 = arith.mulf %mul3A_226, %get3A_234 : vector<16xf32>
        %add3A_238 = arith.addf %add3A_225, %mul3A_237 : vector<16xf32>
        %mul3A_239 = arith.mulf %mul3A_149, %get3A_137 : vector<16xf32>
        %add3A_240 = arith.constant 28 : i32
        %add3A_241 = arith.addi %shift_right_arithmetic3A_123, %add3A_240 : i32
        %get3A_242 = arith.index_cast %add3A_241 : i32 to index
        %get3A_243 = arith.index_cast %mul3A_126 : i32 to index
        %get3A_244 = tpu.vector_load %arg13[%get3A_242, %get3A_243] {strides = array<i32>} : memref<32x128xf32, #tpu.memory_space<vmem>>, vector<16xf32>,
        %get3A_245 = arith.index_cast %add3A_241 : i32 to index
        %get3A_246 = arith.index_cast %mul3A_126 : i32 to index
        %get3A_247 = tpu.vector_load %arg14[%get3A_245, %get3A_246] {strides = array<i32>} : memref<32x128xf32, #tpu.memory_space<vmem>>, vector<16xf32>,
        %mul3A_248 = arith.mulf %mul3A_239, %get3A_244 : vector<16xf32>
        %add3A_249 = arith.addf %add3A_236, %mul3A_248 : vector<16xf32>
        %mul3A_250 = arith.mulf %mul3A_239, %get3A_247 : vector<16xf32>
        %add3A_251 = arith.addf %add3A_238, %mul3A_250 : vector<16xf32>
        %broadcast_in_dim3A = arith.constant 12 : i32
        %broadcast_in_dim3A_252 = vector.broadcast %broadcast_in_dim3A : i32 to vector<16xi32>
        tpu.vector_store_idx %arg16[%add3A_122, %broadcast_in_dim3A_252], %add3A_249 : memref<512x44xf32, #tpu.memory_space<vmem>>[vector<16xi32>, vector<16xi32>], vector<16xf32>,
        %broadcast_in_dim3A_253 = arith.constant 13 : i32
        %broadcast_in_dim3A_254 = vector.broadcast %broadcast_in_dim3A_253 : i32 to vector<16xi32>
        tpu.vector_store_idx %arg16[%add3A_122, %broadcast_in_dim3A_254], %add3A_251 : memref<512x44xf32, #tpu.memory_space<vmem>>[vector<16xi32>, vector<16xi32>], vector<16xf32>,
        %mul3A_255 = arith.constant 2 : i32
        %mul3A_256 = arith.muli %scan3A_113, %mul3A_255 : i32
        %add3A_257 = arith.constant 1 : i32
        %add3A_258 = arith.addi %mul3A_256, %add3A_257 : i32
        %mul3A_259 = arith.constant 16 : i32
        %mul3A_260 = arith.muli %add3A_258, %mul3A_259 : i32
        %add3A_261 = vector.broadcast %mul3A_260 : i32 to vector<16xi32>
        %add3A_262 = arith.addi %add3A_261, %iota3A : vector<16xi32>
        %shift_right_arithmetic3A_263 = arith.constant 3 : i32
        %shift_right_arithmetic3A_264 = arith.shrsi %add3A_258, %shift_right_arithmetic3A_263 : i32
        %and3A_265 = arith.constant 7 : i32
        %and3A_266 = arith.andi %add3A_258, %and3A_265 : i32
        %mul3A_267 = arith.constant 16 : i32
        %mul3A_268 = arith.muli %and3A_266, %mul3A_267 : i32
        %get3A_269 = arith.constant 0 : i32
        %get3A_270 = arith.index_cast %get3A_269 : i32 to index
        %get3A_271 = arith.index_cast %mul3A_260 : i32 to index
        %get3A_272 = tpu.vector_load %arg9[%get3A_270, %get3A_271] {strides = array<i32>} : memref<3x512xf32, #tpu.memory_space<vmem>>, vector<16xf32>,
        %get3A_273 = arith.constant 1 : i32
        %get3A_274 = arith.index_cast %get3A_273 : i32 to index
        %get3A_275 = arith.index_cast %mul3A_260 : i32 to index
        %get3A_276 = tpu.vector_load %arg9[%get3A_274, %get3A_275] {strides = array<i32>} : memref<3x512xf32, #tpu.memory_space<vmem>>, vector<16xf32>,
        %get3A_277 = arith.constant 2 : i32
        %get3A_278 = arith.index_cast %get3A_277 : i32 to index
        %get3A_279 = arith.index_cast %mul3A_260 : i32 to index
        %get3A_280 = tpu.vector_load %arg9[%get3A_278, %get3A_279] {strides = array<i32>} : memref<3x512xf32, #tpu.memory_space<vmem>>, vector<16xf32>,
        %sub3A_281 = arith.constant 1.000000e+00 : f32
        %sub3A_282 = vector.broadcast %sub3A_281 : f32 to vector<16xf32>
        %sub3A_283 = arith.subf %sub3A_282, %get3A_272 : vector<16xf32>
        %sub3A_284 = arith.constant 1.000000e+00 : f32
        %sub3A_285 = vector.broadcast %sub3A_284 : f32 to vector<16xf32>
        %sub3A_286 = arith.subf %sub3A_285, %get3A_276 : vector<16xf32>
        %sub3A_287 = arith.constant 1.000000e+00 : f32
        %sub3A_288 = vector.broadcast %sub3A_287 : f32 to vector<16xf32>
        %sub3A_289 = arith.subf %sub3A_288, %get3A_280 : vector<16xf32>
        %mul3A_290 = arith.mulf %sub3A_283, %sub3A_286 : vector<16xf32>
        %mul3A_291 = arith.mulf %get3A_272, %sub3A_286 : vector<16xf32>
        %mul3A_292 = arith.mulf %sub3A_283, %get3A_276 : vector<16xf32>
        %mul3A_293 = arith.mulf %get3A_272, %get3A_276 : vector<16xf32>
        %mul3A_294 = arith.mulf %mul3A_290, %sub3A_289 : vector<16xf32>
        %add3A_295 = arith.constant 0 : i32
        %add3A_296 = arith.addi %shift_right_arithmetic3A_264, %add3A_295 : i32
        %get3A_297 = arith.index_cast %add3A_296 : i32 to index
        %get3A_298 = arith.index_cast %mul3A_268 : i32 to index
        %get3A_299 = tpu.vector_load %arg13[%get3A_297, %get3A_298] {strides = array<i32>} : memref<32x128xf32, #tpu.memory_space<vmem>>, vector<16xf32>,
        %get3A_300 = arith.index_cast %add3A_296 : i32 to index
        %get3A_301 = arith.index_cast %mul3A_268 : i32 to index
        %get3A_302 = tpu.vector_load %arg14[%get3A_300, %get3A_301] {strides = array<i32>} : memref<32x128xf32, #tpu.memory_space<vmem>>, vector<16xf32>,
        %mul3A_303 = arith.mulf %mul3A_294, %get3A_299 : vector<16xf32>
        %mul3A_304 = arith.mulf %mul3A_294, %get3A_302 : vector<16xf32>
        %mul3A_305 = arith.mulf %mul3A_291, %sub3A_289 : vector<16xf32>
        %add3A_306 = arith.constant 4 : i32
        %add3A_307 = arith.addi %shift_right_arithmetic3A_264, %add3A_306 : i32
        %get3A_308 = arith.index_cast %add3A_307 : i32 to index
        %get3A_309 = arith.index_cast %mul3A_268 : i32 to index
        %get3A_310 = tpu.vector_load %arg13[%get3A_308, %get3A_309] {strides = array<i32>} : memref<32x128xf32, #tpu.memory_space<vmem>>, vector<16xf32>,
        %get3A_311 = arith.index_cast %add3A_307 : i32 to index
        %get3A_312 = arith.index_cast %mul3A_268 : i32 to index
        %get3A_313 = tpu.vector_load %arg14[%get3A_311, %get3A_312] {strides = array<i32>} : memref<32x128xf32, #tpu.memory_space<vmem>>, vector<16xf32>,
        %mul3A_314 = arith.mulf %mul3A_305, %get3A_310 : vector<16xf32>
        %add3A_315 = arith.addf %mul3A_303, %mul3A_314 : vector<16xf32>
        %mul3A_316 = arith.mulf %mul3A_305, %get3A_313 : vector<16xf32>
        %add3A_317 = arith.addf %mul3A_304, %mul3A_316 : vector<16xf32>
        %mul3A_318 = arith.mulf %mul3A_292, %sub3A_289 : vector<16xf32>
        %add3A_319 = arith.constant 8 : i32
        %add3A_320 = arith.addi %shift_right_arithmetic3A_264, %add3A_319 : i32
        %get3A_321 = arith.index_cast %add3A_320 : i32 to index
        %get3A_322 = arith.index_cast %mul3A_268 : i32 to index
        %get3A_323 = tpu.vector_load %arg13[%get3A_321, %get3A_322] {strides = array<i32>} : memref<32x128xf32, #tpu.memory_space<vmem>>, vector<16xf32>,
        %get3A_324 = arith.index_cast %add3A_320 : i32 to index
        %get3A_325 = arith.index_cast %mul3A_268 : i32 to index
        %get3A_326 = tpu.vector_load %arg14[%get3A_324, %get3A_325] {strides = array<i32>} : memref<32x128xf32, #tpu.memory_space<vmem>>, vector<16xf32>,
        %mul3A_327 = arith.mulf %mul3A_318, %get3A_323 : vector<16xf32>
        %add3A_328 = arith.addf %add3A_315, %mul3A_327 : vector<16xf32>
        %mul3A_329 = arith.mulf %mul3A_318, %get3A_326 : vector<16xf32>
        %add3A_330 = arith.addf %add3A_317, %mul3A_329 : vector<16xf32>
        %mul3A_331 = arith.mulf %mul3A_293, %sub3A_289 : vector<16xf32>
        %add3A_332 = arith.constant 12 : i32
        %add3A_333 = arith.addi %shift_right_arithmetic3A_264, %add3A_332 : i32
        %get3A_334 = arith.index_cast %add3A_333 : i32 to index
        %get3A_335 = arith.index_cast %mul3A_268 : i32 to index
        %get3A_336 = tpu.vector_load %arg13[%get3A_334, %get3A_335] {strides = array<i32>} : memref<32x128xf32, #tpu.memory_space<vmem>>, vector<16xf32>,
        %get3A_337 = arith.index_cast %add3A_333 : i32 to index
        %get3A_338 = arith.index_cast %mul3A_268 : i32 to index
        %get3A_339 = tpu.vector_load %arg14[%get3A_337, %get3A_338] {strides = array<i32>} : memref<32x128xf32, #tpu.memory_space<vmem>>, vector<16xf32>,
        %mul3A_340 = arith.mulf %mul3A_331, %get3A_336 : vector<16xf32>
        %add3A_341 = arith.addf %add3A_328, %mul3A_340 : vector<16xf32>
        %mul3A_342 = arith.mulf %mul3A_331, %get3A_339 : vector<16xf32>
        %add3A_343 = arith.addf %add3A_330, %mul3A_342 : vector<16xf32>
        %mul3A_344 = arith.mulf %mul3A_290, %get3A_280 : vector<16xf32>
        %add3A_345 = arith.constant 16 : i32
        %add3A_346 = arith.addi %shift_right_arithmetic3A_264, %add3A_345 : i32
        %get3A_347 = arith.index_cast %add3A_346 : i32 to index
        %get3A_348 = arith.index_cast %mul3A_268 : i32 to index
        %get3A_349 = tpu.vector_load %arg13[%get3A_347, %get3A_348] {strides = array<i32>} : memref<32x128xf32, #tpu.memory_space<vmem>>, vector<16xf32>,
        %get3A_350 = arith.index_cast %add3A_346 : i32 to index
        %get3A_351 = arith.index_cast %mul3A_268 : i32 to index
        %get3A_352 = tpu.vector_load %arg14[%get3A_350, %get3A_351] {strides = array<i32>} : memref<32x128xf32, #tpu.memory_space<vmem>>, vector<16xf32>,
        %mul3A_353 = arith.mulf %mul3A_344, %get3A_349 : vector<16xf32>
        %add3A_354 = arith.addf %add3A_341, %mul3A_353 : vector<16xf32>
        %mul3A_355 = arith.mulf %mul3A_344, %get3A_352 : vector<16xf32>
        %add3A_356 = arith.addf %add3A_343, %mul3A_355 : vector<16xf32>
        %mul3A_357 = arith.mulf %mul3A_291, %get3A_280 : vector<16xf32>
        %add3A_358 = arith.constant 20 : i32
        %add3A_359 = arith.addi %shift_right_arithmetic3A_264, %add3A_358 : i32
        %get3A_360 = arith.index_cast %add3A_359 : i32 to index
        %get3A_361 = arith.index_cast %mul3A_268 : i32 to index
        %get3A_362 = tpu.vector_load %arg13[%get3A_360, %get3A_361] {strides = array<i32>} : memref<32x128xf32, #tpu.memory_space<vmem>>, vector<16xf32>,
        %get3A_363 = arith.index_cast %add3A_359 : i32 to index
        %get3A_364 = arith.index_cast %mul3A_268 : i32 to index
        %get3A_365 = tpu.vector_load %arg14[%get3A_363, %get3A_364] {strides = array<i32>} : memref<32x128xf32, #tpu.memory_space<vmem>>, vector<16xf32>,
        %mul3A_366 = arith.mulf %mul3A_357, %get3A_362 : vector<16xf32>
        %add3A_367 = arith.addf %add3A_354, %mul3A_366 : vector<16xf32>
        %mul3A_368 = arith.mulf %mul3A_357, %get3A_365 : vector<16xf32>
        %add3A_369 = arith.addf %add3A_356, %mul3A_368 : vector<16xf32>
        %mul3A_370 = arith.mulf %mul3A_292, %get3A_280 : vector<16xf32>
        %add3A_371 = arith.constant 24 : i32
        %add3A_372 = arith.addi %shift_right_arithmetic3A_264, %add3A_371 : i32
        %get3A_373 = arith.index_cast %add3A_372 : i32 to index
        %get3A_374 = arith.index_cast %mul3A_268 : i32 to index
        %get3A_375 = tpu.vector_load %arg13[%get3A_373, %get3A_374] {strides = array<i32>} : memref<32x128xf32, #tpu.memory_space<vmem>>, vector<16xf32>,
        %get3A_376 = arith.index_cast %add3A_372 : i32 to index
        %get3A_377 = arith.index_cast %mul3A_268 : i32 to index
        %get3A_378 = tpu.vector_load %arg14[%get3A_376, %get3A_377] {strides = array<i32>} : memref<32x128xf32, #tpu.memory_space<vmem>>, vector<16xf32>,
        %mul3A_379 = arith.mulf %mul3A_370, %get3A_375 : vector<16xf32>
        %add3A_380 = arith.addf %add3A_367, %mul3A_379 : vector<16xf32>
        %mul3A_381 = arith.mulf %mul3A_370, %get3A_378 : vector<16xf32>
        %add3A_382 = arith.addf %add3A_369, %mul3A_381 : vector<16xf32>
        %mul3A_383 = arith.mulf %mul3A_293, %get3A_280 : vector<16xf32>
        %add3A_384 = arith.constant 28 : i32
        %add3A_385 = arith.addi %shift_right_arithmetic3A_264, %add3A_384 : i32
        %get3A_386 = arith.index_cast %add3A_385 : i32 to index
        %get3A_387 = arith.index_cast %mul3A_268 : i32 to index
        %get3A_388 = tpu.vector_load %arg13[%get3A_386, %get3A_387] {strides = array<i32>} : memref<32x128xf32, #tpu.memory_space<vmem>>, vector<16xf32>,
        %get3A_389 = arith.index_cast %add3A_385 : i32 to index
        %get3A_390 = arith.index_cast %mul3A_268 : i32 to index
        %get3A_391 = tpu.vector_load %arg14[%get3A_389, %get3A_390] {strides = array<i32>} : memref<32x128xf32, #tpu.memory_space<vmem>>, vector<16xf32>,
        %mul3A_392 = arith.mulf %mul3A_383, %get3A_388 : vector<16xf32>
        %add3A_393 = arith.addf %add3A_380, %mul3A_392 : vector<16xf32>
        %mul3A_394 = arith.mulf %mul3A_383, %get3A_391 : vector<16xf32>
        %add3A_395 = arith.addf %add3A_382, %mul3A_394 : vector<16xf32>
        %broadcast_in_dim3A_396 = arith.constant 12 : i32
        %broadcast_in_dim3A_397 = vector.broadcast %broadcast_in_dim3A_396 : i32 to vector<16xi32>
        tpu.vector_store_idx %arg16[%add3A_262, %broadcast_in_dim3A_397], %add3A_393 : memref<512x44xf32, #tpu.memory_space<vmem>>[vector<16xi32>, vector<16xi32>], vector<16xf32>,
        %broadcast_in_dim3A_398 = arith.constant 13 : i32
        %broadcast_in_dim3A_399 = vector.broadcast %broadcast_in_dim3A_398 : i32 to vector<16xi32>
        tpu.vector_store_idx %arg16[%add3A_262, %broadcast_in_dim3A_399], %add3A_395 : memref<512x44xf32, #tpu.memory_space<vmem>>[vector<16xi32>, vector<16xi32>], vector<16xf32>,
        %scan3A_400 = arith.constant 0 : i32
        scf.yield %scan3A_400 : i32
      }
      %scan3A_48 = arith.constant 16 : i32
      %scan3A_49 = arith.constant 0 : i32
      %scan3A_50 = arith.constant 0 : i32
      %scan3A_51 = arith.constant 16 : i32
      %scan3A_52 = arith.addi %scan3A_50, %scan3A_51 : i32
      %scan3A_53 = arith.constant 1 : i32
      %scan3A_54 = scf.for %scan3A_113 = %scan3A_50 to %scan3A_52 step %scan3A_53 iter_args(%scan3A_114 = %scan3A_49) -> (i32)  : i32 {
        %mul3A_115 = arith.constant 2 : i32
        %mul3A_116 = arith.muli %scan3A_113, %mul3A_115 : i32
        %add3A_117 = arith.constant 0 : i32
        %add3A_118 = arith.addi %mul3A_116, %add3A_117 : i32
        %mul3A_119 = arith.constant 16 : i32
        %mul3A_120 = arith.muli %add3A_118, %mul3A_119 : i32
        %get3A = arith.constant 0 : i32
        %get3A_121 = arith.index_cast %get3A : i32 to index
        %get3A_122 = arith.index_cast %mul3A_120 : i32 to index
        %get3A_123 = tpu.vector_load %arg8[%get3A_121, %get3A_122] {strides = array<i32>} : memref<3x512xf32, #tpu.memory_space<vmem>>, vector<16xf32>,
        %get3A_124 = arith.constant 1 : i32
        %get3A_125 = arith.index_cast %get3A_124 : i32 to index
        %get3A_126 = arith.index_cast %mul3A_120 : i32 to index
        %get3A_127 = tpu.vector_load %arg8[%get3A_125, %get3A_126] {strides = array<i32>} : memref<3x512xf32, #tpu.memory_space<vmem>>, vector<16xf32>,
        %get3A_128 = arith.constant 2 : i32
        %get3A_129 = arith.index_cast %get3A_128 : i32 to index
        %get3A_130 = arith.index_cast %mul3A_120 : i32 to index
        %get3A_131 = tpu.vector_load %arg8[%get3A_129, %get3A_130] {strides = array<i32>} : memref<3x512xf32, #tpu.memory_space<vmem>>, vector<16xf32>,
        %mul3A_132 = arith.constant 3.200000e+01 : f32
        %mul3A_133 = vector.broadcast %mul3A_132 : f32 to vector<16xf32>
        %mul3A_134 = arith.mulf %get3A_123, %mul3A_133 : vector<16xf32>
        %mul3A_135 = arith.constant 3.200000e+01 : f32
        %mul3A_136 = vector.broadcast %mul3A_135 : f32 to vector<16xf32>
        %mul3A_137 = arith.mulf %get3A_127, %mul3A_136 : vector<16xf32>
        %mul3A_138 = arith.constant 3.200000e+01 : f32
        %mul3A_139 = vector.broadcast %mul3A_138 : f32 to vector<16xf32>
        %mul3A_140 = arith.mulf %get3A_131, %mul3A_139 : vector<16xf32>
        %convert_element_type3A = arith.fptosi %mul3A_134 : vector<16xf32> to vector<16xi32>
        %convert_element_type3A_141 = arith.fptosi %mul3A_137 : vector<16xf32> to vector<16xi32>
        %convert_element_type3A_142 = arith.fptosi %mul3A_140 : vector<16xf32> to vector<16xi32>
        %convert_element_type3A_143 = arith.sitofp %convert_element_type3A : vector<16xi32> to vector<16xf32>
        %sub3A = arith.subf %mul3A_134, %convert_element_type3A_143 : vector<16xf32>
        %swap3A = arith.constant 0 : i32
        %swap3A_144 = arith.index_cast %swap3A : i32 to index
        %swap3A_145 = arith.index_cast %mul3A_120 : i32 to index
        %swap3A_146 = tpu.vector_load %arg9[%swap3A_144, %swap3A_145] {strides = array<i32>} : memref<3x512xf32, #tpu.memory_space<vmem>>, vector<16xf32>,
        tpu.vector_store %arg9[%swap3A_144, %swap3A_145], %sub3A {strides = array<i32>} : memref<3x512xf32, #tpu.memory_space<vmem>>, vector<16xf32>,
        %convert_element_type3A_147 = arith.sitofp %convert_element_type3A_141 : vector<16xi32> to vector<16xf32>
        %sub3A_148 = arith.subf %mul3A_137, %convert_element_type3A_147 : vector<16xf32>
        %swap3A_149 = arith.constant 1 : i32
        %swap3A_150 = arith.index_cast %swap3A_149 : i32 to index
        %swap3A_151 = arith.index_cast %mul3A_120 : i32 to index
        %swap3A_152 = tpu.vector_load %arg9[%swap3A_150, %swap3A_151] {strides = array<i32>} : memref<3x512xf32, #tpu.memory_space<vmem>>, vector<16xf32>,
        tpu.vector_store %arg9[%swap3A_150, %swap3A_151], %sub3A_148 {strides = array<i32>} : memref<3x512xf32, #tpu.memory_space<vmem>>, vector<16xf32>,
        %convert_element_type3A_153 = arith.sitofp %convert_element_type3A_142 : vector<16xi32> to vector<16xf32>
        %sub3A_154 = arith.subf %mul3A_140, %convert_element_type3A_153 : vector<16xf32>
        %swap3A_155 = arith.constant 2 : i32
        %swap3A_156 = arith.index_cast %swap3A_155 : i32 to index
        %swap3A_157 = arith.index_cast %mul3A_120 : i32 to index
        %swap3A_158 = tpu.vector_load %arg9[%swap3A_156, %swap3A_157] {strides = array<i32>} : memref<3x512xf32, #tpu.memory_space<vmem>>, vector<16xf32>,
        tpu.vector_store %arg9[%swap3A_156, %swap3A_157], %sub3A_154 {strides = array<i32>} : memref<3x512xf32, #tpu.memory_space<vmem>>, vector<16xf32>,
        %shift_right_arithmetic3A = arith.constant 3 : i32
        %shift_right_arithmetic3A_159 = arith.shrsi %add3A_118, %shift_right_arithmetic3A : i32
        %and3A = arith.constant 7 : i32
        %and3A_160 = arith.andi %add3A_118, %and3A : i32
        %mul3A_161 = arith.constant 16 : i32
        %mul3A_162 = arith.muli %and3A_160, %mul3A_161 : i32
        %mul3A_163 = arith.constant 1089 : i32
        %mul3A_164 = vector.broadcast %mul3A_163 : i32 to vector<16xi32>
        %mul3A_165 = arith.muli %convert_element_type3A, %mul3A_164 : vector<16xi32>
        %add3A_166 = arith.constant 1089 : i32
        %add3A_167 = vector.broadcast %add3A_166 : i32 to vector<16xi32>
        %add3A_168 = arith.addi %mul3A_165, %add3A_167 : vector<16xi32>
        %mul3A_169 = arith.constant 33 : i32
        %mul3A_170 = vector.broadcast %mul3A_169 : i32 to vector<16xi32>
        %mul3A_171 = arith.muli %convert_element_type3A_141, %mul3A_170 : vector<16xi32>
        %add3A_172 = arith.constant 33 : i32
        %add3A_173 = vector.broadcast %add3A_172 : i32 to vector<16xi32>
        %add3A_174 = arith.addi %mul3A_171, %add3A_173 : vector<16xi32>
        %add3A_175 = arith.constant 524288 : i32
        %add3A_176 = vector.broadcast %add3A_175 : i32 to vector<16xi32>
        %add3A_177 = arith.addi %convert_element_type3A_142, %add3A_176 : vector<16xi32>
        %add3A_178 = arith.constant 1 : i32
        %add3A_179 = vector.broadcast %add3A_178 : i32 to vector<16xi32>
        %add3A_180 = arith.addi %add3A_177, %add3A_179 : vector<16xi32>
        %add3A_181 = arith.addi %mul3A_165, %mul3A_171 : vector<16xi32>
        %add3A_182 = arith.addi %add3A_181, %add3A_177 : vector<16xi32>
        %add3A_183 = arith.constant 0 : i32
        %add3A_184 = arith.addi %shift_right_arithmetic3A_159, %add3A_183 : i32
        %swap3A_185 = arith.index_cast %add3A_184 : i32 to index
        %swap3A_186 = arith.index_cast %mul3A_162 : i32 to index
        %swap3A_187 = tpu.vector_load %arg11[%swap3A_185, %swap3A_186] {strides = array<i32>} : memref<32x128xi32, #tpu.memory_space<vmem>>, vector<16xi32>,
        tpu.vector_store %arg11[%swap3A_185, %swap3A_186], %add3A_182 {strides = array<i32>} : memref<32x128xi32, #tpu.memory_space<vmem>>, vector<16xi32>,
        %add3A_188 = arith.addi %add3A_168, %mul3A_171 : vector<16xi32>
        %add3A_189 = arith.addi %add3A_188, %add3A_177 : vector<16xi32>
        %add3A_190 = arith.constant 4 : i32
        %add3A_191 = arith.addi %shift_right_arithmetic3A_159, %add3A_190 : i32
        %swap3A_192 = arith.index_cast %add3A_191 : i32 to index
        %swap3A_193 = arith.index_cast %mul3A_162 : i32 to index
        %swap3A_194 = tpu.vector_load %arg11[%swap3A_192, %swap3A_193] {strides = array<i32>} : memref<32x128xi32, #tpu.memory_space<vmem>>, vector<16xi32>,
        tpu.vector_store %arg11[%swap3A_192, %swap3A_193], %add3A_189 {strides = array<i32>} : memref<32x128xi32, #tpu.memory_space<vmem>>, vector<16xi32>,
        %add3A_195 = arith.addi %mul3A_165, %add3A_174 : vector<16xi32>
        %add3A_196 = arith.addi %add3A_195, %add3A_177 : vector<16xi32>
        %add3A_197 = arith.constant 8 : i32
        %add3A_198 = arith.addi %shift_right_arithmetic3A_159, %add3A_197 : i32
        %swap3A_199 = arith.index_cast %add3A_198 : i32 to index
        %swap3A_200 = arith.index_cast %mul3A_162 : i32 to index
        %swap3A_201 = tpu.vector_load %arg11[%swap3A_199, %swap3A_200] {strides = array<i32>} : memref<32x128xi32, #tpu.memory_space<vmem>>, vector<16xi32>,
        tpu.vector_store %arg11[%swap3A_199, %swap3A_200], %add3A_196 {strides = array<i32>} : memref<32x128xi32, #tpu.memory_space<vmem>>, vector<16xi32>,
        %add3A_202 = arith.addi %add3A_168, %add3A_174 : vector<16xi32>
        %add3A_203 = arith.addi %add3A_202, %add3A_177 : vector<16xi32>
        %add3A_204 = arith.constant 12 : i32
        %add3A_205 = arith.addi %shift_right_arithmetic3A_159, %add3A_204 : i32
        %swap3A_206 = arith.index_cast %add3A_205 : i32 to index
        %swap3A_207 = arith.index_cast %mul3A_162 : i32 to index
        %swap3A_208 = tpu.vector_load %arg11[%swap3A_206, %swap3A_207] {strides = array<i32>} : memref<32x128xi32, #tpu.memory_space<vmem>>, vector<16xi32>,
        tpu.vector_store %arg11[%swap3A_206, %swap3A_207], %add3A_203 {strides = array<i32>} : memref<32x128xi32, #tpu.memory_space<vmem>>, vector<16xi32>,
        %add3A_209 = arith.addi %mul3A_165, %mul3A_171 : vector<16xi32>
        %add3A_210 = arith.addi %add3A_209, %add3A_180 : vector<16xi32>
        %add3A_211 = arith.constant 16 : i32
        %add3A_212 = arith.addi %shift_right_arithmetic3A_159, %add3A_211 : i32
        %swap3A_213 = arith.index_cast %add3A_212 : i32 to index
        %swap3A_214 = arith.index_cast %mul3A_162 : i32 to index
        %swap3A_215 = tpu.vector_load %arg11[%swap3A_213, %swap3A_214] {strides = array<i32>} : memref<32x128xi32, #tpu.memory_space<vmem>>, vector<16xi32>,
        tpu.vector_store %arg11[%swap3A_213, %swap3A_214], %add3A_210 {strides = array<i32>} : memref<32x128xi32, #tpu.memory_space<vmem>>, vector<16xi32>,
        %add3A_216 = arith.addi %add3A_168, %mul3A_171 : vector<16xi32>
        %add3A_217 = arith.addi %add3A_216, %add3A_180 : vector<16xi32>
        %add3A_218 = arith.constant 20 : i32
        %add3A_219 = arith.addi %shift_right_arithmetic3A_159, %add3A_218 : i32
        %swap3A_220 = arith.index_cast %add3A_219 : i32 to index
        %swap3A_221 = arith.index_cast %mul3A_162 : i32 to index
        %swap3A_222 = tpu.vector_load %arg11[%swap3A_220, %swap3A_221] {strides = array<i32>} : memref<32x128xi32, #tpu.memory_space<vmem>>, vector<16xi32>,
        tpu.vector_store %arg11[%swap3A_220, %swap3A_221], %add3A_217 {strides = array<i32>} : memref<32x128xi32, #tpu.memory_space<vmem>>, vector<16xi32>,
        %add3A_223 = arith.addi %mul3A_165, %add3A_174 : vector<16xi32>
        %add3A_224 = arith.addi %add3A_223, %add3A_180 : vector<16xi32>
        %add3A_225 = arith.constant 24 : i32
        %add3A_226 = arith.addi %shift_right_arithmetic3A_159, %add3A_225 : i32
        %swap3A_227 = arith.index_cast %add3A_226 : i32 to index
        %swap3A_228 = arith.index_cast %mul3A_162 : i32 to index
        %swap3A_229 = tpu.vector_load %arg11[%swap3A_227, %swap3A_228] {strides = array<i32>} : memref<32x128xi32, #tpu.memory_space<vmem>>, vector<16xi32>,
        tpu.vector_store %arg11[%swap3A_227, %swap3A_228], %add3A_224 {strides = array<i32>} : memref<32x128xi32, #tpu.memory_space<vmem>>, vector<16xi32>,
        %add3A_230 = arith.addi %add3A_168, %add3A_174 : vector<16xi32>
        %add3A_231 = arith.addi %add3A_230, %add3A_180 : vector<16xi32>
        %add3A_232 = arith.constant 28 : i32
        %add3A_233 = arith.addi %shift_right_arithmetic3A_159, %add3A_232 : i32
        %swap3A_234 = arith.index_cast %add3A_233 : i32 to index
        %swap3A_235 = arith.index_cast %mul3A_162 : i32 to index
        %swap3A_236 = tpu.vector_load %arg11[%swap3A_234, %swap3A_235] {strides = array<i32>} : memref<32x128xi32, #tpu.memory_space<vmem>>, vector<16xi32>,
        tpu.vector_store %arg11[%swap3A_234, %swap3A_235], %add3A_231 {strides = array<i32>} : memref<32x128xi32, #tpu.memory_space<vmem>>, vector<16xi32>,
        %mul3A_237 = arith.constant 2 : i32
        %mul3A_238 = arith.muli %scan3A_113, %mul3A_237 : i32
        %add3A_239 = arith.constant 1 : i32
        %add3A_240 = arith.addi %mul3A_238, %add3A_239 : i32
        %mul3A_241 = arith.constant 16 : i32
        %mul3A_242 = arith.muli %add3A_240, %mul3A_241 : i32
        %get3A_243 = arith.constant 0 : i32
        %get3A_244 = arith.index_cast %get3A_243 : i32 to index
        %get3A_245 = arith.index_cast %mul3A_242 : i32 to index
        %get3A_246 = tpu.vector_load %arg8[%get3A_244, %get3A_245] {strides = array<i32>} : memref<3x512xf32, #tpu.memory_space<vmem>>, vector<16xf32>,
        %get3A_247 = arith.constant 1 : i32
        %get3A_248 = arith.index_cast %get3A_247 : i32 to index
        %get3A_249 = arith.index_cast %mul3A_242 : i32 to index
        %get3A_250 = tpu.vector_load %arg8[%get3A_248, %get3A_249] {strides = array<i32>} : memref<3x512xf32, #tpu.memory_space<vmem>>, vector<16xf32>,
        %get3A_251 = arith.constant 2 : i32
        %get3A_252 = arith.index_cast %get3A_251 : i32 to index
        %get3A_253 = arith.index_cast %mul3A_242 : i32 to index
        %get3A_254 = tpu.vector_load %arg8[%get3A_252, %get3A_253] {strides = array<i32>} : memref<3x512xf32, #tpu.memory_space<vmem>>, vector<16xf32>,
        %mul3A_255 = arith.constant 3.200000e+01 : f32
        %mul3A_256 = vector.broadcast %mul3A_255 : f32 to vector<16xf32>
        %mul3A_257 = arith.mulf %get3A_246, %mul3A_256 : vector<16xf32>
        %mul3A_258 = arith.constant 3.200000e+01 : f32
        %mul3A_259 = vector.broadcast %mul3A_258 : f32 to vector<16xf32>
        %mul3A_260 = arith.mulf %get3A_250, %mul3A_259 : vector<16xf32>
        %mul3A_261 = arith.constant 3.200000e+01 : f32
        %mul3A_262 = vector.broadcast %mul3A_261 : f32 to vector<16xf32>
        %mul3A_263 = arith.mulf %get3A_254, %mul3A_262 : vector<16xf32>
        %convert_element_type3A_264 = arith.fptosi %mul3A_257 : vector<16xf32> to vector<16xi32>
        %convert_element_type3A_265 = arith.fptosi %mul3A_260 : vector<16xf32> to vector<16xi32>
        %convert_element_type3A_266 = arith.fptosi %mul3A_263 : vector<16xf32> to vector<16xi32>
        %convert_element_type3A_267 = arith.sitofp %convert_element_type3A_264 : vector<16xi32> to vector<16xf32>
        %sub3A_268 = arith.subf %mul3A_257, %convert_element_type3A_267 : vector<16xf32>
        %swap3A_269 = arith.constant 0 : i32
        %swap3A_270 = arith.index_cast %swap3A_269 : i32 to index
        %swap3A_271 = arith.index_cast %mul3A_242 : i32 to index
        %swap3A_272 = tpu.vector_load %arg9[%swap3A_270, %swap3A_271] {strides = array<i32>} : memref<3x512xf32, #tpu.memory_space<vmem>>, vector<16xf32>,
        tpu.vector_store %arg9[%swap3A_270, %swap3A_271], %sub3A_268 {strides = array<i32>} : memref<3x512xf32, #tpu.memory_space<vmem>>, vector<16xf32>,
        %convert_element_type3A_273 = arith.sitofp %convert_element_type3A_265 : vector<16xi32> to vector<16xf32>
        %sub3A_274 = arith.subf %mul3A_260, %convert_element_type3A_273 : vector<16xf32>
        %swap3A_275 = arith.constant 1 : i32
        %swap3A_276 = arith.index_cast %swap3A_275 : i32 to index
        %swap3A_277 = arith.index_cast %mul3A_242 : i32 to index
        %swap3A_278 = tpu.vector_load %arg9[%swap3A_276, %swap3A_277] {strides = array<i32>} : memref<3x512xf32, #tpu.memory_space<vmem>>, vector<16xf32>,
        tpu.vector_store %arg9[%swap3A_276, %swap3A_277], %sub3A_274 {strides = array<i32>} : memref<3x512xf32, #tpu.memory_space<vmem>>, vector<16xf32>,
        %convert_element_type3A_279 = arith.sitofp %convert_element_type3A_266 : vector<16xi32> to vector<16xf32>
        %sub3A_280 = arith.subf %mul3A_263, %convert_element_type3A_279 : vector<16xf32>
        %swap3A_281 = arith.constant 2 : i32
        %swap3A_282 = arith.index_cast %swap3A_281 : i32 to index
        %swap3A_283 = arith.index_cast %mul3A_242 : i32 to index
        %swap3A_284 = tpu.vector_load %arg9[%swap3A_282, %swap3A_283] {strides = array<i32>} : memref<3x512xf32, #tpu.memory_space<vmem>>, vector<16xf32>,
        tpu.vector_store %arg9[%swap3A_282, %swap3A_283], %sub3A_280 {strides = array<i32>} : memref<3x512xf32, #tpu.memory_space<vmem>>, vector<16xf32>,
        %shift_right_arithmetic3A_285 = arith.constant 3 : i32
        %shift_right_arithmetic3A_286 = arith.shrsi %add3A_240, %shift_right_arithmetic3A_285 : i32
        %and3A_287 = arith.constant 7 : i32
        %and3A_288 = arith.andi %add3A_240, %and3A_287 : i32
        %mul3A_289 = arith.constant 16 : i32
        %mul3A_290 = arith.muli %and3A_288, %mul3A_289 : i32
        %mul3A_291 = arith.constant 1089 : i32
        %mul3A_292 = vector.broadcast %mul3A_291 : i32 to vector<16xi32>
        %mul3A_293 = arith.muli %convert_element_type3A_264, %mul3A_292 : vector<16xi32>
        %add3A_294 = arith.constant 1089 : i32
        %add3A_295 = vector.broadcast %add3A_294 : i32 to vector<16xi32>
        %add3A_296 = arith.addi %mul3A_293, %add3A_295 : vector<16xi32>
        %mul3A_297 = arith.constant 33 : i32
        %mul3A_298 = vector.broadcast %mul3A_297 : i32 to vector<16xi32>
        %mul3A_299 = arith.muli %convert_element_type3A_265, %mul3A_298 : vector<16xi32>
        %add3A_300 = arith.constant 33 : i32
        %add3A_301 = vector.broadcast %add3A_300 : i32 to vector<16xi32>
        %add3A_302 = arith.addi %mul3A_299, %add3A_301 : vector<16xi32>
        %add3A_303 = arith.constant 524288 : i32
        %add3A_304 = vector.broadcast %add3A_303 : i32 to vector<16xi32>
        %add3A_305 = arith.addi %convert_element_type3A_266, %add3A_304 : vector<16xi32>
        %add3A_306 = arith.constant 1 : i32
        %add3A_307 = vector.broadcast %add3A_306 : i32 to vector<16xi32>
        %add3A_308 = arith.addi %add3A_305, %add3A_307 : vector<16xi32>
        %add3A_309 = arith.addi %mul3A_293, %mul3A_299 : vector<16xi32>
        %add3A_310 = arith.addi %add3A_309, %add3A_305 : vector<16xi32>
        %add3A_311 = arith.constant 0 : i32
        %add3A_312 = arith.addi %shift_right_arithmetic3A_286, %add3A_311 : i32
        %swap3A_313 = arith.index_cast %add3A_312 : i32 to index
        %swap3A_314 = arith.index_cast %mul3A_290 : i32 to index
        %swap3A_315 = tpu.vector_load %arg11[%swap3A_313, %swap3A_314] {strides = array<i32>} : memref<32x128xi32, #tpu.memory_space<vmem>>, vector<16xi32>,
        tpu.vector_store %arg11[%swap3A_313, %swap3A_314], %add3A_310 {strides = array<i32>} : memref<32x128xi32, #tpu.memory_space<vmem>>, vector<16xi32>,
        %add3A_316 = arith.addi %add3A_296, %mul3A_299 : vector<16xi32>
        %add3A_317 = arith.addi %add3A_316, %add3A_305 : vector<16xi32>
        %add3A_318 = arith.constant 4 : i32
        %add3A_319 = arith.addi %shift_right_arithmetic3A_286, %add3A_318 : i32
        %swap3A_320 = arith.index_cast %add3A_319 : i32 to index
        %swap3A_321 = arith.index_cast %mul3A_290 : i32 to index
        %swap3A_322 = tpu.vector_load %arg11[%swap3A_320, %swap3A_321] {strides = array<i32>} : memref<32x128xi32, #tpu.memory_space<vmem>>, vector<16xi32>,
        tpu.vector_store %arg11[%swap3A_320, %swap3A_321], %add3A_317 {strides = array<i32>} : memref<32x128xi32, #tpu.memory_space<vmem>>, vector<16xi32>,
        %add3A_323 = arith.addi %mul3A_293, %add3A_302 : vector<16xi32>
        %add3A_324 = arith.addi %add3A_323, %add3A_305 : vector<16xi32>
        %add3A_325 = arith.constant 8 : i32
        %add3A_326 = arith.addi %shift_right_arithmetic3A_286, %add3A_325 : i32
        %swap3A_327 = arith.index_cast %add3A_326 : i32 to index
        %swap3A_328 = arith.index_cast %mul3A_290 : i32 to index
        %swap3A_329 = tpu.vector_load %arg11[%swap3A_327, %swap3A_328] {strides = array<i32>} : memref<32x128xi32, #tpu.memory_space<vmem>>, vector<16xi32>,
        tpu.vector_store %arg11[%swap3A_327, %swap3A_328], %add3A_324 {strides = array<i32>} : memref<32x128xi32, #tpu.memory_space<vmem>>, vector<16xi32>,
        %add3A_330 = arith.addi %add3A_296, %add3A_302 : vector<16xi32>
        %add3A_331 = arith.addi %add3A_330, %add3A_305 : vector<16xi32>
        %add3A_332 = arith.constant 12 : i32
        %add3A_333 = arith.addi %shift_right_arithmetic3A_286, %add3A_332 : i32
        %swap3A_334 = arith.index_cast %add3A_333 : i32 to index
        %swap3A_335 = arith.index_cast %mul3A_290 : i32 to index
        %swap3A_336 = tpu.vector_load %arg11[%swap3A_334, %swap3A_335] {strides = array<i32>} : memref<32x128xi32, #tpu.memory_space<vmem>>, vector<16xi32>,
        tpu.vector_store %arg11[%swap3A_334, %swap3A_335], %add3A_331 {strides = array<i32>} : memref<32x128xi32, #tpu.memory_space<vmem>>, vector<16xi32>,
        %add3A_337 = arith.addi %mul3A_293, %mul3A_299 : vector<16xi32>
        %add3A_338 = arith.addi %add3A_337, %add3A_308 : vector<16xi32>
        %add3A_339 = arith.constant 16 : i32
        %add3A_340 = arith.addi %shift_right_arithmetic3A_286, %add3A_339 : i32
        %swap3A_341 = arith.index_cast %add3A_340 : i32 to index
        %swap3A_342 = arith.index_cast %mul3A_290 : i32 to index
        %swap3A_343 = tpu.vector_load %arg11[%swap3A_341, %swap3A_342] {strides = array<i32>} : memref<32x128xi32, #tpu.memory_space<vmem>>, vector<16xi32>,
        tpu.vector_store %arg11[%swap3A_341, %swap3A_342], %add3A_338 {strides = array<i32>} : memref<32x128xi32, #tpu.memory_space<vmem>>, vector<16xi32>,
        %add3A_344 = arith.addi %add3A_296, %mul3A_299 : vector<16xi32>
        %add3A_345 = arith.addi %add3A_344, %add3A_308 : vector<16xi32>
        %add3A_346 = arith.constant 20 : i32
        %add3A_347 = arith.addi %shift_right_arithmetic3A_286, %add3A_346 : i32
        %swap3A_348 = arith.index_cast %add3A_347 : i32 to index
        %swap3A_349 = arith.index_cast %mul3A_290 : i32 to index
        %swap3A_350 = tpu.vector_load %arg11[%swap3A_348, %swap3A_349] {strides = array<i32>} : memref<32x128xi32, #tpu.memory_space<vmem>>, vector<16xi32>,
        tpu.vector_store %arg11[%swap3A_348, %swap3A_349], %add3A_345 {strides = array<i32>} : memref<32x128xi32, #tpu.memory_space<vmem>>, vector<16xi32>,
        %add3A_351 = arith.addi %mul3A_293, %add3A_302 : vector<16xi32>
        %add3A_352 = arith.addi %add3A_351, %add3A_308 : vector<16xi32>
        %add3A_353 = arith.constant 24 : i32
        %add3A_354 = arith.addi %shift_right_arithmetic3A_286, %add3A_353 : i32
        %swap3A_355 = arith.index_cast %add3A_354 : i32 to index
        %swap3A_356 = arith.index_cast %mul3A_290 : i32 to index
        %swap3A_357 = tpu.vector_load %arg11[%swap3A_355, %swap3A_356] {strides = array<i32>} : memref<32x128xi32, #tpu.memory_space<vmem>>, vector<16xi32>,
        tpu.vector_store %arg11[%swap3A_355, %swap3A_356], %add3A_352 {strides = array<i32>} : memref<32x128xi32, #tpu.memory_space<vmem>>, vector<16xi32>,
        %add3A_358 = arith.addi %add3A_296, %add3A_302 : vector<16xi32>
        %add3A_359 = arith.addi %add3A_358, %add3A_308 : vector<16xi32>
        %add3A_360 = arith.constant 28 : i32
        %add3A_361 = arith.addi %shift_right_arithmetic3A_286, %add3A_360 : i32
        %swap3A_362 = arith.index_cast %add3A_361 : i32 to index
        %swap3A_363 = arith.index_cast %mul3A_290 : i32 to index
        %swap3A_364 = tpu.vector_load %arg11[%swap3A_362, %swap3A_363] {strides = array<i32>} : memref<32x128xi32, #tpu.memory_space<vmem>>, vector<16xi32>,
        tpu.vector_store %arg11[%swap3A_362, %swap3A_363], %add3A_359 {strides = array<i32>} : memref<32x128xi32, #tpu.memory_space<vmem>>, vector<16xi32>,
        %scan3A_365 = arith.constant 0 : i32
        scf.yield %scan3A_365 : i32
      }
      %scan3A_55 = arith.constant 16 : i32
      %scan3A_56 = arith.constant 0 : i32
      %scan3A_57 = arith.constant 0 : i32
      %scan3A_58 = arith.constant 32 : i32
      %scan3A_59 = arith.addi %scan3A_57, %scan3A_58 : i32
      %scan3A_60 = arith.constant 1 : i32
      %scan3A_61 = scf.for %scan3A_113 = %scan3A_57 to %scan3A_59 step %scan3A_60 iter_args(%scan3A_114 = %scan3A_56) -> (i32)  : i32 {
        %dma_start3A = arith.constant 0 : i32
        %dma_start3A_115 = tpu.memref_slice %arg13[%scan3A_113, %dma_start3A] : memref<32x128xf32, #tpu.memory_space<vmem>> -> memref<1x128xf32, #tpu.memory_space<vmem>>
        %dma_start3A_116 = tpu.memref_squeeze %dma_start3A_115 : memref<1x128xf32, #tpu.memory_space<vmem>> -> memref<128xf32, #tpu.memory_space<vmem>>
        %dma_start3A_117 = arith.constant 0 : i32
        %dma_start3A_118 = tpu.memref_slice %arg11[%scan3A_113, %dma_start3A_117] : memref<32x128xi32, #tpu.memory_space<vmem>> -> memref<1x128xi32, #tpu.memory_space<vmem>>
        %dma_start3A_119 = tpu.memref_squeeze %dma_start3A_118 : memref<1x128xi32, #tpu.memory_space<vmem>> -> memref<128xi32, #tpu.memory_space<vmem>>
        %dma_start3A_120 = arith.constant 0 : i32
        %dma_start3A_121 = tpu.memref_slice %arg4[%dma_start3A_120] : memref<8388608xf32, #tpu.memory_space<hbm>> -> memref<8388608xf32, #tpu.memory_space<hbm>>
        tpu.enqueue_indirect_dma source(%dma_start3A_121 : memref<8388608xf32, #tpu.memory_space<hbm>>) target(%dma_start3A_116 : memref<128xf32, #tpu.memory_space<vmem>>) offsets(%dma_start3A_119 : memref<128xi32, #tpu.memory_space<vmem>>) semaphore(%arg17 : memref<!tpu.dma_semaphore, #tpu.memory_space<semaphore_mem>>)
        %dma_start3A_122 = arith.constant 0 : i32
        %dma_start3A_123 = tpu.memref_slice %arg14[%scan3A_113, %dma_start3A_122] : memref<32x128xf32, #tpu.memory_space<vmem>> -> memref<1x128xf32, #tpu.memory_space<vmem>>
        %dma_start3A_124 = tpu.memref_squeeze %dma_start3A_123 : memref<1x128xf32, #tpu.memory_space<vmem>> -> memref<128xf32, #tpu.memory_space<vmem>>
        %dma_start3A_125 = arith.constant 0 : i32
        %dma_start3A_126 = tpu.memref_slice %arg11[%scan3A_113, %dma_start3A_125] : memref<32x128xi32, #tpu.memory_space<vmem>> -> memref<1x128xi32, #tpu.memory_space<vmem>>
        %dma_start3A_127 = tpu.memref_squeeze %dma_start3A_126 : memref<1x128xi32, #tpu.memory_space<vmem>> -> memref<128xi32, #tpu.memory_space<vmem>>
        %dma_start3A_128 = arith.constant 0 : i32
        %dma_start3A_129 = tpu.memref_slice %arg5[%dma_start3A_128] : memref<8388608xf32, #tpu.memory_space<hbm>> -> memref<8388608xf32, #tpu.memory_space<hbm>>
        tpu.enqueue_indirect_dma source(%dma_start3A_129 : memref<8388608xf32, #tpu.memory_space<hbm>>) target(%dma_start3A_124 : memref<128xf32, #tpu.memory_space<vmem>>) offsets(%dma_start3A_127 : memref<128xi32, #tpu.memory_space<vmem>>) semaphore(%arg17 : memref<!tpu.dma_semaphore, #tpu.memory_space<semaphore_mem>>)
        %scan3A_130 = arith.constant 0 : i32
        scf.yield %scan3A_130 : i32
      }
      %scan3A_62 = arith.constant 32 : i32
      %scan3A_63 = arith.constant 0 : i32
      %scan3A_64 = arith.constant 0 : i32
      %scan3A_65 = arith.constant 32 : i32
      %scan3A_66 = arith.addi %scan3A_64, %scan3A_65 : i32
      %scan3A_67 = arith.constant 1 : i32
      %scan3A_68 = scf.for %scan3A_113 = %scan3A_64 to %scan3A_66 step %scan3A_67 iter_args(%scan3A_114 = %scan3A_63) -> (i32)  : i32 {
        %dma_wait3A = arith.constant 0 : i32
        %dma_wait3A_115 = tpu.memref_slice %arg13[%scan3A_113, %dma_wait3A] : memref<32x128xf32, #tpu.memory_space<vmem>> -> memref<1x128xf32, #tpu.memory_space<vmem>>
        %dma_wait3A_116 = tpu.memref_squeeze %dma_wait3A_115 : memref<1x128xf32, #tpu.memory_space<vmem>> -> memref<128xf32, #tpu.memory_space<vmem>>
        %dma_wait3A_117 = arith.constant 0 : i32
        %dma_wait3A_118 = tpu.memref_slice %arg11[%scan3A_113, %dma_wait3A_117] : memref<32x128xi32, #tpu.memory_space<vmem>> -> memref<1x128xi32, #tpu.memory_space<vmem>>
        %dma_wait3A_119 = tpu.memref_squeeze %dma_wait3A_118 : memref<1x128xi32, #tpu.memory_space<vmem>> -> memref<128xi32, #tpu.memory_space<vmem>>
        %dma_wait3A_120 = arith.constant 0 : i32
        %dma_wait3A_121 = tpu.memref_slice %arg4[%dma_wait3A_120] : memref<8388608xf32, #tpu.memory_space<hbm>> -> memref<8388608xf32, #tpu.memory_space<hbm>>
        tpu.wait_indirect_dma semaphore(%arg17 : memref<!tpu.dma_semaphore, #tpu.memory_space<semaphore_mem>>) src(%dma_wait3A_121 : memref<8388608xf32, #tpu.memory_space<hbm>>) dst(%dma_wait3A_116 : memref<128xf32, #tpu.memory_space<vmem>>)
        %dma_wait3A_122 = arith.constant 0 : i32
        %dma_wait3A_123 = tpu.memref_slice %arg14[%scan3A_113, %dma_wait3A_122] : memref<32x128xf32, #tpu.memory_space<vmem>> -> memref<1x128xf32, #tpu.memory_space<vmem>>
        %dma_wait3A_124 = tpu.memref_squeeze %dma_wait3A_123 : memref<1x128xf32, #tpu.memory_space<vmem>> -> memref<128xf32, #tpu.memory_space<vmem>>
        %dma_wait3A_125 = arith.constant 0 : i32
        %dma_wait3A_126 = tpu.memref_slice %arg11[%scan3A_113, %dma_wait3A_125] : memref<32x128xi32, #tpu.memory_space<vmem>> -> memref<1x128xi32, #tpu.memory_space<vmem>>
        %dma_wait3A_127 = tpu.memref_squeeze %dma_wait3A_126 : memref<1x128xi32, #tpu.memory_space<vmem>> -> memref<128xi32, #tpu.memory_space<vmem>>
        %dma_wait3A_128 = arith.constant 0 : i32
        %dma_wait3A_129 = tpu.memref_slice %arg5[%dma_wait3A_128] : memref<8388608xf32, #tpu.memory_space<hbm>> -> memref<8388608xf32, #tpu.memory_space<hbm>>
        tpu.wait_indirect_dma semaphore(%arg17 : memref<!tpu.dma_semaphore, #tpu.memory_space<semaphore_mem>>) src(%dma_wait3A_129 : memref<8388608xf32, #tpu.memory_space<hbm>>) dst(%dma_wait3A_124 : memref<128xf32, #tpu.memory_space<vmem>>)
        %scan3A_130 = arith.constant 0 : i32
        scf.yield %scan3A_130 : i32
      }
      %scan3A_69 = arith.constant 32 : i32
      %scan3A_70 = arith.constant 0 : i32
      %scan3A_71 = arith.constant 0 : i32
      %scan3A_72 = arith.constant 16 : i32
      %scan3A_73 = arith.addi %scan3A_71, %scan3A_72 : i32
      %scan3A_74 = arith.constant 1 : i32
      %scan3A_75 = scf.for %scan3A_113 = %scan3A_71 to %scan3A_73 step %scan3A_74 iter_args(%scan3A_114 = %scan3A_70) -> (i32)  : i32 {
        %mul3A_115 = arith.constant 2 : i32
        %mul3A_116 = arith.muli %scan3A_113, %mul3A_115 : i32
        %add3A_117 = arith.constant 0 : i32
        %add3A_118 = arith.addi %mul3A_116, %add3A_117 : i32
        %mul3A_119 = arith.constant 16 : i32
        %mul3A_120 = arith.muli %add3A_118, %mul3A_119 : i32
        %add3A_121 = vector.broadcast %mul3A_120 : i32 to vector<16xi32>
        %add3A_122 = arith.addi %add3A_121, %iota3A : vector<16xi32>
        %shift_right_arithmetic3A = arith.constant 3 : i32
        %shift_right_arithmetic3A_123 = arith.shrsi %add3A_118, %shift_right_arithmetic3A : i32
        %and3A = arith.constant 7 : i32
        %and3A_124 = arith.andi %add3A_118, %and3A : i32
        %mul3A_125 = arith.constant 16 : i32
        %mul3A_126 = arith.muli %and3A_124, %mul3A_125 : i32
        %get3A = arith.constant 0 : i32
        %get3A_127 = arith.index_cast %get3A : i32 to index
        %get3A_128 = arith.index_cast %mul3A_120 : i32 to index
        %get3A_129 = tpu.vector_load %arg9[%get3A_127, %get3A_128] {strides = array<i32>} : memref<3x512xf32, #tpu.memory_space<vmem>>, vector<16xf32>,
        %get3A_130 = arith.constant 1 : i32
        %get3A_131 = arith.index_cast %get3A_130 : i32 to index
        %get3A_132 = arith.index_cast %mul3A_120 : i32 to index
        %get3A_133 = tpu.vector_load %arg9[%get3A_131, %get3A_132] {strides = array<i32>} : memref<3x512xf32, #tpu.memory_space<vmem>>, vector<16xf32>,
        %get3A_134 = arith.constant 2 : i32
        %get3A_135 = arith.index_cast %get3A_134 : i32 to index
        %get3A_136 = arith.index_cast %mul3A_120 : i32 to index
        %get3A_137 = tpu.vector_load %arg9[%get3A_135, %get3A_136] {strides = array<i32>} : memref<3x512xf32, #tpu.memory_space<vmem>>, vector<16xf32>,
        %sub3A = arith.constant 1.000000e+00 : f32
        %sub3A_138 = vector.broadcast %sub3A : f32 to vector<16xf32>
        %sub3A_139 = arith.subf %sub3A_138, %get3A_129 : vector<16xf32>
        %sub3A_140 = arith.constant 1.000000e+00 : f32
        %sub3A_141 = vector.broadcast %sub3A_140 : f32 to vector<16xf32>
        %sub3A_142 = arith.subf %sub3A_141, %get3A_133 : vector<16xf32>
        %sub3A_143 = arith.constant 1.000000e+00 : f32
        %sub3A_144 = vector.broadcast %sub3A_143 : f32 to vector<16xf32>
        %sub3A_145 = arith.subf %sub3A_144, %get3A_137 : vector<16xf32>
        %mul3A_146 = arith.mulf %sub3A_139, %sub3A_142 : vector<16xf32>
        %mul3A_147 = arith.mulf %get3A_129, %sub3A_142 : vector<16xf32>
        %mul3A_148 = arith.mulf %sub3A_139, %get3A_133 : vector<16xf32>
        %mul3A_149 = arith.mulf %get3A_129, %get3A_133 : vector<16xf32>
        %mul3A_150 = arith.mulf %mul3A_146, %sub3A_145 : vector<16xf32>
        %add3A_151 = arith.constant 0 : i32
        %add3A_152 = arith.addi %shift_right_arithmetic3A_123, %add3A_151 : i32
        %get3A_153 = arith.index_cast %add3A_152 : i32 to index
        %get3A_154 = arith.index_cast %mul3A_126 : i32 to index
        %get3A_155 = tpu.vector_load %arg13[%get3A_153, %get3A_154] {strides = array<i32>} : memref<32x128xf32, #tpu.memory_space<vmem>>, vector<16xf32>,
        %get3A_156 = arith.index_cast %add3A_152 : i32 to index
        %get3A_157 = arith.index_cast %mul3A_126 : i32 to index
        %get3A_158 = tpu.vector_load %arg14[%get3A_156, %get3A_157] {strides = array<i32>} : memref<32x128xf32, #tpu.memory_space<vmem>>, vector<16xf32>,
        %mul3A_159 = arith.mulf %mul3A_150, %get3A_155 : vector<16xf32>
        %mul3A_160 = arith.mulf %mul3A_150, %get3A_158 : vector<16xf32>
        %mul3A_161 = arith.mulf %mul3A_147, %sub3A_145 : vector<16xf32>
        %add3A_162 = arith.constant 4 : i32
        %add3A_163 = arith.addi %shift_right_arithmetic3A_123, %add3A_162 : i32
        %get3A_164 = arith.index_cast %add3A_163 : i32 to index
        %get3A_165 = arith.index_cast %mul3A_126 : i32 to index
        %get3A_166 = tpu.vector_load %arg13[%get3A_164, %get3A_165] {strides = array<i32>} : memref<32x128xf32, #tpu.memory_space<vmem>>, vector<16xf32>,
        %get3A_167 = arith.index_cast %add3A_163 : i32 to index
        %get3A_168 = arith.index_cast %mul3A_126 : i32 to index
        %get3A_169 = tpu.vector_load %arg14[%get3A_167, %get3A_168] {strides = array<i32>} : memref<32x128xf32, #tpu.memory_space<vmem>>, vector<16xf32>,
        %mul3A_170 = arith.mulf %mul3A_161, %get3A_166 : vector<16xf32>
        %add3A_171 = arith.addf %mul3A_159, %mul3A_170 : vector<16xf32>
        %mul3A_172 = arith.mulf %mul3A_161, %get3A_169 : vector<16xf32>
        %add3A_173 = arith.addf %mul3A_160, %mul3A_172 : vector<16xf32>
        %mul3A_174 = arith.mulf %mul3A_148, %sub3A_145 : vector<16xf32>
        %add3A_175 = arith.constant 8 : i32
        %add3A_176 = arith.addi %shift_right_arithmetic3A_123, %add3A_175 : i32
        %get3A_177 = arith.index_cast %add3A_176 : i32 to index
        %get3A_178 = arith.index_cast %mul3A_126 : i32 to index
        %get3A_179 = tpu.vector_load %arg13[%get3A_177, %get3A_178] {strides = array<i32>} : memref<32x128xf32, #tpu.memory_space<vmem>>, vector<16xf32>,
        %get3A_180 = arith.index_cast %add3A_176 : i32 to index
        %get3A_181 = arith.index_cast %mul3A_126 : i32 to index
        %get3A_182 = tpu.vector_load %arg14[%get3A_180, %get3A_181] {strides = array<i32>} : memref<32x128xf32, #tpu.memory_space<vmem>>, vector<16xf32>,
        %mul3A_183 = arith.mulf %mul3A_174, %get3A_179 : vector<16xf32>
        %add3A_184 = arith.addf %add3A_171, %mul3A_183 : vector<16xf32>
        %mul3A_185 = arith.mulf %mul3A_174, %get3A_182 : vector<16xf32>
        %add3A_186 = arith.addf %add3A_173, %mul3A_185 : vector<16xf32>
        %mul3A_187 = arith.mulf %mul3A_149, %sub3A_145 : vector<16xf32>
        %add3A_188 = arith.constant 12 : i32
        %add3A_189 = arith.addi %shift_right_arithmetic3A_123, %add3A_188 : i32
        %get3A_190 = arith.index_cast %add3A_189 : i32 to index
        %get3A_191 = arith.index_cast %mul3A_126 : i32 to index
        %get3A_192 = tpu.vector_load %arg13[%get3A_190, %get3A_191] {strides = array<i32>} : memref<32x128xf32, #tpu.memory_space<vmem>>, vector<16xf32>,
        %get3A_193 = arith.index_cast %add3A_189 : i32 to index
        %get3A_194 = arith.index_cast %mul3A_126 : i32 to index
        %get3A_195 = tpu.vector_load %arg14[%get3A_193, %get3A_194] {strides = array<i32>} : memref<32x128xf32, #tpu.memory_space<vmem>>, vector<16xf32>,
        %mul3A_196 = arith.mulf %mul3A_187, %get3A_192 : vector<16xf32>
        %add3A_197 = arith.addf %add3A_184, %mul3A_196 : vector<16xf32>
        %mul3A_198 = arith.mulf %mul3A_187, %get3A_195 : vector<16xf32>
        %add3A_199 = arith.addf %add3A_186, %mul3A_198 : vector<16xf32>
        %mul3A_200 = arith.mulf %mul3A_146, %get3A_137 : vector<16xf32>
        %add3A_201 = arith.constant 16 : i32
        %add3A_202 = arith.addi %shift_right_arithmetic3A_123, %add3A_201 : i32
        %get3A_203 = arith.index_cast %add3A_202 : i32 to index
        %get3A_204 = arith.index_cast %mul3A_126 : i32 to index
        %get3A_205 = tpu.vector_load %arg13[%get3A_203, %get3A_204] {strides = array<i32>} : memref<32x128xf32, #tpu.memory_space<vmem>>, vector<16xf32>,
        %get3A_206 = arith.index_cast %add3A_202 : i32 to index
        %get3A_207 = arith.index_cast %mul3A_126 : i32 to index
        %get3A_208 = tpu.vector_load %arg14[%get3A_206, %get3A_207] {strides = array<i32>} : memref<32x128xf32, #tpu.memory_space<vmem>>, vector<16xf32>,
        %mul3A_209 = arith.mulf %mul3A_200, %get3A_205 : vector<16xf32>
        %add3A_210 = arith.addf %add3A_197, %mul3A_209 : vector<16xf32>
        %mul3A_211 = arith.mulf %mul3A_200, %get3A_208 : vector<16xf32>
        %add3A_212 = arith.addf %add3A_199, %mul3A_211 : vector<16xf32>
        %mul3A_213 = arith.mulf %mul3A_147, %get3A_137 : vector<16xf32>
        %add3A_214 = arith.constant 20 : i32
        %add3A_215 = arith.addi %shift_right_arithmetic3A_123, %add3A_214 : i32
        %get3A_216 = arith.index_cast %add3A_215 : i32 to index
        %get3A_217 = arith.index_cast %mul3A_126 : i32 to index
        %get3A_218 = tpu.vector_load %arg13[%get3A_216, %get3A_217] {strides = array<i32>} : memref<32x128xf32, #tpu.memory_space<vmem>>, vector<16xf32>,
        %get3A_219 = arith.index_cast %add3A_215 : i32 to index
        %get3A_220 = arith.index_cast %mul3A_126 : i32 to index
        %get3A_221 = tpu.vector_load %arg14[%get3A_219, %get3A_220] {strides = array<i32>} : memref<32x128xf32, #tpu.memory_space<vmem>>, vector<16xf32>,
        %mul3A_222 = arith.mulf %mul3A_213, %get3A_218 : vector<16xf32>
        %add3A_223 = arith.addf %add3A_210, %mul3A_222 : vector<16xf32>
        %mul3A_224 = arith.mulf %mul3A_213, %get3A_221 : vector<16xf32>
        %add3A_225 = arith.addf %add3A_212, %mul3A_224 : vector<16xf32>
        %mul3A_226 = arith.mulf %mul3A_148, %get3A_137 : vector<16xf32>
        %add3A_227 = arith.constant 24 : i32
        %add3A_228 = arith.addi %shift_right_arithmetic3A_123, %add3A_227 : i32
        %get3A_229 = arith.index_cast %add3A_228 : i32 to index
        %get3A_230 = arith.index_cast %mul3A_126 : i32 to index
        %get3A_231 = tpu.vector_load %arg13[%get3A_229, %get3A_230] {strides = array<i32>} : memref<32x128xf32, #tpu.memory_space<vmem>>, vector<16xf32>,
        %get3A_232 = arith.index_cast %add3A_228 : i32 to index
        %get3A_233 = arith.index_cast %mul3A_126 : i32 to index
        %get3A_234 = tpu.vector_load %arg14[%get3A_232, %get3A_233] {strides = array<i32>} : memref<32x128xf32, #tpu.memory_space<vmem>>, vector<16xf32>,
        %mul3A_235 = arith.mulf %mul3A_226, %get3A_231 : vector<16xf32>
        %add3A_236 = arith.addf %add3A_223, %mul3A_235 : vector<16xf32>
        %mul3A_237 = arith.mulf %mul3A_226, %get3A_234 : vector<16xf32>
        %add3A_238 = arith.addf %add3A_225, %mul3A_237 : vector<16xf32>
        %mul3A_239 = arith.mulf %mul3A_149, %get3A_137 : vector<16xf32>
        %add3A_240 = arith.constant 28 : i32
        %add3A_241 = arith.addi %shift_right_arithmetic3A_123, %add3A_240 : i32
        %get3A_242 = arith.index_cast %add3A_241 : i32 to index
        %get3A_243 = arith.index_cast %mul3A_126 : i32 to index
        %get3A_244 = tpu.vector_load %arg13[%get3A_242, %get3A_243] {strides = array<i32>} : memref<32x128xf32, #tpu.memory_space<vmem>>, vector<16xf32>,
        %get3A_245 = arith.index_cast %add3A_241 : i32 to index
        %get3A_246 = arith.index_cast %mul3A_126 : i32 to index
        %get3A_247 = tpu.vector_load %arg14[%get3A_245, %get3A_246] {strides = array<i32>} : memref<32x128xf32, #tpu.memory_space<vmem>>, vector<16xf32>,
        %mul3A_248 = arith.mulf %mul3A_239, %get3A_244 : vector<16xf32>
        %add3A_249 = arith.addf %add3A_236, %mul3A_248 : vector<16xf32>
        %mul3A_250 = arith.mulf %mul3A_239, %get3A_247 : vector<16xf32>
        %add3A_251 = arith.addf %add3A_238, %mul3A_250 : vector<16xf32>
        %broadcast_in_dim3A = arith.constant 14 : i32
        %broadcast_in_dim3A_252 = vector.broadcast %broadcast_in_dim3A : i32 to vector<16xi32>
        tpu.vector_store_idx %arg16[%add3A_122, %broadcast_in_dim3A_252], %add3A_249 : memref<512x44xf32, #tpu.memory_space<vmem>>[vector<16xi32>, vector<16xi32>], vector<16xf32>,
        %broadcast_in_dim3A_253 = arith.constant 15 : i32
        %broadcast_in_dim3A_254 = vector.broadcast %broadcast_in_dim3A_253 : i32 to vector<16xi32>
        tpu.vector_store_idx %arg16[%add3A_122, %broadcast_in_dim3A_254], %add3A_251 : memref<512x44xf32, #tpu.memory_space<vmem>>[vector<16xi32>, vector<16xi32>], vector<16xf32>,
        %mul3A_255 = arith.constant 2 : i32
        %mul3A_256 = arith.muli %scan3A_113, %mul3A_255 : i32
        %add3A_257 = arith.constant 1 : i32
        %add3A_258 = arith.addi %mul3A_256, %add3A_257 : i32
        %mul3A_259 = arith.constant 16 : i32
        %mul3A_260 = arith.muli %add3A_258, %mul3A_259 : i32
        %add3A_261 = vector.broadcast %mul3A_260 : i32 to vector<16xi32>
        %add3A_262 = arith.addi %add3A_261, %iota3A : vector<16xi32>
        %shift_right_arithmetic3A_263 = arith.constant 3 : i32
        %shift_right_arithmetic3A_264 = arith.shrsi %add3A_258, %shift_right_arithmetic3A_263 : i32
        %and3A_265 = arith.constant 7 : i32
        %and3A_266 = arith.andi %add3A_258, %and3A_265 : i32
        %mul3A_267 = arith.constant 16 : i32
        %mul3A_268 = arith.muli %and3A_266, %mul3A_267 : i32
        %get3A_269 = arith.constant 0 : i32
        %get3A_270 = arith.index_cast %get3A_269 : i32 to index
        %get3A_271 = arith.index_cast %mul3A_260 : i32 to index
        %get3A_272 = tpu.vector_load %arg9[%get3A_270, %get3A_271] {strides = array<i32>} : memref<3x512xf32, #tpu.memory_space<vmem>>, vector<16xf32>,
        %get3A_273 = arith.constant 1 : i32
        %get3A_274 = arith.index_cast %get3A_273 : i32 to index
        %get3A_275 = arith.index_cast %mul3A_260 : i32 to index
        %get3A_276 = tpu.vector_load %arg9[%get3A_274, %get3A_275] {strides = array<i32>} : memref<3x512xf32, #tpu.memory_space<vmem>>, vector<16xf32>,
        %get3A_277 = arith.constant 2 : i32
        %get3A_278 = arith.index_cast %get3A_277 : i32 to index
        %get3A_279 = arith.index_cast %mul3A_260 : i32 to index
        %get3A_280 = tpu.vector_load %arg9[%get3A_278, %get3A_279] {strides = array<i32>} : memref<3x512xf32, #tpu.memory_space<vmem>>, vector<16xf32>,
        %sub3A_281 = arith.constant 1.000000e+00 : f32
        %sub3A_282 = vector.broadcast %sub3A_281 : f32 to vector<16xf32>
        %sub3A_283 = arith.subf %sub3A_282, %get3A_272 : vector<16xf32>
        %sub3A_284 = arith.constant 1.000000e+00 : f32
        %sub3A_285 = vector.broadcast %sub3A_284 : f32 to vector<16xf32>
        %sub3A_286 = arith.subf %sub3A_285, %get3A_276 : vector<16xf32>
        %sub3A_287 = arith.constant 1.000000e+00 : f32
        %sub3A_288 = vector.broadcast %sub3A_287 : f32 to vector<16xf32>
        %sub3A_289 = arith.subf %sub3A_288, %get3A_280 : vector<16xf32>
        %mul3A_290 = arith.mulf %sub3A_283, %sub3A_286 : vector<16xf32>
        %mul3A_291 = arith.mulf %get3A_272, %sub3A_286 : vector<16xf32>
        %mul3A_292 = arith.mulf %sub3A_283, %get3A_276 : vector<16xf32>
        %mul3A_293 = arith.mulf %get3A_272, %get3A_276 : vector<16xf32>
        %mul3A_294 = arith.mulf %mul3A_290, %sub3A_289 : vector<16xf32>
        %add3A_295 = arith.constant 0 : i32
        %add3A_296 = arith.addi %shift_right_arithmetic3A_264, %add3A_295 : i32
        %get3A_297 = arith.index_cast %add3A_296 : i32 to index
        %get3A_298 = arith.index_cast %mul3A_268 : i32 to index
        %get3A_299 = tpu.vector_load %arg13[%get3A_297, %get3A_298] {strides = array<i32>} : memref<32x128xf32, #tpu.memory_space<vmem>>, vector<16xf32>,
        %get3A_300 = arith.index_cast %add3A_296 : i32 to index
        %get3A_301 = arith.index_cast %mul3A_268 : i32 to index
        %get3A_302 = tpu.vector_load %arg14[%get3A_300, %get3A_301] {strides = array<i32>} : memref<32x128xf32, #tpu.memory_space<vmem>>, vector<16xf32>,
        %mul3A_303 = arith.mulf %mul3A_294, %get3A_299 : vector<16xf32>
        %mul3A_304 = arith.mulf %mul3A_294, %get3A_302 : vector<16xf32>
        %mul3A_305 = arith.mulf %mul3A_291, %sub3A_289 : vector<16xf32>
        %add3A_306 = arith.constant 4 : i32
        %add3A_307 = arith.addi %shift_right_arithmetic3A_264, %add3A_306 : i32
        %get3A_308 = arith.index_cast %add3A_307 : i32 to index
        %get3A_309 = arith.index_cast %mul3A_268 : i32 to index
        %get3A_310 = tpu.vector_load %arg13[%get3A_308, %get3A_309] {strides = array<i32>} : memref<32x128xf32, #tpu.memory_space<vmem>>, vector<16xf32>,
        %get3A_311 = arith.index_cast %add3A_307 : i32 to index
        %get3A_312 = arith.index_cast %mul3A_268 : i32 to index
        %get3A_313 = tpu.vector_load %arg14[%get3A_311, %get3A_312] {strides = array<i32>} : memref<32x128xf32, #tpu.memory_space<vmem>>, vector<16xf32>,
        %mul3A_314 = arith.mulf %mul3A_305, %get3A_310 : vector<16xf32>
        %add3A_315 = arith.addf %mul3A_303, %mul3A_314 : vector<16xf32>
        %mul3A_316 = arith.mulf %mul3A_305, %get3A_313 : vector<16xf32>
        %add3A_317 = arith.addf %mul3A_304, %mul3A_316 : vector<16xf32>
        %mul3A_318 = arith.mulf %mul3A_292, %sub3A_289 : vector<16xf32>
        %add3A_319 = arith.constant 8 : i32
        %add3A_320 = arith.addi %shift_right_arithmetic3A_264, %add3A_319 : i32
        %get3A_321 = arith.index_cast %add3A_320 : i32 to index
        %get3A_322 = arith.index_cast %mul3A_268 : i32 to index
        %get3A_323 = tpu.vector_load %arg13[%get3A_321, %get3A_322] {strides = array<i32>} : memref<32x128xf32, #tpu.memory_space<vmem>>, vector<16xf32>,
        %get3A_324 = arith.index_cast %add3A_320 : i32 to index
        %get3A_325 = arith.index_cast %mul3A_268 : i32 to index
        %get3A_326 = tpu.vector_load %arg14[%get3A_324, %get3A_325] {strides = array<i32>} : memref<32x128xf32, #tpu.memory_space<vmem>>, vector<16xf32>,
        %mul3A_327 = arith.mulf %mul3A_318, %get3A_323 : vector<16xf32>
        %add3A_328 = arith.addf %add3A_315, %mul3A_327 : vector<16xf32>
        %mul3A_329 = arith.mulf %mul3A_318, %get3A_326 : vector<16xf32>
        %add3A_330 = arith.addf %add3A_317, %mul3A_329 : vector<16xf32>
        %mul3A_331 = arith.mulf %mul3A_293, %sub3A_289 : vector<16xf32>
        %add3A_332 = arith.constant 12 : i32
        %add3A_333 = arith.addi %shift_right_arithmetic3A_264, %add3A_332 : i32
        %get3A_334 = arith.index_cast %add3A_333 : i32 to index
        %get3A_335 = arith.index_cast %mul3A_268 : i32 to index
        %get3A_336 = tpu.vector_load %arg13[%get3A_334, %get3A_335] {strides = array<i32>} : memref<32x128xf32, #tpu.memory_space<vmem>>, vector<16xf32>,
        %get3A_337 = arith.index_cast %add3A_333 : i32 to index
        %get3A_338 = arith.index_cast %mul3A_268 : i32 to index
        %get3A_339 = tpu.vector_load %arg14[%get3A_337, %get3A_338] {strides = array<i32>} : memref<32x128xf32, #tpu.memory_space<vmem>>, vector<16xf32>,
        %mul3A_340 = arith.mulf %mul3A_331, %get3A_336 : vector<16xf32>
        %add3A_341 = arith.addf %add3A_328, %mul3A_340 : vector<16xf32>
        %mul3A_342 = arith.mulf %mul3A_331, %get3A_339 : vector<16xf32>
        %add3A_343 = arith.addf %add3A_330, %mul3A_342 : vector<16xf32>
        %mul3A_344 = arith.mulf %mul3A_290, %get3A_280 : vector<16xf32>
        %add3A_345 = arith.constant 16 : i32
        %add3A_346 = arith.addi %shift_right_arithmetic3A_264, %add3A_345 : i32
        %get3A_347 = arith.index_cast %add3A_346 : i32 to index
        %get3A_348 = arith.index_cast %mul3A_268 : i32 to index
        %get3A_349 = tpu.vector_load %arg13[%get3A_347, %get3A_348] {strides = array<i32>} : memref<32x128xf32, #tpu.memory_space<vmem>>, vector<16xf32>,
        %get3A_350 = arith.index_cast %add3A_346 : i32 to index
        %get3A_351 = arith.index_cast %mul3A_268 : i32 to index
        %get3A_352 = tpu.vector_load %arg14[%get3A_350, %get3A_351] {strides = array<i32>} : memref<32x128xf32, #tpu.memory_space<vmem>>, vector<16xf32>,
        %mul3A_353 = arith.mulf %mul3A_344, %get3A_349 : vector<16xf32>
        %add3A_354 = arith.addf %add3A_341, %mul3A_353 : vector<16xf32>
        %mul3A_355 = arith.mulf %mul3A_344, %get3A_352 : vector<16xf32>
        %add3A_356 = arith.addf %add3A_343, %mul3A_355 : vector<16xf32>
        %mul3A_357 = arith.mulf %mul3A_291, %get3A_280 : vector<16xf32>
        %add3A_358 = arith.constant 20 : i32
        %add3A_359 = arith.addi %shift_right_arithmetic3A_264, %add3A_358 : i32
        %get3A_360 = arith.index_cast %add3A_359 : i32 to index
        %get3A_361 = arith.index_cast %mul3A_268 : i32 to index
        %get3A_362 = tpu.vector_load %arg13[%get3A_360, %get3A_361] {strides = array<i32>} : memref<32x128xf32, #tpu.memory_space<vmem>>, vector<16xf32>,
        %get3A_363 = arith.index_cast %add3A_359 : i32 to index
        %get3A_364 = arith.index_cast %mul3A_268 : i32 to index
        %get3A_365 = tpu.vector_load %arg14[%get3A_363, %get3A_364] {strides = array<i32>} : memref<32x128xf32, #tpu.memory_space<vmem>>, vector<16xf32>,
        %mul3A_366 = arith.mulf %mul3A_357, %get3A_362 : vector<16xf32>
        %add3A_367 = arith.addf %add3A_354, %mul3A_366 : vector<16xf32>
        %mul3A_368 = arith.mulf %mul3A_357, %get3A_365 : vector<16xf32>
        %add3A_369 = arith.addf %add3A_356, %mul3A_368 : vector<16xf32>
        %mul3A_370 = arith.mulf %mul3A_292, %get3A_280 : vector<16xf32>
        %add3A_371 = arith.constant 24 : i32
        %add3A_372 = arith.addi %shift_right_arithmetic3A_264, %add3A_371 : i32
        %get3A_373 = arith.index_cast %add3A_372 : i32 to index
        %get3A_374 = arith.index_cast %mul3A_268 : i32 to index
        %get3A_375 = tpu.vector_load %arg13[%get3A_373, %get3A_374] {strides = array<i32>} : memref<32x128xf32, #tpu.memory_space<vmem>>, vector<16xf32>,
        %get3A_376 = arith.index_cast %add3A_372 : i32 to index
        %get3A_377 = arith.index_cast %mul3A_268 : i32 to index
        %get3A_378 = tpu.vector_load %arg14[%get3A_376, %get3A_377] {strides = array<i32>} : memref<32x128xf32, #tpu.memory_space<vmem>>, vector<16xf32>,
        %mul3A_379 = arith.mulf %mul3A_370, %get3A_375 : vector<16xf32>
        %add3A_380 = arith.addf %add3A_367, %mul3A_379 : vector<16xf32>
        %mul3A_381 = arith.mulf %mul3A_370, %get3A_378 : vector<16xf32>
        %add3A_382 = arith.addf %add3A_369, %mul3A_381 : vector<16xf32>
        %mul3A_383 = arith.mulf %mul3A_293, %get3A_280 : vector<16xf32>
        %add3A_384 = arith.constant 28 : i32
        %add3A_385 = arith.addi %shift_right_arithmetic3A_264, %add3A_384 : i32
        %get3A_386 = arith.index_cast %add3A_385 : i32 to index
        %get3A_387 = arith.index_cast %mul3A_268 : i32 to index
        %get3A_388 = tpu.vector_load %arg13[%get3A_386, %get3A_387] {strides = array<i32>} : memref<32x128xf32, #tpu.memory_space<vmem>>, vector<16xf32>,
        %get3A_389 = arith.index_cast %add3A_385 : i32 to index
        %get3A_390 = arith.index_cast %mul3A_268 : i32 to index
        %get3A_391 = tpu.vector_load %arg14[%get3A_389, %get3A_390] {strides = array<i32>} : memref<32x128xf32, #tpu.memory_space<vmem>>, vector<16xf32>,
        %mul3A_392 = arith.mulf %mul3A_383, %get3A_388 : vector<16xf32>
        %add3A_393 = arith.addf %add3A_380, %mul3A_392 : vector<16xf32>
        %mul3A_394 = arith.mulf %mul3A_383, %get3A_391 : vector<16xf32>
        %add3A_395 = arith.addf %add3A_382, %mul3A_394 : vector<16xf32>
        %broadcast_in_dim3A_396 = arith.constant 14 : i32
        %broadcast_in_dim3A_397 = vector.broadcast %broadcast_in_dim3A_396 : i32 to vector<16xi32>
        tpu.vector_store_idx %arg16[%add3A_262, %broadcast_in_dim3A_397], %add3A_393 : memref<512x44xf32, #tpu.memory_space<vmem>>[vector<16xi32>, vector<16xi32>], vector<16xf32>,
        %broadcast_in_dim3A_398 = arith.constant 15 : i32
        %broadcast_in_dim3A_399 = vector.broadcast %broadcast_in_dim3A_398 : i32 to vector<16xi32>
        tpu.vector_store_idx %arg16[%add3A_262, %broadcast_in_dim3A_399], %add3A_395 : memref<512x44xf32, #tpu.memory_space<vmem>>[vector<16xi32>, vector<16xi32>], vector<16xf32>,
        %scan3A_400 = arith.constant 0 : i32
        scf.yield %scan3A_400 : i32
      }
      %scan3A_76 = arith.constant 16 : i32
      %scan3A_77 = arith.constant 0 : i32
      %scan3A_78 = arith.constant 0 : i32
      %scan3A_79 = arith.constant 16 : i32
      %scan3A_80 = arith.addi %scan3A_78, %scan3A_79 : i32
      %scan3A_81 = arith.constant 1 : i32
      %scan3A_82 = scf.for %scan3A_113 = %scan3A_78 to %scan3A_80 step %scan3A_81 iter_args(%scan3A_114 = %scan3A_77) -> (i32)  : i32 {
        %mul3A_115 = arith.constant 2 : i32
        %mul3A_116 = arith.muli %scan3A_113, %mul3A_115 : i32
        %add3A_117 = arith.constant 0 : i32
        %add3A_118 = arith.addi %mul3A_116, %add3A_117 : i32
        %mul3A_119 = arith.constant 16 : i32
        %mul3A_120 = arith.muli %add3A_118, %mul3A_119 : i32
        %get3A = arith.constant 0 : i32
        %get3A_121 = arith.index_cast %get3A : i32 to index
        %get3A_122 = arith.index_cast %mul3A_120 : i32 to index
        %get3A_123 = tpu.vector_load %arg8[%get3A_121, %get3A_122] {strides = array<i32>} : memref<3x512xf32, #tpu.memory_space<vmem>>, vector<16xf32>,
        %get3A_124 = arith.constant 1 : i32
        %get3A_125 = arith.index_cast %get3A_124 : i32 to index
        %get3A_126 = arith.index_cast %mul3A_120 : i32 to index
        %get3A_127 = tpu.vector_load %arg8[%get3A_125, %get3A_126] {strides = array<i32>} : memref<3x512xf32, #tpu.memory_space<vmem>>, vector<16xf32>,
        %get3A_128 = arith.constant 2 : i32
        %get3A_129 = arith.index_cast %get3A_128 : i32 to index
        %get3A_130 = arith.index_cast %mul3A_120 : i32 to index
        %get3A_131 = tpu.vector_load %arg8[%get3A_129, %get3A_130] {strides = array<i32>} : memref<3x512xf32, #tpu.memory_space<vmem>>, vector<16xf32>,
        %mul3A_132 = arith.constant 6.400000e+01 : f32
        %mul3A_133 = vector.broadcast %mul3A_132 : f32 to vector<16xf32>
        %mul3A_134 = arith.mulf %get3A_123, %mul3A_133 : vector<16xf32>
        %mul3A_135 = arith.constant 6.400000e+01 : f32
        %mul3A_136 = vector.broadcast %mul3A_135 : f32 to vector<16xf32>
        %mul3A_137 = arith.mulf %get3A_127, %mul3A_136 : vector<16xf32>
        %mul3A_138 = arith.constant 6.400000e+01 : f32
        %mul3A_139 = vector.broadcast %mul3A_138 : f32 to vector<16xf32>
        %mul3A_140 = arith.mulf %get3A_131, %mul3A_139 : vector<16xf32>
        %convert_element_type3A = arith.fptosi %mul3A_134 : vector<16xf32> to vector<16xi32>
        %convert_element_type3A_141 = arith.fptosi %mul3A_137 : vector<16xf32> to vector<16xi32>
        %convert_element_type3A_142 = arith.fptosi %mul3A_140 : vector<16xf32> to vector<16xi32>
        %convert_element_type3A_143 = arith.sitofp %convert_element_type3A : vector<16xi32> to vector<16xf32>
        %sub3A = arith.subf %mul3A_134, %convert_element_type3A_143 : vector<16xf32>
        %swap3A = arith.constant 0 : i32
        %swap3A_144 = arith.index_cast %swap3A : i32 to index
        %swap3A_145 = arith.index_cast %mul3A_120 : i32 to index
        %swap3A_146 = tpu.vector_load %arg9[%swap3A_144, %swap3A_145] {strides = array<i32>} : memref<3x512xf32, #tpu.memory_space<vmem>>, vector<16xf32>,
        tpu.vector_store %arg9[%swap3A_144, %swap3A_145], %sub3A {strides = array<i32>} : memref<3x512xf32, #tpu.memory_space<vmem>>, vector<16xf32>,
        %convert_element_type3A_147 = arith.sitofp %convert_element_type3A_141 : vector<16xi32> to vector<16xf32>
        %sub3A_148 = arith.subf %mul3A_137, %convert_element_type3A_147 : vector<16xf32>
        %swap3A_149 = arith.constant 1 : i32
        %swap3A_150 = arith.index_cast %swap3A_149 : i32 to index
        %swap3A_151 = arith.index_cast %mul3A_120 : i32 to index
        %swap3A_152 = tpu.vector_load %arg9[%swap3A_150, %swap3A_151] {strides = array<i32>} : memref<3x512xf32, #tpu.memory_space<vmem>>, vector<16xf32>,
        tpu.vector_store %arg9[%swap3A_150, %swap3A_151], %sub3A_148 {strides = array<i32>} : memref<3x512xf32, #tpu.memory_space<vmem>>, vector<16xf32>,
        %convert_element_type3A_153 = arith.sitofp %convert_element_type3A_142 : vector<16xi32> to vector<16xf32>
        %sub3A_154 = arith.subf %mul3A_140, %convert_element_type3A_153 : vector<16xf32>
        %swap3A_155 = arith.constant 2 : i32
        %swap3A_156 = arith.index_cast %swap3A_155 : i32 to index
        %swap3A_157 = arith.index_cast %mul3A_120 : i32 to index
        %swap3A_158 = tpu.vector_load %arg9[%swap3A_156, %swap3A_157] {strides = array<i32>} : memref<3x512xf32, #tpu.memory_space<vmem>>, vector<16xf32>,
        tpu.vector_store %arg9[%swap3A_156, %swap3A_157], %sub3A_154 {strides = array<i32>} : memref<3x512xf32, #tpu.memory_space<vmem>>, vector<16xf32>,
        %shift_right_arithmetic3A = arith.constant 3 : i32
        %shift_right_arithmetic3A_159 = arith.shrsi %add3A_118, %shift_right_arithmetic3A : i32
        %and3A = arith.constant 7 : i32
        %and3A_160 = arith.andi %add3A_118, %and3A : i32
        %mul3A_161 = arith.constant 16 : i32
        %mul3A_162 = arith.muli %and3A_160, %mul3A_161 : i32
        %mul3A_163 = arith.constant 4225 : i32
        %mul3A_164 = vector.broadcast %mul3A_163 : i32 to vector<16xi32>
        %mul3A_165 = arith.muli %convert_element_type3A, %mul3A_164 : vector<16xi32>
        %add3A_166 = arith.constant 4225 : i32
        %add3A_167 = vector.broadcast %add3A_166 : i32 to vector<16xi32>
        %add3A_168 = arith.addi %mul3A_165, %add3A_167 : vector<16xi32>
        %mul3A_169 = arith.constant 65 : i32
        %mul3A_170 = vector.broadcast %mul3A_169 : i32 to vector<16xi32>
        %mul3A_171 = arith.muli %convert_element_type3A_141, %mul3A_170 : vector<16xi32>
        %add3A_172 = arith.constant 65 : i32
        %add3A_173 = vector.broadcast %add3A_172 : i32 to vector<16xi32>
        %add3A_174 = arith.addi %mul3A_171, %add3A_173 : vector<16xi32>
        %add3A_175 = arith.constant 1048576 : i32
        %add3A_176 = vector.broadcast %add3A_175 : i32 to vector<16xi32>
        %add3A_177 = arith.addi %convert_element_type3A_142, %add3A_176 : vector<16xi32>
        %add3A_178 = arith.constant 1 : i32
        %add3A_179 = vector.broadcast %add3A_178 : i32 to vector<16xi32>
        %add3A_180 = arith.addi %add3A_177, %add3A_179 : vector<16xi32>
        %add3A_181 = arith.addi %mul3A_165, %mul3A_171 : vector<16xi32>
        %add3A_182 = arith.addi %add3A_181, %add3A_177 : vector<16xi32>
        %add3A_183 = arith.constant 0 : i32
        %add3A_184 = arith.addi %shift_right_arithmetic3A_159, %add3A_183 : i32
        %swap3A_185 = arith.index_cast %add3A_184 : i32 to index
        %swap3A_186 = arith.index_cast %mul3A_162 : i32 to index
        %swap3A_187 = tpu.vector_load %arg11[%swap3A_185, %swap3A_186] {strides = array<i32>} : memref<32x128xi32, #tpu.memory_space<vmem>>, vector<16xi32>,
        tpu.vector_store %arg11[%swap3A_185, %swap3A_186], %add3A_182 {strides = array<i32>} : memref<32x128xi32, #tpu.memory_space<vmem>>, vector<16xi32>,
        %add3A_188 = arith.addi %add3A_168, %mul3A_171 : vector<16xi32>
        %add3A_189 = arith.addi %add3A_188, %add3A_177 : vector<16xi32>
        %add3A_190 = arith.constant 4 : i32
        %add3A_191 = arith.addi %shift_right_arithmetic3A_159, %add3A_190 : i32
        %swap3A_192 = arith.index_cast %add3A_191 : i32 to index
        %swap3A_193 = arith.index_cast %mul3A_162 : i32 to index
        %swap3A_194 = tpu.vector_load %arg11[%swap3A_192, %swap3A_193] {strides = array<i32>} : memref<32x128xi32, #tpu.memory_space<vmem>>, vector<16xi32>,
        tpu.vector_store %arg11[%swap3A_192, %swap3A_193], %add3A_189 {strides = array<i32>} : memref<32x128xi32, #tpu.memory_space<vmem>>, vector<16xi32>,
        %add3A_195 = arith.addi %mul3A_165, %add3A_174 : vector<16xi32>
        %add3A_196 = arith.addi %add3A_195, %add3A_177 : vector<16xi32>
        %add3A_197 = arith.constant 8 : i32
        %add3A_198 = arith.addi %shift_right_arithmetic3A_159, %add3A_197 : i32
        %swap3A_199 = arith.index_cast %add3A_198 : i32 to index
        %swap3A_200 = arith.index_cast %mul3A_162 : i32 to index
        %swap3A_201 = tpu.vector_load %arg11[%swap3A_199, %swap3A_200] {strides = array<i32>} : memref<32x128xi32, #tpu.memory_space<vmem>>, vector<16xi32>,
        tpu.vector_store %arg11[%swap3A_199, %swap3A_200], %add3A_196 {strides = array<i32>} : memref<32x128xi32, #tpu.memory_space<vmem>>, vector<16xi32>,
        %add3A_202 = arith.addi %add3A_168, %add3A_174 : vector<16xi32>
        %add3A_203 = arith.addi %add3A_202, %add3A_177 : vector<16xi32>
        %add3A_204 = arith.constant 12 : i32
        %add3A_205 = arith.addi %shift_right_arithmetic3A_159, %add3A_204 : i32
        %swap3A_206 = arith.index_cast %add3A_205 : i32 to index
        %swap3A_207 = arith.index_cast %mul3A_162 : i32 to index
        %swap3A_208 = tpu.vector_load %arg11[%swap3A_206, %swap3A_207] {strides = array<i32>} : memref<32x128xi32, #tpu.memory_space<vmem>>, vector<16xi32>,
        tpu.vector_store %arg11[%swap3A_206, %swap3A_207], %add3A_203 {strides = array<i32>} : memref<32x128xi32, #tpu.memory_space<vmem>>, vector<16xi32>,
        %add3A_209 = arith.addi %mul3A_165, %mul3A_171 : vector<16xi32>
        %add3A_210 = arith.addi %add3A_209, %add3A_180 : vector<16xi32>
        %add3A_211 = arith.constant 16 : i32
        %add3A_212 = arith.addi %shift_right_arithmetic3A_159, %add3A_211 : i32
        %swap3A_213 = arith.index_cast %add3A_212 : i32 to index
        %swap3A_214 = arith.index_cast %mul3A_162 : i32 to index
        %swap3A_215 = tpu.vector_load %arg11[%swap3A_213, %swap3A_214] {strides = array<i32>} : memref<32x128xi32, #tpu.memory_space<vmem>>, vector<16xi32>,
        tpu.vector_store %arg11[%swap3A_213, %swap3A_214], %add3A_210 {strides = array<i32>} : memref<32x128xi32, #tpu.memory_space<vmem>>, vector<16xi32>,
        %add3A_216 = arith.addi %add3A_168, %mul3A_171 : vector<16xi32>
        %add3A_217 = arith.addi %add3A_216, %add3A_180 : vector<16xi32>
        %add3A_218 = arith.constant 20 : i32
        %add3A_219 = arith.addi %shift_right_arithmetic3A_159, %add3A_218 : i32
        %swap3A_220 = arith.index_cast %add3A_219 : i32 to index
        %swap3A_221 = arith.index_cast %mul3A_162 : i32 to index
        %swap3A_222 = tpu.vector_load %arg11[%swap3A_220, %swap3A_221] {strides = array<i32>} : memref<32x128xi32, #tpu.memory_space<vmem>>, vector<16xi32>,
        tpu.vector_store %arg11[%swap3A_220, %swap3A_221], %add3A_217 {strides = array<i32>} : memref<32x128xi32, #tpu.memory_space<vmem>>, vector<16xi32>,
        %add3A_223 = arith.addi %mul3A_165, %add3A_174 : vector<16xi32>
        %add3A_224 = arith.addi %add3A_223, %add3A_180 : vector<16xi32>
        %add3A_225 = arith.constant 24 : i32
        %add3A_226 = arith.addi %shift_right_arithmetic3A_159, %add3A_225 : i32
        %swap3A_227 = arith.index_cast %add3A_226 : i32 to index
        %swap3A_228 = arith.index_cast %mul3A_162 : i32 to index
        %swap3A_229 = tpu.vector_load %arg11[%swap3A_227, %swap3A_228] {strides = array<i32>} : memref<32x128xi32, #tpu.memory_space<vmem>>, vector<16xi32>,
        tpu.vector_store %arg11[%swap3A_227, %swap3A_228], %add3A_224 {strides = array<i32>} : memref<32x128xi32, #tpu.memory_space<vmem>>, vector<16xi32>,
        %add3A_230 = arith.addi %add3A_168, %add3A_174 : vector<16xi32>
        %add3A_231 = arith.addi %add3A_230, %add3A_180 : vector<16xi32>
        %add3A_232 = arith.constant 28 : i32
        %add3A_233 = arith.addi %shift_right_arithmetic3A_159, %add3A_232 : i32
        %swap3A_234 = arith.index_cast %add3A_233 : i32 to index
        %swap3A_235 = arith.index_cast %mul3A_162 : i32 to index
        %swap3A_236 = tpu.vector_load %arg11[%swap3A_234, %swap3A_235] {strides = array<i32>} : memref<32x128xi32, #tpu.memory_space<vmem>>, vector<16xi32>,
        tpu.vector_store %arg11[%swap3A_234, %swap3A_235], %add3A_231 {strides = array<i32>} : memref<32x128xi32, #tpu.memory_space<vmem>>, vector<16xi32>,
        %mul3A_237 = arith.constant 2 : i32
        %mul3A_238 = arith.muli %scan3A_113, %mul3A_237 : i32
        %add3A_239 = arith.constant 1 : i32
        %add3A_240 = arith.addi %mul3A_238, %add3A_239 : i32
        %mul3A_241 = arith.constant 16 : i32
        %mul3A_242 = arith.muli %add3A_240, %mul3A_241 : i32
        %get3A_243 = arith.constant 0 : i32
        %get3A_244 = arith.index_cast %get3A_243 : i32 to index
        %get3A_245 = arith.index_cast %mul3A_242 : i32 to index
        %get3A_246 = tpu.vector_load %arg8[%get3A_244, %get3A_245] {strides = array<i32>} : memref<3x512xf32, #tpu.memory_space<vmem>>, vector<16xf32>,
        %get3A_247 = arith.constant 1 : i32
        %get3A_248 = arith.index_cast %get3A_247 : i32 to index
        %get3A_249 = arith.index_cast %mul3A_242 : i32 to index
        %get3A_250 = tpu.vector_load %arg8[%get3A_248, %get3A_249] {strides = array<i32>} : memref<3x512xf32, #tpu.memory_space<vmem>>, vector<16xf32>,
        %get3A_251 = arith.constant 2 : i32
        %get3A_252 = arith.index_cast %get3A_251 : i32 to index
        %get3A_253 = arith.index_cast %mul3A_242 : i32 to index
        %get3A_254 = tpu.vector_load %arg8[%get3A_252, %get3A_253] {strides = array<i32>} : memref<3x512xf32, #tpu.memory_space<vmem>>, vector<16xf32>,
        %mul3A_255 = arith.constant 6.400000e+01 : f32
        %mul3A_256 = vector.broadcast %mul3A_255 : f32 to vector<16xf32>
        %mul3A_257 = arith.mulf %get3A_246, %mul3A_256 : vector<16xf32>
        %mul3A_258 = arith.constant 6.400000e+01 : f32
        %mul3A_259 = vector.broadcast %mul3A_258 : f32 to vector<16xf32>
        %mul3A_260 = arith.mulf %get3A_250, %mul3A_259 : vector<16xf32>
        %mul3A_261 = arith.constant 6.400000e+01 : f32
        %mul3A_262 = vector.broadcast %mul3A_261 : f32 to vector<16xf32>
        %mul3A_263 = arith.mulf %get3A_254, %mul3A_262 : vector<16xf32>
        %convert_element_type3A_264 = arith.fptosi %mul3A_257 : vector<16xf32> to vector<16xi32>
        %convert_element_type3A_265 = arith.fptosi %mul3A_260 : vector<16xf32> to vector<16xi32>
        %convert_element_type3A_266 = arith.fptosi %mul3A_263 : vector<16xf32> to vector<16xi32>
        %convert_element_type3A_267 = arith.sitofp %convert_element_type3A_264 : vector<16xi32> to vector<16xf32>
        %sub3A_268 = arith.subf %mul3A_257, %convert_element_type3A_267 : vector<16xf32>
        %swap3A_269 = arith.constant 0 : i32
        %swap3A_270 = arith.index_cast %swap3A_269 : i32 to index
        %swap3A_271 = arith.index_cast %mul3A_242 : i32 to index
        %swap3A_272 = tpu.vector_load %arg9[%swap3A_270, %swap3A_271] {strides = array<i32>} : memref<3x512xf32, #tpu.memory_space<vmem>>, vector<16xf32>,
        tpu.vector_store %arg9[%swap3A_270, %swap3A_271], %sub3A_268 {strides = array<i32>} : memref<3x512xf32, #tpu.memory_space<vmem>>, vector<16xf32>,
        %convert_element_type3A_273 = arith.sitofp %convert_element_type3A_265 : vector<16xi32> to vector<16xf32>
        %sub3A_274 = arith.subf %mul3A_260, %convert_element_type3A_273 : vector<16xf32>
        %swap3A_275 = arith.constant 1 : i32
        %swap3A_276 = arith.index_cast %swap3A_275 : i32 to index
        %swap3A_277 = arith.index_cast %mul3A_242 : i32 to index
        %swap3A_278 = tpu.vector_load %arg9[%swap3A_276, %swap3A_277] {strides = array<i32>} : memref<3x512xf32, #tpu.memory_space<vmem>>, vector<16xf32>,
        tpu.vector_store %arg9[%swap3A_276, %swap3A_277], %sub3A_274 {strides = array<i32>} : memref<3x512xf32, #tpu.memory_space<vmem>>, vector<16xf32>,
        %convert_element_type3A_279 = arith.sitofp %convert_element_type3A_266 : vector<16xi32> to vector<16xf32>
        %sub3A_280 = arith.subf %mul3A_263, %convert_element_type3A_279 : vector<16xf32>
        %swap3A_281 = arith.constant 2 : i32
        %swap3A_282 = arith.index_cast %swap3A_281 : i32 to index
        %swap3A_283 = arith.index_cast %mul3A_242 : i32 to index
        %swap3A_284 = tpu.vector_load %arg9[%swap3A_282, %swap3A_283] {strides = array<i32>} : memref<3x512xf32, #tpu.memory_space<vmem>>, vector<16xf32>,
        tpu.vector_store %arg9[%swap3A_282, %swap3A_283], %sub3A_280 {strides = array<i32>} : memref<3x512xf32, #tpu.memory_space<vmem>>, vector<16xf32>,
        %shift_right_arithmetic3A_285 = arith.constant 3 : i32
        %shift_right_arithmetic3A_286 = arith.shrsi %add3A_240, %shift_right_arithmetic3A_285 : i32
        %and3A_287 = arith.constant 7 : i32
        %and3A_288 = arith.andi %add3A_240, %and3A_287 : i32
        %mul3A_289 = arith.constant 16 : i32
        %mul3A_290 = arith.muli %and3A_288, %mul3A_289 : i32
        %mul3A_291 = arith.constant 4225 : i32
        %mul3A_292 = vector.broadcast %mul3A_291 : i32 to vector<16xi32>
        %mul3A_293 = arith.muli %convert_element_type3A_264, %mul3A_292 : vector<16xi32>
        %add3A_294 = arith.constant 4225 : i32
        %add3A_295 = vector.broadcast %add3A_294 : i32 to vector<16xi32>
        %add3A_296 = arith.addi %mul3A_293, %add3A_295 : vector<16xi32>
        %mul3A_297 = arith.constant 65 : i32
        %mul3A_298 = vector.broadcast %mul3A_297 : i32 to vector<16xi32>
        %mul3A_299 = arith.muli %convert_element_type3A_265, %mul3A_298 : vector<16xi32>
        %add3A_300 = arith.constant 65 : i32
        %add3A_301 = vector.broadcast %add3A_300 : i32 to vector<16xi32>
        %add3A_302 = arith.addi %mul3A_299, %add3A_301 : vector<16xi32>
        %add3A_303 = arith.constant 1048576 : i32
        %add3A_304 = vector.broadcast %add3A_303 : i32 to vector<16xi32>
        %add3A_305 = arith.addi %convert_element_type3A_266, %add3A_304 : vector<16xi32>
        %add3A_306 = arith.constant 1 : i32
        %add3A_307 = vector.broadcast %add3A_306 : i32 to vector<16xi32>
        %add3A_308 = arith.addi %add3A_305, %add3A_307 : vector<16xi32>
        %add3A_309 = arith.addi %mul3A_293, %mul3A_299 : vector<16xi32>
        %add3A_310 = arith.addi %add3A_309, %add3A_305 : vector<16xi32>
        %add3A_311 = arith.constant 0 : i32
        %add3A_312 = arith.addi %shift_right_arithmetic3A_286, %add3A_311 : i32
        %swap3A_313 = arith.index_cast %add3A_312 : i32 to index
        %swap3A_314 = arith.index_cast %mul3A_290 : i32 to index
        %swap3A_315 = tpu.vector_load %arg11[%swap3A_313, %swap3A_314] {strides = array<i32>} : memref<32x128xi32, #tpu.memory_space<vmem>>, vector<16xi32>,
        tpu.vector_store %arg11[%swap3A_313, %swap3A_314], %add3A_310 {strides = array<i32>} : memref<32x128xi32, #tpu.memory_space<vmem>>, vector<16xi32>,
        %add3A_316 = arith.addi %add3A_296, %mul3A_299 : vector<16xi32>
        %add3A_317 = arith.addi %add3A_316, %add3A_305 : vector<16xi32>
        %add3A_318 = arith.constant 4 : i32
        %add3A_319 = arith.addi %shift_right_arithmetic3A_286, %add3A_318 : i32
        %swap3A_320 = arith.index_cast %add3A_319 : i32 to index
        %swap3A_321 = arith.index_cast %mul3A_290 : i32 to index
        %swap3A_322 = tpu.vector_load %arg11[%swap3A_320, %swap3A_321] {strides = array<i32>} : memref<32x128xi32, #tpu.memory_space<vmem>>, vector<16xi32>,
        tpu.vector_store %arg11[%swap3A_320, %swap3A_321], %add3A_317 {strides = array<i32>} : memref<32x128xi32, #tpu.memory_space<vmem>>, vector<16xi32>,
        %add3A_323 = arith.addi %mul3A_293, %add3A_302 : vector<16xi32>
        %add3A_324 = arith.addi %add3A_323, %add3A_305 : vector<16xi32>
        %add3A_325 = arith.constant 8 : i32
        %add3A_326 = arith.addi %shift_right_arithmetic3A_286, %add3A_325 : i32
        %swap3A_327 = arith.index_cast %add3A_326 : i32 to index
        %swap3A_328 = arith.index_cast %mul3A_290 : i32 to index
        %swap3A_329 = tpu.vector_load %arg11[%swap3A_327, %swap3A_328] {strides = array<i32>} : memref<32x128xi32, #tpu.memory_space<vmem>>, vector<16xi32>,
        tpu.vector_store %arg11[%swap3A_327, %swap3A_328], %add3A_324 {strides = array<i32>} : memref<32x128xi32, #tpu.memory_space<vmem>>, vector<16xi32>,
        %add3A_330 = arith.addi %add3A_296, %add3A_302 : vector<16xi32>
        %add3A_331 = arith.addi %add3A_330, %add3A_305 : vector<16xi32>
        %add3A_332 = arith.constant 12 : i32
        %add3A_333 = arith.addi %shift_right_arithmetic3A_286, %add3A_332 : i32
        %swap3A_334 = arith.index_cast %add3A_333 : i32 to index
        %swap3A_335 = arith.index_cast %mul3A_290 : i32 to index
        %swap3A_336 = tpu.vector_load %arg11[%swap3A_334, %swap3A_335] {strides = array<i32>} : memref<32x128xi32, #tpu.memory_space<vmem>>, vector<16xi32>,
        tpu.vector_store %arg11[%swap3A_334, %swap3A_335], %add3A_331 {strides = array<i32>} : memref<32x128xi32, #tpu.memory_space<vmem>>, vector<16xi32>,
        %add3A_337 = arith.addi %mul3A_293, %mul3A_299 : vector<16xi32>
        %add3A_338 = arith.addi %add3A_337, %add3A_308 : vector<16xi32>
        %add3A_339 = arith.constant 16 : i32
        %add3A_340 = arith.addi %shift_right_arithmetic3A_286, %add3A_339 : i32
        %swap3A_341 = arith.index_cast %add3A_340 : i32 to index
        %swap3A_342 = arith.index_cast %mul3A_290 : i32 to index
        %swap3A_343 = tpu.vector_load %arg11[%swap3A_341, %swap3A_342] {strides = array<i32>} : memref<32x128xi32, #tpu.memory_space<vmem>>, vector<16xi32>,
        tpu.vector_store %arg11[%swap3A_341, %swap3A_342], %add3A_338 {strides = array<i32>} : memref<32x128xi32, #tpu.memory_space<vmem>>, vector<16xi32>,
        %add3A_344 = arith.addi %add3A_296, %mul3A_299 : vector<16xi32>
        %add3A_345 = arith.addi %add3A_344, %add3A_308 : vector<16xi32>
        %add3A_346 = arith.constant 20 : i32
        %add3A_347 = arith.addi %shift_right_arithmetic3A_286, %add3A_346 : i32
        %swap3A_348 = arith.index_cast %add3A_347 : i32 to index
        %swap3A_349 = arith.index_cast %mul3A_290 : i32 to index
        %swap3A_350 = tpu.vector_load %arg11[%swap3A_348, %swap3A_349] {strides = array<i32>} : memref<32x128xi32, #tpu.memory_space<vmem>>, vector<16xi32>,
        tpu.vector_store %arg11[%swap3A_348, %swap3A_349], %add3A_345 {strides = array<i32>} : memref<32x128xi32, #tpu.memory_space<vmem>>, vector<16xi32>,
        %add3A_351 = arith.addi %mul3A_293, %add3A_302 : vector<16xi32>
        %add3A_352 = arith.addi %add3A_351, %add3A_308 : vector<16xi32>
        %add3A_353 = arith.constant 24 : i32
        %add3A_354 = arith.addi %shift_right_arithmetic3A_286, %add3A_353 : i32
        %swap3A_355 = arith.index_cast %add3A_354 : i32 to index
        %swap3A_356 = arith.index_cast %mul3A_290 : i32 to index
        %swap3A_357 = tpu.vector_load %arg11[%swap3A_355, %swap3A_356] {strides = array<i32>} : memref<32x128xi32, #tpu.memory_space<vmem>>, vector<16xi32>,
        tpu.vector_store %arg11[%swap3A_355, %swap3A_356], %add3A_352 {strides = array<i32>} : memref<32x128xi32, #tpu.memory_space<vmem>>, vector<16xi32>,
        %add3A_358 = arith.addi %add3A_296, %add3A_302 : vector<16xi32>
        %add3A_359 = arith.addi %add3A_358, %add3A_308 : vector<16xi32>
        %add3A_360 = arith.constant 28 : i32
        %add3A_361 = arith.addi %shift_right_arithmetic3A_286, %add3A_360 : i32
        %swap3A_362 = arith.index_cast %add3A_361 : i32 to index
        %swap3A_363 = arith.index_cast %mul3A_290 : i32 to index
        %swap3A_364 = tpu.vector_load %arg11[%swap3A_362, %swap3A_363] {strides = array<i32>} : memref<32x128xi32, #tpu.memory_space<vmem>>, vector<16xi32>,
        tpu.vector_store %arg11[%swap3A_362, %swap3A_363], %add3A_359 {strides = array<i32>} : memref<32x128xi32, #tpu.memory_space<vmem>>, vector<16xi32>,
        %scan3A_365 = arith.constant 0 : i32
        scf.yield %scan3A_365 : i32
      }
      %scan3A_83 = arith.constant 16 : i32
      %scan3A_84 = arith.constant 0 : i32
      %scan3A_85 = arith.constant 0 : i32
      %scan3A_86 = arith.constant 32 : i32
      %scan3A_87 = arith.addi %scan3A_85, %scan3A_86 : i32
      %scan3A_88 = arith.constant 1 : i32
      %scan3A_89 = scf.for %scan3A_113 = %scan3A_85 to %scan3A_87 step %scan3A_88 iter_args(%scan3A_114 = %scan3A_84) -> (i32)  : i32 {
        %dma_start3A = arith.constant 0 : i32
        %dma_start3A_115 = tpu.memref_slice %arg13[%scan3A_113, %dma_start3A] : memref<32x128xf32, #tpu.memory_space<vmem>> -> memref<1x128xf32, #tpu.memory_space<vmem>>
        %dma_start3A_116 = tpu.memref_squeeze %dma_start3A_115 : memref<1x128xf32, #tpu.memory_space<vmem>> -> memref<128xf32, #tpu.memory_space<vmem>>
        %dma_start3A_117 = arith.constant 0 : i32
        %dma_start3A_118 = tpu.memref_slice %arg11[%scan3A_113, %dma_start3A_117] : memref<32x128xi32, #tpu.memory_space<vmem>> -> memref<1x128xi32, #tpu.memory_space<vmem>>
        %dma_start3A_119 = tpu.memref_squeeze %dma_start3A_118 : memref<1x128xi32, #tpu.memory_space<vmem>> -> memref<128xi32, #tpu.memory_space<vmem>>
        %dma_start3A_120 = arith.constant 0 : i32
        %dma_start3A_121 = tpu.memref_slice %arg4[%dma_start3A_120] : memref<8388608xf32, #tpu.memory_space<hbm>> -> memref<8388608xf32, #tpu.memory_space<hbm>>
        tpu.enqueue_indirect_dma source(%dma_start3A_121 : memref<8388608xf32, #tpu.memory_space<hbm>>) target(%dma_start3A_116 : memref<128xf32, #tpu.memory_space<vmem>>) offsets(%dma_start3A_119 : memref<128xi32, #tpu.memory_space<vmem>>) semaphore(%arg17 : memref<!tpu.dma_semaphore, #tpu.memory_space<semaphore_mem>>)
        %dma_start3A_122 = arith.constant 0 : i32
        %dma_start3A_123 = tpu.memref_slice %arg14[%scan3A_113, %dma_start3A_122] : memref<32x128xf32, #tpu.memory_space<vmem>> -> memref<1x128xf32, #tpu.memory_space<vmem>>
        %dma_start3A_124 = tpu.memref_squeeze %dma_start3A_123 : memref<1x128xf32, #tpu.memory_space<vmem>> -> memref<128xf32, #tpu.memory_space<vmem>>
        %dma_start3A_125 = arith.constant 0 : i32
        %dma_start3A_126 = tpu.memref_slice %arg11[%scan3A_113, %dma_start3A_125] : memref<32x128xi32, #tpu.memory_space<vmem>> -> memref<1x128xi32, #tpu.memory_space<vmem>>
        %dma_start3A_127 = tpu.memref_squeeze %dma_start3A_126 : memref<1x128xi32, #tpu.memory_space<vmem>> -> memref<128xi32, #tpu.memory_space<vmem>>
        %dma_start3A_128 = arith.constant 0 : i32
        %dma_start3A_129 = tpu.memref_slice %arg5[%dma_start3A_128] : memref<8388608xf32, #tpu.memory_space<hbm>> -> memref<8388608xf32, #tpu.memory_space<hbm>>
        tpu.enqueue_indirect_dma source(%dma_start3A_129 : memref<8388608xf32, #tpu.memory_space<hbm>>) target(%dma_start3A_124 : memref<128xf32, #tpu.memory_space<vmem>>) offsets(%dma_start3A_127 : memref<128xi32, #tpu.memory_space<vmem>>) semaphore(%arg17 : memref<!tpu.dma_semaphore, #tpu.memory_space<semaphore_mem>>)
        %scan3A_130 = arith.constant 0 : i32
        scf.yield %scan3A_130 : i32
      }
      %scan3A_90 = arith.constant 32 : i32
      %scan3A_91 = arith.constant 0 : i32
      %scan3A_92 = arith.constant 0 : i32
      %scan3A_93 = arith.constant 32 : i32
      %scan3A_94 = arith.addi %scan3A_92, %scan3A_93 : i32
      %scan3A_95 = arith.constant 1 : i32
      %scan3A_96 = scf.for %scan3A_113 = %scan3A_92 to %scan3A_94 step %scan3A_95 iter_args(%scan3A_114 = %scan3A_91) -> (i32)  : i32 {
        %dma_wait3A = arith.constant 0 : i32
        %dma_wait3A_115 = tpu.memref_slice %arg13[%scan3A_113, %dma_wait3A] : memref<32x128xf32, #tpu.memory_space<vmem>> -> memref<1x128xf32, #tpu.memory_space<vmem>>
        %dma_wait3A_116 = tpu.memref_squeeze %dma_wait3A_115 : memref<1x128xf32, #tpu.memory_space<vmem>> -> memref<128xf32, #tpu.memory_space<vmem>>
        %dma_wait3A_117 = arith.constant 0 : i32
        %dma_wait3A_118 = tpu.memref_slice %arg11[%scan3A_113, %dma_wait3A_117] : memref<32x128xi32, #tpu.memory_space<vmem>> -> memref<1x128xi32, #tpu.memory_space<vmem>>
        %dma_wait3A_119 = tpu.memref_squeeze %dma_wait3A_118 : memref<1x128xi32, #tpu.memory_space<vmem>> -> memref<128xi32, #tpu.memory_space<vmem>>
        %dma_wait3A_120 = arith.constant 0 : i32
        %dma_wait3A_121 = tpu.memref_slice %arg4[%dma_wait3A_120] : memref<8388608xf32, #tpu.memory_space<hbm>> -> memref<8388608xf32, #tpu.memory_space<hbm>>
        tpu.wait_indirect_dma semaphore(%arg17 : memref<!tpu.dma_semaphore, #tpu.memory_space<semaphore_mem>>) src(%dma_wait3A_121 : memref<8388608xf32, #tpu.memory_space<hbm>>) dst(%dma_wait3A_116 : memref<128xf32, #tpu.memory_space<vmem>>)
        %dma_wait3A_122 = arith.constant 0 : i32
        %dma_wait3A_123 = tpu.memref_slice %arg14[%scan3A_113, %dma_wait3A_122] : memref<32x128xf32, #tpu.memory_space<vmem>> -> memref<1x128xf32, #tpu.memory_space<vmem>>
        %dma_wait3A_124 = tpu.memref_squeeze %dma_wait3A_123 : memref<1x128xf32, #tpu.memory_space<vmem>> -> memref<128xf32, #tpu.memory_space<vmem>>
        %dma_wait3A_125 = arith.constant 0 : i32
        %dma_wait3A_126 = tpu.memref_slice %arg11[%scan3A_113, %dma_wait3A_125] : memref<32x128xi32, #tpu.memory_space<vmem>> -> memref<1x128xi32, #tpu.memory_space<vmem>>
        %dma_wait3A_127 = tpu.memref_squeeze %dma_wait3A_126 : memref<1x128xi32, #tpu.memory_space<vmem>> -> memref<128xi32, #tpu.memory_space<vmem>>
        %dma_wait3A_128 = arith.constant 0 : i32
        %dma_wait3A_129 = tpu.memref_slice %arg5[%dma_wait3A_128] : memref<8388608xf32, #tpu.memory_space<hbm>> -> memref<8388608xf32, #tpu.memory_space<hbm>>
        tpu.wait_indirect_dma semaphore(%arg17 : memref<!tpu.dma_semaphore, #tpu.memory_space<semaphore_mem>>) src(%dma_wait3A_129 : memref<8388608xf32, #tpu.memory_space<hbm>>) dst(%dma_wait3A_124 : memref<128xf32, #tpu.memory_space<vmem>>)
        %scan3A_130 = arith.constant 0 : i32
        scf.yield %scan3A_130 : i32
      }
      %scan3A_97 = arith.constant 32 : i32
      %scan3A_98 = arith.constant 0 : i32
      %scan3A_99 = arith.constant 0 : i32
      %scan3A_100 = arith.constant 16 : i32
      %scan3A_101 = arith.addi %scan3A_99, %scan3A_100 : i32
      %scan3A_102 = arith.constant 1 : i32
      %scan3A_103 = scf.for %scan3A_113 = %scan3A_99 to %scan3A_101 step %scan3A_102 iter_args(%scan3A_114 = %scan3A_98) -> (i32)  : i32 {
        %mul3A_115 = arith.constant 2 : i32
        %mul3A_116 = arith.muli %scan3A_113, %mul3A_115 : i32
        %add3A_117 = arith.constant 0 : i32
        %add3A_118 = arith.addi %mul3A_116, %add3A_117 : i32
        %mul3A_119 = arith.constant 16 : i32
        %mul3A_120 = arith.muli %add3A_118, %mul3A_119 : i32
        %add3A_121 = vector.broadcast %mul3A_120 : i32 to vector<16xi32>
        %add3A_122 = arith.addi %add3A_121, %iota3A : vector<16xi32>
        %shift_right_arithmetic3A = arith.constant 3 : i32
        %shift_right_arithmetic3A_123 = arith.shrsi %add3A_118, %shift_right_arithmetic3A : i32
        %and3A = arith.constant 7 : i32
        %and3A_124 = arith.andi %add3A_118, %and3A : i32
        %mul3A_125 = arith.constant 16 : i32
        %mul3A_126 = arith.muli %and3A_124, %mul3A_125 : i32
        %get3A = arith.constant 0 : i32
        %get3A_127 = arith.index_cast %get3A : i32 to index
        %get3A_128 = arith.index_cast %mul3A_120 : i32 to index
        %get3A_129 = tpu.vector_load %arg9[%get3A_127, %get3A_128] {strides = array<i32>} : memref<3x512xf32, #tpu.memory_space<vmem>>, vector<16xf32>,
        %get3A_130 = arith.constant 1 : i32
        %get3A_131 = arith.index_cast %get3A_130 : i32 to index
        %get3A_132 = arith.index_cast %mul3A_120 : i32 to index
        %get3A_133 = tpu.vector_load %arg9[%get3A_131, %get3A_132] {strides = array<i32>} : memref<3x512xf32, #tpu.memory_space<vmem>>, vector<16xf32>,
        %get3A_134 = arith.constant 2 : i32
        %get3A_135 = arith.index_cast %get3A_134 : i32 to index
        %get3A_136 = arith.index_cast %mul3A_120 : i32 to index
        %get3A_137 = tpu.vector_load %arg9[%get3A_135, %get3A_136] {strides = array<i32>} : memref<3x512xf32, #tpu.memory_space<vmem>>, vector<16xf32>,
        %sub3A = arith.constant 1.000000e+00 : f32
        %sub3A_138 = vector.broadcast %sub3A : f32 to vector<16xf32>
        %sub3A_139 = arith.subf %sub3A_138, %get3A_129 : vector<16xf32>
        %sub3A_140 = arith.constant 1.000000e+00 : f32
        %sub3A_141 = vector.broadcast %sub3A_140 : f32 to vector<16xf32>
        %sub3A_142 = arith.subf %sub3A_141, %get3A_133 : vector<16xf32>
        %sub3A_143 = arith.constant 1.000000e+00 : f32
        %sub3A_144 = vector.broadcast %sub3A_143 : f32 to vector<16xf32>
        %sub3A_145 = arith.subf %sub3A_144, %get3A_137 : vector<16xf32>
        %mul3A_146 = arith.mulf %sub3A_139, %sub3A_142 : vector<16xf32>
        %mul3A_147 = arith.mulf %get3A_129, %sub3A_142 : vector<16xf32>
        %mul3A_148 = arith.mulf %sub3A_139, %get3A_133 : vector<16xf32>
        %mul3A_149 = arith.mulf %get3A_129, %get3A_133 : vector<16xf32>
        %mul3A_150 = arith.mulf %mul3A_146, %sub3A_145 : vector<16xf32>
        %add3A_151 = arith.constant 0 : i32
        %add3A_152 = arith.addi %shift_right_arithmetic3A_123, %add3A_151 : i32
        %get3A_153 = arith.index_cast %add3A_152 : i32 to index
        %get3A_154 = arith.index_cast %mul3A_126 : i32 to index
        %get3A_155 = tpu.vector_load %arg13[%get3A_153, %get3A_154] {strides = array<i32>} : memref<32x128xf32, #tpu.memory_space<vmem>>, vector<16xf32>,
        %get3A_156 = arith.index_cast %add3A_152 : i32 to index
        %get3A_157 = arith.index_cast %mul3A_126 : i32 to index
        %get3A_158 = tpu.vector_load %arg14[%get3A_156, %get3A_157] {strides = array<i32>} : memref<32x128xf32, #tpu.memory_space<vmem>>, vector<16xf32>,
        %mul3A_159 = arith.mulf %mul3A_150, %get3A_155 : vector<16xf32>
        %mul3A_160 = arith.mulf %mul3A_150, %get3A_158 : vector<16xf32>
        %mul3A_161 = arith.mulf %mul3A_147, %sub3A_145 : vector<16xf32>
        %add3A_162 = arith.constant 4 : i32
        %add3A_163 = arith.addi %shift_right_arithmetic3A_123, %add3A_162 : i32
        %get3A_164 = arith.index_cast %add3A_163 : i32 to index
        %get3A_165 = arith.index_cast %mul3A_126 : i32 to index
        %get3A_166 = tpu.vector_load %arg13[%get3A_164, %get3A_165] {strides = array<i32>} : memref<32x128xf32, #tpu.memory_space<vmem>>, vector<16xf32>,
        %get3A_167 = arith.index_cast %add3A_163 : i32 to index
        %get3A_168 = arith.index_cast %mul3A_126 : i32 to index
        %get3A_169 = tpu.vector_load %arg14[%get3A_167, %get3A_168] {strides = array<i32>} : memref<32x128xf32, #tpu.memory_space<vmem>>, vector<16xf32>,
        %mul3A_170 = arith.mulf %mul3A_161, %get3A_166 : vector<16xf32>
        %add3A_171 = arith.addf %mul3A_159, %mul3A_170 : vector<16xf32>
        %mul3A_172 = arith.mulf %mul3A_161, %get3A_169 : vector<16xf32>
        %add3A_173 = arith.addf %mul3A_160, %mul3A_172 : vector<16xf32>
        %mul3A_174 = arith.mulf %mul3A_148, %sub3A_145 : vector<16xf32>
        %add3A_175 = arith.constant 8 : i32
        %add3A_176 = arith.addi %shift_right_arithmetic3A_123, %add3A_175 : i32
        %get3A_177 = arith.index_cast %add3A_176 : i32 to index
        %get3A_178 = arith.index_cast %mul3A_126 : i32 to index
        %get3A_179 = tpu.vector_load %arg13[%get3A_177, %get3A_178] {strides = array<i32>} : memref<32x128xf32, #tpu.memory_space<vmem>>, vector<16xf32>,
        %get3A_180 = arith.index_cast %add3A_176 : i32 to index
        %get3A_181 = arith.index_cast %mul3A_126 : i32 to index
        %get3A_182 = tpu.vector_load %arg14[%get3A_180, %get3A_181] {strides = array<i32>} : memref<32x128xf32, #tpu.memory_space<vmem>>, vector<16xf32>,
        %mul3A_183 = arith.mulf %mul3A_174, %get3A_179 : vector<16xf32>
        %add3A_184 = arith.addf %add3A_171, %mul3A_183 : vector<16xf32>
        %mul3A_185 = arith.mulf %mul3A_174, %get3A_182 : vector<16xf32>
        %add3A_186 = arith.addf %add3A_173, %mul3A_185 : vector<16xf32>
        %mul3A_187 = arith.mulf %mul3A_149, %sub3A_145 : vector<16xf32>
        %add3A_188 = arith.constant 12 : i32
        %add3A_189 = arith.addi %shift_right_arithmetic3A_123, %add3A_188 : i32
        %get3A_190 = arith.index_cast %add3A_189 : i32 to index
        %get3A_191 = arith.index_cast %mul3A_126 : i32 to index
        %get3A_192 = tpu.vector_load %arg13[%get3A_190, %get3A_191] {strides = array<i32>} : memref<32x128xf32, #tpu.memory_space<vmem>>, vector<16xf32>,
        %get3A_193 = arith.index_cast %add3A_189 : i32 to index
        %get3A_194 = arith.index_cast %mul3A_126 : i32 to index
        %get3A_195 = tpu.vector_load %arg14[%get3A_193, %get3A_194] {strides = array<i32>} : memref<32x128xf32, #tpu.memory_space<vmem>>, vector<16xf32>,
        %mul3A_196 = arith.mulf %mul3A_187, %get3A_192 : vector<16xf32>
        %add3A_197 = arith.addf %add3A_184, %mul3A_196 : vector<16xf32>
        %mul3A_198 = arith.mulf %mul3A_187, %get3A_195 : vector<16xf32>
        %add3A_199 = arith.addf %add3A_186, %mul3A_198 : vector<16xf32>
        %mul3A_200 = arith.mulf %mul3A_146, %get3A_137 : vector<16xf32>
        %add3A_201 = arith.constant 16 : i32
        %add3A_202 = arith.addi %shift_right_arithmetic3A_123, %add3A_201 : i32
        %get3A_203 = arith.index_cast %add3A_202 : i32 to index
        %get3A_204 = arith.index_cast %mul3A_126 : i32 to index
        %get3A_205 = tpu.vector_load %arg13[%get3A_203, %get3A_204] {strides = array<i32>} : memref<32x128xf32, #tpu.memory_space<vmem>>, vector<16xf32>,
        %get3A_206 = arith.index_cast %add3A_202 : i32 to index
        %get3A_207 = arith.index_cast %mul3A_126 : i32 to index
        %get3A_208 = tpu.vector_load %arg14[%get3A_206, %get3A_207] {strides = array<i32>} : memref<32x128xf32, #tpu.memory_space<vmem>>, vector<16xf32>,
        %mul3A_209 = arith.mulf %mul3A_200, %get3A_205 : vector<16xf32>
        %add3A_210 = arith.addf %add3A_197, %mul3A_209 : vector<16xf32>
        %mul3A_211 = arith.mulf %mul3A_200, %get3A_208 : vector<16xf32>
        %add3A_212 = arith.addf %add3A_199, %mul3A_211 : vector<16xf32>
        %mul3A_213 = arith.mulf %mul3A_147, %get3A_137 : vector<16xf32>
        %add3A_214 = arith.constant 20 : i32
        %add3A_215 = arith.addi %shift_right_arithmetic3A_123, %add3A_214 : i32
        %get3A_216 = arith.index_cast %add3A_215 : i32 to index
        %get3A_217 = arith.index_cast %mul3A_126 : i32 to index
        %get3A_218 = tpu.vector_load %arg13[%get3A_216, %get3A_217] {strides = array<i32>} : memref<32x128xf32, #tpu.memory_space<vmem>>, vector<16xf32>,
        %get3A_219 = arith.index_cast %add3A_215 : i32 to index
        %get3A_220 = arith.index_cast %mul3A_126 : i32 to index
        %get3A_221 = tpu.vector_load %arg14[%get3A_219, %get3A_220] {strides = array<i32>} : memref<32x128xf32, #tpu.memory_space<vmem>>, vector<16xf32>,
        %mul3A_222 = arith.mulf %mul3A_213, %get3A_218 : vector<16xf32>
        %add3A_223 = arith.addf %add3A_210, %mul3A_222 : vector<16xf32>
        %mul3A_224 = arith.mulf %mul3A_213, %get3A_221 : vector<16xf32>
        %add3A_225 = arith.addf %add3A_212, %mul3A_224 : vector<16xf32>
        %mul3A_226 = arith.mulf %mul3A_148, %get3A_137 : vector<16xf32>
        %add3A_227 = arith.constant 24 : i32
        %add3A_228 = arith.addi %shift_right_arithmetic3A_123, %add3A_227 : i32
        %get3A_229 = arith.index_cast %add3A_228 : i32 to index
        %get3A_230 = arith.index_cast %mul3A_126 : i32 to index
        %get3A_231 = tpu.vector_load %arg13[%get3A_229, %get3A_230] {strides = array<i32>} : memref<32x128xf32, #tpu.memory_space<vmem>>, vector<16xf32>,
        %get3A_232 = arith.index_cast %add3A_228 : i32 to index
        %get3A_233 = arith.index_cast %mul3A_126 : i32 to index
        %get3A_234 = tpu.vector_load %arg14[%get3A_232, %get3A_233] {strides = array<i32>} : memref<32x128xf32, #tpu.memory_space<vmem>>, vector<16xf32>,
        %mul3A_235 = arith.mulf %mul3A_226, %get3A_231 : vector<16xf32>
        %add3A_236 = arith.addf %add3A_223, %mul3A_235 : vector<16xf32>
        %mul3A_237 = arith.mulf %mul3A_226, %get3A_234 : vector<16xf32>
        %add3A_238 = arith.addf %add3A_225, %mul3A_237 : vector<16xf32>
        %mul3A_239 = arith.mulf %mul3A_149, %get3A_137 : vector<16xf32>
        %add3A_240 = arith.constant 28 : i32
        %add3A_241 = arith.addi %shift_right_arithmetic3A_123, %add3A_240 : i32
        %get3A_242 = arith.index_cast %add3A_241 : i32 to index
        %get3A_243 = arith.index_cast %mul3A_126 : i32 to index
        %get3A_244 = tpu.vector_load %arg13[%get3A_242, %get3A_243] {strides = array<i32>} : memref<32x128xf32, #tpu.memory_space<vmem>>, vector<16xf32>,
        %get3A_245 = arith.index_cast %add3A_241 : i32 to index
        %get3A_246 = arith.index_cast %mul3A_126 : i32 to index
        %get3A_247 = tpu.vector_load %arg14[%get3A_245, %get3A_246] {strides = array<i32>} : memref<32x128xf32, #tpu.memory_space<vmem>>, vector<16xf32>,
        %mul3A_248 = arith.mulf %mul3A_239, %get3A_244 : vector<16xf32>
        %add3A_249 = arith.addf %add3A_236, %mul3A_248 : vector<16xf32>
        %mul3A_250 = arith.mulf %mul3A_239, %get3A_247 : vector<16xf32>
        %add3A_251 = arith.addf %add3A_238, %mul3A_250 : vector<16xf32>
        %broadcast_in_dim3A = arith.constant 16 : i32
        %broadcast_in_dim3A_252 = vector.broadcast %broadcast_in_dim3A : i32 to vector<16xi32>
        tpu.vector_store_idx %arg16[%add3A_122, %broadcast_in_dim3A_252], %add3A_249 : memref<512x44xf32, #tpu.memory_space<vmem>>[vector<16xi32>, vector<16xi32>], vector<16xf32>,
        %broadcast_in_dim3A_253 = arith.constant 17 : i32
        %broadcast_in_dim3A_254 = vector.broadcast %broadcast_in_dim3A_253 : i32 to vector<16xi32>
        tpu.vector_store_idx %arg16[%add3A_122, %broadcast_in_dim3A_254], %add3A_251 : memref<512x44xf32, #tpu.memory_space<vmem>>[vector<16xi32>, vector<16xi32>], vector<16xf32>,
        %mul3A_255 = arith.constant 2 : i32
        %mul3A_256 = arith.muli %scan3A_113, %mul3A_255 : i32
        %add3A_257 = arith.constant 1 : i32
        %add3A_258 = arith.addi %mul3A_256, %add3A_257 : i32
        %mul3A_259 = arith.constant 16 : i32
        %mul3A_260 = arith.muli %add3A_258, %mul3A_259 : i32
        %add3A_261 = vector.broadcast %mul3A_260 : i32 to vector<16xi32>
        %add3A_262 = arith.addi %add3A_261, %iota3A : vector<16xi32>
        %shift_right_arithmetic3A_263 = arith.constant 3 : i32
        %shift_right_arithmetic3A_264 = arith.shrsi %add3A_258, %shift_right_arithmetic3A_263 : i32
        %and3A_265 = arith.constant 7 : i32
        %and3A_266 = arith.andi %add3A_258, %and3A_265 : i32
        %mul3A_267 = arith.constant 16 : i32
        %mul3A_268 = arith.muli %and3A_266, %mul3A_267 : i32
        %get3A_269 = arith.constant 0 : i32
        %get3A_270 = arith.index_cast %get3A_269 : i32 to index
        %get3A_271 = arith.index_cast %mul3A_260 : i32 to index
        %get3A_272 = tpu.vector_load %arg9[%get3A_270, %get3A_271] {strides = array<i32>} : memref<3x512xf32, #tpu.memory_space<vmem>>, vector<16xf32>,
        %get3A_273 = arith.constant 1 : i32
        %get3A_274 = arith.index_cast %get3A_273 : i32 to index
        %get3A_275 = arith.index_cast %mul3A_260 : i32 to index
        %get3A_276 = tpu.vector_load %arg9[%get3A_274, %get3A_275] {strides = array<i32>} : memref<3x512xf32, #tpu.memory_space<vmem>>, vector<16xf32>,
        %get3A_277 = arith.constant 2 : i32
        %get3A_278 = arith.index_cast %get3A_277 : i32 to index
        %get3A_279 = arith.index_cast %mul3A_260 : i32 to index
        %get3A_280 = tpu.vector_load %arg9[%get3A_278, %get3A_279] {strides = array<i32>} : memref<3x512xf32, #tpu.memory_space<vmem>>, vector<16xf32>,
        %sub3A_281 = arith.constant 1.000000e+00 : f32
        %sub3A_282 = vector.broadcast %sub3A_281 : f32 to vector<16xf32>
        %sub3A_283 = arith.subf %sub3A_282, %get3A_272 : vector<16xf32>
        %sub3A_284 = arith.constant 1.000000e+00 : f32
        %sub3A_285 = vector.broadcast %sub3A_284 : f32 to vector<16xf32>
        %sub3A_286 = arith.subf %sub3A_285, %get3A_276 : vector<16xf32>
        %sub3A_287 = arith.constant 1.000000e+00 : f32
        %sub3A_288 = vector.broadcast %sub3A_287 : f32 to vector<16xf32>
        %sub3A_289 = arith.subf %sub3A_288, %get3A_280 : vector<16xf32>
        %mul3A_290 = arith.mulf %sub3A_283, %sub3A_286 : vector<16xf32>
        %mul3A_291 = arith.mulf %get3A_272, %sub3A_286 : vector<16xf32>
        %mul3A_292 = arith.mulf %sub3A_283, %get3A_276 : vector<16xf32>
        %mul3A_293 = arith.mulf %get3A_272, %get3A_276 : vector<16xf32>
        %mul3A_294 = arith.mulf %mul3A_290, %sub3A_289 : vector<16xf32>
        %add3A_295 = arith.constant 0 : i32
        %add3A_296 = arith.addi %shift_right_arithmetic3A_264, %add3A_295 : i32
        %get3A_297 = arith.index_cast %add3A_296 : i32 to index
        %get3A_298 = arith.index_cast %mul3A_268 : i32 to index
        %get3A_299 = tpu.vector_load %arg13[%get3A_297, %get3A_298] {strides = array<i32>} : memref<32x128xf32, #tpu.memory_space<vmem>>, vector<16xf32>,
        %get3A_300 = arith.index_cast %add3A_296 : i32 to index
        %get3A_301 = arith.index_cast %mul3A_268 : i32 to index
        %get3A_302 = tpu.vector_load %arg14[%get3A_300, %get3A_301] {strides = array<i32>} : memref<32x128xf32, #tpu.memory_space<vmem>>, vector<16xf32>,
        %mul3A_303 = arith.mulf %mul3A_294, %get3A_299 : vector<16xf32>
        %mul3A_304 = arith.mulf %mul3A_294, %get3A_302 : vector<16xf32>
        %mul3A_305 = arith.mulf %mul3A_291, %sub3A_289 : vector<16xf32>
        %add3A_306 = arith.constant 4 : i32
        %add3A_307 = arith.addi %shift_right_arithmetic3A_264, %add3A_306 : i32
        %get3A_308 = arith.index_cast %add3A_307 : i32 to index
        %get3A_309 = arith.index_cast %mul3A_268 : i32 to index
        %get3A_310 = tpu.vector_load %arg13[%get3A_308, %get3A_309] {strides = array<i32>} : memref<32x128xf32, #tpu.memory_space<vmem>>, vector<16xf32>,
        %get3A_311 = arith.index_cast %add3A_307 : i32 to index
        %get3A_312 = arith.index_cast %mul3A_268 : i32 to index
        %get3A_313 = tpu.vector_load %arg14[%get3A_311, %get3A_312] {strides = array<i32>} : memref<32x128xf32, #tpu.memory_space<vmem>>, vector<16xf32>,
        %mul3A_314 = arith.mulf %mul3A_305, %get3A_310 : vector<16xf32>
        %add3A_315 = arith.addf %mul3A_303, %mul3A_314 : vector<16xf32>
        %mul3A_316 = arith.mulf %mul3A_305, %get3A_313 : vector<16xf32>
        %add3A_317 = arith.addf %mul3A_304, %mul3A_316 : vector<16xf32>
        %mul3A_318 = arith.mulf %mul3A_292, %sub3A_289 : vector<16xf32>
        %add3A_319 = arith.constant 8 : i32
        %add3A_320 = arith.addi %shift_right_arithmetic3A_264, %add3A_319 : i32
        %get3A_321 = arith.index_cast %add3A_320 : i32 to index
        %get3A_322 = arith.index_cast %mul3A_268 : i32 to index
        %get3A_323 = tpu.vector_load %arg13[%get3A_321, %get3A_322] {strides = array<i32>} : memref<32x128xf32, #tpu.memory_space<vmem>>, vector<16xf32>,
        %get3A_324 = arith.index_cast %add3A_320 : i32 to index
        %get3A_325 = arith.index_cast %mul3A_268 : i32 to index
        %get3A_326 = tpu.vector_load %arg14[%get3A_324, %get3A_325] {strides = array<i32>} : memref<32x128xf32, #tpu.memory_space<vmem>>, vector<16xf32>,
        %mul3A_327 = arith.mulf %mul3A_318, %get3A_323 : vector<16xf32>
        %add3A_328 = arith.addf %add3A_315, %mul3A_327 : vector<16xf32>
        %mul3A_329 = arith.mulf %mul3A_318, %get3A_326 : vector<16xf32>
        %add3A_330 = arith.addf %add3A_317, %mul3A_329 : vector<16xf32>
        %mul3A_331 = arith.mulf %mul3A_293, %sub3A_289 : vector<16xf32>
        %add3A_332 = arith.constant 12 : i32
        %add3A_333 = arith.addi %shift_right_arithmetic3A_264, %add3A_332 : i32
        %get3A_334 = arith.index_cast %add3A_333 : i32 to index
        %get3A_335 = arith.index_cast %mul3A_268 : i32 to index
        %get3A_336 = tpu.vector_load %arg13[%get3A_334, %get3A_335] {strides = array<i32>} : memref<32x128xf32, #tpu.memory_space<vmem>>, vector<16xf32>,
        %get3A_337 = arith.index_cast %add3A_333 : i32 to index
        %get3A_338 = arith.index_cast %mul3A_268 : i32 to index
        %get3A_339 = tpu.vector_load %arg14[%get3A_337, %get3A_338] {strides = array<i32>} : memref<32x128xf32, #tpu.memory_space<vmem>>, vector<16xf32>,
        %mul3A_340 = arith.mulf %mul3A_331, %get3A_336 : vector<16xf32>
        %add3A_341 = arith.addf %add3A_328, %mul3A_340 : vector<16xf32>
        %mul3A_342 = arith.mulf %mul3A_331, %get3A_339 : vector<16xf32>
        %add3A_343 = arith.addf %add3A_330, %mul3A_342 : vector<16xf32>
        %mul3A_344 = arith.mulf %mul3A_290, %get3A_280 : vector<16xf32>
        %add3A_345 = arith.constant 16 : i32
        %add3A_346 = arith.addi %shift_right_arithmetic3A_264, %add3A_345 : i32
        %get3A_347 = arith.index_cast %add3A_346 : i32 to index
        %get3A_348 = arith.index_cast %mul3A_268 : i32 to index
        %get3A_349 = tpu.vector_load %arg13[%get3A_347, %get3A_348] {strides = array<i32>} : memref<32x128xf32, #tpu.memory_space<vmem>>, vector<16xf32>,
        %get3A_350 = arith.index_cast %add3A_346 : i32 to index
        %get3A_351 = arith.index_cast %mul3A_268 : i32 to index
        %get3A_352 = tpu.vector_load %arg14[%get3A_350, %get3A_351] {strides = array<i32>} : memref<32x128xf32, #tpu.memory_space<vmem>>, vector<16xf32>,
        %mul3A_353 = arith.mulf %mul3A_344, %get3A_349 : vector<16xf32>
        %add3A_354 = arith.addf %add3A_341, %mul3A_353 : vector<16xf32>
        %mul3A_355 = arith.mulf %mul3A_344, %get3A_352 : vector<16xf32>
        %add3A_356 = arith.addf %add3A_343, %mul3A_355 : vector<16xf32>
        %mul3A_357 = arith.mulf %mul3A_291, %get3A_280 : vector<16xf32>
        %add3A_358 = arith.constant 20 : i32
        %add3A_359 = arith.addi %shift_right_arithmetic3A_264, %add3A_358 : i32
        %get3A_360 = arith.index_cast %add3A_359 : i32 to index
        %get3A_361 = arith.index_cast %mul3A_268 : i32 to index
        %get3A_362 = tpu.vector_load %arg13[%get3A_360, %get3A_361] {strides = array<i32>} : memref<32x128xf32, #tpu.memory_space<vmem>>, vector<16xf32>,
        %get3A_363 = arith.index_cast %add3A_359 : i32 to index
        %get3A_364 = arith.index_cast %mul3A_268 : i32 to index
        %get3A_365 = tpu.vector_load %arg14[%get3A_363, %get3A_364] {strides = array<i32>} : memref<32x128xf32, #tpu.memory_space<vmem>>, vector<16xf32>,
        %mul3A_366 = arith.mulf %mul3A_357, %get3A_362 : vector<16xf32>
        %add3A_367 = arith.addf %add3A_354, %mul3A_366 : vector<16xf32>
        %mul3A_368 = arith.mulf %mul3A_357, %get3A_365 : vector<16xf32>
        %add3A_369 = arith.addf %add3A_356, %mul3A_368 : vector<16xf32>
        %mul3A_370 = arith.mulf %mul3A_292, %get3A_280 : vector<16xf32>
        %add3A_371 = arith.constant 24 : i32
        %add3A_372 = arith.addi %shift_right_arithmetic3A_264, %add3A_371 : i32
        %get3A_373 = arith.index_cast %add3A_372 : i32 to index
        %get3A_374 = arith.index_cast %mul3A_268 : i32 to index
        %get3A_375 = tpu.vector_load %arg13[%get3A_373, %get3A_374] {strides = array<i32>} : memref<32x128xf32, #tpu.memory_space<vmem>>, vector<16xf32>,
        %get3A_376 = arith.index_cast %add3A_372 : i32 to index
        %get3A_377 = arith.index_cast %mul3A_268 : i32 to index
        %get3A_378 = tpu.vector_load %arg14[%get3A_376, %get3A_377] {strides = array<i32>} : memref<32x128xf32, #tpu.memory_space<vmem>>, vector<16xf32>,
        %mul3A_379 = arith.mulf %mul3A_370, %get3A_375 : vector<16xf32>
        %add3A_380 = arith.addf %add3A_367, %mul3A_379 : vector<16xf32>
        %mul3A_381 = arith.mulf %mul3A_370, %get3A_378 : vector<16xf32>
        %add3A_382 = arith.addf %add3A_369, %mul3A_381 : vector<16xf32>
        %mul3A_383 = arith.mulf %mul3A_293, %get3A_280 : vector<16xf32>
        %add3A_384 = arith.constant 28 : i32
        %add3A_385 = arith.addi %shift_right_arithmetic3A_264, %add3A_384 : i32
        %get3A_386 = arith.index_cast %add3A_385 : i32 to index
        %get3A_387 = arith.index_cast %mul3A_268 : i32 to index
        %get3A_388 = tpu.vector_load %arg13[%get3A_386, %get3A_387] {strides = array<i32>} : memref<32x128xf32, #tpu.memory_space<vmem>>, vector<16xf32>,
        %get3A_389 = arith.index_cast %add3A_385 : i32 to index
        %get3A_390 = arith.index_cast %mul3A_268 : i32 to index
        %get3A_391 = tpu.vector_load %arg14[%get3A_389, %get3A_390] {strides = array<i32>} : memref<32x128xf32, #tpu.memory_space<vmem>>, vector<16xf32>,
        %mul3A_392 = arith.mulf %mul3A_383, %get3A_388 : vector<16xf32>
        %add3A_393 = arith.addf %add3A_380, %mul3A_392 : vector<16xf32>
        %mul3A_394 = arith.mulf %mul3A_383, %get3A_391 : vector<16xf32>
        %add3A_395 = arith.addf %add3A_382, %mul3A_394 : vector<16xf32>
        %broadcast_in_dim3A_396 = arith.constant 16 : i32
        %broadcast_in_dim3A_397 = vector.broadcast %broadcast_in_dim3A_396 : i32 to vector<16xi32>
        tpu.vector_store_idx %arg16[%add3A_262, %broadcast_in_dim3A_397], %add3A_393 : memref<512x44xf32, #tpu.memory_space<vmem>>[vector<16xi32>, vector<16xi32>], vector<16xf32>,
        %broadcast_in_dim3A_398 = arith.constant 17 : i32
        %broadcast_in_dim3A_399 = vector.broadcast %broadcast_in_dim3A_398 : i32 to vector<16xi32>
        tpu.vector_store_idx %arg16[%add3A_262, %broadcast_in_dim3A_399], %add3A_395 : memref<512x44xf32, #tpu.memory_space<vmem>>[vector<16xi32>, vector<16xi32>], vector<16xf32>,
        %scan3A_400 = arith.constant 0 : i32
        scf.yield %scan3A_400 : i32
      }
      %scan3A_104 = arith.constant 16 : i32
      %scan3A_105 = arith.constant 0 : i32
      %scan3A_106 = arith.constant 3 : i32
      %scan3A_107 = arith.constant 13 : i32
      %scan3A_108 = arith.addi %scan3A_106, %scan3A_107 : i32
      %scan3A_109 = arith.constant 1 : i32
      %scan3A_110 = scf.for %scan3A_113 = %scan3A_106 to %scan3A_108 step %scan3A_109 iter_args(%scan3A_114 = %scan3A_105) -> (i32)  : i32 {
        %shift_left3A = arith.constant 16 : i32
        %shift_left3A_115 = arith.shli %shift_left3A, %scan3A_113 : i32
        %convert_element_type3A = arith.sitofp %shift_left3A_115 : i32 to f32
        %shift_left3A_116 = arith.constant 19 : i32
        %shift_left3A_117 = arith.shli %scan3A_113, %shift_left3A_116 : i32
        %mul3A_118 = arith.constant 2 : i32
        %mul3A_119 = arith.muli %mul3A_118, %scan3A_113 : i32
        %add3A_120 = arith.constant 12 : i32
        %add3A_121 = arith.addi %add3A_120, %mul3A_119 : i32
        %scan3A_122 = arith.constant 0 : i32
        %scan3A_123 = arith.constant 0 : i32
        %scan3A_124 = arith.constant 16 : i32
        %scan3A_125 = arith.addi %scan3A_123, %scan3A_124 : i32
        %scan3A_126 = arith.constant 1 : i32
        %scan3A_127 = scf.for %scan3A_151 = %scan3A_123 to %scan3A_125 step %scan3A_126 iter_args(%scan3A_152 = %scan3A_122) -> (i32)  : i32 {
          %mul3A_153 = arith.constant 2 : i32
          %mul3A_154 = arith.muli %scan3A_151, %mul3A_153 : i32
          %add3A_155 = arith.constant 0 : i32
          %add3A_156 = arith.addi %mul3A_154, %add3A_155 : i32
          %mul3A_157 = arith.constant 16 : i32
          %mul3A_158 = arith.muli %add3A_156, %mul3A_157 : i32
          %get3A = arith.constant 0 : i32
          %get3A_159 = arith.index_cast %get3A : i32 to index
          %get3A_160 = arith.index_cast %mul3A_158 : i32 to index
          %get3A_161 = tpu.vector_load %arg8[%get3A_159, %get3A_160] {strides = array<i32>} : memref<3x512xf32, #tpu.memory_space<vmem>>, vector<16xf32>,
          %get3A_162 = arith.constant 1 : i32
          %get3A_163 = arith.index_cast %get3A_162 : i32 to index
          %get3A_164 = arith.index_cast %mul3A_158 : i32 to index
          %get3A_165 = tpu.vector_load %arg8[%get3A_163, %get3A_164] {strides = array<i32>} : memref<3x512xf32, #tpu.memory_space<vmem>>, vector<16xf32>,
          %get3A_166 = arith.constant 2 : i32
          %get3A_167 = arith.index_cast %get3A_166 : i32 to index
          %get3A_168 = arith.index_cast %mul3A_158 : i32 to index
          %get3A_169 = tpu.vector_load %arg8[%get3A_167, %get3A_168] {strides = array<i32>} : memref<3x512xf32, #tpu.memory_space<vmem>>, vector<16xf32>,
          %mul3A_170 = vector.broadcast %convert_element_type3A : f32 to vector<16xf32>
          %mul3A_171 = arith.mulf %get3A_161, %mul3A_170 : vector<16xf32>
          %mul3A_172 = vector.broadcast %convert_element_type3A : f32 to vector<16xf32>
          %mul3A_173 = arith.mulf %get3A_165, %mul3A_172 : vector<16xf32>
          %mul3A_174 = vector.broadcast %convert_element_type3A : f32 to vector<16xf32>
          %mul3A_175 = arith.mulf %get3A_169, %mul3A_174 : vector<16xf32>
          %convert_element_type3A_176 = arith.fptosi %mul3A_171 : vector<16xf32> to vector<16xi32>
          %convert_element_type3A_177 = arith.fptosi %mul3A_173 : vector<16xf32> to vector<16xi32>
          %convert_element_type3A_178 = arith.fptosi %mul3A_175 : vector<16xf32> to vector<16xi32>
          %convert_element_type3A_179 = arith.sitofp %convert_element_type3A_176 : vector<16xi32> to vector<16xf32>
          %sub3A = arith.subf %mul3A_171, %convert_element_type3A_179 : vector<16xf32>
          %swap3A = arith.constant 0 : i32
          %swap3A_180 = arith.index_cast %swap3A : i32 to index
          %swap3A_181 = arith.index_cast %mul3A_158 : i32 to index
          %swap3A_182 = tpu.vector_load %arg9[%swap3A_180, %swap3A_181] {strides = array<i32>} : memref<3x512xf32, #tpu.memory_space<vmem>>, vector<16xf32>,
          tpu.vector_store %arg9[%swap3A_180, %swap3A_181], %sub3A {strides = array<i32>} : memref<3x512xf32, #tpu.memory_space<vmem>>, vector<16xf32>,
          %convert_element_type3A_183 = arith.sitofp %convert_element_type3A_177 : vector<16xi32> to vector<16xf32>
          %sub3A_184 = arith.subf %mul3A_173, %convert_element_type3A_183 : vector<16xf32>
          %swap3A_185 = arith.constant 1 : i32
          %swap3A_186 = arith.index_cast %swap3A_185 : i32 to index
          %swap3A_187 = arith.index_cast %mul3A_158 : i32 to index
          %swap3A_188 = tpu.vector_load %arg9[%swap3A_186, %swap3A_187] {strides = array<i32>} : memref<3x512xf32, #tpu.memory_space<vmem>>, vector<16xf32>,
          tpu.vector_store %arg9[%swap3A_186, %swap3A_187], %sub3A_184 {strides = array<i32>} : memref<3x512xf32, #tpu.memory_space<vmem>>, vector<16xf32>,
          %convert_element_type3A_189 = arith.sitofp %convert_element_type3A_178 : vector<16xi32> to vector<16xf32>
          %sub3A_190 = arith.subf %mul3A_175, %convert_element_type3A_189 : vector<16xf32>
          %swap3A_191 = arith.constant 2 : i32
          %swap3A_192 = arith.index_cast %swap3A_191 : i32 to index
          %swap3A_193 = arith.index_cast %mul3A_158 : i32 to index
          %swap3A_194 = tpu.vector_load %arg9[%swap3A_192, %swap3A_193] {strides = array<i32>} : memref<3x512xf32, #tpu.memory_space<vmem>>, vector<16xf32>,
          tpu.vector_store %arg9[%swap3A_192, %swap3A_193], %sub3A_190 {strides = array<i32>} : memref<3x512xf32, #tpu.memory_space<vmem>>, vector<16xf32>,
          %shift_right_arithmetic3A = arith.constant 3 : i32
          %shift_right_arithmetic3A_195 = arith.shrsi %add3A_156, %shift_right_arithmetic3A : i32
          %and3A = arith.constant 7 : i32
          %and3A_196 = arith.andi %add3A_156, %and3A : i32
          %mul3A_197 = arith.constant 16 : i32
          %mul3A_198 = arith.muli %and3A_196, %mul3A_197 : i32
          %add3A_199 = arith.constant 1 : i32
          %add3A_200 = vector.broadcast %add3A_199 : i32 to vector<16xi32>
          %add3A_201 = arith.addi %convert_element_type3A_176, %add3A_200 : vector<16xi32>
          %mul3A_202 = arith.constant -1640531535 : i32
          %mul3A_203 = vector.broadcast %mul3A_202 : i32 to vector<16xi32>
          %mul3A_204 = arith.muli %convert_element_type3A_177, %mul3A_203 : vector<16xi32>
          %add3A_205 = arith.constant -1640531535 : i32
          %add3A_206 = vector.broadcast %add3A_205 : i32 to vector<16xi32>
          %add3A_207 = arith.addi %mul3A_204, %add3A_206 : vector<16xi32>
          %mul3A_208 = arith.constant 805459861 : i32
          %mul3A_209 = vector.broadcast %mul3A_208 : i32 to vector<16xi32>
          %mul3A_210 = arith.muli %convert_element_type3A_178, %mul3A_209 : vector<16xi32>
          %add3A_211 = arith.constant 805459861 : i32
          %add3A_212 = vector.broadcast %add3A_211 : i32 to vector<16xi32>
          %add3A_213 = arith.addi %mul3A_210, %add3A_212 : vector<16xi32>
          %xor3A = arith.xori %convert_element_type3A_176, %mul3A_204 : vector<16xi32>
          %xor3A_214 = arith.xori %add3A_201, %mul3A_204 : vector<16xi32>
          %xor3A_215 = arith.xori %convert_element_type3A_176, %add3A_207 : vector<16xi32>
          %xor3A_216 = arith.xori %add3A_201, %add3A_207 : vector<16xi32>
          %xor3A_217 = arith.xori %xor3A, %mul3A_210 : vector<16xi32>
          %and3A_218 = arith.constant 524287 : i32
          %and3A_219 = vector.broadcast %and3A_218 : i32 to vector<16xi32>
          %and3A_220 = arith.andi %xor3A_217, %and3A_219 : vector<16xi32>
          %add3A_221 = vector.broadcast %shift_left3A_117 : i32 to vector<16xi32>
          %add3A_222 = arith.addi %and3A_220, %add3A_221 : vector<16xi32>
          %add3A_223 = arith.constant 0 : i32
          %add3A_224 = arith.addi %shift_right_arithmetic3A_195, %add3A_223 : i32
          %swap3A_225 = arith.index_cast %add3A_224 : i32 to index
          %swap3A_226 = arith.index_cast %mul3A_198 : i32 to index
          %swap3A_227 = tpu.vector_load %arg11[%swap3A_225, %swap3A_226] {strides = array<i32>} : memref<32x128xi32, #tpu.memory_space<vmem>>, vector<16xi32>,
          tpu.vector_store %arg11[%swap3A_225, %swap3A_226], %add3A_222 {strides = array<i32>} : memref<32x128xi32, #tpu.memory_space<vmem>>, vector<16xi32>,
          %xor3A_228 = arith.xori %xor3A_214, %mul3A_210 : vector<16xi32>
          %and3A_229 = arith.constant 524287 : i32
          %and3A_230 = vector.broadcast %and3A_229 : i32 to vector<16xi32>
          %and3A_231 = arith.andi %xor3A_228, %and3A_230 : vector<16xi32>
          %add3A_232 = vector.broadcast %shift_left3A_117 : i32 to vector<16xi32>
          %add3A_233 = arith.addi %and3A_231, %add3A_232 : vector<16xi32>
          %add3A_234 = arith.constant 4 : i32
          %add3A_235 = arith.addi %shift_right_arithmetic3A_195, %add3A_234 : i32
          %swap3A_236 = arith.index_cast %add3A_235 : i32 to index
          %swap3A_237 = arith.index_cast %mul3A_198 : i32 to index
          %swap3A_238 = tpu.vector_load %arg11[%swap3A_236, %swap3A_237] {strides = array<i32>} : memref<32x128xi32, #tpu.memory_space<vmem>>, vector<16xi32>,
          tpu.vector_store %arg11[%swap3A_236, %swap3A_237], %add3A_233 {strides = array<i32>} : memref<32x128xi32, #tpu.memory_space<vmem>>, vector<16xi32>,
          %xor3A_239 = arith.xori %xor3A_215, %mul3A_210 : vector<16xi32>
          %and3A_240 = arith.constant 524287 : i32
          %and3A_241 = vector.broadcast %and3A_240 : i32 to vector<16xi32>
          %and3A_242 = arith.andi %xor3A_239, %and3A_241 : vector<16xi32>
          %add3A_243 = vector.broadcast %shift_left3A_117 : i32 to vector<16xi32>
          %add3A_244 = arith.addi %and3A_242, %add3A_243 : vector<16xi32>
          %add3A_245 = arith.constant 8 : i32
          %add3A_246 = arith.addi %shift_right_arithmetic3A_195, %add3A_245 : i32
          %swap3A_247 = arith.index_cast %add3A_246 : i32 to index
          %swap3A_248 = arith.index_cast %mul3A_198 : i32 to index
          %swap3A_249 = tpu.vector_load %arg11[%swap3A_247, %swap3A_248] {strides = array<i32>} : memref<32x128xi32, #tpu.memory_space<vmem>>, vector<16xi32>,
          tpu.vector_store %arg11[%swap3A_247, %swap3A_248], %add3A_244 {strides = array<i32>} : memref<32x128xi32, #tpu.memory_space<vmem>>, vector<16xi32>,
          %xor3A_250 = arith.xori %xor3A_216, %mul3A_210 : vector<16xi32>
          %and3A_251 = arith.constant 524287 : i32
          %and3A_252 = vector.broadcast %and3A_251 : i32 to vector<16xi32>
          %and3A_253 = arith.andi %xor3A_250, %and3A_252 : vector<16xi32>
          %add3A_254 = vector.broadcast %shift_left3A_117 : i32 to vector<16xi32>
          %add3A_255 = arith.addi %and3A_253, %add3A_254 : vector<16xi32>
          %add3A_256 = arith.constant 12 : i32
          %add3A_257 = arith.addi %shift_right_arithmetic3A_195, %add3A_256 : i32
          %swap3A_258 = arith.index_cast %add3A_257 : i32 to index
          %swap3A_259 = arith.index_cast %mul3A_198 : i32 to index
          %swap3A_260 = tpu.vector_load %arg11[%swap3A_258, %swap3A_259] {strides = array<i32>} : memref<32x128xi32, #tpu.memory_space<vmem>>, vector<16xi32>,
          tpu.vector_store %arg11[%swap3A_258, %swap3A_259], %add3A_255 {strides = array<i32>} : memref<32x128xi32, #tpu.memory_space<vmem>>, vector<16xi32>,
          %xor3A_261 = arith.xori %xor3A, %add3A_213 : vector<16xi32>
          %and3A_262 = arith.constant 524287 : i32
          %and3A_263 = vector.broadcast %and3A_262 : i32 to vector<16xi32>
          %and3A_264 = arith.andi %xor3A_261, %and3A_263 : vector<16xi32>
          %add3A_265 = vector.broadcast %shift_left3A_117 : i32 to vector<16xi32>
          %add3A_266 = arith.addi %and3A_264, %add3A_265 : vector<16xi32>
          %add3A_267 = arith.constant 16 : i32
          %add3A_268 = arith.addi %shift_right_arithmetic3A_195, %add3A_267 : i32
          %swap3A_269 = arith.index_cast %add3A_268 : i32 to index
          %swap3A_270 = arith.index_cast %mul3A_198 : i32 to index
          %swap3A_271 = tpu.vector_load %arg11[%swap3A_269, %swap3A_270] {strides = array<i32>} : memref<32x128xi32, #tpu.memory_space<vmem>>, vector<16xi32>,
          tpu.vector_store %arg11[%swap3A_269, %swap3A_270], %add3A_266 {strides = array<i32>} : memref<32x128xi32, #tpu.memory_space<vmem>>, vector<16xi32>,
          %xor3A_272 = arith.xori %xor3A_214, %add3A_213 : vector<16xi32>
          %and3A_273 = arith.constant 524287 : i32
          %and3A_274 = vector.broadcast %and3A_273 : i32 to vector<16xi32>
          %and3A_275 = arith.andi %xor3A_272, %and3A_274 : vector<16xi32>
          %add3A_276 = vector.broadcast %shift_left3A_117 : i32 to vector<16xi32>
          %add3A_277 = arith.addi %and3A_275, %add3A_276 : vector<16xi32>
          %add3A_278 = arith.constant 20 : i32
          %add3A_279 = arith.addi %shift_right_arithmetic3A_195, %add3A_278 : i32
          %swap3A_280 = arith.index_cast %add3A_279 : i32 to index
          %swap3A_281 = arith.index_cast %mul3A_198 : i32 to index
          %swap3A_282 = tpu.vector_load %arg11[%swap3A_280, %swap3A_281] {strides = array<i32>} : memref<32x128xi32, #tpu.memory_space<vmem>>, vector<16xi32>,
          tpu.vector_store %arg11[%swap3A_280, %swap3A_281], %add3A_277 {strides = array<i32>} : memref<32x128xi32, #tpu.memory_space<vmem>>, vector<16xi32>,
          %xor3A_283 = arith.xori %xor3A_215, %add3A_213 : vector<16xi32>
          %and3A_284 = arith.constant 524287 : i32
          %and3A_285 = vector.broadcast %and3A_284 : i32 to vector<16xi32>
          %and3A_286 = arith.andi %xor3A_283, %and3A_285 : vector<16xi32>
          %add3A_287 = vector.broadcast %shift_left3A_117 : i32 to vector<16xi32>
          %add3A_288 = arith.addi %and3A_286, %add3A_287 : vector<16xi32>
          %add3A_289 = arith.constant 24 : i32
          %add3A_290 = arith.addi %shift_right_arithmetic3A_195, %add3A_289 : i32
          %swap3A_291 = arith.index_cast %add3A_290 : i32 to index
          %swap3A_292 = arith.index_cast %mul3A_198 : i32 to index
          %swap3A_293 = tpu.vector_load %arg11[%swap3A_291, %swap3A_292] {strides = array<i32>} : memref<32x128xi32, #tpu.memory_space<vmem>>, vector<16xi32>,
          tpu.vector_store %arg11[%swap3A_291, %swap3A_292], %add3A_288 {strides = array<i32>} : memref<32x128xi32, #tpu.memory_space<vmem>>, vector<16xi32>,
          %xor3A_294 = arith.xori %xor3A_216, %add3A_213 : vector<16xi32>
          %and3A_295 = arith.constant 524287 : i32
          %and3A_296 = vector.broadcast %and3A_295 : i32 to vector<16xi32>
          %and3A_297 = arith.andi %xor3A_294, %and3A_296 : vector<16xi32>
          %add3A_298 = vector.broadcast %shift_left3A_117 : i32 to vector<16xi32>
          %add3A_299 = arith.addi %and3A_297, %add3A_298 : vector<16xi32>
          %add3A_300 = arith.constant 28 : i32
          %add3A_301 = arith.addi %shift_right_arithmetic3A_195, %add3A_300 : i32
          %swap3A_302 = arith.index_cast %add3A_301 : i32 to index
          %swap3A_303 = arith.index_cast %mul3A_198 : i32 to index
          %swap3A_304 = tpu.vector_load %arg11[%swap3A_302, %swap3A_303] {strides = array<i32>} : memref<32x128xi32, #tpu.memory_space<vmem>>, vector<16xi32>,
          tpu.vector_store %arg11[%swap3A_302, %swap3A_303], %add3A_299 {strides = array<i32>} : memref<32x128xi32, #tpu.memory_space<vmem>>, vector<16xi32>,
          %mul3A_305 = arith.constant 2 : i32
          %mul3A_306 = arith.muli %scan3A_151, %mul3A_305 : i32
          %add3A_307 = arith.constant 1 : i32
          %add3A_308 = arith.addi %mul3A_306, %add3A_307 : i32
          %mul3A_309 = arith.constant 16 : i32
          %mul3A_310 = arith.muli %add3A_308, %mul3A_309 : i32
          %get3A_311 = arith.constant 0 : i32
          %get3A_312 = arith.index_cast %get3A_311 : i32 to index
          %get3A_313 = arith.index_cast %mul3A_310 : i32 to index
          %get3A_314 = tpu.vector_load %arg8[%get3A_312, %get3A_313] {strides = array<i32>} : memref<3x512xf32, #tpu.memory_space<vmem>>, vector<16xf32>,
          %get3A_315 = arith.constant 1 : i32
          %get3A_316 = arith.index_cast %get3A_315 : i32 to index
          %get3A_317 = arith.index_cast %mul3A_310 : i32 to index
          %get3A_318 = tpu.vector_load %arg8[%get3A_316, %get3A_317] {strides = array<i32>} : memref<3x512xf32, #tpu.memory_space<vmem>>, vector<16xf32>,
          %get3A_319 = arith.constant 2 : i32
          %get3A_320 = arith.index_cast %get3A_319 : i32 to index
          %get3A_321 = arith.index_cast %mul3A_310 : i32 to index
          %get3A_322 = tpu.vector_load %arg8[%get3A_320, %get3A_321] {strides = array<i32>} : memref<3x512xf32, #tpu.memory_space<vmem>>, vector<16xf32>,
          %mul3A_323 = vector.broadcast %convert_element_type3A : f32 to vector<16xf32>
          %mul3A_324 = arith.mulf %get3A_314, %mul3A_323 : vector<16xf32>
          %mul3A_325 = vector.broadcast %convert_element_type3A : f32 to vector<16xf32>
          %mul3A_326 = arith.mulf %get3A_318, %mul3A_325 : vector<16xf32>
          %mul3A_327 = vector.broadcast %convert_element_type3A : f32 to vector<16xf32>
          %mul3A_328 = arith.mulf %get3A_322, %mul3A_327 : vector<16xf32>
          %convert_element_type3A_329 = arith.fptosi %mul3A_324 : vector<16xf32> to vector<16xi32>
          %convert_element_type3A_330 = arith.fptosi %mul3A_326 : vector<16xf32> to vector<16xi32>
          %convert_element_type3A_331 = arith.fptosi %mul3A_328 : vector<16xf32> to vector<16xi32>
          %convert_element_type3A_332 = arith.sitofp %convert_element_type3A_329 : vector<16xi32> to vector<16xf32>
          %sub3A_333 = arith.subf %mul3A_324, %convert_element_type3A_332 : vector<16xf32>
          %swap3A_334 = arith.constant 0 : i32
          %swap3A_335 = arith.index_cast %swap3A_334 : i32 to index
          %swap3A_336 = arith.index_cast %mul3A_310 : i32 to index
          %swap3A_337 = tpu.vector_load %arg9[%swap3A_335, %swap3A_336] {strides = array<i32>} : memref<3x512xf32, #tpu.memory_space<vmem>>, vector<16xf32>,
          tpu.vector_store %arg9[%swap3A_335, %swap3A_336], %sub3A_333 {strides = array<i32>} : memref<3x512xf32, #tpu.memory_space<vmem>>, vector<16xf32>,
          %convert_element_type3A_338 = arith.sitofp %convert_element_type3A_330 : vector<16xi32> to vector<16xf32>
          %sub3A_339 = arith.subf %mul3A_326, %convert_element_type3A_338 : vector<16xf32>
          %swap3A_340 = arith.constant 1 : i32
          %swap3A_341 = arith.index_cast %swap3A_340 : i32 to index
          %swap3A_342 = arith.index_cast %mul3A_310 : i32 to index
          %swap3A_343 = tpu.vector_load %arg9[%swap3A_341, %swap3A_342] {strides = array<i32>} : memref<3x512xf32, #tpu.memory_space<vmem>>, vector<16xf32>,
          tpu.vector_store %arg9[%swap3A_341, %swap3A_342], %sub3A_339 {strides = array<i32>} : memref<3x512xf32, #tpu.memory_space<vmem>>, vector<16xf32>,
          %convert_element_type3A_344 = arith.sitofp %convert_element_type3A_331 : vector<16xi32> to vector<16xf32>
          %sub3A_345 = arith.subf %mul3A_328, %convert_element_type3A_344 : vector<16xf32>
          %swap3A_346 = arith.constant 2 : i32
          %swap3A_347 = arith.index_cast %swap3A_346 : i32 to index
          %swap3A_348 = arith.index_cast %mul3A_310 : i32 to index
          %swap3A_349 = tpu.vector_load %arg9[%swap3A_347, %swap3A_348] {strides = array<i32>} : memref<3x512xf32, #tpu.memory_space<vmem>>, vector<16xf32>,
          tpu.vector_store %arg9[%swap3A_347, %swap3A_348], %sub3A_345 {strides = array<i32>} : memref<3x512xf32, #tpu.memory_space<vmem>>, vector<16xf32>,
          %shift_right_arithmetic3A_350 = arith.constant 3 : i32
          %shift_right_arithmetic3A_351 = arith.shrsi %add3A_308, %shift_right_arithmetic3A_350 : i32
          %and3A_352 = arith.constant 7 : i32
          %and3A_353 = arith.andi %add3A_308, %and3A_352 : i32
          %mul3A_354 = arith.constant 16 : i32
          %mul3A_355 = arith.muli %and3A_353, %mul3A_354 : i32
          %add3A_356 = arith.constant 1 : i32
          %add3A_357 = vector.broadcast %add3A_356 : i32 to vector<16xi32>
          %add3A_358 = arith.addi %convert_element_type3A_329, %add3A_357 : vector<16xi32>
          %mul3A_359 = arith.constant -1640531535 : i32
          %mul3A_360 = vector.broadcast %mul3A_359 : i32 to vector<16xi32>
          %mul3A_361 = arith.muli %convert_element_type3A_330, %mul3A_360 : vector<16xi32>
          %add3A_362 = arith.constant -1640531535 : i32
          %add3A_363 = vector.broadcast %add3A_362 : i32 to vector<16xi32>
          %add3A_364 = arith.addi %mul3A_361, %add3A_363 : vector<16xi32>
          %mul3A_365 = arith.constant 805459861 : i32
          %mul3A_366 = vector.broadcast %mul3A_365 : i32 to vector<16xi32>
          %mul3A_367 = arith.muli %convert_element_type3A_331, %mul3A_366 : vector<16xi32>
          %add3A_368 = arith.constant 805459861 : i32
          %add3A_369 = vector.broadcast %add3A_368 : i32 to vector<16xi32>
          %add3A_370 = arith.addi %mul3A_367, %add3A_369 : vector<16xi32>
          %xor3A_371 = arith.xori %convert_element_type3A_329, %mul3A_361 : vector<16xi32>
          %xor3A_372 = arith.xori %add3A_358, %mul3A_361 : vector<16xi32>
          %xor3A_373 = arith.xori %convert_element_type3A_329, %add3A_364 : vector<16xi32>
          %xor3A_374 = arith.xori %add3A_358, %add3A_364 : vector<16xi32>
          %xor3A_375 = arith.xori %xor3A_371, %mul3A_367 : vector<16xi32>
          %and3A_376 = arith.constant 524287 : i32
          %and3A_377 = vector.broadcast %and3A_376 : i32 to vector<16xi32>
          %and3A_378 = arith.andi %xor3A_375, %and3A_377 : vector<16xi32>
          %add3A_379 = vector.broadcast %shift_left3A_117 : i32 to vector<16xi32>
          %add3A_380 = arith.addi %and3A_378, %add3A_379 : vector<16xi32>
          %add3A_381 = arith.constant 0 : i32
          %add3A_382 = arith.addi %shift_right_arithmetic3A_351, %add3A_381 : i32
          %swap3A_383 = arith.index_cast %add3A_382 : i32 to index
          %swap3A_384 = arith.index_cast %mul3A_355 : i32 to index
          %swap3A_385 = tpu.vector_load %arg11[%swap3A_383, %swap3A_384] {strides = array<i32>} : memref<32x128xi32, #tpu.memory_space<vmem>>, vector<16xi32>,
          tpu.vector_store %arg11[%swap3A_383, %swap3A_384], %add3A_380 {strides = array<i32>} : memref<32x128xi32, #tpu.memory_space<vmem>>, vector<16xi32>,
          %xor3A_386 = arith.xori %xor3A_372, %mul3A_367 : vector<16xi32>
          %and3A_387 = arith.constant 524287 : i32
          %and3A_388 = vector.broadcast %and3A_387 : i32 to vector<16xi32>
          %and3A_389 = arith.andi %xor3A_386, %and3A_388 : vector<16xi32>
          %add3A_390 = vector.broadcast %shift_left3A_117 : i32 to vector<16xi32>
          %add3A_391 = arith.addi %and3A_389, %add3A_390 : vector<16xi32>
          %add3A_392 = arith.constant 4 : i32
          %add3A_393 = arith.addi %shift_right_arithmetic3A_351, %add3A_392 : i32
          %swap3A_394 = arith.index_cast %add3A_393 : i32 to index
          %swap3A_395 = arith.index_cast %mul3A_355 : i32 to index
          %swap3A_396 = tpu.vector_load %arg11[%swap3A_394, %swap3A_395] {strides = array<i32>} : memref<32x128xi32, #tpu.memory_space<vmem>>, vector<16xi32>,
          tpu.vector_store %arg11[%swap3A_394, %swap3A_395], %add3A_391 {strides = array<i32>} : memref<32x128xi32, #tpu.memory_space<vmem>>, vector<16xi32>,
          %xor3A_397 = arith.xori %xor3A_373, %mul3A_367 : vector<16xi32>
          %and3A_398 = arith.constant 524287 : i32
          %and3A_399 = vector.broadcast %and3A_398 : i32 to vector<16xi32>
          %and3A_400 = arith.andi %xor3A_397, %and3A_399 : vector<16xi32>
          %add3A_401 = vector.broadcast %shift_left3A_117 : i32 to vector<16xi32>
          %add3A_402 = arith.addi %and3A_400, %add3A_401 : vector<16xi32>
          %add3A_403 = arith.constant 8 : i32
          %add3A_404 = arith.addi %shift_right_arithmetic3A_351, %add3A_403 : i32
          %swap3A_405 = arith.index_cast %add3A_404 : i32 to index
          %swap3A_406 = arith.index_cast %mul3A_355 : i32 to index
          %swap3A_407 = tpu.vector_load %arg11[%swap3A_405, %swap3A_406] {strides = array<i32>} : memref<32x128xi32, #tpu.memory_space<vmem>>, vector<16xi32>,
          tpu.vector_store %arg11[%swap3A_405, %swap3A_406], %add3A_402 {strides = array<i32>} : memref<32x128xi32, #tpu.memory_space<vmem>>, vector<16xi32>,
          %xor3A_408 = arith.xori %xor3A_374, %mul3A_367 : vector<16xi32>
          %and3A_409 = arith.constant 524287 : i32
          %and3A_410 = vector.broadcast %and3A_409 : i32 to vector<16xi32>
          %and3A_411 = arith.andi %xor3A_408, %and3A_410 : vector<16xi32>
          %add3A_412 = vector.broadcast %shift_left3A_117 : i32 to vector<16xi32>
          %add3A_413 = arith.addi %and3A_411, %add3A_412 : vector<16xi32>
          %add3A_414 = arith.constant 12 : i32
          %add3A_415 = arith.addi %shift_right_arithmetic3A_351, %add3A_414 : i32
          %swap3A_416 = arith.index_cast %add3A_415 : i32 to index
          %swap3A_417 = arith.index_cast %mul3A_355 : i32 to index
          %swap3A_418 = tpu.vector_load %arg11[%swap3A_416, %swap3A_417] {strides = array<i32>} : memref<32x128xi32, #tpu.memory_space<vmem>>, vector<16xi32>,
          tpu.vector_store %arg11[%swap3A_416, %swap3A_417], %add3A_413 {strides = array<i32>} : memref<32x128xi32, #tpu.memory_space<vmem>>, vector<16xi32>,
          %xor3A_419 = arith.xori %xor3A_371, %add3A_370 : vector<16xi32>
          %and3A_420 = arith.constant 524287 : i32
          %and3A_421 = vector.broadcast %and3A_420 : i32 to vector<16xi32>
          %and3A_422 = arith.andi %xor3A_419, %and3A_421 : vector<16xi32>
          %add3A_423 = vector.broadcast %shift_left3A_117 : i32 to vector<16xi32>
          %add3A_424 = arith.addi %and3A_422, %add3A_423 : vector<16xi32>
          %add3A_425 = arith.constant 16 : i32
          %add3A_426 = arith.addi %shift_right_arithmetic3A_351, %add3A_425 : i32
          %swap3A_427 = arith.index_cast %add3A_426 : i32 to index
          %swap3A_428 = arith.index_cast %mul3A_355 : i32 to index
          %swap3A_429 = tpu.vector_load %arg11[%swap3A_427, %swap3A_428] {strides = array<i32>} : memref<32x128xi32, #tpu.memory_space<vmem>>, vector<16xi32>,
          tpu.vector_store %arg11[%swap3A_427, %swap3A_428], %add3A_424 {strides = array<i32>} : memref<32x128xi32, #tpu.memory_space<vmem>>, vector<16xi32>,
          %xor3A_430 = arith.xori %xor3A_372, %add3A_370 : vector<16xi32>
          %and3A_431 = arith.constant 524287 : i32
          %and3A_432 = vector.broadcast %and3A_431 : i32 to vector<16xi32>
          %and3A_433 = arith.andi %xor3A_430, %and3A_432 : vector<16xi32>
          %add3A_434 = vector.broadcast %shift_left3A_117 : i32 to vector<16xi32>
          %add3A_435 = arith.addi %and3A_433, %add3A_434 : vector<16xi32>
          %add3A_436 = arith.constant 20 : i32
          %add3A_437 = arith.addi %shift_right_arithmetic3A_351, %add3A_436 : i32
          %swap3A_438 = arith.index_cast %add3A_437 : i32 to index
          %swap3A_439 = arith.index_cast %mul3A_355 : i32 to index
          %swap3A_440 = tpu.vector_load %arg11[%swap3A_438, %swap3A_439] {strides = array<i32>} : memref<32x128xi32, #tpu.memory_space<vmem>>, vector<16xi32>,
          tpu.vector_store %arg11[%swap3A_438, %swap3A_439], %add3A_435 {strides = array<i32>} : memref<32x128xi32, #tpu.memory_space<vmem>>, vector<16xi32>,
          %xor3A_441 = arith.xori %xor3A_373, %add3A_370 : vector<16xi32>
          %and3A_442 = arith.constant 524287 : i32
          %and3A_443 = vector.broadcast %and3A_442 : i32 to vector<16xi32>
          %and3A_444 = arith.andi %xor3A_441, %and3A_443 : vector<16xi32>
          %add3A_445 = vector.broadcast %shift_left3A_117 : i32 to vector<16xi32>
          %add3A_446 = arith.addi %and3A_444, %add3A_445 : vector<16xi32>
          %add3A_447 = arith.constant 24 : i32
          %add3A_448 = arith.addi %shift_right_arithmetic3A_351, %add3A_447 : i32
          %swap3A_449 = arith.index_cast %add3A_448 : i32 to index
          %swap3A_450 = arith.index_cast %mul3A_355 : i32 to index
          %swap3A_451 = tpu.vector_load %arg11[%swap3A_449, %swap3A_450] {strides = array<i32>} : memref<32x128xi32, #tpu.memory_space<vmem>>, vector<16xi32>,
          tpu.vector_store %arg11[%swap3A_449, %swap3A_450], %add3A_446 {strides = array<i32>} : memref<32x128xi32, #tpu.memory_space<vmem>>, vector<16xi32>,
          %xor3A_452 = arith.xori %xor3A_374, %add3A_370 : vector<16xi32>
          %and3A_453 = arith.constant 524287 : i32
          %and3A_454 = vector.broadcast %and3A_453 : i32 to vector<16xi32>
          %and3A_455 = arith.andi %xor3A_452, %and3A_454 : vector<16xi32>
          %add3A_456 = vector.broadcast %shift_left3A_117 : i32 to vector<16xi32>
          %add3A_457 = arith.addi %and3A_455, %add3A_456 : vector<16xi32>
          %add3A_458 = arith.constant 28 : i32
          %add3A_459 = arith.addi %shift_right_arithmetic3A_351, %add3A_458 : i32
          %swap3A_460 = arith.index_cast %add3A_459 : i32 to index
          %swap3A_461 = arith.index_cast %mul3A_355 : i32 to index
          %swap3A_462 = tpu.vector_load %arg11[%swap3A_460, %swap3A_461] {strides = array<i32>} : memref<32x128xi32, #tpu.memory_space<vmem>>, vector<16xi32>,
          tpu.vector_store %arg11[%swap3A_460, %swap3A_461], %add3A_457 {strides = array<i32>} : memref<32x128xi32, #tpu.memory_space<vmem>>, vector<16xi32>,
          %scan3A_463 = arith.constant 0 : i32
          scf.yield %scan3A_463 : i32
        }
        %scan3A_128 = arith.constant 16 : i32
        %scan3A_129 = arith.constant 0 : i32
        %scan3A_130 = arith.constant 0 : i32
        %scan3A_131 = arith.constant 32 : i32
        %scan3A_132 = arith.addi %scan3A_130, %scan3A_131 : i32
        %scan3A_133 = arith.constant 1 : i32
        %scan3A_134 = scf.for %scan3A_151 = %scan3A_130 to %scan3A_132 step %scan3A_133 iter_args(%scan3A_152 = %scan3A_129) -> (i32)  : i32 {
          %dma_start3A = arith.constant 0 : i32
          %dma_start3A_153 = tpu.memref_slice %arg13[%scan3A_151, %dma_start3A] : memref<32x128xf32, #tpu.memory_space<vmem>> -> memref<1x128xf32, #tpu.memory_space<vmem>>
          %dma_start3A_154 = tpu.memref_squeeze %dma_start3A_153 : memref<1x128xf32, #tpu.memory_space<vmem>> -> memref<128xf32, #tpu.memory_space<vmem>>
          %dma_start3A_155 = arith.constant 0 : i32
          %dma_start3A_156 = tpu.memref_slice %arg11[%scan3A_151, %dma_start3A_155] : memref<32x128xi32, #tpu.memory_space<vmem>> -> memref<1x128xi32, #tpu.memory_space<vmem>>
          %dma_start3A_157 = tpu.memref_squeeze %dma_start3A_156 : memref<1x128xi32, #tpu.memory_space<vmem>> -> memref<128xi32, #tpu.memory_space<vmem>>
          %dma_start3A_158 = arith.constant 0 : i32
          %dma_start3A_159 = tpu.memref_slice %arg4[%dma_start3A_158] : memref<8388608xf32, #tpu.memory_space<hbm>> -> memref<8388608xf32, #tpu.memory_space<hbm>>
          tpu.enqueue_indirect_dma source(%dma_start3A_159 : memref<8388608xf32, #tpu.memory_space<hbm>>) target(%dma_start3A_154 : memref<128xf32, #tpu.memory_space<vmem>>) offsets(%dma_start3A_157 : memref<128xi32, #tpu.memory_space<vmem>>) semaphore(%arg17 : memref<!tpu.dma_semaphore, #tpu.memory_space<semaphore_mem>>)
          %dma_start3A_160 = arith.constant 0 : i32
          %dma_start3A_161 = tpu.memref_slice %arg14[%scan3A_151, %dma_start3A_160] : memref<32x128xf32, #tpu.memory_space<vmem>> -> memref<1x128xf32, #tpu.memory_space<vmem>>
          %dma_start3A_162 = tpu.memref_squeeze %dma_start3A_161 : memref<1x128xf32, #tpu.memory_space<vmem>> -> memref<128xf32, #tpu.memory_space<vmem>>
          %dma_start3A_163 = arith.constant 0 : i32
          %dma_start3A_164 = tpu.memref_slice %arg11[%scan3A_151, %dma_start3A_163] : memref<32x128xi32, #tpu.memory_space<vmem>> -> memref<1x128xi32, #tpu.memory_space<vmem>>
          %dma_start3A_165 = tpu.memref_squeeze %dma_start3A_164 : memref<1x128xi32, #tpu.memory_space<vmem>> -> memref<128xi32, #tpu.memory_space<vmem>>
          %dma_start3A_166 = arith.constant 0 : i32
          %dma_start3A_167 = tpu.memref_slice %arg5[%dma_start3A_166] : memref<8388608xf32, #tpu.memory_space<hbm>> -> memref<8388608xf32, #tpu.memory_space<hbm>>
          tpu.enqueue_indirect_dma source(%dma_start3A_167 : memref<8388608xf32, #tpu.memory_space<hbm>>) target(%dma_start3A_162 : memref<128xf32, #tpu.memory_space<vmem>>) offsets(%dma_start3A_165 : memref<128xi32, #tpu.memory_space<vmem>>) semaphore(%arg17 : memref<!tpu.dma_semaphore, #tpu.memory_space<semaphore_mem>>)
          %scan3A_168 = arith.constant 0 : i32
          scf.yield %scan3A_168 : i32
        }
        %scan3A_135 = arith.constant 32 : i32
        %scan3A_136 = arith.constant 0 : i32
        %scan3A_137 = arith.constant 0 : i32
        %scan3A_138 = arith.constant 32 : i32
        %scan3A_139 = arith.addi %scan3A_137, %scan3A_138 : i32
        %scan3A_140 = arith.constant 1 : i32
        %scan3A_141 = scf.for %scan3A_151 = %scan3A_137 to %scan3A_139 step %scan3A_140 iter_args(%scan3A_152 = %scan3A_136) -> (i32)  : i32 {
          %dma_wait3A = arith.constant 0 : i32
          %dma_wait3A_153 = tpu.memref_slice %arg13[%scan3A_151, %dma_wait3A] : memref<32x128xf32, #tpu.memory_space<vmem>> -> memref<1x128xf32, #tpu.memory_space<vmem>>
          %dma_wait3A_154 = tpu.memref_squeeze %dma_wait3A_153 : memref<1x128xf32, #tpu.memory_space<vmem>> -> memref<128xf32, #tpu.memory_space<vmem>>
          %dma_wait3A_155 = arith.constant 0 : i32
          %dma_wait3A_156 = tpu.memref_slice %arg11[%scan3A_151, %dma_wait3A_155] : memref<32x128xi32, #tpu.memory_space<vmem>> -> memref<1x128xi32, #tpu.memory_space<vmem>>
          %dma_wait3A_157 = tpu.memref_squeeze %dma_wait3A_156 : memref<1x128xi32, #tpu.memory_space<vmem>> -> memref<128xi32, #tpu.memory_space<vmem>>
          %dma_wait3A_158 = arith.constant 0 : i32
          %dma_wait3A_159 = tpu.memref_slice %arg4[%dma_wait3A_158] : memref<8388608xf32, #tpu.memory_space<hbm>> -> memref<8388608xf32, #tpu.memory_space<hbm>>
          tpu.wait_indirect_dma semaphore(%arg17 : memref<!tpu.dma_semaphore, #tpu.memory_space<semaphore_mem>>) src(%dma_wait3A_159 : memref<8388608xf32, #tpu.memory_space<hbm>>) dst(%dma_wait3A_154 : memref<128xf32, #tpu.memory_space<vmem>>)
          %dma_wait3A_160 = arith.constant 0 : i32
          %dma_wait3A_161 = tpu.memref_slice %arg14[%scan3A_151, %dma_wait3A_160] : memref<32x128xf32, #tpu.memory_space<vmem>> -> memref<1x128xf32, #tpu.memory_space<vmem>>
          %dma_wait3A_162 = tpu.memref_squeeze %dma_wait3A_161 : memref<1x128xf32, #tpu.memory_space<vmem>> -> memref<128xf32, #tpu.memory_space<vmem>>
          %dma_wait3A_163 = arith.constant 0 : i32
          %dma_wait3A_164 = tpu.memref_slice %arg11[%scan3A_151, %dma_wait3A_163] : memref<32x128xi32, #tpu.memory_space<vmem>> -> memref<1x128xi32, #tpu.memory_space<vmem>>
          %dma_wait3A_165 = tpu.memref_squeeze %dma_wait3A_164 : memref<1x128xi32, #tpu.memory_space<vmem>> -> memref<128xi32, #tpu.memory_space<vmem>>
          %dma_wait3A_166 = arith.constant 0 : i32
          %dma_wait3A_167 = tpu.memref_slice %arg5[%dma_wait3A_166] : memref<8388608xf32, #tpu.memory_space<hbm>> -> memref<8388608xf32, #tpu.memory_space<hbm>>
          tpu.wait_indirect_dma semaphore(%arg17 : memref<!tpu.dma_semaphore, #tpu.memory_space<semaphore_mem>>) src(%dma_wait3A_167 : memref<8388608xf32, #tpu.memory_space<hbm>>) dst(%dma_wait3A_162 : memref<128xf32, #tpu.memory_space<vmem>>)
          %scan3A_168 = arith.constant 0 : i32
          scf.yield %scan3A_168 : i32
        }
        %scan3A_142 = arith.constant 32 : i32
        %scan3A_143 = arith.constant 0 : i32
        %scan3A_144 = arith.constant 0 : i32
        %scan3A_145 = arith.constant 16 : i32
        %scan3A_146 = arith.addi %scan3A_144, %scan3A_145 : i32
        %scan3A_147 = arith.constant 1 : i32
        %scan3A_148 = scf.for %scan3A_151 = %scan3A_144 to %scan3A_146 step %scan3A_147 iter_args(%scan3A_152 = %scan3A_143) -> (i32)  : i32 {
          %mul3A_153 = arith.constant 2 : i32
          %mul3A_154 = arith.muli %scan3A_151, %mul3A_153 : i32
          %add3A_155 = arith.constant 0 : i32
          %add3A_156 = arith.addi %mul3A_154, %add3A_155 : i32
          %mul3A_157 = arith.constant 16 : i32
          %mul3A_158 = arith.muli %add3A_156, %mul3A_157 : i32
          %add3A_159 = vector.broadcast %mul3A_158 : i32 to vector<16xi32>
          %add3A_160 = arith.addi %add3A_159, %iota3A : vector<16xi32>
          %shift_right_arithmetic3A = arith.constant 3 : i32
          %shift_right_arithmetic3A_161 = arith.shrsi %add3A_156, %shift_right_arithmetic3A : i32
          %and3A = arith.constant 7 : i32
          %and3A_162 = arith.andi %add3A_156, %and3A : i32
          %mul3A_163 = arith.constant 16 : i32
          %mul3A_164 = arith.muli %and3A_162, %mul3A_163 : i32
          %get3A = arith.constant 0 : i32
          %get3A_165 = arith.index_cast %get3A : i32 to index
          %get3A_166 = arith.index_cast %mul3A_158 : i32 to index
          %get3A_167 = tpu.vector_load %arg9[%get3A_165, %get3A_166] {strides = array<i32>} : memref<3x512xf32, #tpu.memory_space<vmem>>, vector<16xf32>,
          %get3A_168 = arith.constant 1 : i32
          %get3A_169 = arith.index_cast %get3A_168 : i32 to index
          %get3A_170 = arith.index_cast %mul3A_158 : i32 to index
          %get3A_171 = tpu.vector_load %arg9[%get3A_169, %get3A_170] {strides = array<i32>} : memref<3x512xf32, #tpu.memory_space<vmem>>, vector<16xf32>,
          %get3A_172 = arith.constant 2 : i32
          %get3A_173 = arith.index_cast %get3A_172 : i32 to index
          %get3A_174 = arith.index_cast %mul3A_158 : i32 to index
          %get3A_175 = tpu.vector_load %arg9[%get3A_173, %get3A_174] {strides = array<i32>} : memref<3x512xf32, #tpu.memory_space<vmem>>, vector<16xf32>,
          %sub3A = arith.constant 1.000000e+00 : f32
          %sub3A_176 = vector.broadcast %sub3A : f32 to vector<16xf32>
          %sub3A_177 = arith.subf %sub3A_176, %get3A_167 : vector<16xf32>
          %sub3A_178 = arith.constant 1.000000e+00 : f32
          %sub3A_179 = vector.broadcast %sub3A_178 : f32 to vector<16xf32>
          %sub3A_180 = arith.subf %sub3A_179, %get3A_171 : vector<16xf32>
          %sub3A_181 = arith.constant 1.000000e+00 : f32
          %sub3A_182 = vector.broadcast %sub3A_181 : f32 to vector<16xf32>
          %sub3A_183 = arith.subf %sub3A_182, %get3A_175 : vector<16xf32>
          %mul3A_184 = arith.mulf %sub3A_177, %sub3A_180 : vector<16xf32>
          %mul3A_185 = arith.mulf %get3A_167, %sub3A_180 : vector<16xf32>
          %mul3A_186 = arith.mulf %sub3A_177, %get3A_171 : vector<16xf32>
          %mul3A_187 = arith.mulf %get3A_167, %get3A_171 : vector<16xf32>
          %mul3A_188 = arith.mulf %mul3A_184, %sub3A_183 : vector<16xf32>
          %add3A_189 = arith.constant 0 : i32
          %add3A_190 = arith.addi %shift_right_arithmetic3A_161, %add3A_189 : i32
          %get3A_191 = arith.index_cast %add3A_190 : i32 to index
          %get3A_192 = arith.index_cast %mul3A_164 : i32 to index
          %get3A_193 = tpu.vector_load %arg13[%get3A_191, %get3A_192] {strides = array<i32>} : memref<32x128xf32, #tpu.memory_space<vmem>>, vector<16xf32>,
          %get3A_194 = arith.index_cast %add3A_190 : i32 to index
          %get3A_195 = arith.index_cast %mul3A_164 : i32 to index
          %get3A_196 = tpu.vector_load %arg14[%get3A_194, %get3A_195] {strides = array<i32>} : memref<32x128xf32, #tpu.memory_space<vmem>>, vector<16xf32>,
          %mul3A_197 = arith.mulf %mul3A_188, %get3A_193 : vector<16xf32>
          %mul3A_198 = arith.mulf %mul3A_188, %get3A_196 : vector<16xf32>
          %mul3A_199 = arith.mulf %mul3A_185, %sub3A_183 : vector<16xf32>
          %add3A_200 = arith.constant 4 : i32
          %add3A_201 = arith.addi %shift_right_arithmetic3A_161, %add3A_200 : i32
          %get3A_202 = arith.index_cast %add3A_201 : i32 to index
          %get3A_203 = arith.index_cast %mul3A_164 : i32 to index
          %get3A_204 = tpu.vector_load %arg13[%get3A_202, %get3A_203] {strides = array<i32>} : memref<32x128xf32, #tpu.memory_space<vmem>>, vector<16xf32>,
          %get3A_205 = arith.index_cast %add3A_201 : i32 to index
          %get3A_206 = arith.index_cast %mul3A_164 : i32 to index
          %get3A_207 = tpu.vector_load %arg14[%get3A_205, %get3A_206] {strides = array<i32>} : memref<32x128xf32, #tpu.memory_space<vmem>>, vector<16xf32>,
          %mul3A_208 = arith.mulf %mul3A_199, %get3A_204 : vector<16xf32>
          %add3A_209 = arith.addf %mul3A_197, %mul3A_208 : vector<16xf32>
          %mul3A_210 = arith.mulf %mul3A_199, %get3A_207 : vector<16xf32>
          %add3A_211 = arith.addf %mul3A_198, %mul3A_210 : vector<16xf32>
          %mul3A_212 = arith.mulf %mul3A_186, %sub3A_183 : vector<16xf32>
          %add3A_213 = arith.constant 8 : i32
          %add3A_214 = arith.addi %shift_right_arithmetic3A_161, %add3A_213 : i32
          %get3A_215 = arith.index_cast %add3A_214 : i32 to index
          %get3A_216 = arith.index_cast %mul3A_164 : i32 to index
          %get3A_217 = tpu.vector_load %arg13[%get3A_215, %get3A_216] {strides = array<i32>} : memref<32x128xf32, #tpu.memory_space<vmem>>, vector<16xf32>,
          %get3A_218 = arith.index_cast %add3A_214 : i32 to index
          %get3A_219 = arith.index_cast %mul3A_164 : i32 to index
          %get3A_220 = tpu.vector_load %arg14[%get3A_218, %get3A_219] {strides = array<i32>} : memref<32x128xf32, #tpu.memory_space<vmem>>, vector<16xf32>,
          %mul3A_221 = arith.mulf %mul3A_212, %get3A_217 : vector<16xf32>
          %add3A_222 = arith.addf %add3A_209, %mul3A_221 : vector<16xf32>
          %mul3A_223 = arith.mulf %mul3A_212, %get3A_220 : vector<16xf32>
          %add3A_224 = arith.addf %add3A_211, %mul3A_223 : vector<16xf32>
          %mul3A_225 = arith.mulf %mul3A_187, %sub3A_183 : vector<16xf32>
          %add3A_226 = arith.constant 12 : i32
          %add3A_227 = arith.addi %shift_right_arithmetic3A_161, %add3A_226 : i32
          %get3A_228 = arith.index_cast %add3A_227 : i32 to index
          %get3A_229 = arith.index_cast %mul3A_164 : i32 to index
          %get3A_230 = tpu.vector_load %arg13[%get3A_228, %get3A_229] {strides = array<i32>} : memref<32x128xf32, #tpu.memory_space<vmem>>, vector<16xf32>,
          %get3A_231 = arith.index_cast %add3A_227 : i32 to index
          %get3A_232 = arith.index_cast %mul3A_164 : i32 to index
          %get3A_233 = tpu.vector_load %arg14[%get3A_231, %get3A_232] {strides = array<i32>} : memref<32x128xf32, #tpu.memory_space<vmem>>, vector<16xf32>,
          %mul3A_234 = arith.mulf %mul3A_225, %get3A_230 : vector<16xf32>
          %add3A_235 = arith.addf %add3A_222, %mul3A_234 : vector<16xf32>
          %mul3A_236 = arith.mulf %mul3A_225, %get3A_233 : vector<16xf32>
          %add3A_237 = arith.addf %add3A_224, %mul3A_236 : vector<16xf32>
          %mul3A_238 = arith.mulf %mul3A_184, %get3A_175 : vector<16xf32>
          %add3A_239 = arith.constant 16 : i32
          %add3A_240 = arith.addi %shift_right_arithmetic3A_161, %add3A_239 : i32
          %get3A_241 = arith.index_cast %add3A_240 : i32 to index
          %get3A_242 = arith.index_cast %mul3A_164 : i32 to index
          %get3A_243 = tpu.vector_load %arg13[%get3A_241, %get3A_242] {strides = array<i32>} : memref<32x128xf32, #tpu.memory_space<vmem>>, vector<16xf32>,
          %get3A_244 = arith.index_cast %add3A_240 : i32 to index
          %get3A_245 = arith.index_cast %mul3A_164 : i32 to index
          %get3A_246 = tpu.vector_load %arg14[%get3A_244, %get3A_245] {strides = array<i32>} : memref<32x128xf32, #tpu.memory_space<vmem>>, vector<16xf32>,
          %mul3A_247 = arith.mulf %mul3A_238, %get3A_243 : vector<16xf32>
          %add3A_248 = arith.addf %add3A_235, %mul3A_247 : vector<16xf32>
          %mul3A_249 = arith.mulf %mul3A_238, %get3A_246 : vector<16xf32>
          %add3A_250 = arith.addf %add3A_237, %mul3A_249 : vector<16xf32>
          %mul3A_251 = arith.mulf %mul3A_185, %get3A_175 : vector<16xf32>
          %add3A_252 = arith.constant 20 : i32
          %add3A_253 = arith.addi %shift_right_arithmetic3A_161, %add3A_252 : i32
          %get3A_254 = arith.index_cast %add3A_253 : i32 to index
          %get3A_255 = arith.index_cast %mul3A_164 : i32 to index
          %get3A_256 = tpu.vector_load %arg13[%get3A_254, %get3A_255] {strides = array<i32>} : memref<32x128xf32, #tpu.memory_space<vmem>>, vector<16xf32>,
          %get3A_257 = arith.index_cast %add3A_253 : i32 to index
          %get3A_258 = arith.index_cast %mul3A_164 : i32 to index
          %get3A_259 = tpu.vector_load %arg14[%get3A_257, %get3A_258] {strides = array<i32>} : memref<32x128xf32, #tpu.memory_space<vmem>>, vector<16xf32>,
          %mul3A_260 = arith.mulf %mul3A_251, %get3A_256 : vector<16xf32>
          %add3A_261 = arith.addf %add3A_248, %mul3A_260 : vector<16xf32>
          %mul3A_262 = arith.mulf %mul3A_251, %get3A_259 : vector<16xf32>
          %add3A_263 = arith.addf %add3A_250, %mul3A_262 : vector<16xf32>
          %mul3A_264 = arith.mulf %mul3A_186, %get3A_175 : vector<16xf32>
          %add3A_265 = arith.constant 24 : i32
          %add3A_266 = arith.addi %shift_right_arithmetic3A_161, %add3A_265 : i32
          %get3A_267 = arith.index_cast %add3A_266 : i32 to index
          %get3A_268 = arith.index_cast %mul3A_164 : i32 to index
          %get3A_269 = tpu.vector_load %arg13[%get3A_267, %get3A_268] {strides = array<i32>} : memref<32x128xf32, #tpu.memory_space<vmem>>, vector<16xf32>,
          %get3A_270 = arith.index_cast %add3A_266 : i32 to index
          %get3A_271 = arith.index_cast %mul3A_164 : i32 to index
          %get3A_272 = tpu.vector_load %arg14[%get3A_270, %get3A_271] {strides = array<i32>} : memref<32x128xf32, #tpu.memory_space<vmem>>, vector<16xf32>,
          %mul3A_273 = arith.mulf %mul3A_264, %get3A_269 : vector<16xf32>
          %add3A_274 = arith.addf %add3A_261, %mul3A_273 : vector<16xf32>
          %mul3A_275 = arith.mulf %mul3A_264, %get3A_272 : vector<16xf32>
          %add3A_276 = arith.addf %add3A_263, %mul3A_275 : vector<16xf32>
          %mul3A_277 = arith.mulf %mul3A_187, %get3A_175 : vector<16xf32>
          %add3A_278 = arith.constant 28 : i32
          %add3A_279 = arith.addi %shift_right_arithmetic3A_161, %add3A_278 : i32
          %get3A_280 = arith.index_cast %add3A_279 : i32 to index
          %get3A_281 = arith.index_cast %mul3A_164 : i32 to index
          %get3A_282 = tpu.vector_load %arg13[%get3A_280, %get3A_281] {strides = array<i32>} : memref<32x128xf32, #tpu.memory_space<vmem>>, vector<16xf32>,
          %get3A_283 = arith.index_cast %add3A_279 : i32 to index
          %get3A_284 = arith.index_cast %mul3A_164 : i32 to index
          %get3A_285 = tpu.vector_load %arg14[%get3A_283, %get3A_284] {strides = array<i32>} : memref<32x128xf32, #tpu.memory_space<vmem>>, vector<16xf32>,
          %mul3A_286 = arith.mulf %mul3A_277, %get3A_282 : vector<16xf32>
          %add3A_287 = arith.addf %add3A_274, %mul3A_286 : vector<16xf32>
          %mul3A_288 = arith.mulf %mul3A_277, %get3A_285 : vector<16xf32>
          %add3A_289 = arith.addf %add3A_276, %mul3A_288 : vector<16xf32>
          %broadcast_in_dim3A = vector.broadcast %add3A_121 : i32 to vector<16xi32>
          tpu.vector_store_idx %arg16[%add3A_160, %broadcast_in_dim3A], %add3A_287 : memref<512x44xf32, #tpu.memory_space<vmem>>[vector<16xi32>, vector<16xi32>], vector<16xf32>,
          %add3A_290 = arith.constant 1 : i32
          %add3A_291 = arith.addi %add3A_121, %add3A_290 : i32
          %broadcast_in_dim3A_292 = vector.broadcast %add3A_291 : i32 to vector<16xi32>
          tpu.vector_store_idx %arg16[%add3A_160, %broadcast_in_dim3A_292], %add3A_289 : memref<512x44xf32, #tpu.memory_space<vmem>>[vector<16xi32>, vector<16xi32>], vector<16xf32>,
          %mul3A_293 = arith.constant 2 : i32
          %mul3A_294 = arith.muli %scan3A_151, %mul3A_293 : i32
          %add3A_295 = arith.constant 1 : i32
          %add3A_296 = arith.addi %mul3A_294, %add3A_295 : i32
          %mul3A_297 = arith.constant 16 : i32
          %mul3A_298 = arith.muli %add3A_296, %mul3A_297 : i32
          %add3A_299 = vector.broadcast %mul3A_298 : i32 to vector<16xi32>
          %add3A_300 = arith.addi %add3A_299, %iota3A : vector<16xi32>
          %shift_right_arithmetic3A_301 = arith.constant 3 : i32
          %shift_right_arithmetic3A_302 = arith.shrsi %add3A_296, %shift_right_arithmetic3A_301 : i32
          %and3A_303 = arith.constant 7 : i32
          %and3A_304 = arith.andi %add3A_296, %and3A_303 : i32
          %mul3A_305 = arith.constant 16 : i32
          %mul3A_306 = arith.muli %and3A_304, %mul3A_305 : i32
          %get3A_307 = arith.constant 0 : i32
          %get3A_308 = arith.index_cast %get3A_307 : i32 to index
          %get3A_309 = arith.index_cast %mul3A_298 : i32 to index
          %get3A_310 = tpu.vector_load %arg9[%get3A_308, %get3A_309] {strides = array<i32>} : memref<3x512xf32, #tpu.memory_space<vmem>>, vector<16xf32>,
          %get3A_311 = arith.constant 1 : i32
          %get3A_312 = arith.index_cast %get3A_311 : i32 to index
          %get3A_313 = arith.index_cast %mul3A_298 : i32 to index
          %get3A_314 = tpu.vector_load %arg9[%get3A_312, %get3A_313] {strides = array<i32>} : memref<3x512xf32, #tpu.memory_space<vmem>>, vector<16xf32>,
          %get3A_315 = arith.constant 2 : i32
          %get3A_316 = arith.index_cast %get3A_315 : i32 to index
          %get3A_317 = arith.index_cast %mul3A_298 : i32 to index
          %get3A_318 = tpu.vector_load %arg9[%get3A_316, %get3A_317] {strides = array<i32>} : memref<3x512xf32, #tpu.memory_space<vmem>>, vector<16xf32>,
          %sub3A_319 = arith.constant 1.000000e+00 : f32
          %sub3A_320 = vector.broadcast %sub3A_319 : f32 to vector<16xf32>
          %sub3A_321 = arith.subf %sub3A_320, %get3A_310 : vector<16xf32>
          %sub3A_322 = arith.constant 1.000000e+00 : f32
          %sub3A_323 = vector.broadcast %sub3A_322 : f32 to vector<16xf32>
          %sub3A_324 = arith.subf %sub3A_323, %get3A_314 : vector<16xf32>
          %sub3A_325 = arith.constant 1.000000e+00 : f32
          %sub3A_326 = vector.broadcast %sub3A_325 : f32 to vector<16xf32>
          %sub3A_327 = arith.subf %sub3A_326, %get3A_318 : vector<16xf32>
          %mul3A_328 = arith.mulf %sub3A_321, %sub3A_324 : vector<16xf32>
          %mul3A_329 = arith.mulf %get3A_310, %sub3A_324 : vector<16xf32>
          %mul3A_330 = arith.mulf %sub3A_321, %get3A_314 : vector<16xf32>
          %mul3A_331 = arith.mulf %get3A_310, %get3A_314 : vector<16xf32>
          %mul3A_332 = arith.mulf %mul3A_328, %sub3A_327 : vector<16xf32>
          %add3A_333 = arith.constant 0 : i32
          %add3A_334 = arith.addi %shift_right_arithmetic3A_302, %add3A_333 : i32
          %get3A_335 = arith.index_cast %add3A_334 : i32 to index
          %get3A_336 = arith.index_cast %mul3A_306 : i32 to index
          %get3A_337 = tpu.vector_load %arg13[%get3A_335, %get3A_336] {strides = array<i32>} : memref<32x128xf32, #tpu.memory_space<vmem>>, vector<16xf32>,
          %get3A_338 = arith.index_cast %add3A_334 : i32 to index
          %get3A_339 = arith.index_cast %mul3A_306 : i32 to index
          %get3A_340 = tpu.vector_load %arg14[%get3A_338, %get3A_339] {strides = array<i32>} : memref<32x128xf32, #tpu.memory_space<vmem>>, vector<16xf32>,
          %mul3A_341 = arith.mulf %mul3A_332, %get3A_337 : vector<16xf32>
          %mul3A_342 = arith.mulf %mul3A_332, %get3A_340 : vector<16xf32>
          %mul3A_343 = arith.mulf %mul3A_329, %sub3A_327 : vector<16xf32>
          %add3A_344 = arith.constant 4 : i32
          %add3A_345 = arith.addi %shift_right_arithmetic3A_302, %add3A_344 : i32
          %get3A_346 = arith.index_cast %add3A_345 : i32 to index
          %get3A_347 = arith.index_cast %mul3A_306 : i32 to index
          %get3A_348 = tpu.vector_load %arg13[%get3A_346, %get3A_347] {strides = array<i32>} : memref<32x128xf32, #tpu.memory_space<vmem>>, vector<16xf32>,
          %get3A_349 = arith.index_cast %add3A_345 : i32 to index
          %get3A_350 = arith.index_cast %mul3A_306 : i32 to index
          %get3A_351 = tpu.vector_load %arg14[%get3A_349, %get3A_350] {strides = array<i32>} : memref<32x128xf32, #tpu.memory_space<vmem>>, vector<16xf32>,
          %mul3A_352 = arith.mulf %mul3A_343, %get3A_348 : vector<16xf32>
          %add3A_353 = arith.addf %mul3A_341, %mul3A_352 : vector<16xf32>
          %mul3A_354 = arith.mulf %mul3A_343, %get3A_351 : vector<16xf32>
          %add3A_355 = arith.addf %mul3A_342, %mul3A_354 : vector<16xf32>
          %mul3A_356 = arith.mulf %mul3A_330, %sub3A_327 : vector<16xf32>
          %add3A_357 = arith.constant 8 : i32
          %add3A_358 = arith.addi %shift_right_arithmetic3A_302, %add3A_357 : i32
          %get3A_359 = arith.index_cast %add3A_358 : i32 to index
          %get3A_360 = arith.index_cast %mul3A_306 : i32 to index
          %get3A_361 = tpu.vector_load %arg13[%get3A_359, %get3A_360] {strides = array<i32>} : memref<32x128xf32, #tpu.memory_space<vmem>>, vector<16xf32>,
          %get3A_362 = arith.index_cast %add3A_358 : i32 to index
          %get3A_363 = arith.index_cast %mul3A_306 : i32 to index
          %get3A_364 = tpu.vector_load %arg14[%get3A_362, %get3A_363] {strides = array<i32>} : memref<32x128xf32, #tpu.memory_space<vmem>>, vector<16xf32>,
          %mul3A_365 = arith.mulf %mul3A_356, %get3A_361 : vector<16xf32>
          %add3A_366 = arith.addf %add3A_353, %mul3A_365 : vector<16xf32>
          %mul3A_367 = arith.mulf %mul3A_356, %get3A_364 : vector<16xf32>
          %add3A_368 = arith.addf %add3A_355, %mul3A_367 : vector<16xf32>
          %mul3A_369 = arith.mulf %mul3A_331, %sub3A_327 : vector<16xf32>
          %add3A_370 = arith.constant 12 : i32
          %add3A_371 = arith.addi %shift_right_arithmetic3A_302, %add3A_370 : i32
          %get3A_372 = arith.index_cast %add3A_371 : i32 to index
          %get3A_373 = arith.index_cast %mul3A_306 : i32 to index
          %get3A_374 = tpu.vector_load %arg13[%get3A_372, %get3A_373] {strides = array<i32>} : memref<32x128xf32, #tpu.memory_space<vmem>>, vector<16xf32>,
          %get3A_375 = arith.index_cast %add3A_371 : i32 to index
          %get3A_376 = arith.index_cast %mul3A_306 : i32 to index
          %get3A_377 = tpu.vector_load %arg14[%get3A_375, %get3A_376] {strides = array<i32>} : memref<32x128xf32, #tpu.memory_space<vmem>>, vector<16xf32>,
          %mul3A_378 = arith.mulf %mul3A_369, %get3A_374 : vector<16xf32>
          %add3A_379 = arith.addf %add3A_366, %mul3A_378 : vector<16xf32>
          %mul3A_380 = arith.mulf %mul3A_369, %get3A_377 : vector<16xf32>
          %add3A_381 = arith.addf %add3A_368, %mul3A_380 : vector<16xf32>
          %mul3A_382 = arith.mulf %mul3A_328, %get3A_318 : vector<16xf32>
          %add3A_383 = arith.constant 16 : i32
          %add3A_384 = arith.addi %shift_right_arithmetic3A_302, %add3A_383 : i32
          %get3A_385 = arith.index_cast %add3A_384 : i32 to index
          %get3A_386 = arith.index_cast %mul3A_306 : i32 to index
          %get3A_387 = tpu.vector_load %arg13[%get3A_385, %get3A_386] {strides = array<i32>} : memref<32x128xf32, #tpu.memory_space<vmem>>, vector<16xf32>,
          %get3A_388 = arith.index_cast %add3A_384 : i32 to index
          %get3A_389 = arith.index_cast %mul3A_306 : i32 to index
          %get3A_390 = tpu.vector_load %arg14[%get3A_388, %get3A_389] {strides = array<i32>} : memref<32x128xf32, #tpu.memory_space<vmem>>, vector<16xf32>,
          %mul3A_391 = arith.mulf %mul3A_382, %get3A_387 : vector<16xf32>
          %add3A_392 = arith.addf %add3A_379, %mul3A_391 : vector<16xf32>
          %mul3A_393 = arith.mulf %mul3A_382, %get3A_390 : vector<16xf32>
          %add3A_394 = arith.addf %add3A_381, %mul3A_393 : vector<16xf32>
          %mul3A_395 = arith.mulf %mul3A_329, %get3A_318 : vector<16xf32>
          %add3A_396 = arith.constant 20 : i32
          %add3A_397 = arith.addi %shift_right_arithmetic3A_302, %add3A_396 : i32
          %get3A_398 = arith.index_cast %add3A_397 : i32 to index
          %get3A_399 = arith.index_cast %mul3A_306 : i32 to index
          %get3A_400 = tpu.vector_load %arg13[%get3A_398, %get3A_399] {strides = array<i32>} : memref<32x128xf32, #tpu.memory_space<vmem>>, vector<16xf32>,
          %get3A_401 = arith.index_cast %add3A_397 : i32 to index
          %get3A_402 = arith.index_cast %mul3A_306 : i32 to index
          %get3A_403 = tpu.vector_load %arg14[%get3A_401, %get3A_402] {strides = array<i32>} : memref<32x128xf32, #tpu.memory_space<vmem>>, vector<16xf32>,
          %mul3A_404 = arith.mulf %mul3A_395, %get3A_400 : vector<16xf32>
          %add3A_405 = arith.addf %add3A_392, %mul3A_404 : vector<16xf32>
          %mul3A_406 = arith.mulf %mul3A_395, %get3A_403 : vector<16xf32>
          %add3A_407 = arith.addf %add3A_394, %mul3A_406 : vector<16xf32>
          %mul3A_408 = arith.mulf %mul3A_330, %get3A_318 : vector<16xf32>
          %add3A_409 = arith.constant 24 : i32
          %add3A_410 = arith.addi %shift_right_arithmetic3A_302, %add3A_409 : i32
          %get3A_411 = arith.index_cast %add3A_410 : i32 to index
          %get3A_412 = arith.index_cast %mul3A_306 : i32 to index
          %get3A_413 = tpu.vector_load %arg13[%get3A_411, %get3A_412] {strides = array<i32>} : memref<32x128xf32, #tpu.memory_space<vmem>>, vector<16xf32>,
          %get3A_414 = arith.index_cast %add3A_410 : i32 to index
          %get3A_415 = arith.index_cast %mul3A_306 : i32 to index
          %get3A_416 = tpu.vector_load %arg14[%get3A_414, %get3A_415] {strides = array<i32>} : memref<32x128xf32, #tpu.memory_space<vmem>>, vector<16xf32>,
          %mul3A_417 = arith.mulf %mul3A_408, %get3A_413 : vector<16xf32>
          %add3A_418 = arith.addf %add3A_405, %mul3A_417 : vector<16xf32>
          %mul3A_419 = arith.mulf %mul3A_408, %get3A_416 : vector<16xf32>
          %add3A_420 = arith.addf %add3A_407, %mul3A_419 : vector<16xf32>
          %mul3A_421 = arith.mulf %mul3A_331, %get3A_318 : vector<16xf32>
          %add3A_422 = arith.constant 28 : i32
          %add3A_423 = arith.addi %shift_right_arithmetic3A_302, %add3A_422 : i32
          %get3A_424 = arith.index_cast %add3A_423 : i32 to index
          %get3A_425 = arith.index_cast %mul3A_306 : i32 to index
          %get3A_426 = tpu.vector_load %arg13[%get3A_424, %get3A_425] {strides = array<i32>} : memref<32x128xf32, #tpu.memory_space<vmem>>, vector<16xf32>,
          %get3A_427 = arith.index_cast %add3A_423 : i32 to index
          %get3A_428 = arith.index_cast %mul3A_306 : i32 to index
          %get3A_429 = tpu.vector_load %arg14[%get3A_427, %get3A_428] {strides = array<i32>} : memref<32x128xf32, #tpu.memory_space<vmem>>, vector<16xf32>,
          %mul3A_430 = arith.mulf %mul3A_421, %get3A_426 : vector<16xf32>
          %add3A_431 = arith.addf %add3A_418, %mul3A_430 : vector<16xf32>
          %mul3A_432 = arith.mulf %mul3A_421, %get3A_429 : vector<16xf32>
          %add3A_433 = arith.addf %add3A_420, %mul3A_432 : vector<16xf32>
          %broadcast_in_dim3A_434 = vector.broadcast %add3A_121 : i32 to vector<16xi32>
          tpu.vector_store_idx %arg16[%add3A_300, %broadcast_in_dim3A_434], %add3A_431 : memref<512x44xf32, #tpu.memory_space<vmem>>[vector<16xi32>, vector<16xi32>], vector<16xf32>,
          %add3A_435 = arith.constant 1 : i32
          %add3A_436 = arith.addi %add3A_121, %add3A_435 : i32
          %broadcast_in_dim3A_437 = vector.broadcast %add3A_436 : i32 to vector<16xi32>
          tpu.vector_store_idx %arg16[%add3A_300, %broadcast_in_dim3A_437], %add3A_433 : memref<512x44xf32, #tpu.memory_space<vmem>>[vector<16xi32>, vector<16xi32>], vector<16xf32>,
          %scan3A_438 = arith.constant 0 : i32
          scf.yield %scan3A_438 : i32
        }
        %scan3A_149 = arith.constant 16 : i32
        %scan3A_150 = arith.constant 0 : i32
        scf.yield %scan3A_150 : i32
      }
      %scan3A_111 = arith.constant 13 : i32
      "tpu.region"() ({
        %run_scoped3A = tpu.sem_alloc : memref<!tpu.dma_semaphore, #tpu.memory_space<semaphore_mem>>
        %dma_start3A = arith.constant 0 : i32
        %dma_start3A_113 = tpu.memref_slice %arg6[%add3A_13, %dma_start3A] : memref<1048576x44xf32, #tpu.memory_space<hbm>> -> memref<512x44xf32, #tpu.memory_space<hbm>>
        %dma_start3A_114 = arith.constant 0 : i32
        %dma_start3A_115 = tpu.memref_slice %arg6[%add3A_13, %dma_start3A_114] : memref<1048576x44xf32, #tpu.memory_space<hbm>> -> memref<512x44xf32, #tpu.memory_space<hbm>>
        tpu.enqueue_dma source(%arg16 : memref<512x44xf32, #tpu.memory_space<vmem>>) target(%dma_start3A_115 : memref<512x44xf32, #tpu.memory_space<hbm>>) target_semaphore(%run_scoped3A : memref<!tpu.dma_semaphore, #tpu.memory_space<semaphore_mem>>)
        %dma_wait3A = arith.constant 0 : i32
        %dma_wait3A_116 = tpu.memref_slice %arg6[%add3A_13, %dma_wait3A] : memref<1048576x44xf32, #tpu.memory_space<hbm>> -> memref<512x44xf32, #tpu.memory_space<hbm>>
        %dma_wait3A_117 = arith.constant 0 : i32
        %dma_wait3A_118 = tpu.memref_slice %arg6[%add3A_13, %dma_wait3A_117] : memref<1048576x44xf32, #tpu.memory_space<hbm>> -> memref<512x44xf32, #tpu.memory_space<hbm>>
        tpu.wait_dma2 semaphore(%run_scoped3A : memref<!tpu.dma_semaphore, #tpu.memory_space<semaphore_mem>>) src(%arg16 : memref<512x44xf32, #tpu.memory_space<vmem>>) dst(%dma_wait3A_118 : memref<512x44xf32, #tpu.memory_space<hbm>>)
        tpu.yield
      }) : () -> ()
      %scan3A_112 = arith.constant 0 : i32
      scf.yield %scan3A_112 : i32
    }
    %scan3A_6 = arith.constant 64 : i32
    return
  }
}

</mosaic_0001>

<sc_bundles>
// kernel: kernel.3.cloned.1.call-start
scs
__scs_entry_jumppad:
0x0: {  	(pc) =	sbr.rel $0x88, $3  }
0x1: {  	(tag) =	ssettag $0x0;
	lr =	simm.s32 $0x1  }
0x2: {  	[smem:$0x3F9E] =	sst lr;
	_ =	strace $0xD0000000  }
0x3: {  	_ = 	snop  }
0x4: {  	_ = 	snop  }
0x5: {  	_ = 	snop  }
0x6: {  	_ = 	snop  }
0x7: {  	_ = 	snop  }
__scs_overlays_trampoline_lowered:
0x8: {  	[smem:$0x3FAD] =	sst s0  }
0x9: {  	[smem:$0x3FAE] =	sst s1  }
0xa: {  	[smem:$0x3FAF] =	sst s2  }
0xb: {  	[smem:$0x3FB0] =	sst s3  }
0xc: {  	[smem:$0x3FB1] =	sst s4  }
0xd: {  	[smem:$0x3FB2] =	sst s5  }
0xe: {  	[smem:$0x3FB3] =	sst s6  }
0xf: {  	[smem:$0x3FB4] =	sst s7  }
0x10: {  	[smem:$0x3FB5] =	sst s8  }
0x11: {  	[smem:$0x3FB6] =	sst s9;
	s0 =	simm.s32 @!p0 $0x0  }
0x12: {  	s1 =	sld [smem:$0x3F9C];
	s0 =	simm.s32 @p0 $0x1  }
0x13: {  	[smem:$0x3FB7] =	sst s0;
	s0 =	simm.s32 @!p1 $0x0  }
0x14: {  	s2 =	sld [smem:$0x3F9B];
	s0 =	simm.s32 @p1 $0x1  }
0x15: {  	[smem:$0x3FB8] =	sst s0;
	s0 =	simm.s32 @!p2 $0x0  }
0x16: {  	s3 =	sld [smem:$0x3FDB];
	s0 =	simm.s32 @p2 $0x1  }
0x17: {  	s4 =	simm.s32 $0x1BF5;
	[smem:$0x3FBA] =	sst s0  }
0x18: {  	s0 =	sld [smem:$0x3F9D];
	_ =	swait.ge [sflag:s4], $0x0  }
0x19: {  	s7 =	sld [smem:$0x3F9E]  }
0x1a: {  	s8 =	sadd.s32 $0xFFFFE003, lr  }
0x1b: {  	s9 =	sadd.s32 $0xFFFFFEF7, lr;
	s5 =	simm.s32 $0xFFFFFFFF;
	p2 =	slt.u32 s8, $0xFFFFF086  }
0x1c: {  	p1 =	slt.u32 s9, $0xF7A;
	s5 =	simm.s32 @!p2 $0x0  }
0x1d: {  	s5 =	simm.s32 @p1 $0x1;
	p0 =	seq.s32 s7, s2  }
0x1e: {  	s7 =	smul.u32 @!p0 $0xF7A, s2;
	p2 =	seq.s32 @!p0 s5, $0x0  }
0x1f: {  	s9 =	smul.u32 $0xF7A, s1;
	s8 =	simm.s32 @!p0 $0x1BF5;
	p2 =	por !p2, p0  }
0x20: {  	[sflag:s8] =	ssyncset.s32 @!p0 $0xFFFFF086;
	s6 =	sadd.s32 @!p0 s3, s7;
	s7 =	simm.s32 @!p0 $0x108  }
0x21: {  	s3 =	sadd.s32 s3, s9;
	s6 =	sadd.s32 @!p0 $0x88, s6;
	s7 =	simm.s32 @p2 $0x1082  }
0x22: {  	[simem:s7], [sflag:s8] =	dma.local @!p0 [hbm:s6], $0xF7A  }
0x23: {  	s9 =	sor.u32 $0xD0000000, s2;
	s6 =	simm.s32 $0x108;
	_ =	swait.ge @!p0 [sflag:s8], $0x0  }
0x24: {  	s3 =	sadd.s32 $0x88, s3;
	s6 =	simm.s32 @!p1 $0x1082;
	[sflag:s4] =	ssyncset.s32 $0xFFFFF086  }
0x25: {  	[simem:s6], [sflag:s4] =	dma.local [hbm:s3], $0xF7A  }
0x26: {  	[smem:$0x3F9E] =	sst s1;
	(tag) =	ssettag s2;
	_ =	strace s9  }
0x27: {  	s1 =	sld [smem:$0x3FAE]  }
0x28: {  	s2 =	sld [smem:$0x3FAF]  }
0x29: {  	s4 =	sld [smem:$0x3FB1]  }
0x2a: {  	p0 =	seq.s32 s5, $0x0;
	s5 =	sld [smem:$0x3FB2]  }
0x2b: {  	s6 =	sld [smem:$0x3FB3]  }
0x2c: {  	s7 =	sld [smem:$0x3FB4]  }
0x2d: {  	s3 =	simm.s32 $0x108;
	s8 =	sld [smem:$0x3FB5]  }
0x2e: {  	s3 =	simm.s32 @!p0 $0x1082;
	s9 =	sld [smem:$0x3FB6]  }
0x2f: {  	lr =	sadd.s32 s0, s3;
	s0 =	sld [smem:$0x3FAD]  }
0x30: {  	s3 =	sld [smem:$0x3FB0]  }
0x31: {  	[smem:$0x3FB9] =	sst s10  }
0x32: {  	s10 =	sld [smem:$0x3FB7];
	_ =	sdelay $0x3  }
0x33: {  	p0 =	seq.s32 s10, $0x1;
	s10 =	sld [smem:$0x3FB9];
	_ =	sdelay $0x3  }
0x34: {  	[smem:$0x3FB9] =	sst s10  }
0x35: {  	s10 =	sld [smem:$0x3FB8];
	_ =	sdelay $0x3  }
0x36: {  	p1 =	seq.s32 s10, $0x1;
	s10 =	sld [smem:$0x3FB9];
	_ =	sdelay $0x3  }
0x37: {  	[smem:$0x3FB9] =	sst s10  }
0x38: {  	s10 =	sld [smem:$0x3FBA]  }
0x39: {  	_ = 	snop;
	(pc) =	sbr.ind lr, $3  }
0x3a: {  	_ = 	snop  }
0x3b: {  	_ = 	snop  }
0x3c: {  	p2 =	seq.s32 s10, $0x1;
	s10 =	sld [smem:$0x3FB9]  }
0x3d: {  	_ =	shalt  }
0x3e: {  	_ =	shalt  }
0x3f: {  	_ =	shalt  }
0x40: {  	_ =	shalt  }
0x41: {  	_ =	shalt  }
0x42: {  	_ =	shalt  }
0x43: {  	_ =	shalt  }
0x44: {  	_ =	shalt  }
0x45: {  	_ =	shalt  }
0x46: {  	_ =	shalt  }
0x47: {  	_ =	shalt  }
0x48: {  	_ =	shalt  }
0x49: {  	_ =	shalt  }
0x4a: {  	_ =	shalt  }
0x4b: {  	_ =	shalt  }
0x4c: {  	_ =	shalt  }
0x4d: {  	_ =	shalt  }
0x4e: {  	_ =	shalt  }
0x4f: {  	_ =	shalt  }
0x50: {  	_ =	shalt  }
0x51: {  	_ =	shalt  }
0x52: {  	_ =	shalt  }
0x53: {  	_ =	shalt  }
0x54: {  	_ =	shalt  }
0x55: {  	_ =	shalt  }
0x56: {  	_ =	shalt  }
0x57: {  	_ =	shalt  }
0x58: {  	_ =	shalt  }
0x59: {  	_ =	shalt  }
0x5a: {  	_ =	shalt  }
0x5b: {  	_ =	shalt  }
0x5c: {  	_ =	shalt  }
0x5d: {  	_ =	shalt  }
0x5e: {  	_ =	shalt  }
0x5f: {  	_ =	shalt  }
0x60: {  	_ =	shalt  }
0x61: {  	_ =	shalt  }
0x62: {  	_ =	shalt  }
0x63: {  	_ =	shalt  }
0x64: {  	_ =	shalt  }
0x65: {  	_ =	shalt  }
0x66: {  	_ =	shalt  }
0x67: {  	_ =	shalt  }
0x68: {  	_ =	shalt  }
0x69: {  	_ =	shalt  }
0x6a: {  	_ =	shalt  }
0x6b: {  	_ =	shalt  }
0x6c: {  	_ =	shalt  }
0x6d: {  	_ =	shalt  }
0x6e: {  	_ =	shalt  }
0x6f: {  	_ =	shalt  }
0x70: {  	_ =	shalt  }
0x71: {  	_ =	shalt  }
0x72: {  	_ =	shalt  }
0x73: {  	_ =	shalt  }
0x74: {  	_ =	shalt  }
0x75: {  	_ =	shalt  }
0x76: {  	_ =	shalt  }
0x77: {  	_ =	shalt  }
0x78: {  	_ =	shalt  }
0x79: {  	_ =	shalt  }
0x7a: {  	_ =	shalt  }
0x7b: {  	_ =	shalt  }
0x7c: {  	_ =	shalt  }
0x7d: {  	_ =	shalt  }
0x7e: {  	_ =	shalt  }
0x7f: {  	_ =	shalt  }
0x80: {  	_ =	shalt  }
0x81: {  	_ =	shalt  }
0x82: {  	_ =	shalt  }
0x83: {  	_ =	shalt  }
0x84: {  	_ =	shalt  }
0x85: {  	_ =	shalt  }
0x86: {  	_ =	shalt  }
0x87: {  	_ =	shalt  }
.Lfunc_end0:
.L_simem_size_0:
called_computation.1_lowered:
.L_overlay_start_0:
0x88: {  	s2 =	sld [smem:$0x3FD9]  }
0x89: {  	s3 =	sld [smem:$0x3FFE];
	_ =	sdelay $0x1  }
0x8a: {  	s1 =	srdreg.scid  }
0x8b: {  	s0 =	sand.u32 $0x1, s1  }
0x8c: {  	s17 =	sshll.u32 s0, $0xA;
	s2 =	sadd.s32 s3, s2  }
0x8d: {  	s2 =	sadd.s32 s2, s17  }
0x8e: {  	[smem:$0x3FC5] =	sst s2  }
0x8f: {  	_ = 	snop  }
0x90: {  	s2 =	sld [smem:$0x3FD0];
	(tm) =	ssettm $0x1  }
0x91: {  	s18 =	sld [smem:$0x3FFB];
	_ =	sdelay $0x3  }
0x92: {  	_ =	strace s18  }
0x93: {  	s3 =	sld [smem:$0x3FFC];
	_ =	sdelay $0x3  }
0x94: {  	_ =	strace s3  }
0x95: {  	s3 =	sld [smem:$0x3FFD];
	_ =	sdelay $0x3  }
0x96: {  	_ =	strace s3  }
0x97: {  	_ =	strace $0x8FFFFFFF  }
0x98: {  	s19 =	sld [smem:$0x3FDB];
	_ =	sdelay $0x1  }
0x99: {  	s4 =	simm.s32 $_scs_section_size  }
0x9a: {  	s5 =	simm.s32 $_size__tile_overlayer_lowered;
	s6 =	simm.s32 $_tile_overlayer_lowered  }
0x9b: {  	s22 =	simm.s32 $0x1BFF;
	s21 =	sshll.u32 s6, $0x1;
	s3 =	sadd.s32 s4, s19  }
0x9c: {  	s7 =	simm.s32 $0x0;
	s20 =	sshll.u32 s5, $0x1;
	s5 =	sadd.s32 s21, s3  }
0x9d: {  	[timem:s7], [sflag:s22] =	dma.local [hbm:s5], s20  }
0x9e: {  	_ =	swait.ge [sflag:s22], s20  }
0x9f: {  	s4 =	ssub.s32 $0x0, s20;
	[sflag:s22] =	ssyncset.done $0x0  }
0xa0: {  	[sflag:s22] =	ssyncadd.s32 s4;
	_ =	sdelay $0x1  }
0xa1: {  	s23 =	simm.s32 $0x1B8B  }
0xa2: {  	_ =	swait.ge [sflag:s23], $0x1  }
0xa3: {  	[sflag:s23] =	ssyncset.done $0x0  }
0xa4: {  	s25 =	simm.s32 $0x1B8E;
	s24 =	sld [smem:$0x3FFE];
	[sflag:s23] =	ssyncadd.s32 $0xFFFFFFFF  }
0xa5: {  	s26 =	simm.s32 $execute0_lowered;
	[smem:$0x3FD2] =	sst s25  }
0xa6: {  	s5 =	sshll.u32 s26, $0x1;
	_ =	strace $0x80000046;
	[dreg:$0x1] =	wrdreg $0xFFFFFFFF  }
0xa7: {  	s28 =	simm.s32 $_size_execute0_lowered;
	s3 =	sadd.s32 s3, s5;
	[dreg:$0x0] =	wrdreg $0x0  }
0xa8: {  	s5 =	sshll.u32 s28, $0x1;
	[dreg:$0x2] =	wrdreg s3  }
0xa9: {  	[dreg:$0x3] =	wrdreg s5  }
0xaa: {  	[dreg:$0x4] =	wrdreg $0xC0  }
0xab: {  	_ =	task [dreg:s7], $0x5FFFF  }
0xac: {  	[dreg:$0x1] =	wrdreg $0xFFFFFFFF  }
0xad: {  	[dreg:$0x0] =	wrdreg $0x60  }
0xae: {  	[dreg:$0x2] =	wrdreg s24  }
0xaf: {  	[dreg:$0x3] =	wrdreg s2  }
0xb0: {  	[dreg:$0x4] =	wrdreg $0x9  }
0xb1: {  	_ =	task.clear_ibuf [dreg:s7], $0x5FFFF;
	_ =	strace $0x90000046  }
0xb2: {  	s29 =	simm.s32 $0x9;
	_ =	strace $0x80000048  }
0xb3: {  	_ =	swait.ge [sflag:s29], $0x1  }
0xb4: {  	[sflag:s29] =	ssyncadd.s32 $0xFFFFFFFF  }
0xb5: {  	_ =	strace $0x90000048  }
0xb6: {  	_ =	sfence  }
0xb7: {  	s30 =	sld [smem:$0x0];
	_ =	sdelay $0x2  }
0xb8: {  	s31 =	sshll.u32 s1, $0xD;
	s1 =	sshrl.u32 s1, $0x2  }
0xb9: {  	s3 =	sand.u32 $0x4000, s31;
	s1 =	sadd.s32 s1, s30  }
0xba: {  	s0 =	sor.u32 s3, s0;
	s1 =	sshll.u32 s1, $0x11  }
0xbb: {  	s0 =	sor.u32 s1, s0  }
0xbc: {  	s0 =	sadd.s32 $0x8F2B, s0  }
0xbd: {  	[sflag:s0] =	ssyncadd.remote.s32 $0x1  }
0xbe: {  	_ =	sfence.sel $0xFFFF  }
0xbf: {  	[dreg:$0x0] =	wrdreg $0xFFFFFFFF;
	(pc) =	sbr.abs _section_cstart, $3  }
0xc0: {  	[dreg:$0x1] =	wrdreg $0xFFFFFFFF  }
0xc1: {  	_ =	task.clear_ibuf [dreg:s7], $0x2FFFF;
	_ =	strace $0x9FFFFFFF  }
0xc2: {  	(tm) =	ssettm $0x7FFFFFFF  }
0xc3: {  	_ =	shalt  }
tec
execute0_lowered:
.L_overlay_start_1:
0x0: {  	(tag) =	ssettag $0x1  }
0x1: {  	s0 =	rddreg [dreg:$0x0];
	s1 =	simm.s32 $0x0  }
0x2: {  	s29 =	srdreg.scid;
	s7 =	stileid.u32;
	s12 =	simm.s32 $0x1000  }
0x3: {  	s13 =	simm.s32 $0x2;
	s14 =	simm.s32 $0x4C00;
	s15 =	simm.s32 $0x80  }
0x4: {  	s16 =	simm.s32 $0x1;
	[smem:$0x7FF] =	sst s1;
	s1 =	sand.u32 $0x1, s29  }
0x5: {  	s17 =	simm.s32 $0x10;
	s4 =	sadd.s32 $0xC00, s0;
	s2 =	ssub.s32 $0x2, s1  }
0x6: {  	s5 =	sadd.s32 $0x100C00, s0;
	s6 =	sadd.s32 $0x260C00, s0;
	s3 =	sshrl.u32 s2, $0x1  }
0x7: {  	s30 =	sshll.u32 s7, $0x10;
	s7 =	sadd.s32 $0x160C00, s0;
	s2 =	ssub.s32 s2, s3  }
0x8: {  	_ =	strace $0x80000047;
	s1 =	sshll.u32 s1, $0xF;
	s31 =	smax.u32 s2, $0x1  }
0x9: {  	v0 =	vlaneseq.u32;
	v1 =	vimm.f32 $0.0e+00;
	s8 =	sor.u32 s1, s30;
	s1 =	simm.s32 $0x0;
	[dreg:$0x3] =	wrdreg s31  }
.LBB2_1:
0xa: {  	[dreg:$0x4] =	wrdreg s1;
	s19 =	simm.s32 $0x0  }
.LBB2_2:
0xb: {  	s0 =	sshll.u32 s19, $0x9  }
0xc: {  	s20 =	sadd.s32 s8, s0  }
0xd: {  	s0 =	sshrl.u32 s20, $0x3  }
0xe: {  	s1 =	simm.s32 $0x200;
	s2 =	simm.s32 $0x100000;
	s0 =	sadd.s32 s5, s0  }
0xf: {  	[tilespmem:s12], [sflag:$0x2] =	stream.strided.gather [hbm4b:s0+s1], $0x600, s2, s1, $0x38;
	[tilespmem:$0xAC00] =	vst v63  }
0x10: {  	s21 =	simm.s32 $0x0;
	_ =	swait.ge [sflag:s13], $0x600  }
0x11: {  	v2 =	vor.u32 s21, v0;
	[sflag:s13] =	ssyncset.done $0x0  }
0x12: {  	s30 =	sadd.s32 s4, s20;
	v3 =	vshll.u32 v2, $0x3;
	[sflag:s13] =	ssyncadd.s32 $0xFFFFFA00  }
0x13: {  	[tilespmem:s21], [sflag:$0x2] =	stream.linear.gather [hbm4b:s30+s21], $0x1000, $0x38;
	[tilespmem:$0xAC00] =	vst v63  }
0x14: {  	_ =	swait.ge [sflag:s13], $0x1000  }
0x15: {  	[sflag:s13] =	ssyncset.done $0x0  }
0x16: {  	[sflag:s13] =	ssyncadd.s32 $0xFFFFF000  }
0x17: {  	v4 =	vld.idx.msk [tilespmem:v3+s21+$0x0], $0xffff;
	_ =	sdelay $0x4  }
0x18: {  	v4 =	vmul.f32 $5.000000000e-01, v4;
	_ =	sdelay $0x1  }
0x19: {  	v5 =	vadd.f32 $5.000000000e-01, v4;
	_ =	sdelay $0x1  }
0x1a: {  	v6 =	vtrunc.f32 v5  }
0x1b: {  	v6 =	vcvt.f32.s32 v6;
	_ =	sdelay $0x1  }
0x1c: {  	v6 =	vcvt.s32.f32 v6;
	_ =	sdelay $0x1  }
0x1d: {  	vm0 =	vlt.f32 v5, v6  }
0x1e: {  	v5 =	vsel vm0, $0x3F800000, v1  }
0x1f: {  	v5 =	vsub.f32 v6, v5;
	_ =	sdelay $0x1  }
0x20: {  	v4 =	vsub.f32 v4, v5;
	_ =	sdelay $0x1  }
0x21: {  	v5 =	vmul.f32 v4, v4;
	_ =	sdelay $0x1  }
0x22: {  	v6 =	vmul.f32 $3.395650100e+01, v5;
	_ =	sdelay $0x1  }
0x23: {  	v6 =	vadd.f32 $-7.509327690e+01, v6;
	_ =	sdelay $0x1  }
0x24: {  	v6 =	vmul.f32 v6, v5  }
0x25: {  	v7 =	vmul.f32 $4.631009290e+01, v5  }
0x26: {  	v6 =	vadd.f32 $8.147312920e+01, v6  }
0x27: {  	v7 =	vadd.f32 $-8.270120230e+01, v7  }
0x28: {  	v6 =	vmul.f32 v6, v5  }
0x29: {  	v7 =	vmul.f32 v7, v5  }
0x2a: {  	v6 =	vadd.f32 $-4.133792880e+01, v6  }
0x2b: {  	v7 =	vadd.f32 $6.471437070e+01, v7  }
0x2c: {  	v6 =	vmul.f32 v6, v5  }
0x2d: {  	v7 =	vmul.f32 v7, v5  }
0x2e: {  	v6 =	vadd.f32 $6.283168320e+00, v6  }
0x2f: {  	v2 =	vmul.u32 $0x30, v2;
	v7 =	vadd.f32 $-1.973279570e+01, v7  }
0x30: {  	v4 =	vmul.f32 v6, v4  }
0x31: {  	v5 =	vmul.f32 v7, v5;
	v6 =	vor.u32 $0x3, v2  }
0x32: {  	v8 =	vor.u32 $0x6, v2;
	v7 =	vadd.f32 v4, v4  }
0x33: {  	v9 =	vor.u32 $0x9, v2;
	v5 =	vadd.f32 $9.999710910e-01, v5  }
0x34: {  	v11 =	vor.u32 $0x1, v3;
	v10 =	vmul.f32 v7, v4  }
0x35: {  	[tilespmem:v2+s14+$0x0] =	vst.idx.msk $0xffff, v4;
	v7 =	vmul.f32 v7, v5  }
0x36: {  	[tilespmem:v6+s14+$0x0] =	vst.idx.msk $0xffff, v5;
	v4 =	vsub.f32 $1.000000000e+00, v10  }
0x37: {  	[tilespmem:v8+s14+$0x0] =	vst.idx.msk $0xffff, v7  }
0x38: {  	[tilespmem:v9+s14+$0x0] =	vst.idx.msk $0xffff, v4  }
0x39: {  	v4 =	vld.idx.msk [tilespmem:v11+s21+$0x0], $0xffff;
	_ =	sdelay $0x4  }
0x3a: {  	v4 =	vmul.f32 $5.000000000e-01, v4;
	_ =	sdelay $0x1  }
0x3b: {  	v5 =	vadd.f32 $5.000000000e-01, v4;
	_ =	sdelay $0x1  }
0x3c: {  	v6 =	vtrunc.f32 v5  }
0x3d: {  	v6 =	vcvt.f32.s32 v6;
	_ =	sdelay $0x1  }
0x3e: {  	v6 =	vcvt.s32.f32 v6;
	_ =	sdelay $0x1  }
0x3f: {  	vm11 =	vlt.f32 v5, v6  }
0x40: {  	v5 =	vsel vm11, $0x3F800000, v1  }
0x41: {  	v5 =	vsub.f32 v6, v5;
	_ =	sdelay $0x1  }
0x42: {  	v4 =	vsub.f32 v4, v5;
	_ =	sdelay $0x1  }
0x43: {  	v5 =	vmul.f32 v4, v4;
	_ =	sdelay $0x1  }
0x44: {  	v6 =	vmul.f32 $3.395650100e+01, v5;
	_ =	sdelay $0x1  }
0x45: {  	v6 =	vadd.f32 $-7.509327690e+01, v6;
	_ =	sdelay $0x1  }
0x46: {  	v6 =	vmul.f32 v6, v5  }
0x47: {  	v7 =	vmul.f32 $4.631009290e+01, v5  }
0x48: {  	v6 =	vadd.f32 $8.147312920e+01, v6  }
0x49: {  	v7 =	vadd.f32 $-8.270120230e+01, v7  }
0x4a: {  	v6 =	vmul.f32 v6, v5  }
0x4b: {  	v7 =	vmul.f32 v7, v5  }
0x4c: {  	v6 =	vadd.f32 $-4.133792880e+01, v6  }
0x4d: {  	v7 =	vadd.f32 $6.471437070e+01, v7  }
0x4e: {  	v6 =	vmul.f32 v6, v5  }
0x4f: {  	v7 =	vmul.f32 v7, v5  }
0x50: {  	v6 =	vadd.f32 $6.283168320e+00, v6  }
0x51: {  	v7 =	vadd.f32 $-1.973279570e+01, v7  }
0x52: {  	v4 =	vmul.f32 v6, v4;
	v6 =	vor.u32 $0x1, v2  }
0x53: {  	v5 =	vmul.f32 v7, v5;
	v7 =	vor.u32 $0x4, v2  }
0x54: {  	v49 =	vor.u32 $0x7, v2;
	v48 =	vadd.f32 v4, v4  }
0x55: {  	v50 =	vor.u32 $0xA, v2;
	v5 =	vadd.f32 $9.999710910e-01, v5  }
0x56: {  	v3 =	vor.u32 $0x2, v3;
	v51 =	vmul.f32 v48, v4  }
0x57: {  	v8 =	vmul.f32 v48, v5;
	[tilespmem:v6+s14+$0x0] =	vst.idx.msk $0xffff, v4  }
0x58: {  	v4 =	vsub.f32 $1.000000000e+00, v51;
	[tilespmem:v7+s14+$0x0] =	vst.idx.msk $0xffff, v5  }
0x59: {  	[tilespmem:v49+s14+$0x0] =	vst.idx.msk $0xffff, v8  }
0x5a: {  	[tilespmem:v50+s14+$0x0] =	vst.idx.msk $0xffff, v4  }
0x5b: {  	v3 =	vld.idx.msk [tilespmem:v3+s21+$0x0], $0xffff;
	_ =	sdelay $0x4  }
0x5c: {  	v3 =	vmul.f32 $5.000000000e-01, v3;
	_ =	sdelay $0x1  }
0x5d: {  	v4 =	vadd.f32 $5.000000000e-01, v3;
	_ =	sdelay $0x1  }
0x5e: {  	v5 =	vtrunc.f32 v4  }
0x5f: {  	v5 =	vcvt.f32.s32 v5;
	_ =	sdelay $0x1  }
0x60: {  	v5 =	vcvt.s32.f32 v5;
	_ =	sdelay $0x1  }
0x61: {  	vm12 =	vlt.f32 v4, v5  }
0x62: {  	v4 =	vsel vm12, $0x3F800000, v1  }
0x63: {  	v4 =	vsub.f32 v5, v4;
	_ =	sdelay $0x1  }
0x64: {  	v3 =	vsub.f32 v3, v4;
	_ =	sdelay $0x1  }
0x65: {  	v4 =	vmul.f32 v3, v3;
	_ =	sdelay $0x1  }
0x66: {  	v5 =	vmul.f32 $3.395650100e+01, v4;
	_ =	sdelay $0x1  }
0x67: {  	v5 =	vadd.f32 $-7.509327690e+01, v5;
	_ =	sdelay $0x1  }
0x68: {  	v5 =	vmul.f32 v5, v4  }
0x69: {  	v6 =	vmul.f32 $4.631009290e+01, v4  }
0x6a: {  	v5 =	vadd.f32 $8.147312920e+01, v5  }
0x6b: {  	v6 =	vadd.f32 $-8.270120230e+01, v6  }
0x6c: {  	v5 =	vmul.f32 v5, v4  }
0x6d: {  	v6 =	vmul.f32 v6, v4  }
0x6e: {  	v5 =	vadd.f32 $-4.133792880e+01, v5  }
0x6f: {  	v6 =	vadd.f32 $6.471437070e+01, v6  }
0x70: {  	v5 =	vmul.f32 v5, v4  }
0x71: {  	v6 =	vmul.f32 v6, v4  }
0x72: {  	v5 =	vadd.f32 $6.283168320e+00, v5  }
0x73: {  	v6 =	vadd.f32 $-1.973279570e+01, v6  }
0x74: {  	v7 =	vor.u32 $0x2, v2;
	v3 =	vmul.f32 v5, v3  }
0x75: {  	v4 =	vmul.f32 v6, v4;
	v5 =	vor.u32 $0x5, v2  }
0x76: {  	s31 =	simm.s32 $0x10;
	v6 =	vor.u32 $0x8, v2;
	v52 =	vadd.f32 v3, v3  }
0x77: {  	v53 =	vor.u32 s31, v0;
	v4 =	vadd.f32 $9.999710910e-01, v4;
	v2 =	vor.u32 $0xB, v2  }
0x78: {  	v55 =	vshll.u32 v53, $0x3;
	v54 =	vmul.f32 v52, v3  }
0x79: {  	[tilespmem:v7+s14+$0x0] =	vst.idx.msk $0xffff, v3;
	v8 =	vmul.f32 v52, v4  }
0x7a: {  	[tilespmem:v5+s14+$0x0] =	vst.idx.msk $0xffff, v4;
	v3 =	vsub.f32 $1.000000000e+00, v54  }
0x7b: {  	[tilespmem:v6+s14+$0x0] =	vst.idx.msk $0xffff, v8  }
0x7c: {  	[tilespmem:v2+s14+$0x0] =	vst.idx.msk $0xffff, v3  }
0x7d: {  	v2 =	vld.idx.msk [tilespmem:v55+s21+$0x0], $0xffff;
	_ =	sdelay $0x4  }
0x7e: {  	v2 =	vmul.f32 $5.000000000e-01, v2;
	_ =	sdelay $0x1  }
0x7f: {  	v3 =	vadd.f32 $5.000000000e-01, v2;
	_ =	sdelay $0x1  }
0x80: {  	v4 =	vtrunc.f32 v3  }
0x81: {  	v4 =	vcvt.f32.s32 v4;
	_ =	sdelay $0x1  }
0x82: {  	v4 =	vcvt.s32.f32 v4;
	_ =	sdelay $0x1  }
0x83: {  	vm13 =	vlt.f32 v3, v4  }
0x84: {  	v3 =	vsel vm13, $0x3F800000, v1  }
0x85: {  	v3 =	vsub.f32 v4, v3;
	_ =	sdelay $0x1  }
0x86: {  	v2 =	vsub.f32 v2, v3;
	_ =	sdelay $0x1  }
0x87: {  	v3 =	vmul.f32 v2, v2;
	_ =	sdelay $0x1  }
0x88: {  	v4 =	vmul.f32 $3.395650100e+01, v3;
	_ =	sdelay $0x1  }
0x89: {  	v4 =	vadd.f32 $-7.509327690e+01, v4;
	_ =	sdelay $0x1  }
0x8a: {  	v4 =	vmul.f32 v4, v3  }
0x8b: {  	v5 =	vmul.f32 $4.631009290e+01, v3  }
0x8c: {  	v4 =	vadd.f32 $8.147312920e+01, v4  }
0x8d: {  	v5 =	vadd.f32 $-8.270120230e+01, v5  }
0x8e: {  	v4 =	vmul.f32 v4, v3  }
0x8f: {  	v5 =	vmul.f32 v5, v3  }
0x90: {  	v4 =	vadd.f32 $-4.133792880e+01, v4  }
0x91: {  	v5 =	vadd.f32 $6.471437070e+01, v5  }
0x92: {  	v4 =	vmul.f32 v4, v3  }
0x93: {  	v5 =	vmul.f32 v5, v3  }
0x94: {  	v4 =	vadd.f32 $6.283168320e+00, v4  }
0x95: {  	v6 =	vmul.u32 $0x30, v53;
	v5 =	vadd.f32 $-1.973279570e+01, v5  }
0x96: {  	v2 =	vmul.f32 v4, v2  }
0x97: {  	v3 =	vmul.f32 v5, v3;
	v4 =	vor.u32 $0x3, v6  }
0x98: {  	v5 =	vor.u32 $0x6, v6;
	v7 =	vadd.f32 v2, v2  }
0x99: {  	v56 =	vor.u32 $0x9, v6;
	v3 =	vadd.f32 $9.999710910e-01, v3  }
0x9a: {  	v58 =	vor.u32 $0x1, v55;
	v57 =	vmul.f32 v7, v2  }
0x9b: {  	[tilespmem:v6+s14+$0x0] =	vst.idx.msk $0xffff, v2;
	v2 =	vmul.f32 v7, v3  }
0x9c: {  	[tilespmem:v4+s14+$0x0] =	vst.idx.msk $0xffff, v3;
	v3 =	vsub.f32 $1.000000000e+00, v57  }
0x9d: {  	[tilespmem:v5+s14+$0x0] =	vst.idx.msk $0xffff, v2  }
0x9e: {  	[tilespmem:v56+s14+$0x0] =	vst.idx.msk $0xffff, v3  }
0x9f: {  	v2 =	vld.idx.msk [tilespmem:v58+s21+$0x0], $0xffff;
	_ =	sdelay $0x4  }
0xa0: {  	v2 =	vmul.f32 $5.000000000e-01, v2;
	_ =	sdelay $0x1  }
0xa1: {  	v3 =	vadd.f32 $5.000000000e-01, v2;
	_ =	sdelay $0x1  }
0xa2: {  	v4 =	vtrunc.f32 v3  }
0xa3: {  	v4 =	vcvt.f32.s32 v4;
	_ =	sdelay $0x1  }
0xa4: {  	v4 =	vcvt.s32.f32 v4;
	_ =	sdelay $0x1  }
0xa5: {  	vm14 =	vlt.f32 v3, v4  }
0xa6: {  	v3 =	vsel vm14, $0x3F800000, v1  }
0xa7: {  	v3 =	vsub.f32 v4, v3;
	_ =	sdelay $0x1  }
0xa8: {  	v2 =	vsub.f32 v2, v3;
	_ =	sdelay $0x1  }
0xa9: {  	v3 =	vmul.f32 v2, v2;
	_ =	sdelay $0x1  }
0xaa: {  	v4 =	vmul.f32 $3.395650100e+01, v3;
	_ =	sdelay $0x1  }
0xab: {  	v4 =	vadd.f32 $-7.509327690e+01, v4;
	_ =	sdelay $0x1  }
0xac: {  	v4 =	vmul.f32 v4, v3  }
0xad: {  	v5 =	vmul.f32 $4.631009290e+01, v3  }
0xae: {  	v4 =	vadd.f32 $8.147312920e+01, v4  }
0xaf: {  	v5 =	vadd.f32 $-8.270120230e+01, v5  }
0xb0: {  	v4 =	vmul.f32 v4, v3  }
0xb1: {  	v5 =	vmul.f32 v5, v3  }
0xb2: {  	v4 =	vadd.f32 $-4.133792880e+01, v4  }
0xb3: {  	v5 =	vadd.f32 $6.471437070e+01, v5  }
0xb4: {  	v4 =	vmul.f32 v4, v3  }
0xb5: {  	v5 =	vmul.f32 v5, v3  }
0xb6: {  	v4 =	vadd.f32 $6.283168320e+00, v4  }
0xb7: {  	v5 =	vadd.f32 $-1.973279570e+01, v5  }
0xb8: {  	v7 =	vor.u32 $0x1, v6;
	v2 =	vmul.f32 v4, v2  }
0xb9: {  	v3 =	vmul.f32 v5, v3;
	v4 =	vor.u32 $0x4, v6  }
0xba: {  	v5 =	vor.u32 $0x7, v6;
	v59 =	vadd.f32 v2, v2  }
0xbb: {  	v60 =	vor.u32 $0xA, v6;
	v3 =	vadd.f32 $9.999710910e-01, v3  }
0xbc: {  	v11 =	vor.u32 $0x2, v55;
	v61 =	vmul.f32 v59, v2  }
0xbd: {  	[tilespmem:v7+s14+$0x0] =	vst.idx.msk $0xffff, v2;
	v2 =	vmul.f32 v59, v3  }
0xbe: {  	[tilespmem:v4+s14+$0x0] =	vst.idx.msk $0xffff, v3;
	v3 =	vsub.f32 $1.000000000e+00, v61  }
0xbf: {  	[tilespmem:v5+s14+$0x0] =	vst.idx.msk $0xffff, v2  }
0xc0: {  	[tilespmem:v60+s14+$0x0] =	vst.idx.msk $0xffff, v3  }
0xc1: {  	v2 =	vld.idx.msk [tilespmem:v11+s21+$0x0], $0xffff;
	_ =	sdelay $0x4  }
0xc2: {  	v2 =	vmul.f32 $5.000000000e-01, v2;
	_ =	sdelay $0x1  }
0xc3: {  	v3 =	vadd.f32 $5.000000000e-01, v2;
	_ =	sdelay $0x1  }
0xc4: {  	v4 =	vtrunc.f32 v3  }
0xc5: {  	v4 =	vcvt.f32.s32 v4;
	_ =	sdelay $0x1  }
0xc6: {  	v4 =	vcvt.s32.f32 v4;
	_ =	sdelay $0x1  }
0xc7: {  	vm15 =	vlt.f32 v3, v4  }
0xc8: {  	v3 =	vsel vm15, $0x3F800000, v1  }
0xc9: {  	v3 =	vsub.f32 v4, v3;
	_ =	sdelay $0x1  }
0xca: {  	v2 =	vsub.f32 v2, v3;
	_ =	sdelay $0x1  }
0xcb: {  	v3 =	vmul.f32 v2, v2;
	_ =	sdelay $0x1  }
0xcc: {  	v4 =	vmul.f32 $3.395650100e+01, v3;
	_ =	sdelay $0x1  }
0xcd: {  	v4 =	vadd.f32 $-7.509327690e+01, v4;
	_ =	sdelay $0x1  }
0xce: {  	v5 =	vmul.f32 $4.631009290e+01, v3;
	v4 =	vmul.f32 v4, v3;
	_ =	sdelay $0x1  }
0xcf: {  	v5 =	vadd.f32 $-8.270120230e+01, v5;
	v4 =	vadd.f32 $8.147312920e+01, v4;
	_ =	sdelay $0x1  }
0xd0: {  	v5 =	vmul.f32 v5, v3;
	v4 =	vmul.f32 v4, v3;
	_ =	sdelay $0x1  }
0xd1: {  	v5 =	vadd.f32 $6.471437070e+01, v5;
	v4 =	vadd.f32 $-4.133792880e+01, v4;
	_ =	sdelay $0x1  }
0xd2: {  	v5 =	vmul.f32 v5, v3;
	v4 =	vmul.f32 v4, v3;
	_ =	sdelay $0x1  }
0xd3: {  	v5 =	vadd.f32 $-1.973279570e+01, v5;
	v4 =	vadd.f32 $6.283168320e+00, v4  }
0xd4: {  	v7 =	vor.u32 $0x2, v6  }
0xd5: {  	v3 =	vmul.f32 v5, v3;
	v5 =	vor.u32 $0x5, v6;
	v2 =	vmul.f32 v4, v2;
	_ =	sdelay $0x1  }
0xd6: {  	v4 =	vadd.f32 $9.999710910e-01, v3;
	v3 =	vadd.f32 v2, v2  }
0xd7: {  	v62 =	vor.u32 $0x8, v6  }
0xd8: {  	s22 =	simm.s32 $0x20;
	[tilespmem:v7+s14+$0x0] =	vst.idx.msk $0xffff, v2;
	v7 =	vmul.f32 v3, v4  }
0xd9: {  	[tilespmem:v5+s14+$0x0] =	vst.idx.msk $0xffff, v4;
	v63 =	vmul.f32 v3, v2;
	v3 =	vor.u32 s22, v0;
	v4 =	vor.u32 $0xB, v6  }
0xda: {  	v2 =	vshll.u32 v3, $0x3;
	_ =	sdelay $0x1  }
0xdb: {  	s24 =	simm.s32 $0x40;
	s23 =	simm.s32 $0x20;
	v5 =	vsub.f32 $1.000000000e+00, v63;
	[tilespmem:v62+s14+$0x0] =	vst.idx.msk $0xffff, v7  }
.LBB2_3:
0xdc: {  	_ = 	snop  }
0xdd: {  	p0 =	sne.s32 s24, $0x1E0;
	s25 =	smov.u32 s24;
	s24 =	sadd.s32 $0x20, s24;
	[tilespmem:v4+s14+$0x0] =	vst.idx.msk $0xffff, v5  }
0xde: {  	v4 =	vld.idx.msk [tilespmem:v2+s21+$0x0], $0xffff;
	_ =	sdelay $0x5  }
0xdf: {  	v4 =	vmul.f32 $5.000000000e-01, v4;
	_ =	sdelay $0x1  }
0xe0: {  	v5 =	vadd.f32 $5.000000000e-01, v4;
	_ =	sdelay $0x1  }
0xe1: {  	v6 =	vtrunc.f32 v5  }
0xe2: {  	v6 =	vcvt.f32.s32 v6;
	_ =	sdelay $0x1  }
0xe3: {  	v6 =	vcvt.s32.f32 v6;
	_ =	sdelay $0x1  }
0xe4: {  	vm0 =	vlt.f32 v5, v6  }
0xe5: {  	v5 =	vsel vm0, $0x3F800000, v1  }
0xe6: {  	v5 =	vsub.f32 v6, v5;
	_ =	sdelay $0x1  }
0xe7: {  	v4 =	vsub.f32 v4, v5;
	_ =	sdelay $0x1  }
0xe8: {  	v5 =	vmul.f32 v4, v4;
	_ =	sdelay $0x1  }
0xe9: {  	v6 =	vmul.f32 $3.395650100e+01, v5;
	v7 =	vmul.f32 $4.631009290e+01, v5;
	_ =	sdelay $0x1  }
0xea: {  	v6 =	vadd.f32 $-7.509327690e+01, v6;
	v7 =	vadd.f32 $-8.270120230e+01, v7;
	_ =	sdelay $0x1  }
0xeb: {  	v6 =	vmul.f32 v6, v5;
	v7 =	vmul.f32 v7, v5;
	_ =	sdelay $0x1  }
0xec: {  	v6 =	vadd.f32 $8.147312920e+01, v6;
	v7 =	vadd.f32 $6.471437070e+01, v7;
	_ =	sdelay $0x1  }
0xed: {  	v6 =	vmul.f32 v6, v5;
	v7 =	vmul.f32 v7, v5;
	_ =	sdelay $0x1  }
0xee: {  	v6 =	vadd.f32 $-4.133792880e+01, v6;
	v7 =	vadd.f32 $-1.973279570e+01, v7;
	_ =	sdelay $0x1  }
0xef: {  	v6 =	vmul.f32 v6, v5;
	v5 =	vmul.f32 v7, v5;
	_ =	sdelay $0x1  }
0xf0: {  	v6 =	vadd.f32 $6.283168320e+00, v6  }
0xf1: {  	v3 =	vmul.u32 $0x30, v3  }
0xf2: {  	v4 =	vmul.f32 v6, v4  }
0xf3: {  	v6 =	vor.u32 $0x3, v3  }
0xf4: {  	v8 =	vor.u32 $0x6, v3;
	v5 =	vadd.f32 $9.999710910e-01, v5;
	v7 =	vadd.f32 v4, v4  }
0xf5: {  	v9 =	vor.u32 $0x9, v3  }
0xf6: {  	v11 =	vor.u32 $0x1, v2;
	v10 =	vmul.f32 v7, v5;
	v7 =	vmul.f32 v7, v4  }
0xf7: {  	[tilespmem:v3+s14+$0x0] =	vst.idx.msk $0xffff, v4  }
0xf8: {  	v4 =	vsub.f32 $1.000000000e+00, v7;
	[tilespmem:v6+s14+$0x0] =	vst.idx.msk $0xffff, v5  }
0xf9: {  	[tilespmem:v8+s14+$0x0] =	vst.idx.msk $0xffff, v10  }
0xfa: {  	[tilespmem:v9+s14+$0x0] =	vst.idx.msk $0xffff, v4  }
0xfb: {  	v4 =	vld.idx.msk [tilespmem:v11+s21+$0x0], $0xffff;
	_ =	sdelay $0x5  }
0xfc: {  	v4 =	vmul.f32 $5.000000000e-01, v4;
	_ =	sdelay $0x1  }
0xfd: {  	v5 =	vadd.f32 $5.000000000e-01, v4;
	_ =	sdelay $0x1  }
0xfe: {  	v6 =	vtrunc.f32 v5  }
0xff: {  	v6 =	vcvt.f32.s32 v6;
	_ =	sdelay $0x1  }
0x100: {  	v6 =	vcvt.s32.f32 v6;
	_ =	sdelay $0x1  }
0x101: {  	vm0 =	vlt.f32 v5, v6  }
0x102: {  	v5 =	vsel vm0, $0x3F800000, v1  }
0x103: {  	v5 =	vsub.f32 v6, v5;
	_ =	sdelay $0x1  }
0x104: {  	v4 =	vsub.f32 v4, v5;
	_ =	sdelay $0x1  }
0x105: {  	v5 =	vmul.f32 v4, v4;
	_ =	sdelay $0x1  }
0x106: {  	v6 =	vmul.f32 $3.395650100e+01, v5;
	v7 =	vmul.f32 $4.631009290e+01, v5;
	_ =	sdelay $0x1  }
0x107: {  	v6 =	vadd.f32 $-7.509327690e+01, v6;
	v7 =	vadd.f32 $-8.270120230e+01, v7;
	_ =	sdelay $0x1  }
0x108: {  	v6 =	vmul.f32 v6, v5;
	v7 =	vmul.f32 v7, v5;
	_ =	sdelay $0x1  }
0x109: {  	v6 =	vadd.f32 $8.147312920e+01, v6;
	v7 =	vadd.f32 $6.471437070e+01, v7;
	_ =	sdelay $0x1  }
0x10a: {  	v6 =	vmul.f32 v6, v5;
	v7 =	vmul.f32 v7, v5;
	_ =	sdelay $0x1  }
0x10b: {  	v6 =	vadd.f32 $-4.133792880e+01, v6;
	v7 =	vadd.f32 $-1.973279570e+01, v7;
	_ =	sdelay $0x1  }
0x10c: {  	v6 =	vmul.f32 v6, v5;
	v5 =	vmul.f32 v7, v5;
	_ =	sdelay $0x1  }
0x10d: {  	v6 =	vadd.f32 $6.283168320e+00, v6;
	_ =	sdelay $0x1  }
0x10e: {  	v4 =	vmul.f32 v6, v4;
	v6 =	vor.u32 $0x1, v3  }
0x10f: {  	v7 =	vor.u32 $0x4, v3  }
0x110: {  	v9 =	vor.u32 $0x7, v3;
	v5 =	vadd.f32 $9.999710910e-01, v5;
	v8 =	vadd.f32 v4, v4  }
0x111: {  	v10 =	vor.u32 $0xA, v3  }
0x112: {  	v2 =	vor.u32 $0x2, v2;
	v11 =	vmul.f32 v8, v5;
	v8 =	vmul.f32 v8, v4  }
0x113: {  	[tilespmem:v6+s14+$0x0] =	vst.idx.msk $0xffff, v4  }
0x114: {  	v4 =	vsub.f32 $1.000000000e+00, v8;
	[tilespmem:v7+s14+$0x0] =	vst.idx.msk $0xffff, v5  }
0x115: {  	[tilespmem:v9+s14+$0x0] =	vst.idx.msk $0xffff, v11  }
0x116: {  	[tilespmem:v10+s14+$0x0] =	vst.idx.msk $0xffff, v4  }
0x117: {  	v2 =	vld.idx.msk [tilespmem:v2+s21+$0x0], $0xffff;
	_ =	sdelay $0x5  }
0x118: {  	v2 =	vmul.f32 $5.000000000e-01, v2;
	_ =	sdelay $0x1  }
0x119: {  	v4 =	vadd.f32 $5.000000000e-01, v2;
	_ =	sdelay $0x1  }
0x11a: {  	v5 =	vtrunc.f32 v4  }
0x11b: {  	v5 =	vcvt.f32.s32 v5;
	_ =	sdelay $0x1  }
0x11c: {  	v5 =	vcvt.s32.f32 v5;
	_ =	sdelay $0x1  }
0x11d: {  	vm0 =	vlt.f32 v4, v5  }
0x11e: {  	v4 =	vsel vm0, $0x3F800000, v1  }
0x11f: {  	v4 =	vsub.f32 v5, v4;
	_ =	sdelay $0x1  }
0x120: {  	v2 =	vsub.f32 v2, v4;
	_ =	sdelay $0x1  }
0x121: {  	v4 =	vmul.f32 v2, v2;
	_ =	sdelay $0x1  }
0x122: {  	v5 =	vmul.f32 $3.395650100e+01, v4;
	v6 =	vmul.f32 $4.631009290e+01, v4;
	_ =	sdelay $0x1  }
0x123: {  	v5 =	vadd.f32 $-7.509327690e+01, v5;
	v6 =	vadd.f32 $-8.270120230e+01, v6;
	_ =	sdelay $0x1  }
0x124: {  	v5 =	vmul.f32 v5, v4;
	v6 =	vmul.f32 v6, v4;
	_ =	sdelay $0x1  }
0x125: {  	v5 =	vadd.f32 $8.147312920e+01, v5;
	v6 =	vadd.f32 $6.471437070e+01, v6;
	_ =	sdelay $0x1  }
0x126: {  	v5 =	vmul.f32 v5, v4;
	v6 =	vmul.f32 v6, v4;
	_ =	sdelay $0x1  }
0x127: {  	v5 =	vadd.f32 $-4.133792880e+01, v5;
	v6 =	vadd.f32 $-1.973279570e+01, v6;
	_ =	sdelay $0x1  }
0x128: {  	v5 =	vmul.f32 v5, v4;
	v4 =	vmul.f32 v6, v4;
	_ =	sdelay $0x1  }
0x129: {  	v5 =	vadd.f32 $6.283168320e+00, v5  }
0x12a: {  	v6 =	vor.u32 $0x2, v3  }
0x12b: {  	v2 =	vmul.f32 v5, v2;
	v5 =	vor.u32 $0x5, v3  }
0x12c: {  	v7 =	vor.u32 $0x8, v3  }
0x12d: {  	s0 =	sadd.s32 $0x10, s23;
	s23 =	smov.u32 s25;
	v4 =	vadd.f32 $9.999710910e-01, v4;
	v8 =	vadd.f32 v2, v2  }
0x12e: {  	v9 =	vor.u32 $0xB, v3;
	v10 =	vor.u32 s0, v0  }
0x12f: {  	v3 =	vshll.u32 v10, $0x3;
	v11 =	vmul.f32 v8, v4;
	v8 =	vmul.f32 v8, v2;
	[tilespmem:v6+s14+$0x0] =	vst.idx.msk $0xffff, v2  }
0x130: {  	[tilespmem:v5+s14+$0x0] =	vst.idx.msk $0xffff, v4  }
0x131: {  	v2 =	vsub.f32 $1.000000000e+00, v8;
	[tilespmem:v7+s14+$0x0] =	vst.idx.msk $0xffff, v11;
	_ =	sdelay $0x1  }
0x132: {  	[tilespmem:v9+s14+$0x0] =	vst.idx.msk $0xffff, v2  }
0x133: {  	v2 =	vld.idx.msk [tilespmem:v3+s21+$0x0], $0xffff;
	_ =	sdelay $0x5  }
0x134: {  	v2 =	vmul.f32 $5.000000000e-01, v2;
	_ =	sdelay $0x1  }
0x135: {  	v4 =	vadd.f32 $5.000000000e-01, v2;
	_ =	sdelay $0x1  }
0x136: {  	v5 =	vtrunc.f32 v4  }
0x137: {  	v5 =	vcvt.f32.s32 v5;
	_ =	sdelay $0x1  }
0x138: {  	v5 =	vcvt.s32.f32 v5;
	_ =	sdelay $0x1  }
0x139: {  	vm0 =	vlt.f32 v4, v5  }
0x13a: {  	v4 =	vsel vm0, $0x3F800000, v1  }
0x13b: {  	v4 =	vsub.f32 v5, v4;
	_ =	sdelay $0x1  }
0x13c: {  	v4 =	vsub.f32 v2, v4;
	_ =	sdelay $0x1  }
0x13d: {  	v2 =	vmul.f32 v4, v4;
	_ =	sdelay $0x1  }
0x13e: {  	v5 =	vmul.f32 $3.395650100e+01, v2;
	v6 =	vmul.f32 $4.631009290e+01, v2;
	_ =	sdelay $0x1  }
0x13f: {  	v5 =	vadd.f32 $-7.509327690e+01, v5;
	v6 =	vadd.f32 $-8.270120230e+01, v6;
	_ =	sdelay $0x1  }
0x140: {  	v5 =	vmul.f32 v5, v2;
	v6 =	vmul.f32 v6, v2;
	_ =	sdelay $0x1  }
0x141: {  	v5 =	vadd.f32 $8.147312920e+01, v5;
	v6 =	vadd.f32 $6.471437070e+01, v6;
	_ =	sdelay $0x1  }
0x142: {  	v5 =	vmul.f32 v5, v2;
	v6 =	vmul.f32 v6, v2;
	_ =	sdelay $0x1  }
0x143: {  	v5 =	vadd.f32 $-4.133792880e+01, v5;
	v6 =	vadd.f32 $-1.973279570e+01, v6;
	_ =	sdelay $0x1  }
0x144: {  	v5 =	vmul.f32 v5, v2;
	v6 =	vmul.f32 v6, v2;
	v2 =	vmul.u32 $0x30, v10;
	_ =	sdelay $0x1  }
0x145: {  	v5 =	vadd.f32 $6.283168320e+00, v5;
	v7 =	vor.u32 $0x3, v2;
	_ =	sdelay $0x1  }
0x146: {  	v4 =	vmul.f32 v5, v4  }
0x147: {  	v5 =	vadd.f32 $9.999710910e-01, v6;
	v6 =	vor.u32 $0x6, v2  }
0x148: {  	v8 =	vadd.f32 v4, v4;
	[tilespmem:v2+s14+$0x0] =	vst.idx.msk $0xffff, v4  }
0x149: {  	[tilespmem:v7+s14+$0x0] =	vst.idx.msk $0xffff, v5;
	v7 =	vor.u32 $0x9, v2  }
0x14a: {  	v5 =	vmul.f32 v8, v5;
	v4 =	vmul.f32 v8, v4;
	v8 =	vor.u32 $0x1, v3;
	_ =	sdelay $0x1  }
0x14b: {  	v4 =	vsub.f32 $1.000000000e+00, v4;
	[tilespmem:v6+s14+$0x0] =	vst.idx.msk $0xffff, v5;
	_ =	sdelay $0x1  }
0x14c: {  	[tilespmem:v7+s14+$0x0] =	vst.idx.msk $0xffff, v4  }
0x14d: {  	v4 =	vld.idx.msk [tilespmem:v8+s21+$0x0], $0xffff;
	_ =	sdelay $0x5  }
0x14e: {  	v4 =	vmul.f32 $5.000000000e-01, v4;
	_ =	sdelay $0x1  }
0x14f: {  	v5 =	vadd.f32 $5.000000000e-01, v4;
	_ =	sdelay $0x1  }
0x150: {  	v6 =	vtrunc.f32 v5  }
0x151: {  	v6 =	vcvt.f32.s32 v6;
	_ =	sdelay $0x1  }
0x152: {  	v6 =	vcvt.s32.f32 v6;
	_ =	sdelay $0x1  }
0x153: {  	vm0 =	vlt.f32 v5, v6  }
0x154: {  	v5 =	vsel vm0, $0x3F800000, v1  }
0x155: {  	v5 =	vsub.f32 v6, v5;
	_ =	sdelay $0x1  }
0x156: {  	v4 =	vsub.f32 v4, v5;
	_ =	sdelay $0x1  }
0x157: {  	v5 =	vmul.f32 v4, v4;
	_ =	sdelay $0x1  }
0x158: {  	v6 =	vmul.f32 $3.395650100e+01, v5;
	v7 =	vmul.f32 $4.631009290e+01, v5;
	_ =	sdelay $0x1  }
0x159: {  	v6 =	vadd.f32 $-7.509327690e+01, v6;
	v7 =	vadd.f32 $-8.270120230e+01, v7;
	_ =	sdelay $0x1  }
0x15a: {  	v6 =	vmul.f32 v6, v5;
	v7 =	vmul.f32 v7, v5;
	_ =	sdelay $0x1  }
0x15b: {  	v6 =	vadd.f32 $8.147312920e+01, v6;
	v7 =	vadd.f32 $6.471437070e+01, v7;
	_ =	sdelay $0x1  }
0x15c: {  	v6 =	vmul.f32 v6, v5;
	v7 =	vmul.f32 v7, v5;
	_ =	sdelay $0x1  }
0x15d: {  	v6 =	vadd.f32 $-4.133792880e+01, v6;
	v7 =	vadd.f32 $-1.973279570e+01, v7;
	_ =	sdelay $0x1  }
0x15e: {  	v6 =	vmul.f32 v6, v5;
	v5 =	vmul.f32 v7, v5  }
0x15f: {  	v7 =	vor.u32 $0x1, v2  }
0x160: {  	v8 =	vor.u32 $0x4, v2;
	v6 =	vadd.f32 $6.283168320e+00, v6;
	_ =	sdelay $0x1  }
0x161: {  	v4 =	vmul.f32 v6, v4  }
0x162: {  	v5 =	vadd.f32 $9.999710910e-01, v5;
	v6 =	vor.u32 $0x7, v2  }
0x163: {  	v9 =	vadd.f32 v4, v4;
	[tilespmem:v7+s14+$0x0] =	vst.idx.msk $0xffff, v4  }
0x164: {  	v7 =	vor.u32 $0xA, v2;
	[tilespmem:v8+s14+$0x0] =	vst.idx.msk $0xffff, v5  }
0x165: {  	v3 =	vor.u32 $0x2, v3;
	v5 =	vmul.f32 v9, v5;
	v4 =	vmul.f32 v9, v4;
	_ =	sdelay $0x1  }
0x166: {  	v4 =	vsub.f32 $1.000000000e+00, v4;
	[tilespmem:v6+s14+$0x0] =	vst.idx.msk $0xffff, v5;
	_ =	sdelay $0x1  }
0x167: {  	[tilespmem:v7+s14+$0x0] =	vst.idx.msk $0xffff, v4  }
0x168: {  	v3 =	vld.idx.msk [tilespmem:v3+s21+$0x0], $0xffff;
	_ =	sdelay $0x5  }
0x169: {  	v3 =	vmul.f32 $5.000000000e-01, v3;
	_ =	sdelay $0x1  }
0x16a: {  	v4 =	vadd.f32 $5.000000000e-01, v3;
	_ =	sdelay $0x1  }
0x16b: {  	v5 =	vtrunc.f32 v4  }
0x16c: {  	v5 =	vcvt.f32.s32 v5;
	_ =	sdelay $0x1  }
0x16d: {  	v5 =	vcvt.s32.f32 v5;
	_ =	sdelay $0x1  }
0x16e: {  	vm0 =	vlt.f32 v4, v5  }
0x16f: {  	v4 =	vsel vm0, $0x3F800000, v1  }
0x170: {  	v4 =	vsub.f32 v5, v4;
	_ =	sdelay $0x1  }
0x171: {  	v3 =	vsub.f32 v3, v4;
	_ =	sdelay $0x1  }
0x172: {  	v4 =	vmul.f32 v3, v3;
	_ =	sdelay $0x1  }
0x173: {  	v5 =	vmul.f32 $3.395650100e+01, v4;
	v6 =	vmul.f32 $4.631009290e+01, v4;
	_ =	sdelay $0x1  }
0x174: {  	v5 =	vadd.f32 $-7.509327690e+01, v5;
	v6 =	vadd.f32 $-8.270120230e+01, v6;
	_ =	sdelay $0x1  }
0x175: {  	v5 =	vmul.f32 v5, v4;
	v6 =	vmul.f32 v6, v4;
	_ =	sdelay $0x1  }
0x176: {  	v5 =	vadd.f32 $8.147312920e+01, v5;
	v6 =	vadd.f32 $6.471437070e+01, v6;
	_ =	sdelay $0x1  }
0x177: {  	v5 =	vmul.f32 v5, v4;
	v6 =	vmul.f32 v6, v4;
	_ =	sdelay $0x1  }
0x178: {  	v5 =	vadd.f32 $-4.133792880e+01, v5;
	v6 =	vadd.f32 $-1.973279570e+01, v6;
	_ =	sdelay $0x1  }
0x179: {  	v5 =	vmul.f32 v5, v4;
	v4 =	vmul.f32 v6, v4  }
0x17a: {  	v6 =	vor.u32 $0x2, v2  }
0x17b: {  	v7 =	vor.u32 $0x5, v2;
	v5 =	vadd.f32 $6.283168320e+00, v5;
	_ =	sdelay $0x1  }
0x17c: {  	v5 =	vmul.f32 v5, v3  }
0x17d: {  	v8 =	vor.u32 $0x8, v2;
	v9 =	vadd.f32 $9.999710910e-01, v4  }
.Ltmp0:
0x17e: {  	v10 =	vadd.f32 v5, v5;
	[tilespmem:v6+s14+$0x0] =	vst.idx.msk $0xffff, v5;
	(pc) =	sbr.rel @p0 .LBB2_3-.Ltmp0, $3  }
0x17f: {  	v4 =	vor.u32 $0xB, v2;
	v3 =	vor.u32 s23, v0;
	[tilespmem:v7+s14+$0x0] =	vst.idx.msk $0xffff, v9  }
0x180: {  	v2 =	vshll.u32 v3, $0x3;
	v6 =	vmul.f32 v10, v9;
	v5 =	vmul.f32 v10, v5;
	_ =	sdelay $0x1  }
0x181: {  	v5 =	vsub.f32 $1.000000000e+00, v5;
	[tilespmem:v8+s14+$0x0] =	vst.idx.msk $0xffff, v6  }
0x182: {  	_ =	sdelay $0x3  }
0x183: {  	[tilespmem:v4+s14+$0x0] =	vst.idx.msk $0xffff, v5  }
0x184: {  	v4 =	vld.idx.msk [tilespmem:v2+s21+$0x0], $0xffff;
	_ =	sdelay $0x4  }
0x185: {  	v4 =	vmul.f32 $5.000000000e-01, v4;
	_ =	sdelay $0x1  }
0x186: {  	v5 =	vadd.f32 $5.000000000e-01, v4;
	_ =	sdelay $0x1  }
0x187: {  	v6 =	vtrunc.f32 v5  }
0x188: {  	v6 =	vcvt.f32.s32 v6;
	_ =	sdelay $0x1  }
0x189: {  	v6 =	vcvt.s32.f32 v6;
	_ =	sdelay $0x1  }
0x18a: {  	vm0 =	vlt.f32 v5, v6  }
0x18b: {  	v5 =	vsel vm0, $0x3F800000, v1  }
0x18c: {  	v5 =	vsub.f32 v6, v5;
	_ =	sdelay $0x1  }
0x18d: {  	v4 =	vsub.f32 v4, v5;
	_ =	sdelay $0x1  }
0x18e: {  	v5 =	vmul.f32 v4, v4;
	_ =	sdelay $0x1  }
0x18f: {  	v6 =	vmul.f32 $3.395650100e+01, v5;
	_ =	sdelay $0x1  }
0x190: {  	v6 =	vadd.f32 $-7.509327690e+01, v6;
	_ =	sdelay $0x1  }
0x191: {  	v6 =	vmul.f32 v6, v5  }
0x192: {  	v7 =	vmul.f32 $4.631009290e+01, v5  }
0x193: {  	v6 =	vadd.f32 $8.147312920e+01, v6  }
0x194: {  	v7 =	vadd.f32 $-8.270120230e+01, v7  }
0x195: {  	v6 =	vmul.f32 v6, v5  }
0x196: {  	v7 =	vmul.f32 v7, v5  }
0x197: {  	v6 =	vadd.f32 $-4.133792880e+01, v6  }
0x198: {  	v7 =	vadd.f32 $6.471437070e+01, v7  }
0x199: {  	v6 =	vmul.f32 v6, v5  }
0x19a: {  	v7 =	vmul.f32 v7, v5  }
0x19b: {  	v6 =	vadd.f32 $6.283168320e+00, v6  }
0x19c: {  	v3 =	vmul.u32 $0x30, v3;
	v7 =	vadd.f32 $-1.973279570e+01, v7  }
0x19d: {  	v4 =	vmul.f32 v6, v4  }
0x19e: {  	v5 =	vmul.f32 v7, v5;
	v6 =	vor.u32 $0x3, v3  }
0x19f: {  	v8 =	vor.u32 $0x6, v3;
	v7 =	vadd.f32 v4, v4  }
0x1a0: {  	v9 =	vor.u32 $0x9, v3;
	v5 =	vadd.f32 $9.999710910e-01, v5  }
0x1a1: {  	v11 =	vor.u32 $0x1, v2;
	v10 =	vmul.f32 v7, v4  }
0x1a2: {  	[tilespmem:v3+s14+$0x0] =	vst.idx.msk $0xffff, v4;
	v7 =	vmul.f32 v7, v5  }
0x1a3: {  	[tilespmem:v6+s14+$0x0] =	vst.idx.msk $0xffff, v5;
	v4 =	vsub.f32 $1.000000000e+00, v10  }
0x1a4: {  	[tilespmem:v8+s14+$0x0] =	vst.idx.msk $0xffff, v7  }
0x1a5: {  	[tilespmem:v9+s14+$0x0] =	vst.idx.msk $0xffff, v4  }
0x1a6: {  	v4 =	vld.idx.msk [tilespmem:v11+s21+$0x0], $0xffff;
	_ =	sdelay $0x4  }
0x1a7: {  	v4 =	vmul.f32 $5.000000000e-01, v4;
	_ =	sdelay $0x1  }
0x1a8: {  	v5 =	vadd.f32 $5.000000000e-01, v4;
	_ =	sdelay $0x1  }
0x1a9: {  	v6 =	vtrunc.f32 v5  }
0x1aa: {  	v6 =	vcvt.f32.s32 v6;
	_ =	sdelay $0x1  }
0x1ab: {  	v6 =	vcvt.s32.f32 v6;
	_ =	sdelay $0x1  }
0x1ac: {  	vm11 =	vlt.f32 v5, v6  }
0x1ad: {  	v5 =	vsel vm11, $0x3F800000, v1  }
0x1ae: {  	v5 =	vsub.f32 v6, v5;
	_ =	sdelay $0x1  }
0x1af: {  	v4 =	vsub.f32 v4, v5;
	_ =	sdelay $0x1  }
0x1b0: {  	v5 =	vmul.f32 v4, v4;
	_ =	sdelay $0x1  }
0x1b1: {  	v6 =	vmul.f32 $3.395650100e+01, v5;
	_ =	sdelay $0x1  }
0x1b2: {  	v6 =	vadd.f32 $-7.509327690e+01, v6;
	_ =	sdelay $0x1  }
0x1b3: {  	v6 =	vmul.f32 v6, v5  }
0x1b4: {  	v7 =	vmul.f32 $4.631009290e+01, v5  }
0x1b5: {  	v6 =	vadd.f32 $8.147312920e+01, v6  }
0x1b6: {  	v7 =	vadd.f32 $-8.270120230e+01, v7  }
0x1b7: {  	v6 =	vmul.f32 v6, v5  }
0x1b8: {  	v7 =	vmul.f32 v7, v5  }
0x1b9: {  	v6 =	vadd.f32 $-4.133792880e+01, v6  }
0x1ba: {  	v7 =	vadd.f32 $6.471437070e+01, v7  }
0x1bb: {  	v6 =	vmul.f32 v6, v5  }
0x1bc: {  	v7 =	vmul.f32 v7, v5  }
0x1bd: {  	v6 =	vadd.f32 $6.283168320e+00, v6  }
0x1be: {  	v7 =	vadd.f32 $-1.973279570e+01, v7  }
0x1bf: {  	v4 =	vmul.f32 v6, v4;
	v6 =	vor.u32 $0x1, v3  }
0x1c0: {  	v5 =	vmul.f32 v7, v5;
	v7 =	vor.u32 $0x4, v3  }
0x1c1: {  	v9 =	vor.u32 $0x7, v3;
	v8 =	vadd.f32 v4, v4  }
0x1c2: {  	v10 =	vor.u32 $0xA, v3;
	v5 =	vadd.f32 $9.999710910e-01, v5  }
0x1c3: {  	v2 =	vor.u32 $0x2, v2;
	v11 =	vmul.f32 v8, v4  }
0x1c4: {  	v8 =	vmul.f32 v8, v5;
	[tilespmem:v6+s14+$0x0] =	vst.idx.msk $0xffff, v4  }
0x1c5: {  	v4 =	vsub.f32 $1.000000000e+00, v11;
	[tilespmem:v7+s14+$0x0] =	vst.idx.msk $0xffff, v5  }
0x1c6: {  	[tilespmem:v9+s14+$0x0] =	vst.idx.msk $0xffff, v8  }
0x1c7: {  	[tilespmem:v10+s14+$0x0] =	vst.idx.msk $0xffff, v4  }
0x1c8: {  	v2 =	vld.idx.msk [tilespmem:v2+s21+$0x0], $0xffff;
	_ =	sdelay $0x4  }
0x1c9: {  	v2 =	vmul.f32 $5.000000000e-01, v2;
	_ =	sdelay $0x1  }
0x1ca: {  	v4 =	vadd.f32 $5.000000000e-01, v2;
	_ =	sdelay $0x1  }
0x1cb: {  	v5 =	vtrunc.f32 v4  }
0x1cc: {  	v5 =	vcvt.f32.s32 v5;
	_ =	sdelay $0x1  }
0x1cd: {  	v5 =	vcvt.s32.f32 v5;
	_ =	sdelay $0x1  }
0x1ce: {  	vm12 =	vlt.f32 v4, v5  }
0x1cf: {  	v4 =	vsel vm12, $0x3F800000, v1  }
0x1d0: {  	v4 =	vsub.f32 v5, v4;
	_ =	sdelay $0x1  }
0x1d1: {  	v2 =	vsub.f32 v2, v4;
	_ =	sdelay $0x1  }
0x1d2: {  	v4 =	vmul.f32 v2, v2;
	_ =	sdelay $0x1  }
0x1d3: {  	v5 =	vmul.f32 $3.395650100e+01, v4;
	_ =	sdelay $0x1  }
0x1d4: {  	v5 =	vadd.f32 $-7.509327690e+01, v5;
	_ =	sdelay $0x1  }
0x1d5: {  	v5 =	vmul.f32 v5, v4  }
0x1d6: {  	v6 =	vmul.f32 $4.631009290e+01, v4  }
0x1d7: {  	v5 =	vadd.f32 $8.147312920e+01, v5  }
0x1d8: {  	v6 =	vadd.f32 $-8.270120230e+01, v6  }
0x1d9: {  	v5 =	vmul.f32 v5, v4  }
0x1da: {  	v6 =	vmul.f32 v6, v4  }
0x1db: {  	v5 =	vadd.f32 $-4.133792880e+01, v5  }
0x1dc: {  	v6 =	vadd.f32 $6.471437070e+01, v6  }
0x1dd: {  	v5 =	vmul.f32 v5, v4  }
0x1de: {  	v6 =	vmul.f32 v6, v4  }
0x1df: {  	v5 =	vadd.f32 $6.283168320e+00, v5  }
0x1e0: {  	v6 =	vadd.f32 $-1.973279570e+01, v6  }
0x1e1: {  	v7 =	vor.u32 $0x2, v3;
	v2 =	vmul.f32 v5, v2  }
0x1e2: {  	v4 =	vmul.f32 v6, v4;
	v5 =	vor.u32 $0x5, v3  }
0x1e3: {  	s0 =	sadd.s32 $0x10, s23;
	v6 =	vor.u32 $0x8, v3;
	v8 =	vadd.f32 v2, v2  }
0x1e4: {  	v9 =	vor.u32 s0, v0;
	v4 =	vadd.f32 $9.999710910e-01, v4;
	v3 =	vor.u32 $0xB, v3  }
0x1e5: {  	v11 =	vshll.u32 v9, $0x3;
	v10 =	vmul.f32 v8, v2  }
0x1e6: {  	[tilespmem:v7+s14+$0x0] =	vst.idx.msk $0xffff, v2;
	v8 =	vmul.f32 v8, v4  }
0x1e7: {  	[tilespmem:v5+s14+$0x0] =	vst.idx.msk $0xffff, v4;
	v2 =	vsub.f32 $1.000000000e+00, v10  }
0x1e8: {  	[tilespmem:v6+s14+$0x0] =	vst.idx.msk $0xffff, v8  }
0x1e9: {  	[tilespmem:v3+s14+$0x0] =	vst.idx.msk $0xffff, v2  }
0x1ea: {  	v2 =	vld.idx.msk [tilespmem:v11+s21+$0x0], $0xffff;
	_ =	sdelay $0x4  }
0x1eb: {  	v2 =	vmul.f32 $5.000000000e-01, v2;
	_ =	sdelay $0x1  }
0x1ec: {  	v3 =	vadd.f32 $5.000000000e-01, v2;
	_ =	sdelay $0x1  }
0x1ed: {  	v4 =	vtrunc.f32 v3  }
0x1ee: {  	v4 =	vcvt.f32.s32 v4;
	_ =	sdelay $0x1  }
0x1ef: {  	v4 =	vcvt.s32.f32 v4;
	_ =	sdelay $0x1  }
0x1f0: {  	vm13 =	vlt.f32 v3, v4  }
0x1f1: {  	v3 =	vsel vm13, $0x3F800000, v1  }
0x1f2: {  	v3 =	vsub.f32 v4, v3;
	_ =	sdelay $0x1  }
0x1f3: {  	v2 =	vsub.f32 v2, v3;
	_ =	sdelay $0x1  }
0x1f4: {  	v3 =	vmul.f32 v2, v2;
	_ =	sdelay $0x1  }
0x1f5: {  	v4 =	vmul.f32 $3.395650100e+01, v3;
	_ =	sdelay $0x1  }
0x1f6: {  	v4 =	vadd.f32 $-7.509327690e+01, v4;
	_ =	sdelay $0x1  }
0x1f7: {  	v4 =	vmul.f32 v4, v3  }
0x1f8: {  	v5 =	vmul.f32 $4.631009290e+01, v3  }
0x1f9: {  	v4 =	vadd.f32 $8.147312920e+01, v4  }
0x1fa: {  	v5 =	vadd.f32 $-8.270120230e+01, v5  }
0x1fb: {  	v4 =	vmul.f32 v4, v3  }
0x1fc: {  	v5 =	vmul.f32 v5, v3  }
0x1fd: {  	v4 =	vadd.f32 $-4.133792880e+01, v4  }
0x1fe: {  	v5 =	vadd.f32 $6.471437070e+01, v5  }
0x1ff: {  	v4 =	vmul.f32 v4, v3  }
0x200: {  	v5 =	vmul.f32 v5, v3  }
0x201: {  	v4 =	vadd.f32 $6.283168320e+00, v4  }
0x202: {  	v6 =	vmul.u32 $0x30, v9;
	v5 =	vadd.f32 $-1.973279570e+01, v5  }
0x203: {  	v2 =	vmul.f32 v4, v2  }
0x204: {  	v3 =	vmul.f32 v5, v3;
	v4 =	vor.u32 $0x3, v6  }
0x205: {  	v5 =	vor.u32 $0x6, v6;
	v7 =	vadd.f32 v2, v2  }
0x206: {  	v8 =	vor.u32 $0x9, v6;
	v3 =	vadd.f32 $9.999710910e-01, v3  }
0x207: {  	v10 =	vor.u32 $0x1, v11;
	v9 =	vmul.f32 v7, v2  }
0x208: {  	[tilespmem:v6+s14+$0x0] =	vst.idx.msk $0xffff, v2;
	v2 =	vmul.f32 v7, v3  }
0x209: {  	[tilespmem:v4+s14+$0x0] =	vst.idx.msk $0xffff, v3;
	v3 =	vsub.f32 $1.000000000e+00, v9  }
0x20a: {  	[tilespmem:v5+s14+$0x0] =	vst.idx.msk $0xffff, v2  }
0x20b: {  	[tilespmem:v8+s14+$0x0] =	vst.idx.msk $0xffff, v3  }
0x20c: {  	v2 =	vld.idx.msk [tilespmem:v10+s21+$0x0], $0xffff;
	_ =	sdelay $0x4  }
0x20d: {  	v2 =	vmul.f32 $5.000000000e-01, v2;
	_ =	sdelay $0x1  }
0x20e: {  	v3 =	vadd.f32 $5.000000000e-01, v2;
	_ =	sdelay $0x1  }
0x20f: {  	v4 =	vtrunc.f32 v3  }
0x210: {  	v4 =	vcvt.f32.s32 v4;
	_ =	sdelay $0x1  }
0x211: {  	v4 =	vcvt.s32.f32 v4;
	_ =	sdelay $0x1  }
0x212: {  	vm14 =	vlt.f32 v3, v4  }
0x213: {  	v3 =	vsel vm14, $0x3F800000, v1  }
0x214: {  	v3 =	vsub.f32 v4, v3;
	_ =	sdelay $0x1  }
0x215: {  	v2 =	vsub.f32 v2, v3;
	_ =	sdelay $0x1  }
0x216: {  	v3 =	vmul.f32 v2, v2;
	_ =	sdelay $0x1  }
0x217: {  	v4 =	vmul.f32 $3.395650100e+01, v3;
	_ =	sdelay $0x1  }
0x218: {  	v4 =	vadd.f32 $-7.509327690e+01, v4;
	_ =	sdelay $0x1  }
0x219: {  	v4 =	vmul.f32 v4, v3  }
0x21a: {  	v5 =	vmul.f32 $4.631009290e+01, v3  }
0x21b: {  	v4 =	vadd.f32 $8.147312920e+01, v4  }
0x21c: {  	v5 =	vadd.f32 $-8.270120230e+01, v5  }
0x21d: {  	v4 =	vmul.f32 v4, v3  }
0x21e: {  	v5 =	vmul.f32 v5, v3  }
0x21f: {  	v4 =	vadd.f32 $-4.133792880e+01, v4  }
0x220: {  	v5 =	vadd.f32 $6.471437070e+01, v5  }
0x221: {  	v4 =	vmul.f32 v4, v3  }
0x222: {  	v5 =	vmul.f32 v5, v3  }
0x223: {  	v4 =	vadd.f32 $6.283168320e+00, v4  }
0x224: {  	v5 =	vadd.f32 $-1.973279570e+01, v5  }
0x225: {  	v7 =	vor.u32 $0x1, v6;
	v2 =	vmul.f32 v4, v2  }
0x226: {  	v3 =	vmul.f32 v5, v3;
	v4 =	vor.u32 $0x4, v6  }
0x227: {  	v5 =	vor.u32 $0x7, v6;
	v8 =	vadd.f32 v2, v2  }
0x228: {  	v9 =	vor.u32 $0xA, v6;
	v3 =	vadd.f32 $9.999710910e-01, v3  }
0x229: {  	v11 =	vor.u32 $0x2, v11;
	v10 =	vmul.f32 v8, v2  }
0x22a: {  	[tilespmem:v7+s14+$0x0] =	vst.idx.msk $0xffff, v2;
	v2 =	vmul.f32 v8, v3  }
0x22b: {  	[tilespmem:v4+s14+$0x0] =	vst.idx.msk $0xffff, v3;
	v3 =	vsub.f32 $1.000000000e+00, v10  }
0x22c: {  	[tilespmem:v5+s14+$0x0] =	vst.idx.msk $0xffff, v2  }
0x22d: {  	[tilespmem:v9+s14+$0x0] =	vst.idx.msk $0xffff, v3  }
0x22e: {  	v2 =	vld.idx.msk [tilespmem:v11+s21+$0x0], $0xffff;
	_ =	sdelay $0x4  }
0x22f: {  	v2 =	vmul.f32 $5.000000000e-01, v2;
	_ =	sdelay $0x1  }
0x230: {  	v3 =	vadd.f32 $5.000000000e-01, v2;
	_ =	sdelay $0x1  }
0x231: {  	v4 =	vtrunc.f32 v3  }
0x232: {  	v4 =	vcvt.f32.s32 v4;
	_ =	sdelay $0x1  }
0x233: {  	v4 =	vcvt.s32.f32 v4;
	_ =	sdelay $0x1  }
0x234: {  	vm15 =	vlt.f32 v3, v4  }
0x235: {  	v3 =	vsel vm15, $0x3F800000, v1  }
0x236: {  	v3 =	vsub.f32 v4, v3;
	_ =	sdelay $0x1  }
0x237: {  	v2 =	vsub.f32 v2, v3;
	_ =	sdelay $0x1  }
0x238: {  	v3 =	vmul.f32 v2, v2;
	_ =	sdelay $0x1  }
0x239: {  	v4 =	vmul.f32 $3.395650100e+01, v3;
	_ =	sdelay $0x1  }
0x23a: {  	v4 =	vadd.f32 $-7.509327690e+01, v4;
	_ =	sdelay $0x1  }
0x23b: {  	v4 =	vmul.f32 v4, v3  }
0x23c: {  	v5 =	vmul.f32 $4.631009290e+01, v3  }
0x23d: {  	v4 =	vadd.f32 $8.147312920e+01, v4  }
0x23e: {  	v5 =	vadd.f32 $-8.270120230e+01, v5  }
0x23f: {  	v4 =	vmul.f32 v4, v3  }
0x240: {  	v5 =	vmul.f32 v5, v3  }
0x241: {  	v4 =	vadd.f32 $-4.133792880e+01, v4  }
0x242: {  	v5 =	vadd.f32 $6.471437070e+01, v5  }
0x243: {  	v4 =	vmul.f32 v4, v3  }
0x244: {  	v5 =	vmul.f32 v5, v3  }
0x245: {  	v4 =	vadd.f32 $6.283168320e+00, v4  }
0x246: {  	v5 =	vadd.f32 $-1.973279570e+01, v5  }
0x247: {  	v7 =	vor.u32 $0x2, v6;
	v2 =	vmul.f32 v4, v2  }
0x248: {  	v3 =	vmul.f32 v5, v3;
	v4 =	vor.u32 $0x5, v6  }
0x249: {  	v5 =	vor.u32 $0x8, v6;
	v8 =	vadd.f32 v2, v2  }
0x24a: {  	v3 =	vadd.f32 $9.999710910e-01, v3;
	v6 =	vor.u32 $0xB, v6  }
0x24b: {  	v9 =	vmul.f32 v8, v2  }
0x24c: {  	[tilespmem:v7+s14+$0x0] =	vst.idx.msk $0xffff, v2;
	v2 =	vmul.f32 v8, v3  }
0x24d: {  	[tilespmem:v4+s14+$0x0] =	vst.idx.msk $0xffff, v3;
	v3 =	vsub.f32 $1.000000000e+00, v9  }
0x24e: {  	[tilespmem:v5+s14+$0x0] =	vst.idx.msk $0xffff, v2  }
0x24f: {  	s1 =	simm.s32 $0x0;
	[tilespmem:v6+s14+$0x0] =	vst.idx.msk $0xffff, v3  }
0x250: {  	v2 =	vld [tilespmem:s1+$0x1000]  }
0x251: {  	v3 =	vld [tilespmem:s1+$0x1200]  }
0x252: {  	v4 =	vld [tilespmem:s1+$0x1400];
	_ =	sdelay $0x2  }
0x253: {  	v2 =	vmul.f32 $1.600000000e+01, v2  }
0x254: {  	v3 =	vmul.f32 $1.600000000e+01, v3  }
0x255: {  	v4 =	vmul.f32 $1.600000000e+01, v4;
	v5 =	vtrunc.f32 v2  }
0x256: {  	v6 =	vtrunc.f32 v3;
	v5 =	vcvt.f32.s32 v5  }
0x257: {  	v7 =	vtrunc.f32 v4;
	v6 =	vcvt.f32.s32 v6  }
0x258: {  	v7 =	vcvt.f32.s32 v7;
	v8 =	vcvt.s32.f32 v5  }
0x259: {  	v9 =	vcvt.s32.f32 v6  }
0x25a: {  	v10 =	vcvt.s32.f32 v7;
	v2 =	vsub.f32 v2, v8  }
0x25b: {  	s25 =	simm.s32 $0x0;
	v5 =	vmul.u32 $0x121, v5;
	v6 =	vmul.u32 $0x11, v6;
	v3 =	vsub.f32 v3, v9  }
0x25c: {  	s0 =	sand.u32 $0x180, s25;
	v4 =	vsub.f32 v4, v10;
	[tilespmem:s1+$0x1600] =	vst v2  }
0x25d: {  	s2 =	sand.u32 $0x60, s21;
	s9 =	sor.u32 $0x1C00, s0;
	v8 =	vadd.s32 v5, v6;
	v2 =	vadd.s32 $0x121, v5;
	[tilespmem:s1+$0x1800] =	vst v3  }
0x25e: {  	s18 =	sor.u32 $0x1E00, s0;
	s26 =	sor.u32 s2, s9;
	v9 =	vadd.s32 v7, v8;
	v3 =	vadd.s32 $0x11, v6;
	[tilespmem:s1+$0x1A00] =	vst v4;
	v6 =	vadd.s32 v6, v2  }
0x25f: {  	s3 =	sor.u32 $0x2000, s0;
	s28 =	sor.u32 s2, s18;
	v4 =	vadd.s32 v5, v3;
	[tilespmem:s26+$0x0] =	vst v9;
	v5 =	vadd.s32 v7, v6  }
0x260: {  	s24 =	sor.u32 $0x2200, s0;
	s29 =	sor.u32 s2, s3;
	v2 =	vadd.s32 v2, v3;
	v3 =	vadd.s32 v7, v4;
	[tilespmem:s28+$0x0] =	vst v5  }
0x261: {  	s25 =	sor.u32 $0x2400, s0;
	s30 =	sor.u32 s2, s24;
	v5 =	vadd.s32 $0x1, v7;
	[tilespmem:s29+$0x0] =	vst v3;
	v3 =	vadd.s32 v7, v2  }
0x262: {  	s31 =	sor.u32 s2, s25;
	s26 =	sor.u32 $0x2600, s0;
	[tilespmem:s30+$0x0] =	vst v3;
	v3 =	vadd.s32 v5, v8  }
0x263: {  	s10 =	sor.u32 s2, s26;
	s28 =	sor.u32 $0x2800, s0;
	[tilespmem:s31+$0x0] =	vst v3;
	v3 =	vadd.s32 v5, v6  }
0x264: {  	s29 =	sor.u32 s2, s28;
	s30 =	sor.u32 $0x2A00, s0;
	[tilespmem:s10+$0x0] =	vst v3;
	v3 =	vadd.s32 v5, v4  }
0x265: {  	v2 =	vadd.s32 v5, v2;
	s0 =	sor.u32 s2, s30;
	[tilespmem:s29+$0x0] =	vst v3  }
0x266: {  	[tilespmem:s0+$0x0] =	vst v2  }
0x267: {  	v2 =	vld [tilespmem:s1+$0x1010]  }
0x268: {  	v3 =	vld [tilespmem:s1+$0x1210]  }
0x269: {  	v4 =	vld [tilespmem:s1+$0x1410];
	_ =	sdelay $0x2  }
0x26a: {  	v2 =	vmul.f32 $1.600000000e+01, v2  }
0x26b: {  	v3 =	vmul.f32 $1.600000000e+01, v3  }
0x26c: {  	v4 =	vmul.f32 $1.600000000e+01, v4;
	v5 =	vtrunc.f32 v2  }
0x26d: {  	v6 =	vtrunc.f32 v3;
	v5 =	vcvt.f32.s32 v5  }
0x26e: {  	v7 =	vtrunc.f32 v4;
	v6 =	vcvt.f32.s32 v6  }
0x26f: {  	v7 =	vcvt.f32.s32 v7;
	v8 =	vcvt.s32.f32 v5  }
0x270: {  	v9 =	vcvt.s32.f32 v6;
	v5 =	vmul.u32 $0x121, v5  }
0x271: {  	v6 =	vmul.u32 $0x11, v6;
	v2 =	vsub.f32 v2, v8;
	v8 =	vcvt.s32.f32 v7  }
0x272: {  	v9 =	vsub.f32 v3, v9  }
0x273: {  	s11 =	simm.s32 $0x10;
	v3 =	vadd.s32 v5, v6;
	[tilespmem:s1+$0x1610] =	vst v2;
	v8 =	vsub.f32 v4, v8  }
0x274: {  	s23 =	sand.u32 $0x70, s11;
	v10 =	vadd.s32 $0x121, v5;
	v11 =	vadd.s32 v7, v3;
	[tilespmem:s1+$0x1810] =	vst v9  }
0x275: {  	s31 =	sor.u32 s23, s18;
	s29 =	sor.u32 s23, s9;
	v2 =	vadd.s32 $0x1, v7;
	v9 =	vadd.s32 $0x11, v6;
	v4 =	vadd.s32 v6, v10;
	[tilespmem:s1+$0x1A10] =	vst v8  }
0x276: {  	s18 =	sor.u32 s23, s28;
	s9 =	sor.u32 s23, s25;
	s25 =	sor.u32 s23, s30;
	v5 =	vadd.s32 v5, v9;
	v6 =	vadd.s32 v10, v9;
	v9 =	vadd.s32 v7, v4;
	[tilespmem:s29+$0x0] =	vst v11  }
0x277: {  	s0 =	sor.u32 s23, s24;
	s24 =	sor.u32 s23, s26;
	v8 =	vadd.s32 v7, v5;
	v7 =	vadd.s32 v7, v6;
	v6 =	vadd.s32 v2, v6;
	s1 =	sor.u32 s23, s3;
	[tilespmem:s31+$0x0] =	vst v9  }
.LBB2_5:
0x278: {  	p0 =	sne.s32 s22, $0x1E0  }
0x279: {  	[tilespmem:s1+$0x0] =	vst v8;
	s21 =	sadd.s32 $0x80, s21;
	s1 =	smov.u32 s22;
	s22 =	sadd.s32 $0x20, s22  }
0x27a: {  	v3 =	vadd.s32 v2, v3;
	[tilespmem:s0+$0x0] =	vst v7  }
0x27b: {  	[tilespmem:s9+$0x0] =	vst v3;
	v3 =	vadd.s32 v2, v4  }
0x27c: {  	v2 =	vadd.s32 v2, v5;
	[tilespmem:s24+$0x0] =	vst v3  }
0x27d: {  	[tilespmem:s18+$0x0] =	vst v2  }
0x27e: {  	s23 =	sshra.s32 s21, $0x2;
	[tilespmem:s25+$0x0] =	vst v6  }
0x27f: {  	v2 =	vld [tilespmem:s23+$0x1400]  }
0x280: {  	v3 =	vld [tilespmem:s23+$0x1000]  }
0x281: {  	v4 =	vld [tilespmem:s23+$0x1200];
	_ =	sdelay $0x2  }
0x282: {  	v2 =	vmul.f32 $1.600000000e+01, v2  }
0x283: {  	v3 =	vmul.f32 $1.600000000e+01, v3  }
0x284: {  	v4 =	vmul.f32 $1.600000000e+01, v4;
	v5 =	vtrunc.f32 v2  }
0x285: {  	v6 =	vtrunc.f32 v3  }
0x286: {  	v6 =	vcvt.f32.s32 v6;
	v7 =	vtrunc.f32 v4  }
0x287: {  	v5 =	vcvt.f32.s32 v5;
	v7 =	vcvt.f32.s32 v7  }
0x288: {  	v8 =	vcvt.s32.f32 v6;
	v6 =	vmul.u32 $0x121, v6  }
0x289: {  	v10 =	vcvt.s32.f32 v5;
	v9 =	vcvt.s32.f32 v7;
	v7 =	vmul.u32 $0x11, v7  }
0x28a: {  	v3 =	vsub.f32 v3, v8;
	v8 =	vadd.s32 $0x121, v6  }
0x28b: {  	s0 =	sshrl.u32 s21, $0x2;
	s2 =	sadd.s32 $0x10, s1;
	v2 =	vsub.f32 v2, v10;
	v4 =	vsub.f32 v4, v9;
	v9 =	vadd.s32 v6, v7  }
0x28c: {  	s1 =	sand.u32 $0x60, s1;
	s0 =	sand.u32 $0x180, s0;
	s3 =	sand.u32 $0x70, s2;
	[tilespmem:s23+$0x1600] =	vst v3;
	v3 =	vadd.s32 $0x11, v7;
	v7 =	vadd.s32 v7, v8  }
0x28d: {  	s29 =	sor.u32 $0x1C00, s0;
	s28 =	sor.u32 $0x1E00, s0;
	s26 =	sor.u32 $0x2000, s0;
	[tilespmem:s23+$0x1800] =	vst v4;
	v4 =	vadd.s32 v5, v9;
	v6 =	vadd.s32 v6, v3;
	v3 =	vadd.s32 v8, v3  }
0x28e: {  	s9 =	sor.u32 $0x2200, s0;
	s2 =	sor.u32 s1, s29;
	s18 =	sor.u32 $0x2400, s0;
	[tilespmem:s23+$0x1A00] =	vst v2;
	v2 =	vadd.s32 v5, v7;
	v8 =	vadd.s32 v5, v6  }
0x28f: {  	s30 =	sor.u32 $0x2800, s0;
	s25 =	sor.u32 $0x2600, s0;
	[tilespmem:s2+$0x0] =	vst v4;
	s2 =	sor.u32 s1, s28  }
0x290: {  	s10 =	sor.u32 $0x2A00, s0;
	s31 =	sor.u32 s1, s30;
	[tilespmem:s2+$0x0] =	vst v2;
	s2 =	sor.u32 s1, s26  }
0x291: {  	s0 =	sor.u32 s3, s9;
	v4 =	vadd.s32 v5, v3;
	v2 =	vadd.s32 $0x1, v5;
	[tilespmem:s2+$0x0] =	vst v8;
	s2 =	sor.u32 s1, s9;
	s9 =	sor.u32 s3, s18  }
0x292: {  	s24 =	sor.u32 s3, s25;
	[tilespmem:s2+$0x0] =	vst v4;
	v4 =	vadd.s32 v2, v9;
	s2 =	sor.u32 s1, s18;
	s18 =	sor.u32 s3, s30  }
0x293: {  	[tilespmem:s2+$0x0] =	vst v4;
	v4 =	vadd.s32 v2, v7;
	s2 =	sor.u32 s1, s25;
	s25 =	sor.u32 s3, s10  }
0x294: {  	[tilespmem:s2+$0x0] =	vst v4;
	v4 =	vadd.s32 v2, v6  }
0x295: {  	s1 =	sor.u32 s1, s10;
	v2 =	vadd.s32 v2, v3;
	[tilespmem:s31+$0x0] =	vst v4  }
0x296: {  	[tilespmem:s1+$0x0] =	vst v2  }
0x297: {  	v2 =	vld [tilespmem:s23+$0x1010]  }
0x298: {  	v3 =	vld [tilespmem:s23+$0x1210]  }
0x299: {  	v4 =	vld [tilespmem:s23+$0x1410];
	_ =	sdelay $0x2  }
0x29a: {  	v2 =	vmul.f32 $1.600000000e+01, v2  }
0x29b: {  	v3 =	vmul.f32 $1.600000000e+01, v3  }
0x29c: {  	v4 =	vmul.f32 $1.600000000e+01, v4;
	v5 =	vtrunc.f32 v2  }
0x29d: {  	v5 =	vcvt.f32.s32 v5;
	v6 =	vtrunc.f32 v3  }
0x29e: {  	v6 =	vcvt.f32.s32 v6;
	v7 =	vtrunc.f32 v4  }
0x29f: {  	v7 =	vcvt.f32.s32 v7;
	v8 =	vcvt.s32.f32 v5  }
0x2a0: {  	v5 =	vmul.u32 $0x121, v5;
	v9 =	vcvt.s32.f32 v6;
	v6 =	vmul.u32 $0x11, v6  }
0x2a1: {  	v8 =	vsub.f32 v2, v8;
	v10 =	vcvt.s32.f32 v7;
	v2 =	vadd.s32 $0x1, v7  }
0x2a2: {  	v11 =	vadd.s32 $0x121, v5;
	v9 =	vsub.f32 v3, v9;
	v3 =	vadd.s32 v5, v6  }
.Ltmp1:
0x2a3: {  	[tilespmem:s23+$0x1610] =	vst v8;
	v8 =	vsub.f32 v4, v10;
	v10 =	vadd.s32 $0x11, v6;
	v12 =	vadd.s32 v7, v3;
	(pc) =	sbr.rel @p0 .LBB2_5-.Ltmp1, $4  }
0x2a4: {  	v4 =	vadd.s32 v6, v11;
	[tilespmem:s23+$0x1810] =	vst v9;
	v5 =	vadd.s32 v5, v10;
	v6 =	vadd.s32 v11, v10  }
0x2a5: {  	s1 =	sor.u32 s3, s29;
	v9 =	vadd.s32 v7, v4;
	[tilespmem:s23+$0x1A10] =	vst v8;
	v8 =	vadd.s32 v7, v5;
	v7 =	vadd.s32 v7, v6  }
0x2a6: {  	v6 =	vadd.s32 v2, v6;
	[tilespmem:s1+$0x0] =	vst v12;
	s1 =	sor.u32 s3, s28  }
0x2a7: {  	[tilespmem:s1+$0x0] =	vst v9;
	s1 =	sor.u32 s3, s26  }
0x2a8: {  	[tilespmem:s1+$0x0] =	vst v8  }
0x2a9: {  	v3 =	vadd.s32 v2, v3;
	[tilespmem:s0+$0x0] =	vst v7  }
0x2aa: {  	[tilespmem:s9+$0x0] =	vst v3;
	v3 =	vadd.s32 v2, v4  }
0x2ab: {  	v2 =	vadd.s32 v2, v5;
	[tilespmem:s24+$0x0] =	vst v3  }
0x2ac: {  	s31 =	simm.s32 $0x2C00;
	[tilespmem:s18+$0x0] =	vst v2  }
0x2ad: {  	s1 =	simm.s32 $0x1C00;
	s2 =	simm.s32 $0x3C00;
	s0 =	simm.s32 $0x200;
	[tilespmem:s25+$0x0] =	vst v6  }
0x2ae: {  	[tilespmem:s31], [sflag:$0x1] =	stream.indirect.gather [hbm4b:s6+s15], $0x1, s1, s15, $0xb8;
	[tilespmem:$0xAC00] =	vst v63  }
.LBB2_7:
0x2af: {  	[tilespmem:s2], [sflag:$0x1] =	stream.indirect.gather [hbm4b:s7+s15], $0x1, s1, s15, $0xb8;
	[tilespmem:$0xAC00] =	vst v63  }
0x2b0: {  	s1 =	smov.u32 s0;
	p0 =	sne.s32 s0, $0x3E00  }
.Ltmp2:
0x2b1: {  	s0 =	sadd.s32 $0x200, s0;
	(pc) =	sbr.rel @p0 .LBB2_7-.Ltmp2, $4  }
0x2b2: {  	s2 =	sshra.s32 s1, $0x2  }
0x2b3: {  	s3 =	sadd.s32 $0x2C00, s2;
	s1 =	sadd.s32 $0x1C00, s2  }
0x2b4: {  	[tilespmem:s3], [sflag:$0x1] =	stream.indirect.gather [hbm4b:s6+s15], $0x1, s1, s15, $0xb8;
	[tilespmem:$0xAC00] =	vst v63  }
0x2b5: {  	s2 =	sadd.s32 $0x3C00, s2  }
0x2b6: {  	[tilespmem:s2], [sflag:$0x1] =	stream.indirect.gather [hbm4b:s7+s15], $0x1, s1, s15, $0xb8;
	[tilespmem:$0xAC00] =	vst v63  }
0x2b7: {  	_ =	swait.ge [sflag:s16], $0x80  }
0x2b8: {  	[sflag:s16] =	ssyncset.done $0x0  }
0x2b9: {  	[sflag:s16] =	ssyncadd.s32 $0xFFFFFF80  }
0x2ba: {  	_ =	swait.ge [sflag:s16], $0x80  }
0x2bb: {  	s0 =	simm.s32 $0x1F;
	[sflag:s16] =	ssyncset.done $0x0  }
.LBB2_9:
0x2bc: {  	p0 =	sne.s32 s0, $0x1;
	s0 =	sadd.s32 $0xFFFFFFFF, s0;
	[sflag:s16] =	ssyncadd.s32 $0xFFFFFF80  }
.Ltmp3:
0x2bd: {  	_ =	swait.ge [sflag:s16], $0x80;
	(pc) =	sbr.rel @p0 .LBB2_9-.Ltmp3, $4  }
0x2be: {  	[sflag:s16] =	ssyncset.done $0x0  }
0x2bf: {  	[sflag:s16] =	ssyncadd.s32 $0xFFFFFF80  }
0x2c0: {  	_ =	swait.ge [sflag:s16], $0x80  }
0x2c1: {  	[sflag:s16] =	ssyncset.done $0x0  }
0x2c2: {  	[sflag:s16] =	ssyncadd.s32 $0xFFFFFF80;
	s22 =	simm.s32 $0x1810  }
0x2c3: {  	v2 =	vld [tilespmem:s22+$0xFFFFFDF0]  }
0x2c4: {  	v3 =	vld [tilespmem:s22+$0xFFFFFFF0];
	_ =	sdelay $0x1  }
0x2c5: {  	s23 =	simm.s32 $0x4400;
	v4 =	vld [tilespmem:s22+$0x1F0]  }
0x2c6: {  	s24 =	simm.s32 $0x3400;
	v5 =	vld [tilespmem:s23+$0xFFFFFA00]  }
0x2c7: {  	v6 =	vld [tilespmem:s24+$0xFFFFFA00]  }
0x2c8: {  	v10 =	vld [tilespmem:s24+$0xFFFFF800];
	v7 =	vsub.f32 $1.000000000e+00, v2;
	v8 =	vsub.f32 $1.000000000e+00, v3  }
0x2c9: {  	v11 =	vld [tilespmem:s23+$0xFFFFF800];
	v9 =	vmul.f32 v3, v2  }
0x2ca: {  	v14 =	vld [tilespmem:s23+$0xFFFFFC00];
	v12 =	vsub.f32 $1.000000000e+00, v4;
	v13 =	vmul.f32 v8, v7;
	v2 =	vmul.f32 v8, v2  }
0x2cb: {  	v8 =	vld [tilespmem:s24+$0xFFFFFC00];
	v3 =	vmul.f32 v3, v7;
	v7 =	vmul.f32 v4, v9  }
0x2cc: {  	v17 =	vld [tilespmem:s24+$0xFFFFFE00];
	v15 =	vmul.f32 v12, v13;
	v16 =	vmul.f32 v12, v2  }
0x2cd: {  	v20 =	vld [tilespmem:s24+$0x0];
	v18 =	vmul.f32 v12, v3;
	v19 =	vmul.f32 v4, v3  }
0x2ce: {  	v3 =	vld [tilespmem:s23+$0xFFFFFE00];
	v10 =	vmul.f32 v15, v10;
	v6 =	vmul.f32 v6, v16  }
0x2cf: {  	v34 =	vld [tilespmem:s23+$0x0];
	v11 =	vmul.f32 v11, v15;
	v5 =	vmul.f32 v5, v16  }
0x2d0: {  	v36 =	vld [tilespmem:s23+$0x200];
	v9 =	vmul.f32 v12, v9;
	v8 =	vmul.f32 v8, v18;
	v6 =	vadd.f32 v6, v10  }
0x2d1: {  	v35 =	vmul.f32 v2, v4;
	v10 =	vld [tilespmem:s24+$0x200];
	v5 =	vadd.f32 v5, v11;
	v11 =	vmul.f32 v14, v18  }
0x2d2: {  	s21 =	simm.s32 $0x0;
	v4 =	vmul.f32 v13, v4;
	v2 =	vadd.f32 v8, v6;
	v6 =	vmul.f32 v17, v9;
	v8 =	vld [tilespmem:s24+$0x400]  }
0x2d3: {  	v37 =	vmov s21;
	v3 =	vmul.f32 v3, v9;
	v5 =	vadd.f32 v11, v5;
	v9 =	vld [tilespmem:s23+$0x400]  }
0x2d4: {  	v13 =	vmul.u32 $0x30, v37;
	v11 =	vmul.f32 v20, v4;
	v6 =	vadd.f32 v6, v2  }
0x2d5: {  	v38 =	vld [tilespmem:s24+$0x600];
	v4 =	vmul.f32 v34, v4;
	v3 =	vadd.f32 v3, v5;
	v2 =	vmul.u32 $0x30, v0  }
0x2d6: {  	v12 =	vmul.f32 v36, v35;
	v5 =	vld [tilespmem:s23+$0x600];
	v10 =	vmul.f32 v10, v35;
	v6 =	vadd.f32 v11, v6  }
0x2d7: {  	v11 =	vbroadcast v13, $0x0;
	v4 =	vadd.f32 v4, v3;
	v3 =	vor.u32 $0xC, v2  }
0x2d8: {  	v8 =	vmul.f32 v8, v19;
	v9 =	vmul.f32 v9, v19;
	v6 =	vadd.f32 v10, v6  }
0x2d9: {  	v10 =	vadd.s32 v3, v11;
	v12 =	vadd.f32 v12, v4;
	v4 =	vor.u32 $0xD, v2  }
0x2da: {  	v11 =	vadd.s32 v4, v11;
	v6 =	vadd.f32 v8, v6;
	v8 =	vmul.f32 v38, v7  }
0x2db: {  	v5 =	vmul.f32 v5, v7;
	v9 =	vadd.f32 v9, v12  }
0x2dc: {  	v6 =	vadd.f32 v8, v6  }
0x2dd: {  	v5 =	vadd.f32 v5, v9  }
0x2de: {  	[tilespmem:v10+s14+$0x0] =	vst.idx.msk $0xffff, v6  }
0x2df: {  	[tilespmem:v11+s14+$0x0] =	vst.idx.msk $0xffff, v5  }
0x2e0: {  	v5 =	vld [tilespmem:s22+$0xFFFFFE00]  }
0x2e1: {  	v6 =	vld [tilespmem:s22+$0x0];
	_ =	sdelay $0x1  }
0x2e2: {  	v7 =	vld [tilespmem:s22+$0x200];
	_ =	sdelay $0x1  }
0x2e3: {  	v8 =	vld [tilespmem:s23+$0xFFFFFA10]  }
0x2e4: {  	v11 =	vld [tilespmem:s24+$0xFFFFFA10];
	v9 =	vsub.f32 $1.000000000e+00, v5;
	v10 =	vsub.f32 $1.000000000e+00, v6  }
0x2e5: {  	v39 =	vld [tilespmem:s24+$0xFFFFF810]  }
0x2e6: {  	v42 =	vld [tilespmem:s23+$0xFFFFF810];
	v40 =	vsub.f32 $1.000000000e+00, v7;
	v41 =	vmul.f32 v10, v9;
	v10 =	vmul.f32 v10, v5  }
0x2e7: {  	v43 =	vld [tilespmem:s24+$0xFFFFFC10];
	v9 =	vmul.f32 v6, v9  }
0x2e8: {  	v46 =	vld [tilespmem:s23+$0xFFFFFC10];
	v44 =	vmul.f32 v40, v41;
	v45 =	vmul.f32 v40, v10  }
0x2e9: {  	v47 =	vld [tilespmem:s24+$0xFFFFFE10];
	v5 =	vmul.f32 v6, v5;
	v6 =	vmul.f32 v40, v9  }
0x2ea: {  	v21 =	vld [tilespmem:s23+$0xFFFFFE10];
	v12 =	vmul.f32 v44, v39;
	v11 =	vmul.f32 v11, v45  }
0x2eb: {  	v48 =	vld [tilespmem:s24+$0x10];
	v15 =	vmul.f32 v42, v44;
	v8 =	vmul.f32 v8, v45  }
0x2ec: {  	s25 =	simm.s32 $0x10;
	v50 =	vld [tilespmem:s23+$0x10];
	v13 =	vmul.f32 v40, v5;
	v49 =	vmul.f32 v43, v6;
	v11 =	vadd.f32 v11, v12  }
0x2ed: {  	v57 =	vmov s25;
	v51 =	vld [tilespmem:s24+$0x210];
	v6 =	vmul.f32 v46, v6;
	v8 =	vadd.f32 v8, v15  }
0x2ee: {  	v53 =	vld [tilespmem:s23+$0x210];
	v14 =	vmul.f32 v41, v7;
	v52 =	vmul.f32 v47, v13;
	v11 =	vadd.f32 v49, v11  }
0x2ef: {  	v59 =	vmul.u32 $0x30, v57;
	v54 =	vld [tilespmem:s24+$0x410];
	v6 =	vadd.f32 v6, v8;
	v8 =	vmul.f32 v21, v13  }
0x2f0: {  	v56 =	vld [tilespmem:s23+$0x410];
	v10 =	vmul.f32 v10, v7;
	v55 =	vmul.f32 v48, v14;
	v11 =	vadd.f32 v52, v11  }
0x2f1: {  	v58 =	vld [tilespmem:s24+$0x610];
	v9 =	vmul.f32 v7, v9;
	v6 =	vadd.f32 v8, v6;
	v8 =	vmul.f32 v50, v14  }
0x2f2: {  	v61 =	vld [tilespmem:s23+$0x610];
	v62 =	vmul.f32 v7, v5;
	v60 =	vmul.f32 v51, v10;
	v11 =	vadd.f32 v55, v11  }
0x2f3: {  	v5 =	vadd.f32 v8, v6;
	v6 =	vmul.f32 v53, v10;
	v8 =	vbroadcast v59, $0x0  }
0x2f4: {  	v10 =	vmul.f32 v54, v9;
	v7 =	vadd.f32 v60, v11  }
0x2f5: {  	v63 =	vmul.f32 v56, v9;
	v11 =	vadd.f32 v6, v5;
	v5 =	vadd.s32 v3, v8  }
0x2f6: {  	v9 =	vmul.f32 v58, v62;
	v6 =	vadd.s32 v4, v8;
	v7 =	vadd.f32 v10, v7  }
0x2f7: {  	s26 =	simm.s32 $0x20;
	v8 =	vadd.f32 v63, v11;
	v10 =	vmul.f32 v61, v62  }
.LBB2_11:
0x2f8: {  	v7 =	vadd.f32 v9, v7;
	s22 =	sadd.s32 $0x20, s22;
	s24 =	sadd.s32 $0x20, s24;
	s23 =	sadd.s32 $0x20, s23  }
0x2f9: {  	p0 =	sne.s32 s26, $0x1E0;
	s28 =	smov.u32 s26;
	s26 =	sadd.s32 $0x20, s26;
	v8 =	vadd.f32 v10, v8  }
0x2fa: {  	[tilespmem:v5+s14+$0x0] =	vst.idx.msk $0xffff, v7  }
0x2fb: {  	[tilespmem:v6+s14+$0x0] =	vst.idx.msk $0xffff, v8  }
0x2fc: {  	v5 =	vld [tilespmem:s22+$0xFFFFFDF0]  }
0x2fd: {  	v6 =	vld [tilespmem:s22+$0xFFFFFFF0]  }
0x2fe: {  	v7 =	vld [tilespmem:s22+$0x1F0];
	_ =	sdelay $0x1  }
0x2ff: {  	v8 =	vld [tilespmem:s23+$0xFFFFFA00]  }
0x300: {  	v9 =	vld [tilespmem:s24+$0xFFFFFA00]  }
0x301: {  	v10 =	vsub.f32 $1.000000000e+00, v5;
	v11 =	vsub.f32 $1.000000000e+00, v6;
	v12 =	vmul.f32 v6, v5;
	v13 =	vld [tilespmem:s24+$0xFFFFF800]  }
0x302: {  	v14 =	vld [tilespmem:s23+$0xFFFFF800]  }
0x303: {  	v15 =	vsub.f32 $1.000000000e+00, v7;
	v16 =	vmul.f32 v11, v10;
	v5 =	vmul.f32 v11, v5;
	v11 =	vld [tilespmem:s24+$0xFFFFFC00]  }
0x304: {  	v6 =	vmul.f32 v6, v10;
	v17 =	vmul.f32 v7, v12;
	v10 =	vld [tilespmem:s23+$0xFFFFFC00]  }
0x305: {  	v18 =	vmul.f32 v15, v16;
	v19 =	vmul.f32 v15, v5;
	v20 =	vld [tilespmem:s24+$0xFFFFFE00]  }
0x306: {  	v21 =	vmul.f32 v15, v6;
	v6 =	vmul.f32 v7, v6;
	v22 =	vld [tilespmem:s23+$0xFFFFFE00]  }
0x307: {  	v13 =	vmul.f32 v18, v13;
	v9 =	vmul.f32 v9, v19;
	v23 =	vld [tilespmem:s24+$0x0]  }
0x308: {  	v14 =	vmul.f32 v14, v18;
	v8 =	vmul.f32 v8, v19;
	v18 =	vld [tilespmem:s23+$0x0]  }
0x309: {  	v12 =	vmul.f32 v15, v12;
	v11 =	vmul.f32 v11, v21;
	v9 =	vadd.f32 v9, v13;
	v13 =	vld [tilespmem:s24+$0x200]  }
0x30a: {  	v5 =	vmul.f32 v5, v7;
	v8 =	vadd.f32 v8, v14;
	v10 =	vmul.f32 v10, v21;
	v14 =	vld [tilespmem:s23+$0x200]  }
0x30b: {  	v7 =	vmul.f32 v16, v7;
	v9 =	vadd.f32 v11, v9;
	v11 =	vmul.f32 v20, v12;
	v15 =	vld [tilespmem:s24+$0x400]  }
0x30c: {  	v16 =	vmov s28;
	v8 =	vadd.f32 v10, v8;
	v10 =	vmul.f32 v22, v12;
	v12 =	vld [tilespmem:s23+$0x400]  }
0x30d: {  	v16 =	vmul.u32 $0x30, v16;
	v9 =	vadd.f32 v11, v9;
	v11 =	vmul.f32 v23, v7;
	v19 =	vld [tilespmem:s24+$0x600]  }
0x30e: {  	v8 =	vadd.f32 v10, v8;
	v7 =	vmul.f32 v18, v7;
	v10 =	vld [tilespmem:s23+$0x600]  }
0x30f: {  	v9 =	vadd.f32 v11, v9;
	v11 =	vmul.f32 v13, v5;
	v13 =	vbroadcast v16, $0x0  }
0x310: {  	v7 =	vadd.f32 v7, v8;
	v5 =	vmul.f32 v14, v5  }
0x311: {  	v8 =	vadd.f32 v11, v9;
	v9 =	vmul.f32 v15, v6;
	v11 =	vadd.s32 v3, v13  }
0x312: {  	v5 =	vadd.f32 v5, v7;
	v6 =	vmul.f32 v12, v6  }
0x313: {  	v7 =	vadd.f32 v9, v8;
	v8 =	vmul.f32 v19, v17;
	v9 =	vadd.s32 v4, v13  }
0x314: {  	v5 =	vadd.f32 v6, v5;
	v6 =	vmul.f32 v10, v17  }
0x315: {  	v7 =	vadd.f32 v8, v7  }
0x316: {  	v5 =	vadd.f32 v6, v5  }
0x317: {  	[tilespmem:v11+s14+$0x0] =	vst.idx.msk $0xffff, v7  }
0x318: {  	[tilespmem:v9+s14+$0x0] =	vst.idx.msk $0xffff, v5  }
0x319: {  	v5 =	vld [tilespmem:s22+$0xFFFFFE00]  }
0x31a: {  	v6 =	vld [tilespmem:s22+$0x0];
	_ =	sdelay $0x1  }
0x31b: {  	v7 =	vld [tilespmem:s22+$0x200];
	_ =	sdelay $0x1  }
0x31c: {  	v8 =	vld [tilespmem:s23+$0xFFFFFA10]  }
0x31d: {  	v9 =	vsub.f32 $1.000000000e+00, v5;
	v10 =	vsub.f32 $1.000000000e+00, v6;
	v11 =	vmul.f32 v6, v5;
	v12 =	vld [tilespmem:s24+$0xFFFFFA10]  }
0x31e: {  	v13 =	vld [tilespmem:s24+$0xFFFFF810]  }
0x31f: {  	v14 =	vsub.f32 $1.000000000e+00, v7;
	v15 =	vmul.f32 v10, v9;
	v5 =	vmul.f32 v10, v5;
	v10 =	vld [tilespmem:s23+$0xFFFFF810]  }
0x320: {  	v6 =	vmul.f32 v6, v9;
	v16 =	vmul.f32 v7, v11;
	v9 =	vld [tilespmem:s24+$0xFFFFFC10]  }
0x321: {  	v17 =	vmul.f32 v14, v15;
	v18 =	vmul.f32 v14, v5;
	v19 =	vld [tilespmem:s23+$0xFFFFFC10]  }
0x322: {  	v20 =	vmul.f32 v14, v6;
	v11 =	vmul.f32 v14, v11;
	v14 =	vld [tilespmem:s24+$0xFFFFFE10]  }
0x323: {  	v13 =	vmul.f32 v17, v13;
	v12 =	vmul.f32 v12, v18;
	v21 =	vld [tilespmem:s23+$0xFFFFFE10]  }
0x324: {  	v8 =	vmul.f32 v8, v18;
	v10 =	vmul.f32 v10, v17;
	v17 =	vld [tilespmem:s24+$0x10]  }
0x325: {  	v12 =	vadd.f32 v12, v13;
	v9 =	vmul.f32 v9, v20;
	v13 =	vmul.f32 v15, v7;
	v15 =	vld [tilespmem:s23+$0x10]  }
0x326: {  	v5 =	vmul.f32 v5, v7;
	v8 =	vadd.f32 v8, v10;
	v10 =	vmul.f32 v19, v20;
	v18 =	vld [tilespmem:s24+$0x210]  }
0x327: {  	v6 =	vmul.f32 v7, v6;
	v9 =	vadd.f32 v9, v12;
	v12 =	vmul.f32 v14, v11;
	v14 =	vld [tilespmem:s23+$0x210]  }
0x328: {  	s0 =	sadd.s32 $0x10, s28;
	v7 =	vadd.f32 v10, v8;
	v8 =	vmul.f32 v21, v11;
	v10 =	vld [tilespmem:s24+$0x410]  }
0x329: {  	v11 =	vmov s0;
	v9 =	vadd.f32 v12, v9;
	v12 =	vmul.f32 v17, v13;
	v17 =	vld [tilespmem:s23+$0x410]  }
0x32a: {  	v11 =	vmul.u32 $0x30, v11;
	v7 =	vadd.f32 v8, v7;
	v8 =	vmul.f32 v15, v13;
	v13 =	vld [tilespmem:s24+$0x610]  }
0x32b: {  	v9 =	vadd.f32 v12, v9;
	v12 =	vmul.f32 v18, v5;
	v15 =	vld [tilespmem:s23+$0x610]  }
.Ltmp4:
0x32c: {  	v7 =	vadd.f32 v8, v7;
	v5 =	vmul.f32 v14, v5;
	v8 =	vbroadcast v11, $0x0;
	(pc) =	sbr.rel @p0 .LBB2_11-.Ltmp4, $4  }
0x32d: {  	v9 =	vadd.f32 v12, v9;
	v10 =	vmul.f32 v10, v6  }
0x32e: {  	v11 =	vadd.f32 v5, v7;
	v12 =	vmul.f32 v17, v6;
	v5 =	vadd.s32 v3, v8  }
0x32f: {  	v6 =	vadd.s32 v4, v8;
	v7 =	vadd.f32 v10, v9;
	v9 =	vmul.f32 v13, v16  }
0x330: {  	v8 =	vadd.f32 v12, v11;
	v10 =	vmul.f32 v15, v16  }
0x331: {  	_ =	sdelay $0x1  }
0x332: {  	v3 =	vadd.f32 v9, v7  }
0x333: {  	v4 =	vadd.f32 v10, v8  }
0x334: {  	[tilespmem:v5+s14+$0x0] =	vst.idx.msk $0xffff, v3  }
0x335: {  	s22 =	simm.s32 $0x0;
	[tilespmem:v6+s14+$0x0] =	vst.idx.msk $0xffff, v4  }
0x336: {  	v3 =	vld [tilespmem:s22+$0x1400]  }
0x337: {  	v4 =	vld [tilespmem:s22+$0x1000]  }
0x338: {  	v5 =	vld [tilespmem:s22+$0x1200];
	_ =	sdelay $0x2  }
0x339: {  	v3 =	vmul.f32 $3.200000000e+01, v3  }
0x33a: {  	v4 =	vmul.f32 $3.200000000e+01, v4  }
0x33b: {  	v5 =	vmul.f32 $3.200000000e+01, v5;
	v6 =	vtrunc.f32 v3  }
0x33c: {  	v7 =	vtrunc.f32 v4;
	v6 =	vcvt.f32.s32 v6  }
0x33d: {  	v8 =	vtrunc.f32 v5;
	v7 =	vcvt.f32.s32 v7  }
0x33e: {  	v8 =	vcvt.f32.s32 v8;
	v9 =	vcvt.s32.f32 v6  }
0x33f: {  	v10 =	vcvt.s32.f32 v7  }
0x340: {  	v11 =	vcvt.s32.f32 v8;
	v3 =	vsub.f32 v3, v9  }
0x341: {  	s0 =	simm.s32 $0x0;
	v7 =	vmul.u32 $0x441, v7;
	v8 =	vmul.u32 $0x21, v8;
	v4 =	vsub.f32 v4, v10  }
0x342: {  	s0 =	sand.u32 $0x180, s0;
	v5 =	vsub.f32 v5, v11;
	[tilespmem:s22+$0x1A00] =	vst v3  }
0x343: {  	s1 =	sand.u32 $0x60, s21;
	s2 =	sor.u32 $0x1C00, s0;
	v9 =	vadd.s32 $0x80000, v6;
	v10 =	vadd.s32 v7, v8;
	v3 =	vadd.s32 $0x441, v7;
	[tilespmem:s22+$0x1600] =	vst v4  }
0x344: {  	s28 =	sor.u32 $0x1E00, s0;
	s3 =	sor.u32 s1, s2;
	v4 =	vadd.s32 $0x21, v8;
	[tilespmem:s22+$0x1800] =	vst v5;
	v5 =	vadd.s32 v9, v10;
	v8 =	vadd.s32 v8, v3  }
0x345: {  	s24 =	sor.u32 $0x2000, s0;
	s10 =	sor.u32 s1, s28;
	v7 =	vadd.s32 v7, v4;
	[tilespmem:s3+$0x0] =	vst v5;
	v5 =	vadd.s32 v9, v8  }
0x346: {  	s26 =	sor.u32 $0x2200, s0;
	s11 =	sor.u32 s1, s24;
	v3 =	vadd.s32 v3, v4;
	v4 =	vadd.s32 v9, v7;
	[tilespmem:s10+$0x0] =	vst v5  }
0x347: {  	s9 =	sor.u32 $0x2400, s0;
	s18 =	sor.u32 s1, s26;
	v5 =	vadd.s32 $0x80001, v6;
	[tilespmem:s11+$0x0] =	vst v4;
	v4 =	vadd.s32 v9, v3  }
0x348: {  	s23 =	sor.u32 s1, s9;
	s10 =	sor.u32 $0x2600, s0;
	[tilespmem:s18+$0x0] =	vst v4;
	v4 =	vadd.s32 v5, v10  }
0x349: {  	s31 =	sor.u32 s1, s10;
	s18 =	sor.u32 $0x2800, s0;
	[tilespmem:s23+$0x0] =	vst v4;
	v4 =	vadd.s32 v5, v8  }
0x34a: {  	s29 =	sor.u32 $0x2A00, s0;
	s23 =	sor.u32 s1, s18;
	[tilespmem:s31+$0x0] =	vst v4;
	v4 =	vadd.s32 v5, v7  }
0x34b: {  	v3 =	vadd.s32 v5, v3;
	s0 =	sor.u32 s1, s29;
	[tilespmem:s23+$0x0] =	vst v4  }
0x34c: {  	[tilespmem:s0+$0x0] =	vst v3  }
0x34d: {  	v3 =	vld [tilespmem:s22+$0x1010]  }
0x34e: {  	v4 =	vld [tilespmem:s22+$0x1210]  }
0x34f: {  	v5 =	vld [tilespmem:s22+$0x1410];
	_ =	sdelay $0x2  }
0x350: {  	v6 =	vmul.f32 $3.200000000e+01, v3  }
0x351: {  	v8 =	vmul.f32 $3.200000000e+01, v4  }
0x352: {  	v9 =	vmul.f32 $3.200000000e+01, v5;
	v3 =	vtrunc.f32 v6  }
0x353: {  	v4 =	vcvt.f32.s32 v3;
	v3 =	vtrunc.f32 v8  }
0x354: {  	v5 =	vcvt.f32.s32 v3;
	v3 =	vtrunc.f32 v9  }
0x355: {  	v3 =	vcvt.f32.s32 v3;
	v10 =	vcvt.s32.f32 v4  }
0x356: {  	v7 =	vmul.u32 $0x441, v4;
	v11 =	vcvt.s32.f32 v5  }
0x357: {  	v12 =	vmul.u32 $0x21, v5;
	v6 =	vsub.f32 v6, v10;
	v10 =	vcvt.s32.f32 v3  }
0x358: {  	s25 =	sand.u32 $0x70, s25;
	v4 =	vadd.s32 $0x80000, v3;
	v13 =	vsub.f32 v8, v11;
	v8 =	vadd.s32 $0x441, v7  }
0x359: {  	s30 =	sor.u32 s25, s10;
	s29 =	sor.u32 s25, s29;
	s1 =	sor.u32 s25, s2;
	v5 =	vadd.s32 v7, v12;
	[tilespmem:s22+$0x1610] =	vst v6;
	v10 =	vsub.f32 v9, v10;
	v6 =	vadd.s32 v12, v8  }
0x35a: {  	s3 =	sor.u32 s25, s18;
	s23 =	simm.s32 $0x20;
	s0 =	sor.u32 s25, s9;
	v11 =	vadd.s32 v4, v5;
	v9 =	vadd.s32 $0x21, v12;
	[tilespmem:s22+$0x1810] =	vst v13;
	v12 =	vadd.s32 v4, v6  }
.LBB2_13:
0x35b: {  	p0 =	sne.s32 s23, $0x1E0  }
0x35c: {  	[tilespmem:s22+$0x1A10] =	vst v10;
	s21 =	sadd.s32 $0x80, s21;
	s9 =	smov.u32 s23;
	s23 =	sadd.s32 $0x20, s23  }
0x35d: {  	v7 =	vadd.s32 v7, v9;
	[tilespmem:s1+$0x0] =	vst v11;
	s1 =	sor.u32 s25, s28  }
0x35e: {  	v8 =	vadd.s32 v8, v9;
	v10 =	vadd.s32 v4, v7;
	[tilespmem:s1+$0x0] =	vst v12;
	s1 =	sor.u32 s25, s24  }
0x35f: {  	v3 =	vadd.s32 $0x80001, v3;
	v4 =	vadd.s32 v4, v8;
	[tilespmem:s1+$0x0] =	vst v10;
	s1 =	sor.u32 s25, s26  }
0x360: {  	s22 =	sshra.s32 s21, $0x2;
	[tilespmem:s1+$0x0] =	vst v4;
	v4 =	vadd.s32 v3, v5  }
0x361: {  	[tilespmem:s0+$0x0] =	vst v4;
	v4 =	vadd.s32 v3, v6  }
0x362: {  	[tilespmem:s30+$0x0] =	vst v4;
	v4 =	vadd.s32 v3, v7  }
0x363: {  	v3 =	vadd.s32 v3, v8;
	[tilespmem:s3+$0x0] =	vst v4  }
0x364: {  	[tilespmem:s29+$0x0] =	vst v3  }
0x365: {  	v3 =	vld [tilespmem:s22+$0x1400]  }
0x366: {  	v4 =	vld [tilespmem:s22+$0x1000]  }
0x367: {  	v5 =	vld [tilespmem:s22+$0x1200];
	_ =	sdelay $0x2  }
0x368: {  	v3 =	vmul.f32 $3.200000000e+01, v3  }
0x369: {  	v4 =	vmul.f32 $3.200000000e+01, v4  }
0x36a: {  	v5 =	vmul.f32 $3.200000000e+01, v5;
	v6 =	vtrunc.f32 v3  }
0x36b: {  	v7 =	vtrunc.f32 v4;
	v6 =	vcvt.f32.s32 v6  }
0x36c: {  	v7 =	vcvt.f32.s32 v7;
	v8 =	vtrunc.f32 v5  }
0x36d: {  	v8 =	vcvt.f32.s32 v8;
	v9 =	vcvt.s32.f32 v6  }
0x36e: {  	v10 =	vcvt.s32.f32 v7;
	v7 =	vmul.u32 $0x441, v7  }
0x36f: {  	v11 =	vcvt.s32.f32 v8;
	v3 =	vsub.f32 v3, v9;
	v8 =	vmul.u32 $0x21, v8  }
0x370: {  	s1 =	sadd.s32 $0x10, s9;
	s0 =	sshrl.u32 s21, $0x2;
	v4 =	vsub.f32 v4, v10;
	v9 =	vadd.s32 $0x441, v7;
	v10 =	vadd.s32 $0x80000, v6  }
0x371: {  	s2 =	sand.u32 $0x60, s9;
	s25 =	sand.u32 $0x70, s1;
	s0 =	sand.u32 $0x180, s0;
	v5 =	vsub.f32 v5, v11;
	[tilespmem:s22+$0x1A00] =	vst v3;
	v3 =	vadd.s32 $0x21, v8;
	v11 =	vadd.s32 v7, v8  }
0x372: {  	s1 =	sor.u32 $0x1C00, s0;
	s28 =	sor.u32 $0x1E00, s0;
	s24 =	sor.u32 $0x2000, s0;
	[tilespmem:s22+$0x1600] =	vst v4;
	v4 =	vadd.s32 v8, v9;
	v7 =	vadd.s32 v7, v3;
	v3 =	vadd.s32 v9, v3  }
0x373: {  	s26 =	sor.u32 $0x2200, s0;
	s9 =	sor.u32 $0x2400, s0;
	s3 =	sor.u32 s2, s1;
	[tilespmem:s22+$0x1800] =	vst v5;
	v5 =	vadd.s32 v10, v11  }
0x374: {  	s10 =	sor.u32 $0x2600, s0;
	s18 =	sor.u32 $0x2800, s0;
	[tilespmem:s3+$0x0] =	vst v5;
	v5 =	vadd.s32 v10, v4;
	s3 =	sor.u32 s2, s28  }
0x375: {  	s11 =	sor.u32 $0x2A00, s0;
	s31 =	sor.u32 s2, s18;
	[tilespmem:s3+$0x0] =	vst v5;
	v5 =	vadd.s32 v10, v7;
	s3 =	sor.u32 s2, s24  }
0x376: {  	s1 =	sor.u32 s25, s1;
	s0 =	sor.u32 s25, s9;
	v6 =	vadd.s32 $0x80001, v6;
	[tilespmem:s3+$0x0] =	vst v5;
	v5 =	vadd.s32 v10, v3;
	s3 =	sor.u32 s2, s26  }
0x377: {  	s9 =	sor.u32 s2, s9;
	s30 =	sor.u32 s25, s10;
	[tilespmem:s3+$0x0] =	vst v5;
	v5 =	vadd.s32 v6, v11;
	s3 =	sor.u32 s25, s18  }
0x378: {  	s29 =	sor.u32 s25, s11;
	v4 =	vadd.s32 v6, v4;
	[tilespmem:s9+$0x0] =	vst v5;
	s9 =	sor.u32 s2, s10  }
0x379: {  	[tilespmem:s9+$0x0] =	vst v4;
	v4 =	vadd.s32 v6, v7  }
0x37a: {  	v3 =	vadd.s32 v6, v3;
	s2 =	sor.u32 s2, s11;
	[tilespmem:s31+$0x0] =	vst v4  }
0x37b: {  	[tilespmem:s2+$0x0] =	vst v3  }
0x37c: {  	v3 =	vld [tilespmem:s22+$0x1010]  }
0x37d: {  	v4 =	vld [tilespmem:s22+$0x1210]  }
0x37e: {  	v5 =	vld [tilespmem:s22+$0x1410];
	_ =	sdelay $0x2  }
0x37f: {  	v6 =	vmul.f32 $3.200000000e+01, v3  }
0x380: {  	v8 =	vmul.f32 $3.200000000e+01, v4  }
0x381: {  	v9 =	vmul.f32 $3.200000000e+01, v5;
	v3 =	vtrunc.f32 v6  }
0x382: {  	v4 =	vcvt.f32.s32 v3;
	v3 =	vtrunc.f32 v8  }
0x383: {  	v5 =	vcvt.f32.s32 v3;
	v3 =	vtrunc.f32 v9  }
0x384: {  	v3 =	vcvt.f32.s32 v3;
	v10 =	vcvt.s32.f32 v4  }
.Ltmp5:
0x385: {  	v7 =	vmul.u32 $0x441, v4;
	v11 =	vcvt.s32.f32 v5;
	v12 =	vmul.u32 $0x21, v5;
	(pc) =	sbr.rel @p0 .LBB2_13-.Ltmp5, $4  }
0x386: {  	v6 =	vsub.f32 v6, v10;
	v10 =	vcvt.s32.f32 v3;
	v4 =	vadd.s32 $0x80000, v3  }
0x387: {  	v13 =	vsub.f32 v8, v11;
	v8 =	vadd.s32 $0x441, v7;
	v5 =	vadd.s32 v7, v12  }
0x388: {  	[tilespmem:s22+$0x1610] =	vst v6;
	v10 =	vsub.f32 v9, v10;
	v11 =	vadd.s32 v4, v5;
	v6 =	vadd.s32 v12, v8  }
0x389: {  	v9 =	vadd.s32 $0x21, v12;
	[tilespmem:s22+$0x1810] =	vst v13;
	v12 =	vadd.s32 v4, v6  }
0x38a: {  	[tilespmem:s22+$0x1A10] =	vst v10  }
0x38b: {  	s23 =	sor.u32 s25, s28;
	v7 =	vadd.s32 v7, v9;
	[tilespmem:s1+$0x0] =	vst v11  }
0x38c: {  	s24 =	sor.u32 s25, s24;
	v8 =	vadd.s32 v8, v9;
	v59 =	vadd.s32 v4, v7;
	[tilespmem:s23+$0x0] =	vst v12  }
0x38d: {  	v3 =	vadd.s32 $0x80001, v3;
	s28 =	sor.u32 s25, s26;
	v60 =	vadd.s32 v4, v8;
	[tilespmem:s24+$0x0] =	vst v59  }
0x38e: {  	v61 =	vadd.s32 v3, v5;
	[tilespmem:s28+$0x0] =	vst v60  }
0x38f: {  	v62 =	vadd.s32 v3, v6;
	[tilespmem:s0+$0x0] =	vst v61  }
0x390: {  	v63 =	vadd.s32 v3, v7;
	[tilespmem:s30+$0x0] =	vst v62  }
0x391: {  	s31 =	simm.s32 $0x2C00;
	v3 =	vadd.s32 v3, v8;
	[tilespmem:s3+$0x0] =	vst v63  }
0x392: {  	s2 =	simm.s32 $0x3C00;
	s1 =	simm.s32 $0x1C00;
	s0 =	simm.s32 $0x200;
	[tilespmem:s29+$0x0] =	vst v3  }
0x393: {  	[tilespmem:s31], [sflag:$0x1] =	stream.indirect.gather [hbm4b:s6+s15], $0x1, s1, s15, $0xb8;
	[tilespmem:$0xAC00] =	vst v63  }
.LBB2_15:
0x394: {  	[tilespmem:s2], [sflag:$0x1] =	stream.indirect.gather [hbm4b:s7+s15], $0x1, s1, s15, $0xb8;
	[tilespmem:$0xAC00] =	vst v63  }
0x395: {  	s1 =	smov.u32 s0;
	p0 =	sne.s32 s0, $0x3E00  }
.Ltmp6:
0x396: {  	s0 =	sadd.s32 $0x200, s0;
	(pc) =	sbr.rel @p0 .LBB2_15-.Ltmp6, $4  }
0x397: {  	s2 =	sshra.s32 s1, $0x2  }
0x398: {  	s3 =	sadd.s32 $0x2C00, s2;
	s1 =	sadd.s32 $0x1C00, s2  }
0x399: {  	[tilespmem:s3], [sflag:$0x1] =	stream.indirect.gather [hbm4b:s6+s15], $0x1, s1, s15, $0xb8;
	[tilespmem:$0xAC00] =	vst v63  }
0x39a: {  	s2 =	sadd.s32 $0x3C00, s2  }
0x39b: {  	[tilespmem:s2], [sflag:$0x1] =	stream.indirect.gather [hbm4b:s7+s15], $0x1, s1, s15, $0xb8;
	[tilespmem:$0xAC00] =	vst v63  }
0x39c: {  	_ =	swait.ge [sflag:s16], $0x80  }
0x39d: {  	[sflag:s16] =	ssyncset.done $0x0  }
0x39e: {  	[sflag:s16] =	ssyncadd.s32 $0xFFFFFF80  }
0x39f: {  	_ =	swait.ge [sflag:s16], $0x80  }
0x3a0: {  	s0 =	simm.s32 $0x1F;
	[sflag:s16] =	ssyncset.done $0x0  }
.LBB2_17:
0x3a1: {  	p0 =	sne.s32 s0, $0x1;
	s0 =	sadd.s32 $0xFFFFFFFF, s0;
	[sflag:s16] =	ssyncadd.s32 $0xFFFFFF80  }
.Ltmp7:
0x3a2: {  	_ =	swait.ge [sflag:s16], $0x80;
	(pc) =	sbr.rel @p0 .LBB2_17-.Ltmp7, $4  }
0x3a3: {  	[sflag:s16] =	ssyncset.done $0x0  }
0x3a4: {  	[sflag:s16] =	ssyncadd.s32 $0xFFFFFF80  }
0x3a5: {  	_ =	swait.ge [sflag:s16], $0x80  }
0x3a6: {  	[sflag:s16] =	ssyncset.done $0x0  }
0x3a7: {  	[sflag:s16] =	ssyncadd.s32 $0xFFFFFF80;
	s22 =	simm.s32 $0x1810  }
0x3a8: {  	v3 =	vld [tilespmem:s22+$0xFFFFFDF0]  }
0x3a9: {  	v4 =	vld [tilespmem:s22+$0xFFFFFFF0];
	_ =	sdelay $0x1  }
0x3aa: {  	v5 =	vld [tilespmem:s22+$0x1F0]  }
0x3ab: {  	s23 =	simm.s32 $0x4400  }
0x3ac: {  	s24 =	simm.s32 $0x3400;
	v6 =	vld [tilespmem:s23+$0xFFFFFA00]  }
0x3ad: {  	v9 =	vld [tilespmem:s24+$0xFFFFFA00];
	v7 =	vsub.f32 $1.000000000e+00, v3;
	v8 =	vsub.f32 $1.000000000e+00, v4  }
0x3ae: {  	v10 =	vld [tilespmem:s24+$0xFFFFF800]  }
0x3af: {  	v13 =	vld [tilespmem:s23+$0xFFFFF800];
	v11 =	vsub.f32 $1.000000000e+00, v5;
	v12 =	vmul.f32 v8, v7;
	v8 =	vmul.f32 v8, v3  }
0x3b0: {  	v3 =	vmul.f32 v4, v3;
	v4 =	vmul.f32 v4, v7;
	v7 =	vld [tilespmem:s24+$0xFFFFFC00]  }
0x3b1: {  	v16 =	vld [tilespmem:s23+$0xFFFFFC00];
	v14 =	vmul.f32 v11, v12;
	v15 =	vmul.f32 v11, v8  }
0x3b2: {  	v19 =	vld [tilespmem:s24+$0xFFFFFE00];
	v17 =	vmul.f32 v5, v3;
	v18 =	vmul.f32 v11, v4  }
0x3b3: {  	s21 =	simm.s32 $0x0;
	v20 =	vld [tilespmem:s23+$0xFFFFFE00];
	v10 =	vmul.f32 v14, v10;
	v9 =	vmul.f32 v9, v15  }
0x3b4: {  	v33 =	vld [tilespmem:s24+$0x0];
	v37 =	vmov s21;
	v13 =	vmul.f32 v13, v14;
	v6 =	vmul.f32 v6, v15  }
0x3b5: {  	v3 =	vmul.f32 v11, v3;
	v7 =	vmul.f32 v7, v18;
	v9 =	vadd.f32 v9, v10;
	v10 =	vld [tilespmem:s23+$0x0]  }
0x3b6: {  	v35 =	vld [tilespmem:s24+$0x200];
	v11 =	vmul.f32 v12, v5;
	v34 =	vmul.f32 v16, v18;
	v6 =	vadd.f32 v6, v13  }
0x3b7: {  	v36 =	vld [tilespmem:s23+$0x200];
	v8 =	vmul.f32 v8, v5;
	v7 =	vadd.f32 v7, v9;
	v9 =	vmul.f32 v19, v3  }
0x3b8: {  	v5 =	vmul.f32 v5, v4;
	v4 =	vadd.f32 v34, v6;
	v3 =	vmul.f32 v20, v3;
	v6 =	vld [tilespmem:s24+$0x400]  }
0x3b9: {  	v38 =	vld [tilespmem:s23+$0x400];
	v12 =	vmul.u32 $0x30, v37;
	v7 =	vadd.f32 v9, v7;
	v9 =	vmul.f32 v33, v11  }
0x3ba: {  	v4 =	vadd.f32 v3, v4;
	v10 =	vmul.f32 v10, v11;
	v11 =	vld [tilespmem:s24+$0x600]  }
0x3bb: {  	v39 =	vld [tilespmem:s23+$0x600];
	v12 =	vbroadcast v12, $0x0;
	v7 =	vadd.f32 v9, v7;
	v9 =	vmul.f32 v35, v8  }
0x3bc: {  	v3 =	vor.u32 $0xF, v2;
	v8 =	vmul.f32 v36, v8;
	v10 =	vadd.f32 v10, v4  }
0x3bd: {  	v6 =	vmul.f32 v6, v5;
	v4 =	vor.u32 $0xE, v2;
	v7 =	vadd.f32 v9, v7  }
0x3be: {  	v5 =	vmul.f32 v38, v5;
	v9 =	vadd.s32 v4, v12;
	v8 =	vadd.f32 v8, v10  }
0x3bf: {  	v10 =	vadd.s32 v3, v12;
	v6 =	vadd.f32 v6, v7;
	v7 =	vmul.f32 v11, v17  }
0x3c0: {  	v5 =	vadd.f32 v5, v8;
	v8 =	vmul.f32 v39, v17  }
0x3c1: {  	v6 =	vadd.f32 v7, v6  }
0x3c2: {  	v5 =	vadd.f32 v8, v5  }
0x3c3: {  	[tilespmem:v9+s14+$0x0] =	vst.idx.msk $0xffff, v6  }
0x3c4: {  	[tilespmem:v10+s14+$0x0] =	vst.idx.msk $0xffff, v5  }
0x3c5: {  	v5 =	vld [tilespmem:s22+$0xFFFFFE00]  }
0x3c6: {  	v6 =	vld [tilespmem:s22+$0x0];
	_ =	sdelay $0x1  }
0x3c7: {  	v7 =	vld [tilespmem:s22+$0x200];
	_ =	sdelay $0x1  }
0x3c8: {  	v8 =	vld [tilespmem:s23+$0xFFFFFA10]  }
0x3c9: {  	v11 =	vld [tilespmem:s24+$0xFFFFFA10];
	v9 =	vsub.f32 $1.000000000e+00, v5;
	v10 =	vsub.f32 $1.000000000e+00, v6  }
0x3ca: {  	v40 =	vld [tilespmem:s24+$0xFFFFF810]  }
0x3cb: {  	v43 =	vld [tilespmem:s23+$0xFFFFF810];
	v41 =	vsub.f32 $1.000000000e+00, v7;
	v42 =	vmul.f32 v10, v9;
	v10 =	vmul.f32 v10, v5  }
0x3cc: {  	v44 =	vld [tilespmem:s24+$0xFFFFFC10];
	v9 =	vmul.f32 v6, v9  }
0x3cd: {  	v47 =	vld [tilespmem:s23+$0xFFFFFC10];
	v45 =	vmul.f32 v41, v42;
	v46 =	vmul.f32 v41, v10  }
0x3ce: {  	v48 =	vld [tilespmem:s24+$0xFFFFFE10];
	v5 =	vmul.f32 v6, v5;
	v6 =	vmul.f32 v41, v9  }
0x3cf: {  	v21 =	vld [tilespmem:s23+$0xFFFFFE10];
	v12 =	vmul.f32 v45, v40;
	v11 =	vmul.f32 v11, v46  }
0x3d0: {  	v49 =	vld [tilespmem:s24+$0x10];
	v15 =	vmul.f32 v43, v45;
	v8 =	vmul.f32 v8, v46  }
0x3d1: {  	v51 =	vld [tilespmem:s23+$0x10];
	v13 =	vmul.f32 v41, v5;
	v50 =	vmul.f32 v44, v6;
	v11 =	vadd.f32 v11, v12  }
0x3d2: {  	v52 =	vld [tilespmem:s24+$0x210];
	v6 =	vmul.f32 v47, v6;
	v8 =	vadd.f32 v8, v15  }
0x3d3: {  	s25 =	simm.s32 $0x10;
	v54 =	vld [tilespmem:s23+$0x210];
	v14 =	vmul.f32 v42, v7;
	v53 =	vmul.f32 v48, v13;
	v11 =	vadd.f32 v50, v11  }
0x3d4: {  	v59 =	vmov s25;
	v55 =	vld [tilespmem:s24+$0x410];
	v6 =	vadd.f32 v6, v8;
	v8 =	vmul.f32 v21, v13  }
0x3d5: {  	v57 =	vld [tilespmem:s23+$0x410];
	v10 =	vmul.f32 v10, v7;
	v56 =	vmul.f32 v49, v14;
	v11 =	vadd.f32 v53, v11  }
0x3d6: {  	v61 =	vmul.u32 $0x30, v59;
	v6 =	vadd.f32 v8, v6;
	v8 =	vmul.f32 v51, v14  }
0x3d7: {  	v58 =	vld [tilespmem:s24+$0x610];
	v9 =	vmul.f32 v7, v9;
	v60 =	vmul.f32 v52, v10;
	v11 =	vadd.f32 v56, v11  }
0x3d8: {  	v62 =	vld [tilespmem:s23+$0x610];
	v7 =	vmul.f32 v7, v5;
	v6 =	vadd.f32 v8, v6;
	v8 =	vmul.f32 v54, v10  }
0x3d9: {  	v10 =	vmul.f32 v55, v9;
	v5 =	vadd.f32 v60, v11;
	v11 =	vbroadcast v61, $0x0  }
0x3da: {  	v9 =	vmul.f32 v57, v9  }
0x3db: {  	v8 =	vadd.f32 v8, v6;
	v10 =	vadd.f32 v10, v5;
	v5 =	vadd.s32 v4, v11  }
0x3dc: {  	v63 =	vmul.f32 v58, v7;
	v6 =	vadd.s32 v3, v11  }
0x3dd: {  	v8 =	vadd.f32 v9, v8;
	v9 =	vmul.f32 v62, v7  }
0x3de: {  	s26 =	simm.s32 $0x20;
	v7 =	vadd.f32 v63, v10  }
.LBB2_19:
0x3df: {  	v8 =	vadd.f32 v9, v8;
	s22 =	sadd.s32 $0x20, s22;
	s24 =	sadd.s32 $0x20, s24;
	s23 =	sadd.s32 $0x20, s23  }
0x3e0: {  	p0 =	sne.s32 s26, $0x1E0;
	s28 =	smov.u32 s26;
	s26 =	sadd.s32 $0x20, s26;
	[tilespmem:v5+s14+$0x0] =	vst.idx.msk $0xffff, v7  }
0x3e1: {  	[tilespmem:v6+s14+$0x0] =	vst.idx.msk $0xffff, v8  }
0x3e2: {  	v5 =	vld [tilespmem:s22+$0xFFFFFDF0]  }
0x3e3: {  	v6 =	vld [tilespmem:s22+$0xFFFFFFF0];
	_ =	sdelay $0x1  }
0x3e4: {  	v7 =	vld [tilespmem:s22+$0x1F0];
	_ =	sdelay $0x1  }
0x3e5: {  	v8 =	vld [tilespmem:s23+$0xFFFFFA00]  }
0x3e6: {  	v9 =	vsub.f32 $1.000000000e+00, v5;
	v10 =	vsub.f32 $1.000000000e+00, v6;
	v11 =	vmul.f32 v6, v5;
	v12 =	vld [tilespmem:s24+$0xFFFFFA00]  }
0x3e7: {  	v13 =	vld [tilespmem:s24+$0xFFFFF800]  }
0x3e8: {  	v14 =	vsub.f32 $1.000000000e+00, v7;
	v15 =	vmul.f32 v10, v9;
	v5 =	vmul.f32 v10, v5;
	v10 =	vld [tilespmem:s23+$0xFFFFF800]  }
0x3e9: {  	v6 =	vmul.f32 v6, v9;
	v16 =	vmul.f32 v7, v11;
	v9 =	vld [tilespmem:s24+$0xFFFFFC00]  }
0x3ea: {  	v17 =	vmul.f32 v14, v15;
	v18 =	vmul.f32 v14, v5;
	v19 =	vld [tilespmem:s23+$0xFFFFFC00]  }
0x3eb: {  	v20 =	vmul.f32 v14, v6;
	v11 =	vmul.f32 v14, v11;
	v14 =	vld [tilespmem:s24+$0xFFFFFE00]  }
0x3ec: {  	v13 =	vmul.f32 v17, v13;
	v12 =	vmul.f32 v12, v18;
	v21 =	vld [tilespmem:s23+$0xFFFFFE00]  }
0x3ed: {  	v8 =	vmul.f32 v8, v18;
	v10 =	vmul.f32 v10, v17;
	v17 =	vld [tilespmem:s24+$0x0]  }
0x3ee: {  	v12 =	vadd.f32 v12, v13;
	v9 =	vmul.f32 v9, v20;
	v13 =	vmul.f32 v15, v7;
	v15 =	vld [tilespmem:s23+$0x0]  }
0x3ef: {  	v5 =	vmul.f32 v5, v7;
	v8 =	vadd.f32 v8, v10;
	v10 =	vmul.f32 v19, v20;
	v18 =	vld [tilespmem:s24+$0x200]  }
0x3f0: {  	v6 =	vmul.f32 v7, v6;
	v9 =	vadd.f32 v9, v12;
	v12 =	vmul.f32 v14, v11;
	v14 =	vld [tilespmem:s23+$0x200]  }
0x3f1: {  	v7 =	vadd.f32 v10, v8;
	v8 =	vmul.f32 v21, v11;
	v10 =	vld [tilespmem:s24+$0x400]  }
0x3f2: {  	v11 =	vmov s28;
	v9 =	vadd.f32 v12, v9;
	v12 =	vmul.f32 v17, v13;
	v17 =	vld [tilespmem:s23+$0x400]  }
0x3f3: {  	v11 =	vmul.u32 $0x30, v11;
	v7 =	vadd.f32 v8, v7;
	v8 =	vmul.f32 v15, v13;
	v13 =	vld [tilespmem:s24+$0x600]  }
0x3f4: {  	v9 =	vadd.f32 v12, v9;
	v12 =	vmul.f32 v18, v5;
	v15 =	vld [tilespmem:s23+$0x600]  }
0x3f5: {  	v7 =	vadd.f32 v8, v7;
	v5 =	vmul.f32 v14, v5;
	v8 =	vbroadcast v11, $0x0  }
0x3f6: {  	v9 =	vadd.f32 v12, v9;
	v10 =	vmul.f32 v10, v6  }
0x3f7: {  	v5 =	vadd.f32 v5, v7;
	v6 =	vmul.f32 v17, v6;
	v7 =	vadd.s32 v4, v8  }
0x3f8: {  	v8 =	vadd.s32 v3, v8;
	v9 =	vadd.f32 v10, v9;
	v10 =	vmul.f32 v13, v16  }
0x3f9: {  	v5 =	vadd.f32 v6, v5;
	v6 =	vmul.f32 v15, v16  }
0x3fa: {  	v9 =	vadd.f32 v10, v9  }
0x3fb: {  	v5 =	vadd.f32 v6, v5  }
0x3fc: {  	[tilespmem:v7+s14+$0x0] =	vst.idx.msk $0xffff, v9  }
0x3fd: {  	[tilespmem:v8+s14+$0x0] =	vst.idx.msk $0xffff, v5  }
0x3fe: {  	v5 =	vld [tilespmem:s22+$0xFFFFFE00]  }
0x3ff: {  	v6 =	vld [tilespmem:s22+$0x0];
	_ =	sdelay $0x1  }
0x400: {  	v7 =	vld [tilespmem:s22+$0x200];
	_ =	sdelay $0x1  }
0x401: {  	v8 =	vld [tilespmem:s23+$0xFFFFFA10]  }
0x402: {  	v9 =	vsub.f32 $1.000000000e+00, v5;
	v10 =	vsub.f32 $1.000000000e+00, v6;
	v11 =	vmul.f32 v6, v5;
	v12 =	vld [tilespmem:s24+$0xFFFFFA10]  }
0x403: {  	v13 =	vld [tilespmem:s24+$0xFFFFF810]  }
0x404: {  	v14 =	vsub.f32 $1.000000000e+00, v7;
	v15 =	vmul.f32 v10, v9;
	v5 =	vmul.f32 v10, v5;
	v10 =	vld [tilespmem:s23+$0xFFFFF810]  }
0x405: {  	v6 =	vmul.f32 v6, v9;
	v16 =	vmul.f32 v7, v11;
	v9 =	vld [tilespmem:s24+$0xFFFFFC10]  }
0x406: {  	v17 =	vmul.f32 v14, v15;
	v18 =	vmul.f32 v14, v5;
	v19 =	vld [tilespmem:s23+$0xFFFFFC10]  }
0x407: {  	v20 =	vmul.f32 v14, v6;
	v11 =	vmul.f32 v14, v11;
	v14 =	vld [tilespmem:s24+$0xFFFFFE10]  }
0x408: {  	v13 =	vmul.f32 v17, v13;
	v12 =	vmul.f32 v12, v18;
	v21 =	vld [tilespmem:s23+$0xFFFFFE10]  }
0x409: {  	v8 =	vmul.f32 v8, v18;
	v10 =	vmul.f32 v10, v17;
	v17 =	vld [tilespmem:s24+$0x10]  }
0x40a: {  	v12 =	vadd.f32 v12, v13;
	v9 =	vmul.f32 v9, v20;
	v13 =	vmul.f32 v15, v7;
	v15 =	vld [tilespmem:s23+$0x10]  }
0x40b: {  	v5 =	vmul.f32 v5, v7;
	v8 =	vadd.f32 v8, v10;
	v10 =	vmul.f32 v19, v20;
	v18 =	vld [tilespmem:s24+$0x210]  }
0x40c: {  	v6 =	vmul.f32 v7, v6;
	v9 =	vadd.f32 v9, v12;
	v12 =	vmul.f32 v14, v11;
	v14 =	vld [tilespmem:s23+$0x210]  }
0x40d: {  	s0 =	sadd.s32 $0x10, s28;
	v7 =	vadd.f32 v10, v8;
	v8 =	vmul.f32 v21, v11;
	v10 =	vld [tilespmem:s24+$0x410]  }
0x40e: {  	v11 =	vmov s0;
	v9 =	vadd.f32 v12, v9;
	v12 =	vmul.f32 v17, v13;
	v17 =	vld [tilespmem:s23+$0x410]  }
0x40f: {  	v11 =	vmul.u32 $0x30, v11;
	v7 =	vadd.f32 v8, v7;
	v8 =	vmul.f32 v15, v13;
	v13 =	vld [tilespmem:s24+$0x610]  }
0x410: {  	v9 =	vadd.f32 v12, v9;
	v12 =	vmul.f32 v18, v5;
	v15 =	vld [tilespmem:s23+$0x610]  }
0x411: {  	v7 =	vadd.f32 v8, v7;
	v5 =	vmul.f32 v14, v5;
	v8 =	vbroadcast v11, $0x0  }
.Ltmp8:
0x412: {  	v9 =	vadd.f32 v12, v9;
	v10 =	vmul.f32 v10, v6;
	(pc) =	sbr.rel @p0 .LBB2_19-.Ltmp8, $4  }
0x413: {  	v7 =	vadd.f32 v5, v7;
	v11 =	vmul.f32 v17, v6;
	v5 =	vadd.s32 v4, v8  }
0x414: {  	v6 =	vadd.s32 v3, v8;
	v10 =	vadd.f32 v10, v9;
	v12 =	vmul.f32 v13, v16  }
0x415: {  	v8 =	vadd.f32 v11, v7;
	v9 =	vmul.f32 v15, v16  }
0x416: {  	v7 =	vadd.f32 v12, v10  }
0x417: {  	_ =	sdelay $0x2  }
0x418: {  	v3 =	vadd.f32 v9, v8  }
0x419: {  	[tilespmem:v5+s14+$0x0] =	vst.idx.msk $0xffff, v7  }
0x41a: {  	s22 =	simm.s32 $0x0;
	[tilespmem:v6+s14+$0x0] =	vst.idx.msk $0xffff, v3  }
0x41b: {  	v3 =	vld [tilespmem:s22+$0x1400]  }
0x41c: {  	v4 =	vld [tilespmem:s22+$0x1000]  }
0x41d: {  	v5 =	vld [tilespmem:s22+$0x1200];
	_ =	sdelay $0x2  }
0x41e: {  	v3 =	vmul.f32 $6.400000000e+01, v3  }
0x41f: {  	v4 =	vmul.f32 $6.400000000e+01, v4  }
0x420: {  	v5 =	vmul.f32 $6.400000000e+01, v5;
	v6 =	vtrunc.f32 v3  }
0x421: {  	v7 =	vtrunc.f32 v4;
	v6 =	vcvt.f32.s32 v6  }
0x422: {  	v8 =	vtrunc.f32 v5;
	v7 =	vcvt.f32.s32 v7  }
0x423: {  	v8 =	vcvt.f32.s32 v8;
	v9 =	vcvt.s32.f32 v6  }
0x424: {  	v10 =	vcvt.s32.f32 v7  }
0x425: {  	v11 =	vcvt.s32.f32 v8;
	v3 =	vsub.f32 v3, v9  }
0x426: {  	s0 =	simm.s32 $0x0;
	v7 =	vmul.u32 $0x1081, v7;
	v8 =	vmul.u32 $0x41, v8;
	v4 =	vsub.f32 v4, v10  }
0x427: {  	s0 =	sand.u32 $0x180, s0;
	v5 =	vsub.f32 v5, v11;
	[tilespmem:s22+$0x1A00] =	vst v3  }
0x428: {  	s1 =	sand.u32 $0x60, s21;
	s2 =	sor.u32 $0x1C00, s0;
	v9 =	vadd.s32 $0x100000, v6;
	v10 =	vadd.s32 v7, v8;
	v3 =	vadd.s32 $0x1081, v7;
	[tilespmem:s22+$0x1600] =	vst v4  }
0x429: {  	s28 =	sor.u32 $0x1E00, s0;
	s3 =	sor.u32 s1, s2;
	v4 =	vadd.s32 $0x41, v8;
	[tilespmem:s22+$0x1800] =	vst v5;
	v5 =	vadd.s32 v9, v10;
	v8 =	vadd.s32 v8, v3  }
0x42a: {  	s24 =	sor.u32 $0x2000, s0;
	s10 =	sor.u32 s1, s28;
	v7 =	vadd.s32 v7, v4;
	[tilespmem:s3+$0x0] =	vst v5;
	v5 =	vadd.s32 v9, v8  }
0x42b: {  	s26 =	sor.u32 $0x2200, s0;
	s11 =	sor.u32 s1, s24;
	v3 =	vadd.s32 v3, v4;
	v4 =	vadd.s32 v9, v7;
	[tilespmem:s10+$0x0] =	vst v5  }
0x42c: {  	s9 =	sor.u32 $0x2400, s0;
	s18 =	sor.u32 s1, s26;
	v5 =	vadd.s32 $0x100001, v6;
	[tilespmem:s11+$0x0] =	vst v4;
	v4 =	vadd.s32 v9, v3  }
0x42d: {  	s23 =	sor.u32 s1, s9;
	s10 =	sor.u32 $0x2600, s0;
	[tilespmem:s18+$0x0] =	vst v4;
	v4 =	vadd.s32 v5, v10  }
0x42e: {  	s11 =	sor.u32 $0x2800, s0;
	s31 =	sor.u32 s1, s10;
	[tilespmem:s23+$0x0] =	vst v4;
	v4 =	vadd.s32 v5, v8  }
0x42f: {  	s29 =	sor.u32 $0x2A00, s0;
	s18 =	sor.u32 s1, s11;
	[tilespmem:s31+$0x0] =	vst v4;
	v4 =	vadd.s32 v5, v7  }
0x430: {  	v3 =	vadd.s32 v5, v3;
	s0 =	sor.u32 s1, s29;
	[tilespmem:s18+$0x0] =	vst v4  }
0x431: {  	[tilespmem:s0+$0x0] =	vst v3  }
0x432: {  	v3 =	vld [tilespmem:s22+$0x1010]  }
0x433: {  	v4 =	vld [tilespmem:s22+$0x1210]  }
0x434: {  	v5 =	vld [tilespmem:s22+$0x1410];
	_ =	sdelay $0x2  }
0x435: {  	v6 =	vmul.f32 $6.400000000e+01, v3  }
0x436: {  	v8 =	vmul.f32 $6.400000000e+01, v4  }
0x437: {  	v9 =	vmul.f32 $6.400000000e+01, v5;
	v3 =	vtrunc.f32 v6  }
0x438: {  	v4 =	vcvt.f32.s32 v3;
	v3 =	vtrunc.f32 v8  }
0x439: {  	v5 =	vcvt.f32.s32 v3;
	v3 =	vtrunc.f32 v9  }
0x43a: {  	v3 =	vcvt.f32.s32 v3;
	v10 =	vcvt.s32.f32 v4  }
0x43b: {  	v7 =	vmul.u32 $0x1081, v4;
	v11 =	vcvt.s32.f32 v5  }
0x43c: {  	v12 =	vmul.u32 $0x41, v5;
	v6 =	vsub.f32 v6, v10;
	v10 =	vcvt.s32.f32 v3  }
0x43d: {  	s25 =	sand.u32 $0x70, s25;
	v4 =	vadd.s32 $0x100000, v3;
	v13 =	vsub.f32 v8, v11;
	v8 =	vadd.s32 $0x1081, v7  }
0x43e: {  	s30 =	sor.u32 s25, s10;
	s29 =	sor.u32 s25, s29;
	s1 =	sor.u32 s25, s2;
	v5 =	vadd.s32 v7, v12;
	[tilespmem:s22+$0x1610] =	vst v6;
	v10 =	vsub.f32 v9, v10;
	v6 =	vadd.s32 v12, v8  }
0x43f: {  	s3 =	sor.u32 s25, s11;
	s23 =	simm.s32 $0x20;
	s0 =	sor.u32 s25, s9;
	v11 =	vadd.s32 v4, v5;
	v9 =	vadd.s32 $0x41, v12;
	[tilespmem:s22+$0x1810] =	vst v13;
	v12 =	vadd.s32 v4, v6  }
.LBB2_21:
0x440: {  	p0 =	sne.s32 s23, $0x1E0  }
0x441: {  	[tilespmem:s22+$0x1A10] =	vst v10;
	s21 =	sadd.s32 $0x80, s21;
	s9 =	smov.u32 s23;
	s23 =	sadd.s32 $0x20, s23  }
0x442: {  	v7 =	vadd.s32 v7, v9;
	[tilespmem:s1+$0x0] =	vst v11;
	s1 =	sor.u32 s25, s28  }
0x443: {  	v8 =	vadd.s32 v8, v9;
	v10 =	vadd.s32 v4, v7;
	[tilespmem:s1+$0x0] =	vst v12;
	s1 =	sor.u32 s25, s24  }
0x444: {  	v3 =	vadd.s32 $0x100001, v3;
	v4 =	vadd.s32 v4, v8;
	[tilespmem:s1+$0x0] =	vst v10;
	s1 =	sor.u32 s25, s26  }
0x445: {  	s22 =	sshra.s32 s21, $0x2;
	[tilespmem:s1+$0x0] =	vst v4;
	v4 =	vadd.s32 v3, v5  }
0x446: {  	[tilespmem:s0+$0x0] =	vst v4;
	v4 =	vadd.s32 v3, v6  }
0x447: {  	[tilespmem:s30+$0x0] =	vst v4;
	v4 =	vadd.s32 v3, v7  }
0x448: {  	v3 =	vadd.s32 v3, v8;
	[tilespmem:s3+$0x0] =	vst v4  }
0x449: {  	[tilespmem:s29+$0x0] =	vst v3  }
0x44a: {  	v3 =	vld [tilespmem:s22+$0x1400]  }
0x44b: {  	v4 =	vld [tilespmem:s22+$0x1000]  }
0x44c: {  	v5 =	vld [tilespmem:s22+$0x1200];
	_ =	sdelay $0x2  }
0x44d: {  	v3 =	vmul.f32 $6.400000000e+01, v3  }
0x44e: {  	v4 =	vmul.f32 $6.400000000e+01, v4  }
0x44f: {  	v5 =	vmul.f32 $6.400000000e+01, v5;
	v6 =	vtrunc.f32 v3  }
0x450: {  	v7 =	vtrunc.f32 v4;
	v6 =	vcvt.f32.s32 v6  }
0x451: {  	v7 =	vcvt.f32.s32 v7;
	v8 =	vtrunc.f32 v5  }
0x452: {  	v8 =	vcvt.f32.s32 v8;
	v9 =	vcvt.s32.f32 v6  }
0x453: {  	v10 =	vcvt.s32.f32 v7;
	v7 =	vmul.u32 $0x1081, v7  }
0x454: {  	v11 =	vcvt.s32.f32 v8;
	v3 =	vsub.f32 v3, v9;
	v8 =	vmul.u32 $0x41, v8  }
0x455: {  	s1 =	sadd.s32 $0x10, s9;
	s0 =	sshrl.u32 s21, $0x2;
	v4 =	vsub.f32 v4, v10;
	v9 =	vadd.s32 $0x1081, v7;
	v10 =	vadd.s32 $0x100000, v6  }
0x456: {  	s2 =	sand.u32 $0x60, s9;
	s25 =	sand.u32 $0x70, s1;
	s0 =	sand.u32 $0x180, s0;
	v5 =	vsub.f32 v5, v11;
	[tilespmem:s22+$0x1A00] =	vst v3;
	v3 =	vadd.s32 $0x41, v8;
	v11 =	vadd.s32 v7, v8  }
0x457: {  	s1 =	sor.u32 $0x1C00, s0;
	s28 =	sor.u32 $0x1E00, s0;
	s24 =	sor.u32 $0x2000, s0;
	[tilespmem:s22+$0x1600] =	vst v4;
	v4 =	vadd.s32 v8, v9;
	v7 =	vadd.s32 v7, v3;
	v3 =	vadd.s32 v9, v3  }
0x458: {  	s26 =	sor.u32 $0x2200, s0;
	s9 =	sor.u32 $0x2400, s0;
	s3 =	sor.u32 s2, s1;
	[tilespmem:s22+$0x1800] =	vst v5;
	v5 =	vadd.s32 v10, v11  }
0x459: {  	s10 =	sor.u32 $0x2600, s0;
	s11 =	sor.u32 $0x2800, s0;
	[tilespmem:s3+$0x0] =	vst v5;
	v5 =	vadd.s32 v10, v4;
	s3 =	sor.u32 s2, s28  }
0x45a: {  	s31 =	sor.u32 $0x2A00, s0;
	s18 =	sor.u32 s2, s11;
	[tilespmem:s3+$0x0] =	vst v5;
	v5 =	vadd.s32 v10, v7;
	s3 =	sor.u32 s2, s24  }
0x45b: {  	s1 =	sor.u32 s25, s1;
	s0 =	sor.u32 s25, s9;
	v6 =	vadd.s32 $0x100001, v6;
	[tilespmem:s3+$0x0] =	vst v5;
	v5 =	vadd.s32 v10, v3;
	s3 =	sor.u32 s2, s26  }
0x45c: {  	s9 =	sor.u32 s2, s9;
	s30 =	sor.u32 s25, s10;
	[tilespmem:s3+$0x0] =	vst v5;
	v5 =	vadd.s32 v6, v11;
	s3 =	sor.u32 s25, s11  }
0x45d: {  	s29 =	sor.u32 s25, s31;
	v4 =	vadd.s32 v6, v4;
	[tilespmem:s9+$0x0] =	vst v5;
	s9 =	sor.u32 s2, s10  }
0x45e: {  	[tilespmem:s9+$0x0] =	vst v4;
	v4 =	vadd.s32 v6, v7  }
0x45f: {  	v3 =	vadd.s32 v6, v3;
	s2 =	sor.u32 s2, s31;
	[tilespmem:s18+$0x0] =	vst v4  }
0x460: {  	[tilespmem:s2+$0x0] =	vst v3  }
0x461: {  	v3 =	vld [tilespmem:s22+$0x1010]  }
0x462: {  	v4 =	vld [tilespmem:s22+$0x1210]  }
0x463: {  	v5 =	vld [tilespmem:s22+$0x1410];
	_ =	sdelay $0x2  }
0x464: {  	v6 =	vmul.f32 $6.400000000e+01, v3  }
0x465: {  	v8 =	vmul.f32 $6.400000000e+01, v4  }
0x466: {  	v9 =	vmul.f32 $6.400000000e+01, v5;
	v3 =	vtrunc.f32 v6  }
0x467: {  	v4 =	vcvt.f32.s32 v3;
	v3 =	vtrunc.f32 v8  }
0x468: {  	v5 =	vcvt.f32.s32 v3;
	v3 =	vtrunc.f32 v9  }
0x469: {  	v3 =	vcvt.f32.s32 v3;
	v10 =	vcvt.s32.f32 v4  }
.Ltmp9:
0x46a: {  	v7 =	vmul.u32 $0x1081, v4;
	v11 =	vcvt.s32.f32 v5;
	v12 =	vmul.u32 $0x41, v5;
	(pc) =	sbr.rel @p0 .LBB2_21-.Ltmp9, $4  }
0x46b: {  	v6 =	vsub.f32 v6, v10;
	v10 =	vcvt.s32.f32 v3;
	v4 =	vadd.s32 $0x100000, v3  }
0x46c: {  	v13 =	vsub.f32 v8, v11;
	v8 =	vadd.s32 $0x1081, v7;
	v5 =	vadd.s32 v7, v12  }
0x46d: {  	[tilespmem:s22+$0x1610] =	vst v6;
	v10 =	vsub.f32 v9, v10;
	v11 =	vadd.s32 v4, v5;
	v6 =	vadd.s32 v12, v8  }
0x46e: {  	v9 =	vadd.s32 $0x41, v12;
	[tilespmem:s22+$0x1810] =	vst v13;
	v12 =	vadd.s32 v4, v6  }
0x46f: {  	[tilespmem:s22+$0x1A10] =	vst v10  }
0x470: {  	s23 =	sor.u32 s25, s28;
	v7 =	vadd.s32 v7, v9;
	[tilespmem:s1+$0x0] =	vst v11  }
0x471: {  	s24 =	sor.u32 s25, s24;
	v8 =	vadd.s32 v8, v9;
	v59 =	vadd.s32 v4, v7;
	[tilespmem:s23+$0x0] =	vst v12  }
0x472: {  	v3 =	vadd.s32 $0x100001, v3;
	s28 =	sor.u32 s25, s26;
	v60 =	vadd.s32 v4, v8;
	[tilespmem:s24+$0x0] =	vst v59  }
0x473: {  	v61 =	vadd.s32 v3, v5;
	[tilespmem:s28+$0x0] =	vst v60  }
0x474: {  	v62 =	vadd.s32 v3, v6;
	[tilespmem:s0+$0x0] =	vst v61  }
0x475: {  	v63 =	vadd.s32 v3, v7;
	[tilespmem:s30+$0x0] =	vst v62  }
0x476: {  	s31 =	simm.s32 $0x2C00;
	v3 =	vadd.s32 v3, v8;
	[tilespmem:s3+$0x0] =	vst v63  }
0x477: {  	s2 =	simm.s32 $0x3C00;
	s1 =	simm.s32 $0x1C00;
	s0 =	simm.s32 $0x200;
	[tilespmem:s29+$0x0] =	vst v3  }
0x478: {  	[tilespmem:s31], [sflag:$0x1] =	stream.indirect.gather [hbm4b:s6+s15], $0x1, s1, s15, $0xb8;
	[tilespmem:$0xAC00] =	vst v63  }
.LBB2_23:
0x479: {  	[tilespmem:s2], [sflag:$0x1] =	stream.indirect.gather [hbm4b:s7+s15], $0x1, s1, s15, $0xb8;
	[tilespmem:$0xAC00] =	vst v63  }
0x47a: {  	s1 =	smov.u32 s0;
	p0 =	sne.s32 s0, $0x3E00  }
.Ltmp10:
0x47b: {  	s0 =	sadd.s32 $0x200, s0;
	(pc) =	sbr.rel @p0 .LBB2_23-.Ltmp10, $4  }
0x47c: {  	s2 =	sshra.s32 s1, $0x2  }
0x47d: {  	s3 =	sadd.s32 $0x2C00, s2;
	s1 =	sadd.s32 $0x1C00, s2  }
0x47e: {  	[tilespmem:s3], [sflag:$0x1] =	stream.indirect.gather [hbm4b:s6+s15], $0x1, s1, s15, $0xb8;
	[tilespmem:$0xAC00] =	vst v63  }
0x47f: {  	s2 =	sadd.s32 $0x3C00, s2  }
0x480: {  	[tilespmem:s2], [sflag:$0x1] =	stream.indirect.gather [hbm4b:s7+s15], $0x1, s1, s15, $0xb8;
	[tilespmem:$0xAC00] =	vst v63  }
0x481: {  	_ =	swait.ge [sflag:s16], $0x80  }
0x482: {  	[sflag:s16] =	ssyncset.done $0x0  }
0x483: {  	[sflag:s16] =	ssyncadd.s32 $0xFFFFFF80  }
0x484: {  	_ =	swait.ge [sflag:s16], $0x80  }
0x485: {  	s0 =	simm.s32 $0x1F;
	[sflag:s16] =	ssyncset.done $0x0  }
.LBB2_25:
0x486: {  	p0 =	sne.s32 s0, $0x1;
	s0 =	sadd.s32 $0xFFFFFFFF, s0;
	[sflag:s16] =	ssyncadd.s32 $0xFFFFFF80  }
.Ltmp11:
0x487: {  	_ =	swait.ge [sflag:s16], $0x80;
	(pc) =	sbr.rel @p0 .LBB2_25-.Ltmp11, $4  }
0x488: {  	[sflag:s16] =	ssyncset.done $0x0  }
0x489: {  	[sflag:s16] =	ssyncadd.s32 $0xFFFFFF80  }
0x48a: {  	_ =	swait.ge [sflag:s16], $0x80  }
0x48b: {  	[sflag:s16] =	ssyncset.done $0x0  }
0x48c: {  	[sflag:s16] =	ssyncadd.s32 $0xFFFFFF80;
	s21 =	simm.s32 $0x1810  }
0x48d: {  	v3 =	vld [tilespmem:s21+$0xFFFFFDF0]  }
0x48e: {  	v4 =	vld [tilespmem:s21+$0xFFFFFFF0];
	_ =	sdelay $0x1  }
0x48f: {  	v5 =	vld [tilespmem:s21+$0x1F0]  }
0x490: {  	s22 =	simm.s32 $0x4400  }
0x491: {  	s23 =	simm.s32 $0x3400;
	v6 =	vld [tilespmem:s22+$0xFFFFFA00]  }
0x492: {  	v9 =	vld [tilespmem:s23+$0xFFFFFA00];
	v7 =	vsub.f32 $1.000000000e+00, v3;
	v8 =	vsub.f32 $1.000000000e+00, v4  }
0x493: {  	v10 =	vld [tilespmem:s23+$0xFFFFF800]  }
0x494: {  	v13 =	vld [tilespmem:s22+$0xFFFFF800];
	v11 =	vsub.f32 $1.000000000e+00, v5;
	v12 =	vmul.f32 v8, v7;
	v8 =	vmul.f32 v8, v3  }
0x495: {  	v3 =	vmul.f32 v4, v3;
	v4 =	vmul.f32 v4, v7;
	v7 =	vld [tilespmem:s23+$0xFFFFFC00]  }
0x496: {  	v16 =	vld [tilespmem:s22+$0xFFFFFC00];
	v14 =	vmul.f32 v11, v12;
	v15 =	vmul.f32 v11, v8  }
0x497: {  	v19 =	vld [tilespmem:s23+$0xFFFFFE00];
	v17 =	vmul.f32 v5, v3;
	v18 =	vmul.f32 v11, v4  }
0x498: {  	s0 =	simm.s32 $0x0;
	v20 =	vld [tilespmem:s22+$0xFFFFFE00];
	v10 =	vmul.f32 v14, v10;
	v9 =	vmul.f32 v9, v15  }
0x499: {  	v33 =	vld [tilespmem:s23+$0x0];
	v37 =	vmov s0;
	v13 =	vmul.f32 v13, v14;
	v6 =	vmul.f32 v6, v15  }
0x49a: {  	v3 =	vmul.f32 v11, v3;
	v7 =	vmul.f32 v7, v18;
	v9 =	vadd.f32 v9, v10;
	v10 =	vld [tilespmem:s22+$0x0]  }
0x49b: {  	v35 =	vld [tilespmem:s23+$0x200];
	v11 =	vmul.f32 v12, v5;
	v34 =	vmul.f32 v16, v18;
	v6 =	vadd.f32 v6, v13  }
0x49c: {  	v36 =	vld [tilespmem:s22+$0x200];
	v8 =	vmul.f32 v8, v5;
	v7 =	vadd.f32 v7, v9;
	v9 =	vmul.f32 v19, v3  }
0x49d: {  	v5 =	vmul.f32 v5, v4;
	v4 =	vadd.f32 v34, v6;
	v3 =	vmul.f32 v20, v3;
	v6 =	vld [tilespmem:s23+$0x400]  }
0x49e: {  	v38 =	vld [tilespmem:s22+$0x400];
	v12 =	vmul.u32 $0x30, v37;
	v7 =	vadd.f32 v9, v7;
	v9 =	vmul.f32 v33, v11  }
0x49f: {  	v4 =	vadd.f32 v3, v4;
	v10 =	vmul.f32 v10, v11;
	v11 =	vld [tilespmem:s23+$0x600]  }
0x4a0: {  	v39 =	vld [tilespmem:s22+$0x600];
	v12 =	vbroadcast v12, $0x0;
	v7 =	vadd.f32 v9, v7;
	v9 =	vmul.f32 v35, v8  }
0x4a1: {  	v3 =	vadd.s32 $0x11, v2;
	v8 =	vmul.f32 v36, v8;
	v10 =	vadd.f32 v10, v4  }
0x4a2: {  	v6 =	vmul.f32 v6, v5;
	v4 =	vadd.s32 $0x10, v2;
	v7 =	vadd.f32 v9, v7  }
0x4a3: {  	v5 =	vmul.f32 v38, v5;
	v9 =	vadd.s32 v4, v12;
	v8 =	vadd.f32 v8, v10  }
0x4a4: {  	v10 =	vadd.s32 v3, v12;
	v6 =	vadd.f32 v6, v7;
	v7 =	vmul.f32 v11, v17  }
0x4a5: {  	v5 =	vadd.f32 v5, v8;
	v8 =	vmul.f32 v39, v17  }
0x4a6: {  	v6 =	vadd.f32 v7, v6  }
0x4a7: {  	v5 =	vadd.f32 v8, v5  }
0x4a8: {  	[tilespmem:v9+s14+$0x0] =	vst.idx.msk $0xffff, v6  }
0x4a9: {  	[tilespmem:v10+s14+$0x0] =	vst.idx.msk $0xffff, v5  }
0x4aa: {  	v5 =	vld [tilespmem:s21+$0xFFFFFE00]  }
0x4ab: {  	v6 =	vld [tilespmem:s21+$0x0];
	_ =	sdelay $0x1  }
0x4ac: {  	v7 =	vld [tilespmem:s21+$0x200];
	_ =	sdelay $0x1  }
0x4ad: {  	v8 =	vld [tilespmem:s22+$0xFFFFFA10]  }
0x4ae: {  	v11 =	vld [tilespmem:s23+$0xFFFFFA10];
	v9 =	vsub.f32 $1.000000000e+00, v5;
	v10 =	vsub.f32 $1.000000000e+00, v6  }
0x4af: {  	v40 =	vld [tilespmem:s23+$0xFFFFF810]  }
0x4b0: {  	v43 =	vld [tilespmem:s22+$0xFFFFF810];
	v41 =	vsub.f32 $1.000000000e+00, v7;
	v42 =	vmul.f32 v10, v9;
	v10 =	vmul.f32 v10, v5  }
0x4b1: {  	v44 =	vld [tilespmem:s23+$0xFFFFFC10];
	v9 =	vmul.f32 v6, v9  }
0x4b2: {  	v47 =	vld [tilespmem:s22+$0xFFFFFC10];
	v45 =	vmul.f32 v41, v42;
	v46 =	vmul.f32 v41, v10  }
0x4b3: {  	v48 =	vld [tilespmem:s23+$0xFFFFFE10];
	v5 =	vmul.f32 v6, v5;
	v6 =	vmul.f32 v41, v9  }
0x4b4: {  	v21 =	vld [tilespmem:s22+$0xFFFFFE10];
	v12 =	vmul.f32 v45, v40;
	v11 =	vmul.f32 v11, v46  }
0x4b5: {  	v49 =	vld [tilespmem:s23+$0x10];
	v15 =	vmul.f32 v43, v45;
	v8 =	vmul.f32 v8, v46  }
0x4b6: {  	v51 =	vld [tilespmem:s22+$0x10];
	v13 =	vmul.f32 v41, v5;
	v50 =	vmul.f32 v44, v6;
	v11 =	vadd.f32 v11, v12  }
0x4b7: {  	v52 =	vld [tilespmem:s23+$0x210];
	v6 =	vmul.f32 v47, v6;
	v8 =	vadd.f32 v8, v15  }
0x4b8: {  	s31 =	simm.s32 $0x10;
	v54 =	vld [tilespmem:s22+$0x210];
	v14 =	vmul.f32 v42, v7;
	v53 =	vmul.f32 v48, v13;
	v11 =	vadd.f32 v50, v11  }
0x4b9: {  	v59 =	vmov s31;
	v55 =	vld [tilespmem:s23+$0x410];
	v6 =	vadd.f32 v6, v8;
	v8 =	vmul.f32 v21, v13  }
0x4ba: {  	v57 =	vld [tilespmem:s22+$0x410];
	v10 =	vmul.f32 v10, v7;
	v56 =	vmul.f32 v49, v14;
	v11 =	vadd.f32 v53, v11  }
0x4bb: {  	v61 =	vmul.u32 $0x30, v59;
	v6 =	vadd.f32 v8, v6;
	v8 =	vmul.f32 v51, v14  }
0x4bc: {  	v58 =	vld [tilespmem:s23+$0x610];
	v9 =	vmul.f32 v7, v9;
	v60 =	vmul.f32 v52, v10;
	v11 =	vadd.f32 v56, v11  }
0x4bd: {  	v62 =	vld [tilespmem:s22+$0x610];
	v7 =	vmul.f32 v7, v5;
	v6 =	vadd.f32 v8, v6;
	v8 =	vmul.f32 v54, v10  }
0x4be: {  	v10 =	vmul.f32 v55, v9;
	v5 =	vadd.f32 v60, v11;
	v11 =	vbroadcast v61, $0x0  }
0x4bf: {  	v9 =	vmul.f32 v57, v9  }
0x4c0: {  	v8 =	vadd.f32 v8, v6;
	v10 =	vadd.f32 v10, v5;
	v5 =	vadd.s32 v4, v11  }
0x4c1: {  	v63 =	vmul.f32 v58, v7;
	v6 =	vadd.s32 v3, v11  }
0x4c2: {  	v8 =	vadd.f32 v9, v8;
	v9 =	vmul.f32 v62, v7  }
0x4c3: {  	s24 =	simm.s32 $0x20;
	v7 =	vadd.f32 v63, v10  }
.LBB2_27:
0x4c4: {  	v8 =	vadd.f32 v9, v8;
	s21 =	sadd.s32 $0x20, s21;
	s23 =	sadd.s32 $0x20, s23;
	s22 =	sadd.s32 $0x20, s22  }
0x4c5: {  	p0 =	sne.s32 s24, $0x1E0;
	s25 =	smov.u32 s24;
	s24 =	sadd.s32 $0x20, s24;
	[tilespmem:v5+s14+$0x0] =	vst.idx.msk $0xffff, v7  }
0x4c6: {  	[tilespmem:v6+s14+$0x0] =	vst.idx.msk $0xffff, v8  }
0x4c7: {  	v5 =	vld [tilespmem:s21+$0xFFFFFDF0]  }
0x4c8: {  	v6 =	vld [tilespmem:s21+$0xFFFFFFF0];
	_ =	sdelay $0x1  }
0x4c9: {  	v7 =	vld [tilespmem:s21+$0x1F0];
	_ =	sdelay $0x1  }
0x4ca: {  	v8 =	vld [tilespmem:s22+$0xFFFFFA00]  }
0x4cb: {  	v9 =	vsub.f32 $1.000000000e+00, v5;
	v10 =	vsub.f32 $1.000000000e+00, v6;
	v11 =	vmul.f32 v6, v5;
	v12 =	vld [tilespmem:s23+$0xFFFFFA00]  }
0x4cc: {  	v13 =	vld [tilespmem:s23+$0xFFFFF800]  }
0x4cd: {  	v14 =	vsub.f32 $1.000000000e+00, v7;
	v15 =	vmul.f32 v10, v9;
	v5 =	vmul.f32 v10, v5;
	v10 =	vld [tilespmem:s22+$0xFFFFF800]  }
0x4ce: {  	v6 =	vmul.f32 v6, v9;
	v16 =	vmul.f32 v7, v11;
	v9 =	vld [tilespmem:s23+$0xFFFFFC00]  }
0x4cf: {  	v17 =	vmul.f32 v14, v15;
	v18 =	vmul.f32 v14, v5;
	v19 =	vld [tilespmem:s22+$0xFFFFFC00]  }
0x4d0: {  	v20 =	vmul.f32 v14, v6;
	v11 =	vmul.f32 v14, v11;
	v14 =	vld [tilespmem:s23+$0xFFFFFE00]  }
0x4d1: {  	v13 =	vmul.f32 v17, v13;
	v12 =	vmul.f32 v12, v18;
	v21 =	vld [tilespmem:s22+$0xFFFFFE00]  }
0x4d2: {  	v8 =	vmul.f32 v8, v18;
	v10 =	vmul.f32 v10, v17;
	v17 =	vld [tilespmem:s23+$0x0]  }
0x4d3: {  	v12 =	vadd.f32 v12, v13;
	v9 =	vmul.f32 v9, v20;
	v13 =	vmul.f32 v15, v7;
	v15 =	vld [tilespmem:s22+$0x0]  }
0x4d4: {  	v5 =	vmul.f32 v5, v7;
	v8 =	vadd.f32 v8, v10;
	v10 =	vmul.f32 v19, v20;
	v18 =	vld [tilespmem:s23+$0x200]  }
0x4d5: {  	v6 =	vmul.f32 v7, v6;
	v9 =	vadd.f32 v9, v12;
	v12 =	vmul.f32 v14, v11;
	v14 =	vld [tilespmem:s22+$0x200]  }
0x4d6: {  	v7 =	vadd.f32 v10, v8;
	v8 =	vmul.f32 v21, v11;
	v10 =	vld [tilespmem:s23+$0x400]  }
0x4d7: {  	v11 =	vmov s25;
	v9 =	vadd.f32 v12, v9;
	v12 =	vmul.f32 v17, v13;
	v17 =	vld [tilespmem:s22+$0x400]  }
0x4d8: {  	v11 =	vmul.u32 $0x30, v11;
	v7 =	vadd.f32 v8, v7;
	v8 =	vmul.f32 v15, v13;
	v13 =	vld [tilespmem:s23+$0x600]  }
0x4d9: {  	v9 =	vadd.f32 v12, v9;
	v12 =	vmul.f32 v18, v5;
	v15 =	vld [tilespmem:s22+$0x600]  }
0x4da: {  	v7 =	vadd.f32 v8, v7;
	v5 =	vmul.f32 v14, v5;
	v8 =	vbroadcast v11, $0x0  }
0x4db: {  	v9 =	vadd.f32 v12, v9;
	v10 =	vmul.f32 v10, v6  }
0x4dc: {  	v5 =	vadd.f32 v5, v7;
	v6 =	vmul.f32 v17, v6;
	v7 =	vadd.s32 v4, v8  }
0x4dd: {  	v8 =	vadd.s32 v3, v8;
	v9 =	vadd.f32 v10, v9;
	v10 =	vmul.f32 v13, v16  }
0x4de: {  	v5 =	vadd.f32 v6, v5;
	v6 =	vmul.f32 v15, v16  }
0x4df: {  	v9 =	vadd.f32 v10, v9  }
0x4e0: {  	v5 =	vadd.f32 v6, v5  }
0x4e1: {  	[tilespmem:v7+s14+$0x0] =	vst.idx.msk $0xffff, v9  }
0x4e2: {  	[tilespmem:v8+s14+$0x0] =	vst.idx.msk $0xffff, v5  }
0x4e3: {  	v5 =	vld [tilespmem:s21+$0xFFFFFE00]  }
0x4e4: {  	v6 =	vld [tilespmem:s21+$0x0];
	_ =	sdelay $0x1  }
0x4e5: {  	v7 =	vld [tilespmem:s21+$0x200];
	_ =	sdelay $0x1  }
0x4e6: {  	v8 =	vld [tilespmem:s22+$0xFFFFFA10]  }
0x4e7: {  	v9 =	vsub.f32 $1.000000000e+00, v5;
	v10 =	vsub.f32 $1.000000000e+00, v6;
	v11 =	vmul.f32 v6, v5;
	v12 =	vld [tilespmem:s23+$0xFFFFFA10]  }
0x4e8: {  	v13 =	vld [tilespmem:s23+$0xFFFFF810]  }
0x4e9: {  	v14 =	vsub.f32 $1.000000000e+00, v7;
	v15 =	vmul.f32 v10, v9;
	v5 =	vmul.f32 v10, v5;
	v10 =	vld [tilespmem:s22+$0xFFFFF810]  }
0x4ea: {  	v6 =	vmul.f32 v6, v9;
	v16 =	vmul.f32 v7, v11;
	v9 =	vld [tilespmem:s23+$0xFFFFFC10]  }
0x4eb: {  	v17 =	vmul.f32 v14, v15;
	v18 =	vmul.f32 v14, v5;
	v19 =	vld [tilespmem:s22+$0xFFFFFC10]  }
0x4ec: {  	v20 =	vmul.f32 v14, v6;
	v11 =	vmul.f32 v14, v11;
	v14 =	vld [tilespmem:s23+$0xFFFFFE10]  }
0x4ed: {  	v13 =	vmul.f32 v17, v13;
	v12 =	vmul.f32 v12, v18;
	v21 =	vld [tilespmem:s22+$0xFFFFFE10]  }
0x4ee: {  	v8 =	vmul.f32 v8, v18;
	v10 =	vmul.f32 v10, v17;
	v17 =	vld [tilespmem:s23+$0x10]  }
0x4ef: {  	v12 =	vadd.f32 v12, v13;
	v9 =	vmul.f32 v9, v20;
	v13 =	vmul.f32 v15, v7;
	v15 =	vld [tilespmem:s22+$0x10]  }
0x4f0: {  	v5 =	vmul.f32 v5, v7;
	v8 =	vadd.f32 v8, v10;
	v10 =	vmul.f32 v19, v20;
	v18 =	vld [tilespmem:s23+$0x210]  }
0x4f1: {  	v6 =	vmul.f32 v7, v6;
	v9 =	vadd.f32 v9, v12;
	v12 =	vmul.f32 v14, v11;
	v14 =	vld [tilespmem:s22+$0x210]  }
0x4f2: {  	s0 =	sadd.s32 $0x10, s25;
	v7 =	vadd.f32 v10, v8;
	v8 =	vmul.f32 v21, v11;
	v10 =	vld [tilespmem:s23+$0x410]  }
0x4f3: {  	v11 =	vmov s0;
	v9 =	vadd.f32 v12, v9;
	v12 =	vmul.f32 v17, v13;
	v17 =	vld [tilespmem:s22+$0x410]  }
0x4f4: {  	v11 =	vmul.u32 $0x30, v11;
	v7 =	vadd.f32 v8, v7;
	v8 =	vmul.f32 v15, v13;
	v13 =	vld [tilespmem:s23+$0x610]  }
0x4f5: {  	v9 =	vadd.f32 v12, v9;
	v12 =	vmul.f32 v18, v5;
	v15 =	vld [tilespmem:s22+$0x610]  }
0x4f6: {  	v7 =	vadd.f32 v8, v7;
	v5 =	vmul.f32 v14, v5;
	v8 =	vbroadcast v11, $0x0  }
.Ltmp12:
0x4f7: {  	v9 =	vadd.f32 v12, v9;
	v10 =	vmul.f32 v10, v6;
	(pc) =	sbr.rel @p0 .LBB2_27-.Ltmp12, $4  }
0x4f8: {  	v7 =	vadd.f32 v5, v7;
	v11 =	vmul.f32 v17, v6;
	v5 =	vadd.s32 v4, v8  }
0x4f9: {  	v6 =	vadd.s32 v3, v8;
	v10 =	vadd.f32 v10, v9;
	v12 =	vmul.f32 v13, v16  }
0x4fa: {  	v8 =	vadd.f32 v11, v7;
	v9 =	vmul.f32 v15, v16  }
0x4fb: {  	v7 =	vadd.f32 v12, v10  }
0x4fc: {  	_ =	sdelay $0x2  }
0x4fd: {  	v3 =	vadd.f32 v9, v8  }
0x4fe: {  	[tilespmem:v5+s14+$0x0] =	vst.idx.msk $0xffff, v7  }
0x4ff: {  	s21 =	simm.s32 $0x3;
	[tilespmem:v6+s14+$0x0] =	vst.idx.msk $0xffff, v3  }
.LBB2_29:
0x500: {  	s22 =	simm.s32 $0x0  }
0x501: {  	v3 =	vld [tilespmem:s22+$0x1400]  }
0x502: {  	s0 =	sshll.u32 s17, s21;
	v5 =	vld [tilespmem:s22+$0x1000]  }
0x503: {  	s0 =	scvt.s32.f32 s0;
	v6 =	vld [tilespmem:s22+$0x1200];
	_ =	sdelay $0x1  }
0x504: {  	v4 =	vmov s0  }
0x505: {  	v7 =	vmul.f32 v3, v4  }
0x506: {  	v5 =	vmul.f32 v5, v4  }
0x507: {  	v9 =	vmul.f32 v6, v4;
	v3 =	vtrunc.f32 v7  }
0x508: {  	v6 =	vtrunc.f32 v5;
	v10 =	vcvt.f32.s32 v3  }
0x509: {  	s30 =	sshll.u32 s21, $0x13;
	v8 =	vcvt.f32.s32 v6;
	v3 =	vtrunc.f32 v9  }
0x50a: {  	v12 =	vcvt.f32.s32 v3;
	v3 =	vmov s30  }
0x50b: {  	v11 =	vcvt.s32.f32 v10;
	v6 =	vmul.u32 $0x30025795, v10;
	v10 =	vcvt.s32.f32 v8  }
0x50c: {  	v14 =	vadd.s32 $0x1, v8;
	v13 =	vcvt.s32.f32 v12;
	v12 =	vmul.u32 $0x9E3779B1, v12  }
0x50d: {  	s24 =	simm.s32 $0x0;
	s25 =	simm.s32 $0x20;
	v11 =	vsub.f32 v7, v11;
	v10 =	vsub.f32 v5, v10;
	v5 =	vadd.s32 $0x30025795, v6  }
0x50e: {  	s23 =	simm.s32 $0x0;
	s31 =	sand.u32 $0x60, s24;
	s0 =	simm.s32 $0x0;
	v9 =	vsub.f32 v9, v13;
	v13 =	vadd.s32 $0x9E3779B1, v12;
	v7 =	vxor.u32 v8, v12  }
.LBB2_30:
0x50f: {  	p0 =	sne.s32 s25, $0x1E0;
	[tilespmem:s22+$0x1A00] =	vst v11;
	v11 =	vxor.u32 v14, v12;
	v12 =	vxor.u32 v14, v13;
	v14 =	vxor.u32 v6, v7;
	s2 =	sand.u32 $0x180, s0;
	s24 =	sadd.s32 $0x80, s24  }
0x510: {  	v8 =	vxor.u32 v8, v13;
	[tilespmem:s22+$0x1600] =	vst v10;
	v10 =	vand.u32 $0x7FFFF, v14;
	s9 =	sor.u32 $0x1C00, s2;
	v13 =	vxor.u32 v6, v11;
	s3 =	sor.u32 $0x1E00, s2;
	s0 =	sor.u32 $0x2000, s2  }
0x511: {  	s30 =	sor.u32 $0x2400, s2;
	s28 =	sor.u32 $0x2600, s2;
	[tilespmem:s22+$0x1800] =	vst v9;
	v9 =	vor.u32 v3, v10;
	s1 =	sor.u32 s31, s9;
	v10 =	vand.u32 $0x7FFFF, v13;
	v13 =	vxor.u32 v6, v8  }
0x512: {  	s29 =	sor.u32 $0x2800, s2;
	s26 =	sor.u32 $0x2A00, s2;
	s10 =	sor.u32 s31, s3;
	v6 =	vxor.u32 v6, v12;
	[tilespmem:s1+$0x0] =	vst v9;
	v9 =	vor.u32 v3, v10;
	v10 =	vand.u32 $0x7FFFF, v13  }
0x513: {  	v7 =	vxor.u32 v7, v5;
	s18 =	sor.u32 $0x2200, s2;
	s1 =	sshra.s32 s24, $0x2;
	v6 =	vand.u32 $0x7FFFF, v6;
	[tilespmem:s10+$0x0] =	vst v9;
	v9 =	vor.u32 v3, v10;
	s10 =	sor.u32 s31, s0  }
0x514: {  	v7 =	vand.u32 $0x7FFFF, v7;
	s2 =	smov.u32 s25;
	s25 =	sadd.s32 $0x20, s25;
	v6 =	vor.u32 v3, v6;
	[tilespmem:s10+$0x0] =	vst v9;
	s10 =	sor.u32 s31, s18;
	v9 =	vxor.u32 v11, v5  }
0x515: {  	v8 =	vxor.u32 v5, v8;
	[tilespmem:s10+$0x0] =	vst v6;
	v6 =	vor.u32 v3, v7;
	s10 =	sor.u32 s31, s30;
	v7 =	vand.u32 $0x7FFFF, v9  }
0x516: {  	v5 =	vxor.u32 v5, v12;
	[tilespmem:s10+$0x0] =	vst v6;
	v6 =	vor.u32 v3, v7;
	s10 =	sor.u32 s31, s28;
	v7 =	vand.u32 $0x7FFFF, v8  }
0x517: {  	v5 =	vand.u32 $0x7FFFF, v5;
	[tilespmem:s10+$0x0] =	vst v6;
	v6 =	vor.u32 v3, v7;
	s10 =	sor.u32 s31, s29  }
0x518: {  	v5 =	vor.u32 v3, v5;
	[tilespmem:s10+$0x0] =	vst v6;
	s10 =	sor.u32 s31, s26  }
0x519: {  	[tilespmem:s10+$0x0] =	vst v5  }
0x51a: {  	v5 =	vld [tilespmem:s22+$0x1210]  }
0x51b: {  	v6 =	vld [tilespmem:s22+$0x1010]  }
0x51c: {  	v7 =	vld [tilespmem:s22+$0x1410];
	_ =	sdelay $0x2  }
0x51d: {  	v5 =	vmul.f32 v5, v4  }
0x51e: {  	v6 =	vmul.f32 v6, v4  }
0x51f: {  	v7 =	vmul.f32 v7, v4;
	v8 =	vtrunc.f32 v5  }
0x520: {  	v9 =	vtrunc.f32 v6;
	v8 =	vcvt.f32.s32 v8  }
0x521: {  	v9 =	vcvt.f32.s32 v9;
	v10 =	vtrunc.f32 v7  }
0x522: {  	v10 =	vcvt.f32.s32 v10;
	v11 =	vcvt.s32.f32 v8;
	v8 =	vmul.u32 $0x9E3779B1, v8  }
0x523: {  	v12 =	vcvt.s32.f32 v9;
	v13 =	vadd.s32 $0x1, v9  }
0x524: {  	v14 =	vcvt.s32.f32 v10;
	v15 =	vadd.s32 $0x9E3779B1, v8;
	v10 =	vmul.u32 $0x30025795, v10  }
0x525: {  	v5 =	vsub.f32 v5, v11;
	v11 =	vxor.u32 v9, v8;
	v6 =	vsub.f32 v6, v12  }
0x526: {  	s10 =	sadd.s32 $0x10, s23;
	s23 =	smov.u32 s2;
	v8 =	vxor.u32 v13, v8;
	v7 =	vsub.f32 v7, v14;
	v12 =	vxor.u32 v10, v11  }
0x527: {  	s2 =	sand.u32 $0x70, s10;
	[tilespmem:s22+$0x1610] =	vst v6;
	v6 =	vxor.u32 v9, v15;
	v9 =	vand.u32 $0x7FFFF, v12;
	v12 =	vxor.u32 v10, v8  }
0x528: {  	s9 =	sor.u32 s2, s9;
	[tilespmem:s22+$0x1A10] =	vst v7;
	v7 =	vor.u32 v3, v9;
	v9 =	vand.u32 $0x7FFFF, v12;
	v12 =	vxor.u32 v10, v6  }
0x529: {  	v13 =	vxor.u32 v13, v15;
	[tilespmem:s22+$0x1810] =	vst v5;
	v5 =	vadd.s32 $0x30025795, v10;
	v12 =	vand.u32 $0x7FFFF, v12;
	s22 =	smov.u32 s1  }
0x52a: {  	s1 =	sor.u32 s2, s3;
	[tilespmem:s9+$0x0] =	vst v7;
	v7 =	vor.u32 v3, v9;
	v9 =	vxor.u32 v10, v13;
	v10 =	vxor.u32 v11, v5  }
0x52b: {  	s0 =	sor.u32 s2, s0;
	[tilespmem:s1+$0x0] =	vst v7;
	v7 =	vor.u32 v3, v12;
	v9 =	vand.u32 $0x7FFFF, v9;
	v10 =	vand.u32 $0x7FFFF, v10  }
0x52c: {  	v8 =	vxor.u32 v8, v5;
	v6 =	vxor.u32 v5, v6;
	[tilespmem:s0+$0x0] =	vst v7;
	v7 =	vor.u32 v3, v9;
	s0 =	sor.u32 s2, s18  }
0x52d: {  	v8 =	vand.u32 $0x7FFFF, v8;
	v6 =	vand.u32 $0x7FFFF, v6;
	[tilespmem:s0+$0x0] =	vst v7;
	v7 =	vor.u32 v3, v10;
	s0 =	sor.u32 s2, s30  }
0x52e: {  	v5 =	vxor.u32 v5, v13;
	[tilespmem:s0+$0x0] =	vst v7;
	v7 =	vor.u32 v3, v8;
	s0 =	sor.u32 s2, s28  }
0x52f: {  	v5 =	vand.u32 $0x7FFFF, v5;
	v6 =	vor.u32 v3, v6;
	[tilespmem:s0+$0x0] =	vst v7;
	s0 =	sor.u32 s2, s29  }
0x530: {  	v5 =	vor.u32 v3, v5;
	[tilespmem:s0+$0x0] =	vst v6;
	s0 =	sor.u32 s2, s26  }
0x531: {  	[tilespmem:s0+$0x0] =	vst v5  }
0x532: {  	v5 =	vld [tilespmem:s22+$0x1400]  }
0x533: {  	v6 =	vld [tilespmem:s22+$0x1000]  }
0x534: {  	v7 =	vld [tilespmem:s22+$0x1200];
	_ =	sdelay $0x2  }
0x535: {  	v5 =	vmul.f32 v5, v4  }
0x536: {  	v9 =	vmul.f32 v6, v4  }
0x537: {  	v7 =	vmul.f32 v7, v4;
	v6 =	vtrunc.f32 v5  }
0x538: {  	v8 =	vtrunc.f32 v9;
	v6 =	vcvt.f32.s32 v6  }
0x539: {  	v8 =	vcvt.f32.s32 v8;
	v10 =	vtrunc.f32 v7  }
.Ltmp13:
0x53a: {  	v10 =	vcvt.f32.s32 v10;
	v11 =	vcvt.s32.f32 v6;
	v6 =	vmul.u32 $0x30025795, v6;
	(pc) =	sbr.rel @p0 .LBB2_30-.Ltmp13, $4  }
0x53b: {  	v13 =	vcvt.s32.f32 v8  }
0x53c: {  	v15 =	vcvt.s32.f32 v10;
	v11 =	vsub.f32 v5, v11;
	v12 =	vmul.u32 $0x9E3779B1, v10  }
0x53d: {  	v14 =	vadd.s32 $0x1, v8;
	v5 =	vadd.s32 $0x30025795, v6;
	v10 =	vsub.f32 v9, v13  }
0x53e: {  	s31 =	sand.u32 $0x60, s23;
	s0 =	sshrl.u32 s24, $0x2;
	v9 =	vsub.f32 v7, v15;
	v13 =	vadd.s32 $0x9E3779B1, v12;
	v7 =	vxor.u32 v8, v12  }
0x53f: {  	[tilespmem:s22+$0x1A00] =	vst v11;
	v16 =	vxor.u32 v14, v12;
	v17 =	vxor.u32 v14, v13;
	v18 =	vxor.u32 v6, v7;
	s2 =	sand.u32 $0x180, s0  }
0x540: {  	[tilespmem:s22+$0x1600] =	vst v10;
	v8 =	vxor.u32 v8, v13;
	v19 =	vand.u32 $0x7FFFF, v18;
	s18 =	sor.u32 $0x1C00, s2;
	v20 =	vxor.u32 v6, v16  }
0x541: {  	s0 =	sor.u32 $0x1E00, s2;
	[tilespmem:s22+$0x1800] =	vst v9;
	v23 =	vxor.u32 v6, v8;
	v21 =	vor.u32 v3, v19;
	s3 =	sor.u32 s31, s18;
	v22 =	vand.u32 $0x7FFFF, v20  }
0x542: {  	s1 =	sor.u32 $0x2000, s2;
	v26 =	vxor.u32 v6, v17;
	s26 =	sor.u32 s31, s0;
	v25 =	vand.u32 $0x7FFFF, v23;
	[tilespmem:s3+$0x0] =	vst v21;
	v24 =	vor.u32 v3, v22  }
0x543: {  	v28 =	vxor.u32 v7, v5;
	s25 =	sor.u32 $0x2200, s2;
	s9 =	sor.u32 s31, s1;
	v6 =	vand.u32 $0x7FFFF, v26;
	v27 =	vor.u32 v3, v25;
	[tilespmem:s26+$0x0] =	vst v24  }
0x544: {  	v7 =	vand.u32 $0x7FFFF, v28;
	v29 =	vxor.u32 v16, v5;
	s10 =	sor.u32 s31, s25;
	s3 =	sor.u32 $0x2400, s2;
	v6 =	vor.u32 v3, v6;
	[tilespmem:s9+$0x0] =	vst v27  }
0x545: {  	v8 =	vxor.u32 v5, v8;
	v30 =	vor.u32 v3, v7;
	v31 =	vand.u32 $0x7FFFF, v29;
	s28 =	sor.u32 s31, s3;
	s9 =	sor.u32 $0x2600, s2;
	[tilespmem:s10+$0x0] =	vst v6  }
0x546: {  	s24 =	sor.u32 $0x2800, s2;
	v34 =	vxor.u32 v5, v17;
	v33 =	vand.u32 $0x7FFFF, v8;
	v32 =	vor.u32 v3, v31;
	s29 =	sor.u32 s31, s9;
	[tilespmem:s28+$0x0] =	vst v30  }
0x547: {  	s30 =	sor.u32 s31, s24;
	v5 =	vand.u32 $0x7FFFF, v34;
	v35 =	vor.u32 v3, v33;
	s26 =	sor.u32 $0x2A00, s2;
	[tilespmem:s29+$0x0] =	vst v32  }
0x548: {  	v5 =	vor.u32 v3, v5;
	s10 =	sor.u32 s31, s26;
	[tilespmem:s30+$0x0] =	vst v35  }
0x549: {  	[tilespmem:s10+$0x0] =	vst v5  }
0x54a: {  	v5 =	vld [tilespmem:s22+$0x1210]  }
0x54b: {  	v6 =	vld [tilespmem:s22+$0x1010]  }
0x54c: {  	v36 =	vld [tilespmem:s22+$0x1410];
	_ =	sdelay $0x3  }
0x54d: {  	v5 =	vmul.f32 v5, v4  }
0x54e: {  	v6 =	vmul.f32 v6, v4;
	v37 =	vmul.f32 v36, v4  }
0x54f: {  	v38 =	vtrunc.f32 v5  }
0x550: {  	v39 =	vtrunc.f32 v6;
	v40 =	vtrunc.f32 v37  }
0x551: {  	v7 =	vcvt.f32.s32 v38;
	v8 =	vcvt.f32.s32 v39  }
0x552: {  	v9 =	vcvt.f32.s32 v40  }
0x553: {  	v41 =	vcvt.s32.f32 v7;
	v7 =	vmul.u32 $0x9E3779B1, v7;
	v42 =	vcvt.s32.f32 v8  }
0x554: {  	v43 =	vadd.s32 $0x1, v8;
	v44 =	vcvt.s32.f32 v9;
	v9 =	vmul.u32 $0x30025795, v9  }
0x555: {  	v45 =	vadd.s32 $0x9E3779B1, v7;
	v6 =	vsub.f32 v6, v42;
	v46 =	vxor.u32 v8, v7  }
0x556: {  	v4 =	vsub.f32 v37, v44;
	v7 =	vxor.u32 v43, v7;
	v5 =	vsub.f32 v5, v41  }
0x557: {  	s11 =	sadd.s32 $0x10, s23;
	v53 =	vadd.s32 $0x30025795, v9;
	v47 =	vxor.u32 v9, v46;
	v49 =	vxor.u32 v9, v7;
	[tilespmem:s22+$0x1610] =	vst v6  }
0x558: {  	s2 =	sand.u32 $0x70, s11;
	v8 =	vxor.u32 v8, v45;
	v12 =	vxor.u32 v43, v45;
	v48 =	vand.u32 $0x7FFFF, v47;
	[tilespmem:s22+$0x1A10] =	vst v4  }
0x559: {  	s18 =	sor.u32 s2, s18;
	v51 =	vand.u32 $0x7FFFF, v49;
	v52 =	vxor.u32 v9, v8;
	[tilespmem:s22+$0x1810] =	vst v5;
	v50 =	vor.u32 v3, v48  }
0x55a: {  	s0 =	sor.u32 s2, s0;
	v55 =	vxor.u32 v9, v12;
	v10 =	vand.u32 $0x7FFFF, v52;
	v54 =	vor.u32 v3, v51;
	[tilespmem:s18+$0x0] =	vst v50  }
0x55b: {  	v56 =	vxor.u32 v46, v53;
	s22 =	sor.u32 s2, s1;
	v6 =	vand.u32 $0x7FFFF, v55;
	v57 =	vor.u32 v3, v10;
	[tilespmem:s0+$0x0] =	vst v54  }
0x55c: {  	s23 =	sor.u32 s2, s25;
	v59 =	vxor.u32 v7, v53;
	v9 =	vand.u32 $0x7FFFF, v56;
	v58 =	vor.u32 v3, v6;
	[tilespmem:s22+$0x0] =	vst v57  }
0x55d: {  	p0 =	por $0x0, $0x0;
	s25 =	sor.u32 s2, s3;
	v60 =	vxor.u32 v53, v8;
	v61 =	vor.u32 v3, v9;
	v6 =	vand.u32 $0x7FFFF, v59;
	[tilespmem:s23+$0x0] =	vst v58  }
.Ltmp14:
0x55e: {  	s28 =	sor.u32 s2, s9;
	v5 =	vxor.u32 v53, v12;
	v7 =	vand.u32 $0x7FFFF, v60;
	v62 =	vor.u32 v3, v6;
	[tilespmem:s25+$0x0] =	vst v61;
	(pc) =	sbr.rel @p0 .LBB2_33-.Ltmp14, $4  }
0x55f: {  	s29 =	sor.u32 s2, s24;
	v5 =	vand.u32 $0x7FFFF, v5;
	v63 =	vor.u32 v3, v7;
	[tilespmem:s28+$0x0] =	vst v62  }
0x560: {  	s31 =	simm.s32 $0x2C00;
	s30 =	sor.u32 s2, s26;
	v3 =	vor.u32 v3, v5;
	[tilespmem:s29+$0x0] =	vst v63  }
0x561: {  	s1 =	simm.s32 $0x1C00;
	s2 =	simm.s32 $0x3C00;
	s0 =	simm.s32 $0x200;
	[tilespmem:s30+$0x0] =	vst v3  }
0x562: {  	[tilespmem:s31], [sflag:$0x1] =	stream.indirect.gather [hbm4b:s6+s15], $0x1, s1, s15, $0xb8;
	[tilespmem:$0xAC00] =	vst v63  }
.LBB2_32:
0x563: {  	[tilespmem:s2], [sflag:$0x1] =	stream.indirect.gather [hbm4b:s7+s15], $0x1, s1, s15, $0xb8;
	[tilespmem:$0xAC00] =	vst v63  }
0x564: {  	s1 =	smov.u32 s0;
	p0 =	seq.s32 s0, $0x3E00  }
.Ltmp15:
0x565: {  	s0 =	sadd.s32 $0x200, s0;
	(pc) =	sbr.rel @!p0 .LBB2_32-.Ltmp15, $4  }
0x566: {  	s2 =	sshra.s32 s1, $0x2  }
0x567: {  	s3 =	sadd.s32 $0x2C00, s2;
	s1 =	sadd.s32 $0x1C00, s2  }
0x568: {  	[tilespmem:s3], [sflag:$0x1] =	stream.indirect.gather [hbm4b:s6+s15], $0x1, s1, s15, $0xb8;
	[tilespmem:$0xAC00] =	vst v63  }
0x569: {  	s2 =	sadd.s32 $0x3C00, s2  }
.LBB2_33:
0x56a: {  	[tilespmem:s2], [sflag:$0x1] =	stream.indirect.gather [hbm4b:s7+s15], $0x1, s1, s15, $0xb8;
	[tilespmem:$0xAC00] =	vst v63  }
0x56b: {  	_ =	swait.ge [sflag:s16], $0x80  }
0x56c: {  	[sflag:s16] =	ssyncset.done $0x0  }
0x56d: {  	[sflag:s16] =	ssyncadd.s32 $0xFFFFFF80  }
0x56e: {  	_ =	swait.ge [sflag:s16], $0x80  }
0x56f: {  	s0 =	simm.s32 $0x1F;
	[sflag:s16] =	ssyncset.done $0x0  }
.LBB2_34:
0x570: {  	p0 =	seq.s32 s0, $0x1;
	s0 =	sadd.s32 $0xFFFFFFFF, s0;
	[sflag:s16] =	ssyncadd.s32 $0xFFFFFF80  }
.Ltmp16:
0x571: {  	_ =	swait.ge [sflag:s16], $0x80;
	(pc) =	sbr.rel @!p0 .LBB2_34-.Ltmp16, $4  }
0x572: {  	[sflag:s16] =	ssyncset.done $0x0  }
0x573: {  	[sflag:s16] =	ssyncadd.s32 $0xFFFFFF80  }
0x574: {  	_ =	swait.ge [sflag:s16], $0x80  }
0x575: {  	[sflag:s16] =	ssyncset.done $0x0  }
0x576: {  	s0 =	sshll.u32 s21, $0x1  }
0x577: {  	s1 =	sadd.s32 $0xC, s0;
	s0 =	sadd.s32 $0xD, s0  }
0x578: {  	[sflag:s16] =	ssyncadd.s32 $0xFFFFFF80;
	s23 =	simm.s32 $0x1810;
	v3 =	vmov s1;
	v4 =	vmov s0  }
0x579: {  	v6 =	vld [tilespmem:s23+$0xFFFFFFF0];
	v3 =	vand.u32 $0x3E, v3;
	v5 =	vand.u32 $0x3F, v4  }
0x57a: {  	v4 =	vadd.s32 v2, v3;
	v3 =	vadd.s32 v2, v5;
	v5 =	vld [tilespmem:s23+$0xFFFFFDF0];
	_ =	sdelay $0x1  }
0x57b: {  	v7 =	vld [tilespmem:s23+$0x1F0]  }
0x57c: {  	s25 =	simm.s32 $0x4400  }
0x57d: {  	s24 =	simm.s32 $0x3400;
	v8 =	vld [tilespmem:s25+$0xFFFFFA00]  }
0x57e: {  	v11 =	vld [tilespmem:s24+$0xFFFFFA00];
	v10 =	vsub.f32 $1.000000000e+00, v6;
	v9 =	vsub.f32 $1.000000000e+00, v5  }
0x57f: {  	v12 =	vld [tilespmem:s24+$0xFFFFF800]  }
0x580: {  	v15 =	vld [tilespmem:s25+$0xFFFFF800];
	v13 =	vsub.f32 $1.000000000e+00, v7;
	v14 =	vmul.f32 v10, v9;
	v10 =	vmul.f32 v10, v5  }
0x581: {  	v16 =	vld [tilespmem:s24+$0xFFFFFC00];
	v9 =	vmul.f32 v6, v9  }
0x582: {  	v19 =	vld [tilespmem:s25+$0xFFFFFC00];
	v17 =	vmul.f32 v13, v14;
	v18 =	vmul.f32 v13, v10  }
0x583: {  	v20 =	vld [tilespmem:s24+$0xFFFFFE00];
	v5 =	vmul.f32 v6, v5;
	v6 =	vmul.f32 v13, v9  }
0x584: {  	v21 =	vld [tilespmem:s25+$0xFFFFFE00];
	v12 =	vmul.f32 v17, v12;
	v11 =	vmul.f32 v11, v18  }
0x585: {  	v42 =	vld [tilespmem:s24+$0x0];
	v15 =	vmul.f32 v15, v17;
	v8 =	vmul.f32 v8, v18  }
0x586: {  	v44 =	vld [tilespmem:s25+$0x0];
	v13 =	vmul.f32 v13, v5;
	v43 =	vmul.f32 v16, v6;
	v11 =	vadd.f32 v11, v12  }
0x587: {  	v45 =	vld [tilespmem:s24+$0x200];
	v6 =	vmul.f32 v19, v6;
	v8 =	vadd.f32 v8, v15  }
0x588: {  	s22 =	simm.s32 $0x0;
	v47 =	vld [tilespmem:s25+$0x200];
	v14 =	vmul.f32 v14, v7;
	v46 =	vmul.f32 v20, v13;
	v11 =	vadd.f32 v43, v11  }
0x589: {  	v49 =	vld [tilespmem:s24+$0x400];
	v50 =	vmov s22;
	v48 =	vmul.f32 v21, v13;
	v6 =	vadd.f32 v6, v8  }
0x58a: {  	v52 =	vld [tilespmem:s25+$0x400];
	v10 =	vmul.f32 v10, v7;
	v51 =	vmul.f32 v42, v14;
	v11 =	vadd.f32 v46, v11  }
0x58b: {  	v54 =	vld [tilespmem:s24+$0x600];
	v55 =	vmul.u32 $0x30, v50;
	v53 =	vmul.f32 v44, v14;
	v6 =	vadd.f32 v48, v6  }
0x58c: {  	v57 =	vld [tilespmem:s25+$0x600];
	v9 =	vmul.f32 v7, v9;
	v56 =	vmul.f32 v45, v10;
	v11 =	vadd.f32 v51, v11  }
0x58d: {  	v59 =	vbroadcast v55, $0x0;
	v58 =	vmul.f32 v47, v10;
	v6 =	vadd.f32 v53, v6  }
0x58e: {  	v5 =	vmul.f32 v7, v5;
	v60 =	vmul.f32 v49, v9;
	v7 =	vadd.f32 v56, v11  }
0x58f: {  	v62 =	vadd.s32 v4, v59;
	v61 =	vmul.f32 v52, v9;
	v6 =	vadd.f32 v58, v6  }
0x590: {  	v63 =	vmul.f32 v54, v5;
	v10 =	vadd.s32 v3, v59;
	v7 =	vadd.f32 v60, v7  }
0x591: {  	v5 =	vmul.f32 v57, v5;
	v6 =	vadd.f32 v61, v6  }
0x592: {  	v7 =	vadd.f32 v63, v7  }
0x593: {  	v5 =	vadd.f32 v5, v6  }
0x594: {  	s29 =	simm.s32 $0x20;
	[tilespmem:v62+s14+$0x0] =	vst.idx.msk $0xffff, v7  }
0x595: {  	s30 =	simm.s32 $0x1810;
	s26 =	simm.s32 $0x4400;
	s28 =	simm.s32 $0x3400;
	[tilespmem:v10+s14+$0x0] =	vst.idx.msk $0xffff, v5  }
.LBB2_36:
0x596: {  	v5 =	vld [tilespmem:s23+$0x0];
	s30 =	sadd.s32 $0x20, s30;
	s24 =	sadd.s32 $0x20, s24;
	s25 =	sadd.s32 $0x20, s25  }
0x597: {  	p0 =	sne.s32 s29, $0x1E0;
	s0 =	smov.u32 s29;
	s29 =	sadd.s32 $0x20, s29;
	v6 =	vld [tilespmem:s23+$0xFFFFFE00]  }
0x598: {  	v7 =	vld [tilespmem:s23+$0x200];
	s23 =	smov.u32 s30;
	_ =	sdelay $0x1  }
0x599: {  	v8 =	vld [tilespmem:s26+$0xFFFFF810]  }
0x59a: {  	v9 =	vsub.f32 $1.000000000e+00, v5;
	v10 =	vld [tilespmem:s26+$0xFFFFFA10]  }
0x59b: {  	v11 =	vsub.f32 $1.000000000e+00, v6;
	v12 =	vmul.f32 v5, v6;
	v13 =	vld [tilespmem:s28+$0xFFFFFA10]  }
0x59c: {  	v14 =	vsub.f32 $1.000000000e+00, v7;
	v6 =	vmul.f32 v9, v6;
	v15 =	vld [tilespmem:s28+$0xFFFFF810]  }
0x59d: {  	v9 =	vmul.f32 v9, v11;
	v5 =	vmul.f32 v5, v11;
	v11 =	vld [tilespmem:s28+$0xFFFFFC10]  }
0x59e: {  	v16 =	vmul.f32 v14, v6;
	v17 =	vld [tilespmem:s26+$0xFFFFFC10];
	v18 =	vmul.f32 v14, v12  }
0x59f: {  	v19 =	vmul.f32 v14, v9;
	v14 =	vmul.f32 v14, v5;
	v20 =	vld [tilespmem:s28+$0xFFFFFE10]  }
0x5a0: {  	v13 =	vmul.f32 v13, v16;
	v10 =	vmul.f32 v10, v16;
	v16 =	vld [tilespmem:s26+$0xFFFFFE10]  }
0x5a1: {  	v15 =	vmul.f32 v19, v15;
	v8 =	vmul.f32 v8, v19;
	v19 =	vld [tilespmem:s28+$0x10]  }
0x5a2: {  	v9 =	vmul.f32 v9, v7;
	v11 =	vmul.f32 v11, v14;
	v21 =	vld [tilespmem:s26+$0x10]  }
0x5a3: {  	v13 =	vadd.f32 v13, v15;
	v8 =	vadd.f32 v10, v8;
	v10 =	vmul.f32 v17, v14;
	v14 =	vld [tilespmem:s28+$0x210]  }
0x5a4: {  	v6 =	vmul.f32 v6, v7;
	v15 =	vmul.f32 v20, v18;
	v17 =	vld [tilespmem:s26+$0x210]  }
0x5a5: {  	s1 =	sadd.s32 $0x10, s22;
	s22 =	smov.u32 s0;
	v11 =	vadd.f32 v11, v13;
	v8 =	vadd.f32 v10, v8;
	v10 =	vmul.f32 v16, v18;
	v13 =	vld [tilespmem:s28+$0x410]  }
0x5a6: {  	v5 =	vmul.f32 v7, v5;
	v16 =	vmov s1;
	v18 =	vmul.f32 v19, v9;
	v19 =	vld [tilespmem:s26+$0x410]  }
0x5a7: {  	v11 =	vadd.f32 v15, v11;
	v8 =	vadd.f32 v10, v8;
	v9 =	vmul.f32 v21, v9;
	v10 =	vld [tilespmem:s28+$0x610];
	s28 =	smov.u32 s24  }
0x5a8: {  	v7 =	vmul.f32 v7, v12;
	v15 =	vmul.u32 $0x30, v16;
	v14 =	vmul.f32 v14, v6;
	v12 =	vld [tilespmem:s26+$0x610];
	s26 =	smov.u32 s25  }
0x5a9: {  	v11 =	vadd.f32 v18, v11;
	v8 =	vadd.f32 v9, v8;
	v6 =	vmul.f32 v17, v6  }
0x5aa: {  	v9 =	vmul.f32 v13, v5;
	v13 =	vbroadcast v15, $0x0  }
0x5ab: {  	v11 =	vadd.f32 v14, v11;
	v6 =	vadd.f32 v6, v8;
	v5 =	vmul.f32 v19, v5  }
0x5ac: {  	v8 =	vmul.f32 v10, v7;
	v10 =	vadd.s32 v4, v13  }
0x5ad: {  	v9 =	vadd.f32 v9, v11;
	v7 =	vmul.f32 v12, v7;
	v11 =	vadd.s32 v3, v13  }
0x5ae: {  	v5 =	vadd.f32 v5, v6  }
0x5af: {  	v6 =	vadd.f32 v8, v9  }
0x5b0: {  	v5 =	vadd.f32 v7, v5  }
0x5b1: {  	[tilespmem:v10+s14+$0x0] =	vst.idx.msk $0xffff, v6  }
0x5b2: {  	[tilespmem:v11+s14+$0x0] =	vst.idx.msk $0xffff, v5  }
0x5b3: {  	v5 =	vld [tilespmem:s30+$0xFFFFFDF0]  }
0x5b4: {  	v6 =	vld [tilespmem:s30+$0xFFFFFFF0];
	_ =	sdelay $0x1  }
0x5b5: {  	v7 =	vld [tilespmem:s30+$0x1F0];
	_ =	sdelay $0x1  }
0x5b6: {  	v8 =	vld [tilespmem:s25+$0xFFFFFA00]  }
0x5b7: {  	v9 =	vsub.f32 $1.000000000e+00, v5;
	v10 =	vsub.f32 $1.000000000e+00, v6;
	v11 =	vmul.f32 v6, v5;
	v12 =	vld [tilespmem:s24+$0xFFFFFA00]  }
0x5b8: {  	v13 =	vld [tilespmem:s24+$0xFFFFF800]  }
0x5b9: {  	v14 =	vsub.f32 $1.000000000e+00, v7;
	v15 =	vmul.f32 v10, v9;
	v5 =	vmul.f32 v10, v5;
	v10 =	vld [tilespmem:s25+$0xFFFFF800]  }
0x5ba: {  	v6 =	vmul.f32 v6, v9;
	v16 =	vmul.f32 v7, v11;
	v9 =	vld [tilespmem:s24+$0xFFFFFC00]  }
0x5bb: {  	v17 =	vmul.f32 v14, v15;
	v18 =	vmul.f32 v14, v5;
	v19 =	vld [tilespmem:s25+$0xFFFFFC00]  }
0x5bc: {  	v20 =	vmul.f32 v14, v6;
	v11 =	vmul.f32 v14, v11;
	v14 =	vld [tilespmem:s24+$0xFFFFFE00]  }
0x5bd: {  	v13 =	vmul.f32 v17, v13;
	v12 =	vmul.f32 v12, v18;
	v21 =	vld [tilespmem:s25+$0xFFFFFE00]  }
0x5be: {  	v8 =	vmul.f32 v8, v18;
	v10 =	vmul.f32 v10, v17;
	v17 =	vld [tilespmem:s24+$0x0]  }
0x5bf: {  	v12 =	vadd.f32 v12, v13;
	v9 =	vmul.f32 v9, v20;
	v13 =	vmul.f32 v15, v7;
	v15 =	vld [tilespmem:s25+$0x0]  }
0x5c0: {  	v5 =	vmul.f32 v5, v7;
	v8 =	vadd.f32 v8, v10;
	v10 =	vmul.f32 v19, v20;
	v18 =	vld [tilespmem:s24+$0x200]  }
0x5c1: {  	v6 =	vmul.f32 v7, v6;
	v9 =	vadd.f32 v9, v12;
	v12 =	vmul.f32 v14, v11;
	v14 =	vld [tilespmem:s25+$0x200]  }
0x5c2: {  	v7 =	vadd.f32 v10, v8;
	v8 =	vmul.f32 v21, v11;
	v10 =	vld [tilespmem:s24+$0x400]  }
0x5c3: {  	v11 =	vmov s22;
	v9 =	vadd.f32 v12, v9;
	v12 =	vmul.f32 v17, v13;
	v17 =	vld [tilespmem:s25+$0x400]  }
0x5c4: {  	v11 =	vmul.u32 $0x30, v11;
	v7 =	vadd.f32 v8, v7;
	v8 =	vmul.f32 v15, v13;
	v13 =	vld [tilespmem:s24+$0x600]  }
0x5c5: {  	v9 =	vadd.f32 v12, v9;
	v12 =	vmul.f32 v18, v5;
	v15 =	vld [tilespmem:s25+$0x600]  }
0x5c6: {  	v7 =	vadd.f32 v8, v7;
	v5 =	vmul.f32 v14, v5;
	v8 =	vbroadcast v11, $0x0  }
0x5c7: {  	v9 =	vadd.f32 v12, v9;
	v10 =	vmul.f32 v10, v6  }
0x5c8: {  	v5 =	vadd.f32 v5, v7;
	v6 =	vmul.f32 v17, v6;
	v7 =	vadd.s32 v4, v8  }
0x5c9: {  	v8 =	vadd.s32 v3, v8;
	v9 =	vadd.f32 v10, v9;
	v10 =	vmul.f32 v13, v16  }
.Ltmp17:
0x5ca: {  	v5 =	vadd.f32 v6, v5;
	v6 =	vmul.f32 v15, v16;
	(pc) =	sbr.rel @p0 .LBB2_36-.Ltmp17, $4  }
0x5cb: {  	v9 =	vadd.f32 v10, v9  }
0x5cc: {  	v5 =	vadd.f32 v6, v5  }
0x5cd: {  	[tilespmem:v7+s14+$0x0] =	vst.idx.msk $0xffff, v9  }
0x5ce: {  	[tilespmem:v8+s14+$0x0] =	vst.idx.msk $0xffff, v5  }
0x5cf: {  	v5 =	vld [tilespmem:s23+$0x0]  }
0x5d0: {  	v6 =	vld [tilespmem:s23+$0xFFFFFE00];
	_ =	sdelay $0x1  }
0x5d1: {  	v7 =	vld [tilespmem:s23+$0x200];
	_ =	sdelay $0x1  }
0x5d2: {  	v8 =	vld [tilespmem:s26+$0xFFFFF810]  }
0x5d3: {  	v11 =	vld [tilespmem:s28+$0xFFFFFA10];
	v9 =	vsub.f32 $1.000000000e+00, v5;
	v10 =	vsub.f32 $1.000000000e+00, v6  }
0x5d4: {  	v12 =	vld [tilespmem:s28+$0xFFFFF810]  }
0x5d5: {  	v13 =	vld [tilespmem:s26+$0xFFFFFA10];
	v14 =	vsub.f32 $1.000000000e+00, v7;
	v15 =	vmul.f32 v9, v6;
	v9 =	vmul.f32 v9, v10  }
0x5d6: {  	v16 =	vld [tilespmem:s28+$0xFFFFFC10];
	v10 =	vmul.f32 v5, v10  }
0x5d7: {  	v18 =	vld [tilespmem:s26+$0xFFFFFC10];
	v17 =	vmul.f32 v14, v15;
	v19 =	vmul.f32 v14, v9  }
0x5d8: {  	v20 =	vld [tilespmem:s28+$0xFFFFFE10];
	v5 =	vmul.f32 v5, v6;
	v47 =	vmul.f32 v14, v10  }
0x5d9: {  	v21 =	vld [tilespmem:s26+$0xFFFFFE10];
	v11 =	vmul.f32 v11, v17;
	v12 =	vmul.f32 v19, v12  }
0x5da: {  	v48 =	vld [tilespmem:s28+$0x10];
	v13 =	vmul.f32 v13, v17;
	v8 =	vmul.f32 v8, v19  }
0x5db: {  	v49 =	vld [tilespmem:s26+$0x10];
	v14 =	vmul.f32 v14, v5;
	v16 =	vmul.f32 v16, v47;
	v11 =	vadd.f32 v11, v12  }
0x5dc: {  	v50 =	vld [tilespmem:s28+$0x210];
	v6 =	vmul.f32 v18, v47;
	v8 =	vadd.f32 v13, v8  }
0x5dd: {  	v52 =	vld [tilespmem:s26+$0x210];
	s0 =	sadd.s32 $0x10, s22;
	v9 =	vmul.f32 v9, v7;
	v51 =	vmul.f32 v20, v14;
	v11 =	vadd.f32 v16, v11  }
0x5de: {  	v54 =	vld [tilespmem:s28+$0x410];
	v55 =	vmov s0;
	v53 =	vmul.f32 v21, v14;
	v6 =	vadd.f32 v6, v8  }
0x5df: {  	v56 =	vld [tilespmem:s26+$0x410];
	v15 =	vmul.f32 v15, v7;
	v17 =	vmul.f32 v48, v9;
	v11 =	vadd.f32 v51, v11  }
0x5e0: {  	v58 =	vld [tilespmem:s28+$0x610];
	v59 =	vmul.u32 $0x30, v55;
	v57 =	vmul.f32 v49, v9;
	v6 =	vadd.f32 v53, v6  }
0x5e1: {  	v60 =	vld [tilespmem:s26+$0x610];
	v10 =	vmul.f32 v7, v10;
	v12 =	vmul.f32 v50, v15;
	v11 =	vadd.f32 v17, v11  }
0x5e2: {  	v61 =	vmul.f32 v52, v15;
	v13 =	vbroadcast v59, $0x0;
	v6 =	vadd.f32 v57, v6  }
0x5e3: {  	v5 =	vmul.f32 v7, v5;
	v62 =	vmul.f32 v54, v10;
	v11 =	vadd.f32 v12, v11  }
0x5e4: {  	s21 =	sadd.s32 $0x1, s21;
	v63 =	vmul.f32 v56, v10;
	v4 =	vadd.s32 v4, v13;
	v6 =	vadd.f32 v61, v6  }
0x5e5: {  	p0 =	sne.s32 s21, $0x10;
	v9 =	vmul.f32 v58, v5;
	v3 =	vadd.s32 v3, v13;
	v7 =	vadd.f32 v62, v11  }
.Ltmp18:
0x5e6: {  	v5 =	vmul.f32 v60, v5;
	v6 =	vadd.f32 v63, v6;
	(pc) =	sbr.rel @p0 .LBB2_29-.Ltmp18, $4  }
0x5e7: {  	v7 =	vadd.f32 v9, v7  }
0x5e8: {  	v5 =	vadd.f32 v5, v6  }
0x5e9: {  	[tilespmem:v4+s14+$0x0] =	vst.idx.msk $0xffff, v7  }
0x5ea: {  	[tilespmem:v3+s14+$0x0] =	vst.idx.msk $0xffff, v5  }
0x5eb: {  	s0 =	smul.u32 $0x6, s20;
	s19 =	sadd.s32 $0x1, s19  }
0x5ec: {  	s1 =	rddreg [dreg:$0x1];
	p0 =	sne.s32 s19, $0x40  }
.Ltmp19:
0x5ed: {  	s31 =	simm.s32 $0x0;
	s0 =	sadd.s32 s1, s0;
	(pc) =	sbr.rel @p0 .LBB2_2-.Ltmp19, $4  }
0x5ee: {  	[hbm4b:s0+s31] =	stream.linear.scatter [tilespmem:s14], [sflag:$0x2], $0x6000, $0x38;
	[tilespmem:$0xAC00] =	vst v63  }
0x5ef: {  	_ =	swait.ge [sflag:s13], $0x6000  }
0x5f0: {  	[sflag:s13] =	ssyncset.done $0x0  }
0x5f1: {  	[sflag:s13] =	ssyncadd.s32 $0xFFFFA000  }
0x5f2: {  	s1 =	rddreg [dreg:$0x4]  }
0x5f3: {  	s0 =	rddreg [dreg:$0x3];
	s1 =	sadd.s32 $0x1, s1  }
0x5f4: {  	p0 =	sne.s32 s1, s0  }
.Ltmp20:
0x5f5: {  	_ = 	snop;
	(pc) =	sbr.rel @p0 .LBB2_1-.Ltmp20, $1  }
0x5f6: {  	_ =	sdelay $0x3  }
0x5f7: {  	_ =	sfence.sel $0x180000  }
0x5f8: {  	[bflag:$0x0] =	sbarrier.arrive $0xFFFF  }
0x5f9: {  	_ =	strace $0x90000047  }
0x5fa: {  	s0 =	stileid.u32;
	[bflag:$0x2] =	sbarrier.arrive $0xFFFF  }
0x5fb: {  	p0 =	sne.s32 s0, $0x0;
	s0 =	rddreg [dreg:$0x2]  }
0x5fc: {  	s0 =	sadd.s32 @!p0 $0x100000, s0  }
0x5fd: {  	[sflag:s0] =	ssyncadd.tile.s32 @!p0 $0x1;
	_ =	shalt  }
.Lfunc_end2:
_tile_overlayer_lowered:
.L_overlay_start_2:
0x5fe: {  	(tag) =	ssettag $0x2  }
0x5ff: {  	s0 =	rddreg [dreg:$0x0];
	s2 =	stileid.u32  }
0x600: {  	s1 =	rddreg [dreg:$0x1];
	p0 =	sne.s32 s2, $0x0  }
0x601: {  	s3 =	rddreg [dreg:$0x2];
	[bflag:$0x3] =	sbarrier.arrive $0xFFFF;
	s2 =	simm.s32 @!p0 $0x1C02  }
0x602: {  	[timem:s3], [sflag:s2] =	dma.local @!p0 [hbm:s0], s1  }
0x603: {  	s0 =	simm.s32 @!p0 $0x2  }
0x604: {  	_ =	swait.ge @!p0 [sflag:s0], s1  }
0x605: {  	s1 =	ssub.s32 @!p0 $0x0, s1;
	[sflag:s0] =	ssyncset.done @!p0 $0x0  }
0x606: {  	[sflag:s0] =	ssyncadd.s32 @!p0 s1  }
0x607: {  	[bflag:$0x3] =	sbarrier.arrive $0xFFFF  }
0x608: {  	_ =	shalt  }

// kernel: sparse-core-data-format-call.cloned.1.call-start
scs
called_computation_lowered:
.L_overlay_start_0:
0x0: {  	s2 =	sld [smem:$0x3FD9]  }
0x1: {  	s3 =	sld [smem:$0x3FFE];
	_ =	sdelay $0x1  }
0x2: {  	s1 =	srdreg.scid  }
0x3: {  	s0 =	sand.u32 $0x1, s1  }
0x4: {  	s18 =	sshll.u32 s0, $0xA;
	s2 =	sadd.s32 s3, s2  }
0x5: {  	s2 =	sadd.s32 s2, s18  }
0x6: {  	[smem:$0x3FC5] =	sst s2  }
0x7: {  	_ = 	snop  }
0x8: {  	s2 =	sld [smem:$0x3FD0];
	(tm) =	ssettm $0x1  }
0x9: {  	s19 =	sld [smem:$0x3FFB];
	_ =	sdelay $0x3  }
0xa: {  	_ =	strace s19  }
0xb: {  	s3 =	sld [smem:$0x3FFC];
	_ =	sdelay $0x3  }
0xc: {  	_ =	strace s3  }
0xd: {  	s3 =	sld [smem:$0x3FFD];
	_ =	sdelay $0x3  }
0xe: {  	_ =	strace s3  }
0xf: {  	_ =	strace $0x8FFFFFFF  }
0x10: {  	s20 =	sld [smem:$0x3FDB];
	_ =	sdelay $0x1  }
0x11: {  	s4 =	simm.s32 $_scs_section_size  }
0x12: {  	s5 =	simm.s32 $_size__tile_overlayer_lowered;
	s6 =	simm.s32 $_tile_overlayer_lowered  }
0x13: {  	s23 =	simm.s32 $0x1BFF;
	s22 =	sshll.u32 s6, $0x1;
	s3 =	sadd.s32 s4, s20  }
0x14: {  	s7 =	simm.s32 $0x0;
	s21 =	sshll.u32 s5, $0x1;
	s5 =	sadd.s32 s22, s3  }
0x15: {  	[timem:s7], [sflag:s23] =	dma.local [hbm:s5], s21  }
0x16: {  	_ =	swait.ge [sflag:s23], s21  }
0x17: {  	s4 =	ssub.s32 $0x0, s21;
	[sflag:s23] =	ssyncset.done $0x0  }
0x18: {  	[sflag:s23] =	ssyncadd.s32 s4;
	_ =	sdelay $0x1  }
0x19: {  	s24 =	simm.s32 $0x1B8B  }
0x1a: {  	_ =	swait.ge [sflag:s24], $0x1  }
0x1b: {  	[sflag:s24] =	ssyncset.done $0x0  }
0x1c: {  	s26 =	simm.s32 $0x1B8E;
	s25 =	sld [smem:$0x3FFE];
	[sflag:s24] =	ssyncadd.s32 $0xFFFFFFFF  }
0x1d: {  	s27 =	simm.s32 $execute0_lowered;
	[smem:$0x3FD2] =	sst s26  }
0x1e: {  	s5 =	sshll.u32 s27, $0x1;
	_ =	strace $0x80000049;
	[dreg:$0x1] =	wrdreg $0xFFFFFFFF  }
0x1f: {  	s28 =	simm.s32 $_size_execute0_lowered;
	s3 =	sadd.s32 s3, s5;
	[dreg:$0x0] =	wrdreg $0x0  }
0x20: {  	s5 =	sshll.u32 s28, $0x1;
	[dreg:$0x2] =	wrdreg s3  }
0x21: {  	[dreg:$0x3] =	wrdreg s5  }
0x22: {  	[dreg:$0x4] =	wrdreg $0xC0  }
0x23: {  	_ =	task [dreg:s7], $0x5FFFF  }
0x24: {  	[dreg:$0x1] =	wrdreg $0xFFFFFFFF  }
0x25: {  	[dreg:$0x0] =	wrdreg $0x60  }
0x26: {  	[dreg:$0x2] =	wrdreg s25  }
0x27: {  	[dreg:$0x3] =	wrdreg s2  }
0x28: {  	[dreg:$0x4] =	wrdreg $0x9  }
0x29: {  	_ =	task.clear_ibuf [dreg:s7], $0x5FFFF;
	_ =	strace $0x90000049  }
0x2a: {  	s29 =	simm.s32 $0x9;
	_ =	strace $0x8000004B  }
0x2b: {  	_ =	swait.ge [sflag:s29], $0x1  }
0x2c: {  	[sflag:s29] =	ssyncadd.s32 $0xFFFFFFFF  }
0x2d: {  	_ =	strace $0x9000004B  }
0x2e: {  	_ =	sfence  }
0x2f: {  	s30 =	sld [smem:$0x0];
	_ =	sdelay $0x2  }
0x30: {  	s31 =	sshll.u32 s1, $0xD;
	s1 =	sshrl.u32 s1, $0x2  }
0x31: {  	s3 =	sand.u32 $0x4000, s31;
	s1 =	sadd.s32 s1, s30  }
0x32: {  	s0 =	sor.u32 s3, s0;
	s1 =	sshll.u32 s1, $0x11  }
0x33: {  	s0 =	sor.u32 s1, s0  }
0x34: {  	s0 =	sadd.s32 $0x8F2B, s0  }
0x35: {  	[sflag:s0] =	ssyncadd.remote.s32 $0x1  }
0x36: {  	_ =	sfence.sel $0xFFFF  }
0x37: {  	[dreg:$0x0] =	wrdreg $0xFFFFFFFF;
	(pc) =	sbr.abs _section_cstart, $3  }
0x38: {  	[dreg:$0x1] =	wrdreg $0xFFFFFFFF  }
0x39: {  	_ =	task.clear_ibuf [dreg:s7], $0x2FFFF;
	_ =	strace $0x9FFFFFFF  }
0x3a: {  	(tm) =	ssettm $0x7FFFFFFF  }
0x3b: {  	_ =	shalt  }
tec
execute0_lowered:
.L_overlay_start_1:
0x0: {  	(tag) =	ssettag $0x1  }
0x1: {  	s0 =	srdreg.scid  }
0x2: {  	s5 =	rddreg [dreg:$0x0];
	s1 =	sshll.u32 s0, $0x4  }
0x3: {  	s2 =	rddreg [dreg:$0x1];
	s0 =	stileid.u32;
	s1 =	sand.u32 $0x10, s1  }
0x4: {  	s4 =	simm.s32 $0x1;
	s8 =	simm.s32 $0x2;
	s1 =	sor.u32 s0, s1  }
0x5: {  	s12 =	simm.s32 $0x0;
	s9 =	simm.s32 $0x0;
	s3 =	sshll.u32 s1, $0x7  }
0x6: {  	s11 =	simm.s32 $0x0;
	s5 =	sadd.s32 $0xC00, s5;
	s6 =	ssub.s32 $0x100000, s3  }
.Ltmp0:
0x7: {  	s1 =	rddreg [dreg:$0x2];
	s7 =	sand.u32 $0xF80, s6;
	(pc) =	sbr.rel .LBB1_1-.Ltmp0, $4  }
0x8: {  	_ =	strace $0x8000004A;
	p0 =	sne.s32 s7, $0x0;
	s7 =	simm.s32 $0x1  }
0x9: {  	[sflag:s4] =	ssyncpa.u1 $0x0;
	s6 =	sshrl.u32 s6, $0xC;
	s7 =	simm.s32 @!p0 $0x0  }
0xa: {  	s10 =	smov.u32 s3;
	[sflag:s8] =	ssyncpa.u1 $0x0;
	s6 =	sadd.s32 s7, s6  }
0xb: {  	s8 =	simm.s32 $0x800000;
	p0 =	por $0x0, $0x0;
	s7 =	sadd.s32 $0x1, s6  }
.LBB1_4:
0xc: {  	s15 =	sshll.u32 s9, $0x3  }
0xd: {  	p1 =	sgt.s32 s9, $0xFFF80;
	s18 =	smov.u32 s9;
	s16 =	sshrl.u32 s15, $0x14  }
0xe: {  	s19 =	sshra.s32 s9, $0x1F;
	s28 =	sand.u32 $0x78, s9;
	s17 =	smul.u32 $0xAAB, s16  }
0xf: {  	s29 =	sand.u32 $0x7, s9;
	s18 =	simm.s32 @!p1 $0xFFF80;
	s19 =	sand.u32 s19, s9  }
0x10: {  	s15 =	sand.u32 $0xFFC00, s15;
	s18 =	ssub.s32 s18, s19;
	s17 =	sshrl.u32 s17, $0x11  }
0x11: {  	s15 =	sor.u32 s28, s15;
	s20 =	ssub.s32 $0x100000, s18;
	s17 =	smul.u32 $0x30, s17  }
0x12: {  	s18 =	sadd.s32 $0xFFF00080, s18;
	s15 =	sshrl.u32 s15, $0x3;
	s20 =	smul.u32 $0xC0, s20  }
0x13: {  	[tilespmem:s14+$0x810 ss:$0x81] =	vst.msk $0xffff, v2;
	p1 =	sgt.s32 s18, $0x7F;
	s15 =	sadd.s32 s2, s15;
	s16 =	ssub.s32 s16, s17  }
0x14: {  	[tilespmem:s14+$0x1020 ss:$0x81] =	vst.msk $0xffff, v0;
	s18 =	sshll.u32 s29, $0x12;
	s17 =	sshrl.u32 s20, $0x2;
	s16 =	sshll.u32 s16, $0x11  }
0x15: {  	[tilespmem:s14+$0x0 ss:$0x81] =	vst.msk $0xffff, v1;
	s31 =	sor.u32 $0x400, s18;
	s17 =	simm.s32 @p1 $0x0;
	s30 =	sadd.s32 s16, s15  }
0x16: {  	[hbm4b:s30+s31] =	stream.strided.scatter [tilespmem:s13], [sflag:$0x2], s17, s8, s31, $0x20;
	[tilespmem:$0x8080] =	vst v63  }
.LBB1_5:
0x17: {  	p1 =	slt.u32 s11, $0x2  }
0x18: {  	p2 =	sgt.s32 @!p1 s12, $0xFFF80  }
0x19: {  	s13 =	smov.u32 s12;
	s14 =	sshra.s32 @!p1 s12, $0x1F;
	p2 =	por !p2, p1  }
0x1a: {  	s12 =	sand.u32 @!p1 s14, s12;
	s13 =	simm.s32 @p2 $0xFFF80  }
0x1b: {  	s12 =	ssub.s32 @!p1 s13, s12  }
0x1c: {  	s13 =	ssub.s32 @!p1 $0x100000, s12  }
0x1d: {  	s12 =	sadd.s32 @!p1 $0xFFF00080, s12;
	s13 =	smul.u32 @!p1 $0xC0, s13  }
0x1e: {  	p2 =	sgt.s32 @!p1 s12, $0x7F  }
0x1f: {  	s14 =	sadd.s32 $0x1000, s10;
	p2 =	por !p2, p1;
	s12 =	sshrl.u32 @!p1 s13, $0x2  }
0x20: {  	s12 =	simm.s32 @!p2 $0x0;
	p2 =	sgt.s32 s14, $0xFFFFF  }
0x21: {  	s14 =	smov.u32 @p2 s3;
	p2 =	sne.s32 s11, s7  }
.Ltmp1:
0x22: {  	_ = 	snop;
	(pc) =	sbr.rel @!p2 .LBB1_6-.Ltmp1, $4  }
0x23: {  	s13 =	simm.s32 @!p1 $0x2  }
0x24: {  	p0 =	por !p0, !p0;
	_ =	swait.ge @!p1 [sflag:s13], s12;
	s15 =	ssub.s32 @!p1 $0x0, s12  }
0x25: {  	s12 =	smov.u32 s9;
	s11 =	sadd.s32 $0x1, s11;
	[sflag:s13] =	ssyncset.done @!p1 $0x0  }
0x26: {  	s9 =	smov.u32 s10;
	s10 =	smov.u32 s14;
	[sflag:s13] =	ssyncadd.s32 @!p1 s15  }
.LBB1_1:
0x27: {  	p1 =	sge.u32 s11, s6  }
0x28: {  	s31 =	sadd.s32 $0xFFFFFFFF, s11;
	s13 =	sxor.u32 @!p1 $0xFFFFFFFF, s11;
	s14 =	sshll.u32 @!p1 s10, $0x4  }
0x29: {  	s15 =	simm.s32 @!p1 $0x40;
	s13 =	sshll.u32 @!p1 s13, $0xD;
	s14 =	sand.u32 @!p1 $0xFFFFF0, s14  }
0x2a: {  	s16 =	simm.s32 @!p1 $0x80;
	s13 =	sand.u32 @!p1 $0x2000, s13;
	s14 =	sadd.s32 @!p1 s5, s14  }
0x2b: {  	[tilespmem:s13], [sflag:$0x1] =	stream.strided.gather @!p1 [hbm4b:s14+s15], $0x2000, s16, s15, $0x38;
	[tilespmem:$0x8080] =	vst v63  }
0x2c: {  	p1 =	sge.u32 s31, s6  }
.Ltmp2:
0x2d: {  	_ = 	snop;
	(pc) =	sbr.rel @p1 .LBB1_5-.Ltmp2, $1  }
0x2e: {  	_ =	sdelay $0x3  }
0x2f: {  	s13 =	simm.s32 $0x1  }
0x30: {  	_ =	swait.ge [sflag:s4], $0x2000;
	s13 =	simm.s32 @!p0 $0x0  }
0x31: {  	[sflag:s4] =	ssyncset.done $0x0;
	s14 =	sshll.u32 s13, $0xD  }
0x32: {  	[sflag:s4] =	ssyncadd.s32 $0xFFFFE000;
	s17 =	sor.u32 $0x20, s14  }
0x33: {  	s13 =	smul.u32 $0x8100, s13;
	v3 =	vld [tilespmem:s17+$0x10]  }
0x34: {  	s30 =	sand.u32 $0x1, s11;
	v2 =	vld [tilespmem:s17+$0xFFFFFFF0]  }
0x35: {  	s14 =	smul.u32 $0x8100, s30;
	s13 =	sshrl.u32 s13, $0x2;
	v0 =	vld [tilespmem:s17+$0x0]  }
0x36: {  	v1 =	vld [tilespmem:s17+$0xFFFFFFE0];
	s15 =	sor.u32 $0x4000, s13  }
0x37: {  	s31 =	sshrl.u32 s14, $0x2;
	s14 =	sadd.s32 $0x0, s15  }
0x38: {  	s16 =	simm.s32 $0x4;
	s17 =	sadd.s32 $0x40, s17;
	s13 =	sor.u32 $0x4000, s31;
	[tilespmem:s14+$0x1830 ss:$0x81] =	vst.msk $0xffff, v3  }
.LBB1_3:
0x39: {  	v3 =	vld [tilespmem:s17+$0x10];
	p1 =	sne.s32 s16, $0x1FC;
	[tilespmem:s14+$0x810 ss:$0x81] =	vst.msk $0xffff, v2;
	s18 =	smov.u32 s16;
	s16 =	sadd.s32 $0x4, s16  }
.Ltmp3:
0x3a: {  	v2 =	vld [tilespmem:s17+$0xFFFFFFF0];
	[tilespmem:s14+$0x1020 ss:$0x81] =	vst.msk $0xffff, v0;
	(pc) =	sbr.rel @p1 .LBB1_3-.Ltmp3, $4  }
0x3b: {  	v0 =	vld [tilespmem:s17+$0x0];
	[tilespmem:s14+$0x0 ss:$0x81] =	vst.msk $0xffff, v1  }
0x3c: {  	s14 =	sshra.s32 s18, $0x2;
	v1 =	vld [tilespmem:s17+$0xFFFFFFE0]  }
0x3d: {  	s14 =	sadd.s32 s14, s15  }
0x3e: {  	s17 =	sadd.s32 $0x40, s17;
	[tilespmem:s14+$0x1830 ss:$0x81] =	vst.msk $0xffff, v3  }
.Ltmp4:
0x3f: {  	_ = 	snop;
	(pc) =	sbr.rel .LBB1_4-.Ltmp4, $1  }
0x40: {  	_ =	sdelay $0x3  }
.LBB1_6:
0x41: {  	_ =	sfence.sel $0x180000  }
0x42: {  	s2 =	simm.s32 $0x1;
	[bflag:$0x0] =	sbarrier.arrive $0xFFFF  }
0x43: {  	s31 =	simm.s32 $0x2;
	[sflag:s2] =	ssyncpa.u1 $0x1  }
0x44: {  	[sflag:s31] =	ssyncpa.u1 $0x1  }
0x45: {  	p0 =	sne.s32 s0, $0x0;
	_ =	strace $0x9000004A  }
0x46: {  	s0 =	sadd.s32 @!p0 $0x100000, s1;
	[bflag:$0x2] =	sbarrier.arrive $0xFFFF  }
0x47: {  	[sflag:s0] =	ssyncadd.tile.s32 @!p0 $0x1;
	_ =	shalt  }
.Lfunc_end1:
_tile_overlayer_lowered:
.L_overlay_start_2:
0x48: {  	(tag) =	ssettag $0x2  }
0x49: {  	s0 =	rddreg [dreg:$0x0];
	s2 =	stileid.u32  }
0x4a: {  	s1 =	rddreg [dreg:$0x1];
	p0 =	sne.s32 s2, $0x0  }
0x4b: {  	s3 =	rddreg [dreg:$0x2];
	[bflag:$0x3] =	sbarrier.arrive $0xFFFF;
	s2 =	simm.s32 @!p0 $0x1C01  }
0x4c: {  	[timem:s3], [sflag:s2] =	dma.local @!p0 [hbm:s0], s1  }
0x4d: {  	s0 =	simm.s32 @!p0 $0x1  }
0x4e: {  	_ =	swait.ge @!p0 [sflag:s0], s1  }
0x4f: {  	s1 =	ssub.s32 @!p0 $0x0, s1;
	[sflag:s0] =	ssyncset.done @!p0 $0x0  }
0x50: {  	[sflag:s0] =	ssyncadd.s32 @!p0 s1  }
0x51: {  	[bflag:$0x3] =	sbarrier.arrive $0xFFFF  }
0x52: {  	_ =	shalt  }

</sc_bundles>
